<compile_context>
chip_gen: v7x
topology: tpu7x:2x2x1
jax: 0.10.2.dev20260603
libtpu: 0.0.44.dev20260713+nightly
codegen_flags: <defaults>
</compile_context>

<pallas_src>
import functools

import jax
import jax.numpy as jnp
from jax import lax
from jax.experimental import pallas as pl
from jax.experimental.pallas import tpu as pltpu
from jax.experimental.pallas import tpu_sc as plsc

N_NODES = 50000
B = 50000
K = 10
D = 128
E = 128
NW = 32
GN = 16
NSTREAM = 2
S0 = 119
S1 = 77
SP = S0 + S1
B_PAD = 16 * SP * GN
NB = 3

RPS = GN * K // NSTREAM
GPS = GN // NSTREAM
IMAX = max(S0, S1) * GN * K
IREAL = B * K


def _sc_gather_sum(features, pos_flat, neg_flat):
    info = plsc.get_sparse_core_info()
    nc = info.num_cores

    mesh = plsc.VectorSubcoreMesh(core_axis_name="c", subcore_axis_name="s")

    @functools.partial(
        pl.kernel,
        out_type=(jax.ShapeDtypeStruct((B_PAD, D), jnp.float32),
                  jax.ShapeDtypeStruct((B_PAD, D), jnp.float32)),
        mesh=mesh,
        scratch_types=[
            pltpu.VMEM((2 * IMAX,), jnp.int32),
            pltpu.VMEM((NB, GN * K, D), jnp.float32),
            pltpu.VMEM((2, 2, GN, D), jnp.float32),
            pltpu.SemaphoreType.DMA,
            pltpu.SemaphoreType.DMA,
        ],
    )
    def k(feat_hbm, pos_hbm, neg_hbm, out_p_hbm, out_n_hbm,
          idx_v, rows_v, acc_v, sem_g, sem_o):
        sid = lax.axis_index("s")
        cid = lax.axis_index("c")

        def run(s_steps, node_base, tail_worker):
            ipw = s_steps * GN * K
            ibase = node_base * K

            def stage(pn, src_hbm):
                if tail_worker is None:
                    pltpu.sync_copy(src_hbm.at[pl.ds(ibase, ipw)],
                                    idx_v.at[pl.ds(pn * IMAX, ipw)])
                else:
                    nvalid, nfill = tail_worker

                    @pl.when(sid < 15)
                    def _():
                        pltpu.sync_copy(src_hbm.at[pl.ds(ibase, ipw)],
                                        idx_v.at[pl.ds(pn * IMAX, ipw)])

                    @pl.when(sid == 15)
                    def _():
                        pltpu.sync_copy(src_hbm.at[pl.ds(ibase, nvalid)],
                                        idx_v.at[pl.ds(pn * IMAX, nvalid)])
                        zero16 = jnp.zeros((16,), jnp.int32)

                        def zfill(i, _):
                            idx_v[pl.ds(pn * IMAX + nvalid + i * 16, 16)] = zero16
                            return 0

                        lax.fori_loop(0, nfill // 16, zfill, 0, unroll=False)

            stage(0, pos_hbm)
            stage(1, neg_hbm)

            nsteps = 2 * s_steps

            def gather_args(t, h):
                s, pn, slot = t // 2, t % 2, t % NB
                off = pn * IMAX + s * (GN * K) + h * RPS
                return (feat_hbm.at[idx_v.at[pl.ds(off, RPS)]],
                        rows_v.at[slot, pl.ds(h * RPS, RPS)], sem_g)

            def issue(t):
                for h in range(NSTREAM):
                    pltpu.async_copy(*gather_args(t, h))

            def out_args(s):
                par = s % 2
                base = node_base + s * GN
                return [(acc_v.at[par, 0], out_p_hbm.at[pl.ds(base, GN)], sem_o),
                        (acc_v.at[par, 1], out_n_hbm.at[pl.ds(base, GN)], sem_o)]

            issue(0)
            issue(1)

            def body(t, _):
                s, pn, slot = t // 2, t % 2, t % NB
                par = s % 2

                @pl.when(t + 2 < nsteps)
                def _():
                    issue(t + 2)

                @pl.when((pn == 0) & (s >= 2))
                def _():
                    for a in out_args(s - 2):
                        pltpu.make_async_copy(*a).wait()

                for h in range(NSTREAM):
                    pltpu.make_async_copy(*gather_args(t, h)).wait()

                    def grp(g, _):
                        for c in range(D // 16):
                            sl = pl.ds(c * 16, 16)
                            a = rows_v[slot, g * K + 0, sl]
                            for j in range(1, K):
                                a = a + rows_v[slot, g * K + j, sl]
                            acc_v[par, pn, g, sl] = a
                        return 0

                    lax.fori_loop(h * GPS, (h + 1) * GPS, grp, 0, unroll=False)

                @pl.when(pn == 1)
                def _():
                    for a in out_args(s):
                        pltpu.async_copy(*a)

                return 0

            lax.fori_loop(0, nsteps, body, 0, unroll=False)

            for s in (s_steps - 2, s_steps - 1):
                for a in out_args(s):
                    pltpu.make_async_copy(*a).wait()

        last_base = (15 * SP + S0) * GN
        nvalid = IREAL - last_base * K
        nfill = S1 * GN * K - nvalid

        @pl.when(cid == 0)
        def _():
            run(S0, sid * (SP * GN), None)

        @pl.when(cid == 1)
        def _():
            run(S1, sid * (SP * GN) + S0 * GN, (nvalid, nfill))

    return k(features, pos_flat, neg_flat)


def _tc_project(s_pos, s_neg, w_bal, w_unbal):
    blk = 512
    grid = (pl.cdiv(B, blk),)
    dn = (((1,), (1,)), ((), ()))

    def body(sp_ref, sn_ref, wb_ref, wu_ref, ob_ref, ou_ref):
        scale = jnp.float32(1.0 / K)
        ob_ref[...] = jnp.tanh(scale * lax.dot_general(
            wb_ref[...], sp_ref[...], dn, preferred_element_type=jnp.float32))
        ou_ref[...] = jnp.tanh(scale * lax.dot_general(
            wu_ref[...], sn_ref[...], dn, preferred_element_type=jnp.float32))

    return pl.pallas_call(
        body,
        grid=grid,
        in_specs=[
            pl.BlockSpec((blk, D), lambda i: (i, 0)),
            pl.BlockSpec((blk, D), lambda i: (i, 0)),
            pl.BlockSpec((E, D), lambda i: (0, 0)),
            pl.BlockSpec((E, D), lambda i: (0, 0)),
        ],
        out_specs=[
            pl.BlockSpec((E, blk), lambda i: (0, i)),
            pl.BlockSpec((E, blk), lambda i: (0, i)),
        ],
        out_shape=[
            jax.ShapeDtypeStruct((E, B), jnp.float32),
            jax.ShapeDtypeStruct((E, B), jnp.float32),
        ],
    )(s_pos, s_neg, w_bal, w_unbal)


def kernel(nodes, pos_neigh, neg_neigh, features, W_bal, W_unbal):
    pos_flat = pos_neigh.astype(jnp.int32).reshape(-1)
    neg_flat = neg_neigh.astype(jnp.int32).reshape(-1)
    s_pos, s_neg = _sc_gather_sum(features, pos_flat, neg_flat)
    mapped_bal, mapped_unbal = _tc_project(s_pos, s_neg, W_bal, W_unbal)
    return (mapped_bal, mapped_unbal)

# --- scband reference (transcript-rebuilt; emitter-appended) ---
"""Pipeline reference for scband-layer-encoder-35966056136853 (READ-ONLY COPY).

The authoritative reference and input builder live on the scoring server;
editing this copy changes nothing except your own understanding.
"""

import jax, jax.numpy as jnp
import numpy as np

N_NODES = 50000
BATCH = 50000
NUM_SAMPLE = 10
FEAT_DIM = 128
EMBED_DIM = 128


def setup_inputs(seed: int = 0) -> dict:
    key = jax.random.key(seed)
    k1, k2, k3, k4, k5, k6 = jax.random.split(key, 6)
    nodes = jax.random.randint(k1, (BATCH,), 0, N_NODES, dtype=jnp.int64 if jax.config.jax_enable_x64 else jnp.int32)
    pos_neigh = jax.random.randint(k2, (BATCH, NUM_SAMPLE), 0, N_NODES)
    neg_neigh = jax.random.randint(k3, (BATCH, NUM_SAMPLE), 0, N_NODES)
    features = jax.random.normal(k4, (N_NODES, FEAT_DIM), dtype=jnp.float32)
    lim = float(np.sqrt(6.0 / (EMBED_DIM + FEAT_DIM)))
    W_bal = jax.random.uniform(k5, (EMBED_DIM, FEAT_DIM), minval=-lim, maxval=lim, dtype=jnp.float32)
    W_unbal = jax.random.uniform(k6, (EMBED_DIM, FEAT_DIM), minval=-lim, maxval=lim, dtype=jnp.float32)
    return {"nodes": nodes, "pos_neigh": pos_neigh, "neg_neigh": neg_neigh,
            "features": features, "W_bal": W_bal, "W_unbal": W_unbal}


def reference(nodes, pos_neigh, neg_neigh, features, W_bal, W_unbal):
    # Aggregator (GraphSAGE mean aggregator over sampled signed neighborhoods):
    # gather sampled pos/neg neighbor features and mean-pool -> [B, feat_dim]
    bal_neigh_feats = jnp.mean(jnp.take(features, pos_neigh, axis=0), axis=1)
    unbal_neigh_feats = jnp.mean(jnp.take(features, neg_neigh, axis=0), axis=1)
    # weight.mm(feats.t()) -> [embed_dim, B], then tanh
    mapped_bal = jnp.tanh(W_bal @ bal_neigh_feats.T)
    mapped_unbal = jnp.tanh(W_unbal @ unbal_neigh_feats.T)
    return (mapped_bal, mapped_unbal)

if __name__ == "__main__":
    import jax
    _d = setup_inputs()
    print(jax.jit(kernel)(*tuple(_d.values())))

</pallas_src>

<mosaic_0001>
#map = affine_map<(d0, d1) -> (0, 0)>
#map1 = affine_map<(d0, d1) -> (0)>
module attributes {stable_mosaic.version = 14 : i64} {
  func.func @k(%arg0: i32, %arg1: i32, %arg2: memref<50000x128xf32, #tpu.memory_space<hbm>>, %arg3: memref<500000xi32, #tpu.memory_space<hbm>>, %arg4: memref<500000xi32, #tpu.memory_space<hbm>>, %arg5: memref<50176x128xf32, #tpu.memory_space<hbm>>, %arg6: memref<50176x128xf32, #tpu.memory_space<hbm>>, %arg7: memref<38080xi32, #tpu.memory_space<vmem>>, %arg8: memref<3x160x128xf32, #tpu.memory_space<vmem>>, %arg9: memref<2x2x16x128xf32, #tpu.memory_space<vmem>>, %arg10: memref<!tpu.dma_semaphore, #tpu.memory_space<semaphore_mem>>, %arg11: memref<!tpu.dma_semaphore, #tpu.memory_space<semaphore_mem>>) attributes {dimension_semantics = [#tpu.dimension_semantics<core_parallel>, #tpu.dimension_semantics<subcore_parallel>], iteration_bounds = array<i64: 2, 16>, scalar_prefetch = 0 : i64, scratch_operands = 5 : i64, tpu.core_type = #tpu.core_type<sc_vector_subcore>, window_params = [{transform_indices = #map}, {transform_indices = #map1}, {transform_indices = #map1}, {transform_indices = #map}, {transform_indices = #map}]} {
    %eq3A = arith.constant 0 : i32
    %eq3A_0 = arith.cmpi eq, %arg0, %eq3A : i32
    %convert_element_type3A = arith.extui %eq3A_0 : i1 to i32
    %cond3A = arith.constant 0 : i32
    %cond3A_1 = arith.cmpi ne, %convert_element_type3A, %cond3A : i32
    scf.if %cond3A_1 {
      %mul3A = arith.constant 3136 : i32
      %mul3A_7 = arith.muli %arg1, %mul3A : i32
      %mul3A_8 = arith.constant 10 : i32
      %mul3A_9 = arith.muli %mul3A_7, %mul3A_8 : i32
      "tpu.region"() ({
        %run_scoped3A = tpu.sem_alloc : memref<!tpu.dma_semaphore, #tpu.memory_space<semaphore_mem>>
        %dma_start3A_113 = arith.constant 0 : i32
        %dma_start3A_114 = tpu.memref_slice %arg7[%dma_start3A_113] : memref<38080xi32, #tpu.memory_space<vmem>> -> memref<19040xi32, #tpu.memory_space<vmem>>
        %dma_start3A_115 = tpu.memref_slice %arg3[%mul3A_9] : memref<500000xi32, #tpu.memory_space<hbm>> -> memref<19040xi32, #tpu.memory_space<hbm>>
        %dma_start3A_116 = arith.constant 0 : i32
        %dma_start3A_117 = tpu.memref_slice %arg7[%dma_start3A_116] : memref<38080xi32, #tpu.memory_space<vmem>> -> memref<19040xi32, #tpu.memory_space<vmem>>
        %dma_start3A_118 = tpu.memref_slice %arg3[%mul3A_9] : memref<500000xi32, #tpu.memory_space<hbm>> -> memref<19040xi32, #tpu.memory_space<hbm>>
        tpu.enqueue_dma source(%dma_start3A_118 : memref<19040xi32, #tpu.memory_space<hbm>>) target(%dma_start3A_117 : memref<19040xi32, #tpu.memory_space<vmem>>) target_semaphore(%run_scoped3A : memref<!tpu.dma_semaphore, #tpu.memory_space<semaphore_mem>>)
        %dma_wait3A_119 = arith.constant 0 : i32
        %dma_wait3A_120 = tpu.memref_slice %arg7[%dma_wait3A_119] : memref<38080xi32, #tpu.memory_space<vmem>> -> memref<19040xi32, #tpu.memory_space<vmem>>
        %dma_wait3A_121 = tpu.memref_slice %arg3[%mul3A_9] : memref<500000xi32, #tpu.memory_space<hbm>> -> memref<19040xi32, #tpu.memory_space<hbm>>
        %dma_wait3A_122 = arith.constant 0 : i32
        %dma_wait3A_123 = tpu.memref_slice %arg7[%dma_wait3A_122] : memref<38080xi32, #tpu.memory_space<vmem>> -> memref<19040xi32, #tpu.memory_space<vmem>>
        %dma_wait3A_124 = tpu.memref_slice %arg3[%mul3A_9] : memref<500000xi32, #tpu.memory_space<hbm>> -> memref<19040xi32, #tpu.memory_space<hbm>>
        tpu.wait_dma2 semaphore(%run_scoped3A : memref<!tpu.dma_semaphore, #tpu.memory_space<semaphore_mem>>) src(%dma_wait3A_124 : memref<19040xi32, #tpu.memory_space<hbm>>) dst(%dma_wait3A_123 : memref<19040xi32, #tpu.memory_space<vmem>>)
        tpu.yield
      }) : () -> ()
      "tpu.region"() ({
        %run_scoped3A = tpu.sem_alloc : memref<!tpu.dma_semaphore, #tpu.memory_space<semaphore_mem>>
        %dma_start3A_113 = arith.constant 19040 : i32
        %dma_start3A_114 = tpu.memref_slice %arg7[%dma_start3A_113] : memref<38080xi32, #tpu.memory_space<vmem>> -> memref<19040xi32, #tpu.memory_space<vmem>>
        %dma_start3A_115 = tpu.memref_slice %arg4[%mul3A_9] : memref<500000xi32, #tpu.memory_space<hbm>> -> memref<19040xi32, #tpu.memory_space<hbm>>
        %dma_start3A_116 = arith.constant 19040 : i32
        %dma_start3A_117 = tpu.memref_slice %arg7[%dma_start3A_116] : memref<38080xi32, #tpu.memory_space<vmem>> -> memref<19040xi32, #tpu.memory_space<vmem>>
        %dma_start3A_118 = tpu.memref_slice %arg4[%mul3A_9] : memref<500000xi32, #tpu.memory_space<hbm>> -> memref<19040xi32, #tpu.memory_space<hbm>>
        tpu.enqueue_dma source(%dma_start3A_118 : memref<19040xi32, #tpu.memory_space<hbm>>) target(%dma_start3A_117 : memref<19040xi32, #tpu.memory_space<vmem>>) target_semaphore(%run_scoped3A : memref<!tpu.dma_semaphore, #tpu.memory_space<semaphore_mem>>)
        %dma_wait3A_119 = arith.constant 19040 : i32
        %dma_wait3A_120 = tpu.memref_slice %arg7[%dma_wait3A_119] : memref<38080xi32, #tpu.memory_space<vmem>> -> memref<19040xi32, #tpu.memory_space<vmem>>
        %dma_wait3A_121 = tpu.memref_slice %arg4[%mul3A_9] : memref<500000xi32, #tpu.memory_space<hbm>> -> memref<19040xi32, #tpu.memory_space<hbm>>
        %dma_wait3A_122 = arith.constant 19040 : i32
        %dma_wait3A_123 = tpu.memref_slice %arg7[%dma_wait3A_122] : memref<38080xi32, #tpu.memory_space<vmem>> -> memref<19040xi32, #tpu.memory_space<vmem>>
        %dma_wait3A_124 = tpu.memref_slice %arg4[%mul3A_9] : memref<500000xi32, #tpu.memory_space<hbm>> -> memref<19040xi32, #tpu.memory_space<hbm>>
        tpu.wait_dma2 semaphore(%run_scoped3A : memref<!tpu.dma_semaphore, #tpu.memory_space<semaphore_mem>>) src(%dma_wait3A_124 : memref<19040xi32, #tpu.memory_space<hbm>>) dst(%dma_wait3A_123 : memref<19040xi32, #tpu.memory_space<vmem>>)
        tpu.yield
      }) : () -> ()
      %dma_start3A = arith.constant 0 : i32
      %dma_start3A_10 = arith.constant 0 : i32
      %dma_start3A_11 = arith.constant 0 : i32
      %dma_start3A_12 = tpu.memref_slice %arg8[%dma_start3A, %dma_start3A_10, %dma_start3A_11] : memref<3x160x128xf32, #tpu.memory_space<vmem>> -> memref<1x80x128xf32, #tpu.memory_space<vmem>>
      %dma_start3A_13 = tpu.memref_squeeze %dma_start3A_12 : memref<1x80x128xf32, #tpu.memory_space<vmem>> -> memref<80x128xf32, #tpu.memory_space<vmem>>
      %dma_start3A_14 = arith.constant 0 : i32
      %dma_start3A_15 = tpu.memref_slice %arg7[%dma_start3A_14] : memref<38080xi32, #tpu.memory_space<vmem>> -> memref<80xi32, #tpu.memory_space<vmem>>
      %dma_start3A_16 = arith.constant 0 : i32
      %dma_start3A_17 = arith.constant 0 : i32
      %dma_start3A_18 = tpu.memref_slice %arg2[%dma_start3A_16, %dma_start3A_17] : memref<50000x128xf32, #tpu.memory_space<hbm>> -> memref<50000x128xf32, #tpu.memory_space<hbm>>
      tpu.enqueue_indirect_dma source(%dma_start3A_18 : memref<50000x128xf32, #tpu.memory_space<hbm>>) target(%dma_start3A_13 : memref<80x128xf32, #tpu.memory_space<vmem>>) offsets(%dma_start3A_15 : memref<80xi32, #tpu.memory_space<vmem>>) semaphore(%arg10 : memref<!tpu.dma_semaphore, #tpu.memory_space<semaphore_mem>>)
      %dma_start3A_19 = arith.constant 0 : i32
      %dma_start3A_20 = arith.constant 80 : i32
      %dma_start3A_21 = arith.constant 0 : i32
      %dma_start3A_22 = tpu.memref_slice %arg8[%dma_start3A_19, %dma_start3A_20, %dma_start3A_21] : memref<3x160x128xf32, #tpu.memory_space<vmem>> -> memref<1x80x128xf32, #tpu.memory_space<vmem>>
      %dma_start3A_23 = tpu.memref_squeeze %dma_start3A_22 : memref<1x80x128xf32, #tpu.memory_space<vmem>> -> memref<80x128xf32, #tpu.memory_space<vmem>>
      %dma_start3A_24 = arith.constant 80 : i32
      %dma_start3A_25 = tpu.memref_slice %arg7[%dma_start3A_24] : memref<38080xi32, #tpu.memory_space<vmem>> -> memref<80xi32, #tpu.memory_space<vmem>>
      %dma_start3A_26 = arith.constant 0 : i32
      %dma_start3A_27 = arith.constant 0 : i32
      %dma_start3A_28 = tpu.memref_slice %arg2[%dma_start3A_26, %dma_start3A_27] : memref<50000x128xf32, #tpu.memory_space<hbm>> -> memref<50000x128xf32, #tpu.memory_space<hbm>>
      tpu.enqueue_indirect_dma source(%dma_start3A_28 : memref<50000x128xf32, #tpu.memory_space<hbm>>) target(%dma_start3A_23 : memref<80x128xf32, #tpu.memory_space<vmem>>) offsets(%dma_start3A_25 : memref<80xi32, #tpu.memory_space<vmem>>) semaphore(%arg10 : memref<!tpu.dma_semaphore, #tpu.memory_space<semaphore_mem>>)
      %dma_start3A_29 = arith.constant 1 : i32
      %dma_start3A_30 = arith.constant 0 : i32
      %dma_start3A_31 = arith.constant 0 : i32
      %dma_start3A_32 = tpu.memref_slice %arg8[%dma_start3A_29, %dma_start3A_30, %dma_start3A_31] : memref<3x160x128xf32, #tpu.memory_space<vmem>> -> memref<1x80x128xf32, #tpu.memory_space<vmem>>
      %dma_start3A_33 = tpu.memref_squeeze %dma_start3A_32 : memref<1x80x128xf32, #tpu.memory_space<vmem>> -> memref<80x128xf32, #tpu.memory_space<vmem>>
      %dma_start3A_34 = arith.constant 19040 : i32
      %dma_start3A_35 = tpu.memref_slice %arg7[%dma_start3A_34] : memref<38080xi32, #tpu.memory_space<vmem>> -> memref<80xi32, #tpu.memory_space<vmem>>
      %dma_start3A_36 = arith.constant 0 : i32
      %dma_start3A_37 = arith.constant 0 : i32
      %dma_start3A_38 = tpu.memref_slice %arg2[%dma_start3A_36, %dma_start3A_37] : memref<50000x128xf32, #tpu.memory_space<hbm>> -> memref<50000x128xf32, #tpu.memory_space<hbm>>
      tpu.enqueue_indirect_dma source(%dma_start3A_38 : memref<50000x128xf32, #tpu.memory_space<hbm>>) target(%dma_start3A_33 : memref<80x128xf32, #tpu.memory_space<vmem>>) offsets(%dma_start3A_35 : memref<80xi32, #tpu.memory_space<vmem>>) semaphore(%arg10 : memref<!tpu.dma_semaphore, #tpu.memory_space<semaphore_mem>>)
      %dma_start3A_39 = arith.constant 1 : i32
      %dma_start3A_40 = arith.constant 80 : i32
      %dma_start3A_41 = arith.constant 0 : i32
      %dma_start3A_42 = tpu.memref_slice %arg8[%dma_start3A_39, %dma_start3A_40, %dma_start3A_41] : memref<3x160x128xf32, #tpu.memory_space<vmem>> -> memref<1x80x128xf32, #tpu.memory_space<vmem>>
      %dma_start3A_43 = tpu.memref_squeeze %dma_start3A_42 : memref<1x80x128xf32, #tpu.memory_space<vmem>> -> memref<80x128xf32, #tpu.memory_space<vmem>>
      %dma_start3A_44 = arith.constant 19120 : i32
      %dma_start3A_45 = tpu.memref_slice %arg7[%dma_start3A_44] : memref<38080xi32, #tpu.memory_space<vmem>> -> memref<80xi32, #tpu.memory_space<vmem>>
      %dma_start3A_46 = arith.constant 0 : i32
      %dma_start3A_47 = arith.constant 0 : i32
      %dma_start3A_48 = tpu.memref_slice %arg2[%dma_start3A_46, %dma_start3A_47] : memref<50000x128xf32, #tpu.memory_space<hbm>> -> memref<50000x128xf32, #tpu.memory_space<hbm>>
      tpu.enqueue_indirect_dma source(%dma_start3A_48 : memref<50000x128xf32, #tpu.memory_space<hbm>>) target(%dma_start3A_43 : memref<80x128xf32, #tpu.memory_space<vmem>>) offsets(%dma_start3A_45 : memref<80xi32, #tpu.memory_space<vmem>>) semaphore(%arg10 : memref<!tpu.dma_semaphore, #tpu.memory_space<semaphore_mem>>)
      %scan3A = arith.constant 0 : i32
      %scan3A_49 = arith.constant 0 : i32
      %scan3A_50 = arith.constant 238 : i32
      %scan3A_51 = arith.addi %scan3A_49, %scan3A_50 : i32
      %scan3A_52 = arith.constant 1 : i32
      %scan3A_53 = scf.for %scan3A_113 = %scan3A_49 to %scan3A_51 step %scan3A_52 iter_args(%scan3A_114 = %scan3A) -> (i32)  : i32 {
        %jit3A = arith.constant 2 : i32
        %div3A = arith.divsi %scan3A_113, %jit3A : i32
        %sign3A = arith.constant 0 : i32
        %sign3A_115 = arith.cmpi sgt, %scan3A_113, %sign3A : i32
        %sign3A_116 = arith.extui %sign3A_115 : i1 to i32
        %sign3A_117 = arith.constant 0 : i32
        %sign3A_118 = arith.cmpi slt, %scan3A_113, %sign3A_117 : i32
        %sign3A_119 = arith.extui %sign3A_118 : i1 to i32
        %sign3A_120 = arith.subi %sign3A_116, %sign3A_119 : i32
        %sign3A_121 = arith.constant 0 : i32
        %sign3A_122 = arith.cmpi sgt, %jit3A, %sign3A_121 : i32
        %sign3A_123 = arith.extui %sign3A_122 : i1 to i32
        %sign3A_124 = arith.constant 0 : i32
        %sign3A_125 = arith.cmpi slt, %jit3A, %sign3A_124 : i32
        %sign3A_126 = arith.extui %sign3A_125 : i1 to i32
        %sign3A_127 = arith.subi %sign3A_123, %sign3A_126 : i32
        %ne3A = arith.cmpi ne, %sign3A_120, %sign3A_127 : i32
        %rem3A = arith.remsi %scan3A_113, %jit3A : i32
        %ne3A_128 = arith.constant 0 : i32
        %ne3A_129 = arith.cmpi ne, %rem3A, %ne3A_128 : i32
        %and3A = arith.andi %ne3A, %ne3A_129 : i1
        %sub3A = arith.constant 1 : i32
        %sub3A_130 = arith.subi %div3A, %sub3A : i32
        %select_n3A = arith.select %and3A, %sub3A_130, %div3A : i32
        %jit3A_131 = arith.constant 2 : i32
        %eq3A_132 = arith.constant 0 : i32
        %eq3A_133 = arith.cmpi eq, %jit3A_131, %eq3A_132 : i32
        %jit3A_134 = arith.constant 1 : i32
        %select_n3A_135 = arith.select %eq3A_133, %jit3A_134, %jit3A_131 : i32
        %rem3A_136 = arith.remsi %scan3A_113, %select_n3A_135 : i32
        %ne3A_137 = arith.constant 0 : i32
        %ne3A_138 = arith.cmpi ne, %rem3A_136, %ne3A_137 : i32
        %lt3A = arith.constant 0 : i32
        %lt3A_139 = arith.cmpi slt, %rem3A_136, %lt3A : i32
        %lt3A_140 = arith.constant 0 : i32
        %lt3A_141 = arith.cmpi slt, %select_n3A_135, %lt3A_140 : i32
        %ne3A_142 = arith.xori %lt3A_139, %lt3A_141 : i1
        %and3A_143 = arith.andi %ne3A_142, %ne3A_138 : i1
        %add3A_144 = arith.addi %rem3A_136, %select_n3A_135 : i32
        %select_n3A_145 = arith.select %and3A_143, %add3A_144, %rem3A_136 : i32
        %jit3A_146 = arith.constant 3 : i32
        %eq3A_147 = arith.constant 0 : i32
        %eq3A_148 = arith.cmpi eq, %jit3A_146, %eq3A_147 : i32
        %jit3A_149 = arith.constant 1 : i32
        %select_n3A_150 = arith.select %eq3A_148, %jit3A_149, %jit3A_146 : i32
        %rem3A_151 = arith.remsi %scan3A_113, %select_n3A_150 : i32
        %ne3A_152 = arith.constant 0 : i32
        %ne3A_153 = arith.cmpi ne, %rem3A_151, %ne3A_152 : i32
        %lt3A_154 = arith.constant 0 : i32
        %lt3A_155 = arith.cmpi slt, %rem3A_151, %lt3A_154 : i32
        %lt3A_156 = arith.constant 0 : i32
        %lt3A_157 = arith.cmpi slt, %select_n3A_150, %lt3A_156 : i32
        %ne3A_158 = arith.xori %lt3A_155, %lt3A_157 : i1
        %and3A_159 = arith.andi %ne3A_158, %ne3A_153 : i1
        %add3A_160 = arith.addi %rem3A_151, %select_n3A_150 : i32
        %select_n3A_161 = arith.select %and3A_159, %add3A_160, %rem3A_151 : i32
        %jit3A_162 = arith.constant 2 : i32
        %eq3A_163 = arith.constant 0 : i32
        %eq3A_164 = arith.cmpi eq, %jit3A_162, %eq3A_163 : i32
        %jit3A_165 = arith.constant 1 : i32
        %select_n3A_166 = arith.select %eq3A_164, %jit3A_165, %jit3A_162 : i32
        %rem3A_167 = arith.remsi %select_n3A, %select_n3A_166 : i32
        %ne3A_168 = arith.constant 0 : i32
        %ne3A_169 = arith.cmpi ne, %rem3A_167, %ne3A_168 : i32
        %lt3A_170 = arith.constant 0 : i32
        %lt3A_171 = arith.cmpi slt, %rem3A_167, %lt3A_170 : i32
        %lt3A_172 = arith.constant 0 : i32
        %lt3A_173 = arith.cmpi slt, %select_n3A_166, %lt3A_172 : i32
        %ne3A_174 = arith.xori %lt3A_171, %lt3A_173 : i1
        %and3A_175 = arith.andi %ne3A_174, %ne3A_169 : i1
        %add3A_176 = arith.addi %rem3A_167, %select_n3A_166 : i32
        %select_n3A_177 = arith.select %and3A_175, %add3A_176, %rem3A_167 : i32
        %add3A_178 = arith.constant 2 : i32
        %add3A_179 = arith.addi %scan3A_113, %add3A_178 : i32
        %lt3A_180 = arith.constant 238 : i32
        %lt3A_181 = arith.cmpi slt, %add3A_179, %lt3A_180 : i32
        %convert_element_type3A_182 = arith.extui %lt3A_181 : i1 to i32
        %cond3A_183 = arith.constant 0 : i32
        %cond3A_184 = arith.cmpi ne, %convert_element_type3A_182, %cond3A_183 : i32
        scf.if %cond3A_184 {
          %add3A_354 = arith.constant 2 : i32
          %add3A_355 = arith.addi %scan3A_113, %add3A_354 : i32
          %jit3A_356 = arith.constant 2 : i32
          %div3A_357 = arith.divsi %add3A_355, %jit3A_356 : i32
          %sign3A_358 = arith.constant 0 : i32
          %sign3A_359 = arith.cmpi sgt, %add3A_355, %sign3A_358 : i32
          %sign3A_360 = arith.extui %sign3A_359 : i1 to i32
          %sign3A_361 = arith.constant 0 : i32
          %sign3A_362 = arith.cmpi slt, %add3A_355, %sign3A_361 : i32
          %sign3A_363 = arith.extui %sign3A_362 : i1 to i32
          %sign3A_364 = arith.subi %sign3A_360, %sign3A_363 : i32
          %sign3A_365 = arith.constant 0 : i32
          %sign3A_366 = arith.cmpi sgt, %jit3A_356, %sign3A_365 : i32
          %sign3A_367 = arith.extui %sign3A_366 : i1 to i32
          %sign3A_368 = arith.constant 0 : i32
          %sign3A_369 = arith.cmpi slt, %jit3A_356, %sign3A_368 : i32
          %sign3A_370 = arith.extui %sign3A_369 : i1 to i32
          %sign3A_371 = arith.subi %sign3A_367, %sign3A_370 : i32
          %ne3A_372 = arith.cmpi ne, %sign3A_364, %sign3A_371 : i32
          %rem3A_373 = arith.remsi %add3A_355, %jit3A_356 : i32
          %ne3A_374 = arith.constant 0 : i32
          %ne3A_375 = arith.cmpi ne, %rem3A_373, %ne3A_374 : i32
          %and3A_376 = arith.andi %ne3A_372, %ne3A_375 : i1
          %sub3A_377 = arith.constant 1 : i32
          %sub3A_378 = arith.subi %div3A_357, %sub3A_377 : i32
          %select_n3A_379 = arith.select %and3A_376, %sub3A_378, %div3A_357 : i32
          %jit3A_380 = arith.constant 2 : i32
          %eq3A_381 = arith.constant 0 : i32
          %eq3A_382 = arith.cmpi eq, %jit3A_380, %eq3A_381 : i32
          %jit3A_383 = arith.constant 1 : i32
          %select_n3A_384 = arith.select %eq3A_382, %jit3A_383, %jit3A_380 : i32
          %rem3A_385 = arith.remsi %add3A_355, %select_n3A_384 : i32
          %ne3A_386 = arith.constant 0 : i32
          %ne3A_387 = arith.cmpi ne, %rem3A_385, %ne3A_386 : i32
          %lt3A_388 = arith.constant 0 : i32
          %lt3A_389 = arith.cmpi slt, %rem3A_385, %lt3A_388 : i32
          %lt3A_390 = arith.constant 0 : i32
          %lt3A_391 = arith.cmpi slt, %select_n3A_384, %lt3A_390 : i32
          %ne3A_392 = arith.xori %lt3A_389, %lt3A_391 : i1
          %and3A_393 = arith.andi %ne3A_392, %ne3A_387 : i1
          %add3A_394 = arith.addi %rem3A_385, %select_n3A_384 : i32
          %select_n3A_395 = arith.select %and3A_393, %add3A_394, %rem3A_385 : i32
          %jit3A_396 = arith.constant 3 : i32
          %eq3A_397 = arith.constant 0 : i32
          %eq3A_398 = arith.cmpi eq, %jit3A_396, %eq3A_397 : i32
          %jit3A_399 = arith.constant 1 : i32
          %select_n3A_400 = arith.select %eq3A_398, %jit3A_399, %jit3A_396 : i32
          %rem3A_401 = arith.remsi %add3A_355, %select_n3A_400 : i32
          %ne3A_402 = arith.constant 0 : i32
          %ne3A_403 = arith.cmpi ne, %rem3A_401, %ne3A_402 : i32
          %lt3A_404 = arith.constant 0 : i32
          %lt3A_405 = arith.cmpi slt, %rem3A_401, %lt3A_404 : i32
          %lt3A_406 = arith.constant 0 : i32
          %lt3A_407 = arith.cmpi slt, %select_n3A_400, %lt3A_406 : i32
          %ne3A_408 = arith.xori %lt3A_405, %lt3A_407 : i1
          %and3A_409 = arith.andi %ne3A_408, %ne3A_403 : i1
          %add3A_410 = arith.addi %rem3A_401, %select_n3A_400 : i32
          %select_n3A_411 = arith.select %and3A_409, %add3A_410, %rem3A_401 : i32
          %mul3A_412 = arith.constant 19040 : i32
          %mul3A_413 = arith.muli %select_n3A_395, %mul3A_412 : i32
          %mul3A_414 = arith.constant 160 : i32
          %mul3A_415 = arith.muli %select_n3A_379, %mul3A_414 : i32
          %add3A_416 = arith.addi %mul3A_413, %mul3A_415 : i32
          %add3A_417 = arith.constant 0 : i32
          %add3A_418 = arith.addi %add3A_416, %add3A_417 : i32
          %dma_start3A_419 = arith.constant 0 : i32
          %dma_start3A_420 = arith.constant 0 : i32
          %dma_start3A_421 = tpu.memref_slice %arg8[%select_n3A_411, %dma_start3A_419, %dma_start3A_420] : memref<3x160x128xf32, #tpu.memory_space<vmem>> -> memref<1x80x128xf32, #tpu.memory_space<vmem>>
          %dma_start3A_422 = tpu.memref_squeeze %dma_start3A_421 : memref<1x80x128xf32, #tpu.memory_space<vmem>> -> memref<80x128xf32, #tpu.memory_space<vmem>>
          %dma_start3A_423 = tpu.memref_slice %arg7[%add3A_418] : memref<38080xi32, #tpu.memory_space<vmem>> -> memref<80xi32, #tpu.memory_space<vmem>>
          %dma_start3A_424 = arith.constant 0 : i32
          %dma_start3A_425 = arith.constant 0 : i32
          %dma_start3A_426 = tpu.memref_slice %arg2[%dma_start3A_424, %dma_start3A_425] : memref<50000x128xf32, #tpu.memory_space<hbm>> -> memref<50000x128xf32, #tpu.memory_space<hbm>>
          tpu.enqueue_indirect_dma source(%dma_start3A_426 : memref<50000x128xf32, #tpu.memory_space<hbm>>) target(%dma_start3A_422 : memref<80x128xf32, #tpu.memory_space<vmem>>) offsets(%dma_start3A_423 : memref<80xi32, #tpu.memory_space<vmem>>) semaphore(%arg10 : memref<!tpu.dma_semaphore, #tpu.memory_space<semaphore_mem>>)
          %jit3A_427 = arith.constant 2 : i32
          %div3A_428 = arith.divsi %add3A_355, %jit3A_427 : i32
          %sign3A_429 = arith.constant 0 : i32
          %sign3A_430 = arith.cmpi sgt, %add3A_355, %sign3A_429 : i32
          %sign3A_431 = arith.extui %sign3A_430 : i1 to i32
          %sign3A_432 = arith.constant 0 : i32
          %sign3A_433 = arith.cmpi slt, %add3A_355, %sign3A_432 : i32
          %sign3A_434 = arith.extui %sign3A_433 : i1 to i32
          %sign3A_435 = arith.subi %sign3A_431, %sign3A_434 : i32
          %sign3A_436 = arith.constant 0 : i32
          %sign3A_437 = arith.cmpi sgt, %jit3A_427, %sign3A_436 : i32
          %sign3A_438 = arith.extui %sign3A_437 : i1 to i32
          %sign3A_439 = arith.constant 0 : i32
          %sign3A_440 = arith.cmpi slt, %jit3A_427, %sign3A_439 : i32
          %sign3A_441 = arith.extui %sign3A_440 : i1 to i32
          %sign3A_442 = arith.subi %sign3A_438, %sign3A_441 : i32
          %ne3A_443 = arith.cmpi ne, %sign3A_435, %sign3A_442 : i32
          %rem3A_444 = arith.remsi %add3A_355, %jit3A_427 : i32
          %ne3A_445 = arith.constant 0 : i32
          %ne3A_446 = arith.cmpi ne, %rem3A_444, %ne3A_445 : i32
          %and3A_447 = arith.andi %ne3A_443, %ne3A_446 : i1
          %sub3A_448 = arith.constant 1 : i32
          %sub3A_449 = arith.subi %div3A_428, %sub3A_448 : i32
          %select_n3A_450 = arith.select %and3A_447, %sub3A_449, %div3A_428 : i32
          %jit3A_451 = arith.constant 2 : i32
          %eq3A_452 = arith.constant 0 : i32
          %eq3A_453 = arith.cmpi eq, %jit3A_451, %eq3A_452 : i32
          %jit3A_454 = arith.constant 1 : i32
          %select_n3A_455 = arith.select %eq3A_453, %jit3A_454, %jit3A_451 : i32
          %rem3A_456 = arith.remsi %add3A_355, %select_n3A_455 : i32
          %ne3A_457 = arith.constant 0 : i32
          %ne3A_458 = arith.cmpi ne, %rem3A_456, %ne3A_457 : i32
          %lt3A_459 = arith.constant 0 : i32
          %lt3A_460 = arith.cmpi slt, %rem3A_456, %lt3A_459 : i32
          %lt3A_461 = arith.constant 0 : i32
          %lt3A_462 = arith.cmpi slt, %select_n3A_455, %lt3A_461 : i32
          %ne3A_463 = arith.xori %lt3A_460, %lt3A_462 : i1
          %and3A_464 = arith.andi %ne3A_463, %ne3A_458 : i1
          %add3A_465 = arith.addi %rem3A_456, %select_n3A_455 : i32
          %select_n3A_466 = arith.select %and3A_464, %add3A_465, %rem3A_456 : i32
          %jit3A_467 = arith.constant 3 : i32
          %eq3A_468 = arith.constant 0 : i32
          %eq3A_469 = arith.cmpi eq, %jit3A_467, %eq3A_468 : i32
          %jit3A_470 = arith.constant 1 : i32
          %select_n3A_471 = arith.select %eq3A_469, %jit3A_470, %jit3A_467 : i32
          %rem3A_472 = arith.remsi %add3A_355, %select_n3A_471 : i32
          %ne3A_473 = arith.constant 0 : i32
          %ne3A_474 = arith.cmpi ne, %rem3A_472, %ne3A_473 : i32
          %lt3A_475 = arith.constant 0 : i32
          %lt3A_476 = arith.cmpi slt, %rem3A_472, %lt3A_475 : i32
          %lt3A_477 = arith.constant 0 : i32
          %lt3A_478 = arith.cmpi slt, %select_n3A_471, %lt3A_477 : i32
          %ne3A_479 = arith.xori %lt3A_476, %lt3A_478 : i1
          %and3A_480 = arith.andi %ne3A_479, %ne3A_474 : i1
          %add3A_481 = arith.addi %rem3A_472, %select_n3A_471 : i32
          %select_n3A_482 = arith.select %and3A_480, %add3A_481, %rem3A_472 : i32
          %mul3A_483 = arith.constant 19040 : i32
          %mul3A_484 = arith.muli %select_n3A_466, %mul3A_483 : i32
          %mul3A_485 = arith.constant 160 : i32
          %mul3A_486 = arith.muli %select_n3A_450, %mul3A_485 : i32
          %add3A_487 = arith.addi %mul3A_484, %mul3A_486 : i32
          %add3A_488 = arith.constant 80 : i32
          %add3A_489 = arith.addi %add3A_487, %add3A_488 : i32
          %dma_start3A_490 = arith.constant 80 : i32
          %dma_start3A_491 = arith.constant 0 : i32
          %dma_start3A_492 = tpu.memref_slice %arg8[%select_n3A_482, %dma_start3A_490, %dma_start3A_491] : memref<3x160x128xf32, #tpu.memory_space<vmem>> -> memref<1x80x128xf32, #tpu.memory_space<vmem>>
          %dma_start3A_493 = tpu.memref_squeeze %dma_start3A_492 : memref<1x80x128xf32, #tpu.memory_space<vmem>> -> memref<80x128xf32, #tpu.memory_space<vmem>>
          %dma_start3A_494 = tpu.memref_slice %arg7[%add3A_489] : memref<38080xi32, #tpu.memory_space<vmem>> -> memref<80xi32, #tpu.memory_space<vmem>>
          %dma_start3A_495 = arith.constant 0 : i32
          %dma_start3A_496 = arith.constant 0 : i32
          %dma_start3A_497 = tpu.memref_slice %arg2[%dma_start3A_495, %dma_start3A_496] : memref<50000x128xf32, #tpu.memory_space<hbm>> -> memref<50000x128xf32, #tpu.memory_space<hbm>>
          tpu.enqueue_indirect_dma source(%dma_start3A_497 : memref<50000x128xf32, #tpu.memory_space<hbm>>) target(%dma_start3A_493 : memref<80x128xf32, #tpu.memory_space<vmem>>) offsets(%dma_start3A_494 : memref<80xi32, #tpu.memory_space<vmem>>) semaphore(%arg10 : memref<!tpu.dma_semaphore, #tpu.memory_space<semaphore_mem>>)
        } else {
        }
        %eq3A_185 = arith.constant 0 : i32
        %eq3A_186 = arith.cmpi eq, %select_n3A_145, %eq3A_185 : i32
        %ge3A = arith.constant 2 : i32
        %ge3A_187 = arith.cmpi sge, %select_n3A, %ge3A : i32
        %and3A_188 = arith.andi %eq3A_186, %ge3A_187 : i1
        %convert_element_type3A_189 = arith.extui %and3A_188 : i1 to i32
        %cond3A_190 = arith.constant 0 : i32
        %cond3A_191 = arith.cmpi ne, %convert_element_type3A_189, %cond3A_190 : i32
        scf.if %cond3A_191 {
          %sub3A_354 = arith.constant 2 : i32
          %sub3A_355 = arith.subi %select_n3A, %sub3A_354 : i32
          %jit3A_356 = arith.constant 2 : i32
          %eq3A_357 = arith.constant 0 : i32
          %eq3A_358 = arith.cmpi eq, %jit3A_356, %eq3A_357 : i32
          %jit3A_359 = arith.constant 1 : i32
          %select_n3A_360 = arith.select %eq3A_358, %jit3A_359, %jit3A_356 : i32
          %rem3A_361 = arith.remsi %sub3A_355, %select_n3A_360 : i32
          %ne3A_362 = arith.constant 0 : i32
          %ne3A_363 = arith.cmpi ne, %rem3A_361, %ne3A_362 : i32
          %lt3A_364 = arith.constant 0 : i32
          %lt3A_365 = arith.cmpi slt, %rem3A_361, %lt3A_364 : i32
          %lt3A_366 = arith.constant 0 : i32
          %lt3A_367 = arith.cmpi slt, %select_n3A_360, %lt3A_366 : i32
          %ne3A_368 = arith.xori %lt3A_365, %lt3A_367 : i1
          %and3A_369 = arith.andi %ne3A_368, %ne3A_363 : i1
          %add3A_370 = arith.addi %rem3A_361, %select_n3A_360 : i32
          %select_n3A_371 = arith.select %and3A_369, %add3A_370, %rem3A_361 : i32
          %mul3A_372 = arith.constant 16 : i32
          %mul3A_373 = arith.muli %sub3A_355, %mul3A_372 : i32
          %add3A_374 = arith.addi %mul3A_7, %mul3A_373 : i32
          %dma_wait3A_375 = arith.constant 0 : i32
          %dma_wait3A_376 = arith.constant 0 : i32
          %dma_wait3A_377 = arith.constant 0 : i32
          %dma_wait3A_378 = tpu.memref_slice %arg9[%select_n3A_371, %dma_wait3A_375, %dma_wait3A_376, %dma_wait3A_377] : memref<2x2x16x128xf32, #tpu.memory_space<vmem>> -> memref<1x1x16x128xf32, #tpu.memory_space<vmem>>
          %dma_wait3A_379 = tpu.memref_squeeze %dma_wait3A_378 : memref<1x1x16x128xf32, #tpu.memory_space<vmem>> -> memref<16x128xf32, #tpu.memory_space<vmem>>
          %dma_wait3A_380 = arith.constant 0 : i32
          %dma_wait3A_381 = tpu.memref_slice %arg5[%add3A_374, %dma_wait3A_380] : memref<50176x128xf32, #tpu.memory_space<hbm>> -> memref<16x128xf32, #tpu.memory_space<hbm>>
          %dma_wait3A_382 = arith.constant 0 : i32
          %dma_wait3A_383 = tpu.memref_slice %arg5[%add3A_374, %dma_wait3A_382] : memref<50176x128xf32, #tpu.memory_space<hbm>> -> memref<16x128xf32, #tpu.memory_space<hbm>>
          %dma_wait3A_384 = arith.constant 0 : i32
          %dma_wait3A_385 = arith.constant 0 : i32
          %dma_wait3A_386 = tpu.memref_slice %arg9[%select_n3A_371, %dma_wait3A_375, %dma_wait3A_384, %dma_wait3A_385] : memref<2x2x16x128xf32, #tpu.memory_space<vmem>> -> memref<1x1x16x128xf32, #tpu.memory_space<vmem>>
          %dma_wait3A_387 = tpu.memref_squeeze %dma_wait3A_386 : memref<1x1x16x128xf32, #tpu.memory_space<vmem>> -> memref<16x128xf32, #tpu.memory_space<vmem>>
          tpu.wait_dma2 semaphore(%arg11 : memref<!tpu.dma_semaphore, #tpu.memory_space<semaphore_mem>>) src(%dma_wait3A_387 : memref<16x128xf32, #tpu.memory_space<vmem>>) dst(%dma_wait3A_383 : memref<16x128xf32, #tpu.memory_space<hbm>>)
          %dma_wait3A_388 = arith.constant 1 : i32
          %dma_wait3A_389 = arith.constant 0 : i32
          %dma_wait3A_390 = arith.constant 0 : i32
          %dma_wait3A_391 = tpu.memref_slice %arg9[%select_n3A_371, %dma_wait3A_388, %dma_wait3A_389, %dma_wait3A_390] : memref<2x2x16x128xf32, #tpu.memory_space<vmem>> -> memref<1x1x16x128xf32, #tpu.memory_space<vmem>>
          %dma_wait3A_392 = tpu.memref_squeeze %dma_wait3A_391 : memref<1x1x16x128xf32, #tpu.memory_space<vmem>> -> memref<16x128xf32, #tpu.memory_space<vmem>>
          %dma_wait3A_393 = arith.constant 0 : i32
          %dma_wait3A_394 = tpu.memref_slice %arg6[%add3A_374, %dma_wait3A_393] : memref<50176x128xf32, #tpu.memory_space<hbm>> -> memref<16x128xf32, #tpu.memory_space<hbm>>
          %dma_wait3A_395 = arith.constant 0 : i32
          %dma_wait3A_396 = tpu.memref_slice %arg6[%add3A_374, %dma_wait3A_395] : memref<50176x128xf32, #tpu.memory_space<hbm>> -> memref<16x128xf32, #tpu.memory_space<hbm>>
          %dma_wait3A_397 = arith.constant 0 : i32
          %dma_wait3A_398 = arith.constant 0 : i32
          %dma_wait3A_399 = tpu.memref_slice %arg9[%select_n3A_371, %dma_wait3A_388, %dma_wait3A_397, %dma_wait3A_398] : memref<2x2x16x128xf32, #tpu.memory_space<vmem>> -> memref<1x1x16x128xf32, #tpu.memory_space<vmem>>
          %dma_wait3A_400 = tpu.memref_squeeze %dma_wait3A_399 : memref<1x1x16x128xf32, #tpu.memory_space<vmem>> -> memref<16x128xf32, #tpu.memory_space<vmem>>
          tpu.wait_dma2 semaphore(%arg11 : memref<!tpu.dma_semaphore, #tpu.memory_space<semaphore_mem>>) src(%dma_wait3A_400 : memref<16x128xf32, #tpu.memory_space<vmem>>) dst(%dma_wait3A_396 : memref<16x128xf32, #tpu.memory_space<hbm>>)
        } else {
        }
        %jit3A_192 = arith.constant 2 : i32
        %div3A_193 = arith.divsi %scan3A_113, %jit3A_192 : i32
        %sign3A_194 = arith.constant 0 : i32
        %sign3A_195 = arith.cmpi sgt, %scan3A_113, %sign3A_194 : i32
        %sign3A_196 = arith.extui %sign3A_195 : i1 to i32
        %sign3A_197 = arith.constant 0 : i32
        %sign3A_198 = arith.cmpi slt, %scan3A_113, %sign3A_197 : i32
        %sign3A_199 = arith.extui %sign3A_198 : i1 to i32
        %sign3A_200 = arith.subi %sign3A_196, %sign3A_199 : i32
        %sign3A_201 = arith.constant 0 : i32
        %sign3A_202 = arith.cmpi sgt, %jit3A_192, %sign3A_201 : i32
        %sign3A_203 = arith.extui %sign3A_202 : i1 to i32
        %sign3A_204 = arith.constant 0 : i32
        %sign3A_205 = arith.cmpi slt, %jit3A_192, %sign3A_204 : i32
        %sign3A_206 = arith.extui %sign3A_205 : i1 to i32
        %sign3A_207 = arith.subi %sign3A_203, %sign3A_206 : i32
        %ne3A_208 = arith.cmpi ne, %sign3A_200, %sign3A_207 : i32
        %rem3A_209 = arith.remsi %scan3A_113, %jit3A_192 : i32
        %ne3A_210 = arith.constant 0 : i32
        %ne3A_211 = arith.cmpi ne, %rem3A_209, %ne3A_210 : i32
        %and3A_212 = arith.andi %ne3A_208, %ne3A_211 : i1
        %sub3A_213 = arith.constant 1 : i32
        %sub3A_214 = arith.subi %div3A_193, %sub3A_213 : i32
        %select_n3A_215 = arith.select %and3A_212, %sub3A_214, %div3A_193 : i32
        %jit3A_216 = arith.constant 2 : i32
        %eq3A_217 = arith.constant 0 : i32
        %eq3A_218 = arith.cmpi eq, %jit3A_216, %eq3A_217 : i32
        %jit3A_219 = arith.constant 1 : i32
        %select_n3A_220 = arith.select %eq3A_218, %jit3A_219, %jit3A_216 : i32
        %rem3A_221 = arith.remsi %scan3A_113, %select_n3A_220 : i32
        %ne3A_222 = arith.constant 0 : i32
        %ne3A_223 = arith.cmpi ne, %rem3A_221, %ne3A_222 : i32
        %lt3A_224 = arith.constant 0 : i32
        %lt3A_225 = arith.cmpi slt, %rem3A_221, %lt3A_224 : i32
        %lt3A_226 = arith.constant 0 : i32
        %lt3A_227 = arith.cmpi slt, %select_n3A_220, %lt3A_226 : i32
        %ne3A_228 = arith.xori %lt3A_225, %lt3A_227 : i1
        %and3A_229 = arith.andi %ne3A_228, %ne3A_223 : i1
        %add3A_230 = arith.addi %rem3A_221, %select_n3A_220 : i32
        %select_n3A_231 = arith.select %and3A_229, %add3A_230, %rem3A_221 : i32
        %jit3A_232 = arith.constant 3 : i32
        %eq3A_233 = arith.constant 0 : i32
        %eq3A_234 = arith.cmpi eq, %jit3A_232, %eq3A_233 : i32
        %jit3A_235 = arith.constant 1 : i32
        %select_n3A_236 = arith.select %eq3A_234, %jit3A_235, %jit3A_232 : i32
        %rem3A_237 = arith.remsi %scan3A_113, %select_n3A_236 : i32
        %ne3A_238 = arith.constant 0 : i32
        %ne3A_239 = arith.cmpi ne, %rem3A_237, %ne3A_238 : i32
        %lt3A_240 = arith.constant 0 : i32
        %lt3A_241 = arith.cmpi slt, %rem3A_237, %lt3A_240 : i32
        %lt3A_242 = arith.constant 0 : i32
        %lt3A_243 = arith.cmpi slt, %select_n3A_236, %lt3A_242 : i32
        %ne3A_244 = arith.xori %lt3A_241, %lt3A_243 : i1
        %and3A_245 = arith.andi %ne3A_244, %ne3A_239 : i1
        %add3A_246 = arith.addi %rem3A_237, %select_n3A_236 : i32
        %select_n3A_247 = arith.select %and3A_245, %add3A_246, %rem3A_237 : i32
        %mul3A_248 = arith.constant 19040 : i32
        %mul3A_249 = arith.muli %select_n3A_231, %mul3A_248 : i32
        %mul3A_250 = arith.constant 160 : i32
        %mul3A_251 = arith.muli %select_n3A_215, %mul3A_250 : i32
        %add3A_252 = arith.addi %mul3A_249, %mul3A_251 : i32
        %add3A_253 = arith.constant 0 : i32
        %add3A_254 = arith.addi %add3A_252, %add3A_253 : i32
        %dma_wait3A_255 = arith.constant 0 : i32
        %dma_wait3A_256 = arith.constant 0 : i32
        %dma_wait3A_257 = tpu.memref_slice %arg8[%select_n3A_247, %dma_wait3A_255, %dma_wait3A_256] : memref<3x160x128xf32, #tpu.memory_space<vmem>> -> memref<1x80x128xf32, #tpu.memory_space<vmem>>
        %dma_wait3A_258 = tpu.memref_squeeze %dma_wait3A_257 : memref<1x80x128xf32, #tpu.memory_space<vmem>> -> memref<80x128xf32, #tpu.memory_space<vmem>>
        %dma_wait3A_259 = tpu.memref_slice %arg7[%add3A_254] : memref<38080xi32, #tpu.memory_space<vmem>> -> memref<80xi32, #tpu.memory_space<vmem>>
        %dma_wait3A_260 = arith.constant 0 : i32
        %dma_wait3A_261 = arith.constant 0 : i32
        %dma_wait3A_262 = tpu.memref_slice %arg2[%dma_wait3A_260, %dma_wait3A_261] : memref<50000x128xf32, #tpu.memory_space<hbm>> -> memref<50000x128xf32, #tpu.memory_space<hbm>>
        tpu.wait_indirect_dma semaphore(%arg10 : memref<!tpu.dma_semaphore, #tpu.memory_space<semaphore_mem>>) src(%dma_wait3A_262 : memref<50000x128xf32, #tpu.memory_space<hbm>>) dst(%dma_wait3A_258 : memref<80x128xf32, #tpu.memory_space<vmem>>)
        %scan3A_263 = arith.constant 0 : i32
        %scan3A_264 = arith.constant 0 : i32
        %scan3A_265 = arith.constant 8 : i32
        %scan3A_266 = arith.addi %scan3A_264, %scan3A_265 : i32
        %scan3A_267 = arith.constant 1 : i32
        %scan3A_268 = scf.for %scan3A_354 = %scan3A_264 to %scan3A_266 step %scan3A_267 iter_args(%scan3A_355 = %scan3A_263) -> (i32)  : i32 {
          %mul3A_356 = arith.constant 10 : i32
          %mul3A_357 = arith.muli %scan3A_354, %mul3A_356 : i32
          %add3A_358 = arith.constant 0 : i32
          %add3A_359 = arith.addi %mul3A_357, %add3A_358 : i32
          %get3A = arith.index_cast %select_n3A_161 : i32 to index
          %get3A_360 = arith.index_cast %add3A_359 : i32 to index
          %get3A_361 = arith.constant 0 : index
          %get3A_362 = tpu.vector_load %arg8[%get3A, %get3A_360, %get3A_361] {strides = array<i32>} : memref<3x160x128xf32, #tpu.memory_space<vmem>>, vector<1x1x16xf32>,
          %get3A_363 = vector.shape_cast %get3A_362 : vector<1x1x16xf32> to vector<16xf32>
          %mul3A_364 = arith.constant 10 : i32
          %mul3A_365 = arith.muli %scan3A_354, %mul3A_364 : i32
          %add3A_366 = arith.constant 1 : i32
          %add3A_367 = arith.addi %mul3A_365, %add3A_366 : i32
          %get3A_368 = arith.index_cast %select_n3A_161 : i32 to index
          %get3A_369 = arith.index_cast %add3A_367 : i32 to index
          %get3A_370 = arith.constant 0 : index
          %get3A_371 = tpu.vector_load %arg8[%get3A_368, %get3A_369, %get3A_370] {strides = array<i32>} : memref<3x160x128xf32, #tpu.memory_space<vmem>>, vector<1x1x16xf32>,
          %get3A_372 = vector.shape_cast %get3A_371 : vector<1x1x16xf32> to vector<16xf32>
          %add3A_373 = arith.addf %get3A_363, %get3A_372 : vector<16xf32>
          %mul3A_374 = arith.constant 10 : i32
          %mul3A_375 = arith.muli %scan3A_354, %mul3A_374 : i32
          %add3A_376 = arith.constant 2 : i32
          %add3A_377 = arith.addi %mul3A_375, %add3A_376 : i32
          %get3A_378 = arith.index_cast %select_n3A_161 : i32 to index
          %get3A_379 = arith.index_cast %add3A_377 : i32 to index
          %get3A_380 = arith.constant 0 : index
          %get3A_381 = tpu.vector_load %arg8[%get3A_378, %get3A_379, %get3A_380] {strides = array<i32>} : memref<3x160x128xf32, #tpu.memory_space<vmem>>, vector<1x1x16xf32>,
          %get3A_382 = vector.shape_cast %get3A_381 : vector<1x1x16xf32> to vector<16xf32>
          %add3A_383 = arith.addf %add3A_373, %get3A_382 : vector<16xf32>
          %mul3A_384 = arith.constant 10 : i32
          %mul3A_385 = arith.muli %scan3A_354, %mul3A_384 : i32
          %add3A_386 = arith.constant 3 : i32
          %add3A_387 = arith.addi %mul3A_385, %add3A_386 : i32
          %get3A_388 = arith.index_cast %select_n3A_161 : i32 to index
          %get3A_389 = arith.index_cast %add3A_387 : i32 to index
          %get3A_390 = arith.constant 0 : index
          %get3A_391 = tpu.vector_load %arg8[%get3A_388, %get3A_389, %get3A_390] {strides = array<i32>} : memref<3x160x128xf32, #tpu.memory_space<vmem>>, vector<1x1x16xf32>,
          %get3A_392 = vector.shape_cast %get3A_391 : vector<1x1x16xf32> to vector<16xf32>
          %add3A_393 = arith.addf %add3A_383, %get3A_392 : vector<16xf32>
          %mul3A_394 = arith.constant 10 : i32
          %mul3A_395 = arith.muli %scan3A_354, %mul3A_394 : i32
          %add3A_396 = arith.constant 4 : i32
          %add3A_397 = arith.addi %mul3A_395, %add3A_396 : i32
          %get3A_398 = arith.index_cast %select_n3A_161 : i32 to index
          %get3A_399 = arith.index_cast %add3A_397 : i32 to index
          %get3A_400 = arith.constant 0 : index
          %get3A_401 = tpu.vector_load %arg8[%get3A_398, %get3A_399, %get3A_400] {strides = array<i32>} : memref<3x160x128xf32, #tpu.memory_space<vmem>>, vector<1x1x16xf32>,
          %get3A_402 = vector.shape_cast %get3A_401 : vector<1x1x16xf32> to vector<16xf32>
          %add3A_403 = arith.addf %add3A_393, %get3A_402 : vector<16xf32>
          %mul3A_404 = arith.constant 10 : i32
          %mul3A_405 = arith.muli %scan3A_354, %mul3A_404 : i32
          %add3A_406 = arith.constant 5 : i32
          %add3A_407 = arith.addi %mul3A_405, %add3A_406 : i32
          %get3A_408 = arith.index_cast %select_n3A_161 : i32 to index
          %get3A_409 = arith.index_cast %add3A_407 : i32 to index
          %get3A_410 = arith.constant 0 : index
          %get3A_411 = tpu.vector_load %arg8[%get3A_408, %get3A_409, %get3A_410] {strides = array<i32>} : memref<3x160x128xf32, #tpu.memory_space<vmem>>, vector<1x1x16xf32>,
          %get3A_412 = vector.shape_cast %get3A_411 : vector<1x1x16xf32> to vector<16xf32>
          %add3A_413 = arith.addf %add3A_403, %get3A_412 : vector<16xf32>
          %mul3A_414 = arith.constant 10 : i32
          %mul3A_415 = arith.muli %scan3A_354, %mul3A_414 : i32
          %add3A_416 = arith.constant 6 : i32
          %add3A_417 = arith.addi %mul3A_415, %add3A_416 : i32
          %get3A_418 = arith.index_cast %select_n3A_161 : i32 to index
          %get3A_419 = arith.index_cast %add3A_417 : i32 to index
          %get3A_420 = arith.constant 0 : index
          %get3A_421 = tpu.vector_load %arg8[%get3A_418, %get3A_419, %get3A_420] {strides = array<i32>} : memref<3x160x128xf32, #tpu.memory_space<vmem>>, vector<1x1x16xf32>,
          %get3A_422 = vector.shape_cast %get3A_421 : vector<1x1x16xf32> to vector<16xf32>
          %add3A_423 = arith.addf %add3A_413, %get3A_422 : vector<16xf32>
          %mul3A_424 = arith.constant 10 : i32
          %mul3A_425 = arith.muli %scan3A_354, %mul3A_424 : i32
          %add3A_426 = arith.constant 7 : i32
          %add3A_427 = arith.addi %mul3A_425, %add3A_426 : i32
          %get3A_428 = arith.index_cast %select_n3A_161 : i32 to index
          %get3A_429 = arith.index_cast %add3A_427 : i32 to index
          %get3A_430 = arith.constant 0 : index
          %get3A_431 = tpu.vector_load %arg8[%get3A_428, %get3A_429, %get3A_430] {strides = array<i32>} : memref<3x160x128xf32, #tpu.memory_space<vmem>>, vector<1x1x16xf32>,
          %get3A_432 = vector.shape_cast %get3A_431 : vector<1x1x16xf32> to vector<16xf32>
          %add3A_433 = arith.addf %add3A_423, %get3A_432 : vector<16xf32>
          %mul3A_434 = arith.constant 10 : i32
          %mul3A_435 = arith.muli %scan3A_354, %mul3A_434 : i32
          %add3A_436 = arith.constant 8 : i32
          %add3A_437 = arith.addi %mul3A_435, %add3A_436 : i32
          %get3A_438 = arith.index_cast %select_n3A_161 : i32 to index
          %get3A_439 = arith.index_cast %add3A_437 : i32 to index
          %get3A_440 = arith.constant 0 : index
          %get3A_441 = tpu.vector_load %arg8[%get3A_438, %get3A_439, %get3A_440] {strides = array<i32>} : memref<3x160x128xf32, #tpu.memory_space<vmem>>, vector<1x1x16xf32>,
          %get3A_442 = vector.shape_cast %get3A_441 : vector<1x1x16xf32> to vector<16xf32>
          %add3A_443 = arith.addf %add3A_433, %get3A_442 : vector<16xf32>
          %mul3A_444 = arith.constant 10 : i32
          %mul3A_445 = arith.muli %scan3A_354, %mul3A_444 : i32
          %add3A_446 = arith.constant 9 : i32
          %add3A_447 = arith.addi %mul3A_445, %add3A_446 : i32
          %get3A_448 = arith.index_cast %select_n3A_161 : i32 to index
          %get3A_449 = arith.index_cast %add3A_447 : i32 to index
          %get3A_450 = arith.constant 0 : index
          %get3A_451 = tpu.vector_load %arg8[%get3A_448, %get3A_449, %get3A_450] {strides = array<i32>} : memref<3x160x128xf32, #tpu.memory_space<vmem>>, vector<1x1x16xf32>,
          %get3A_452 = vector.shape_cast %get3A_451 : vector<1x1x16xf32> to vector<16xf32>
          %add3A_453 = arith.addf %add3A_443, %get3A_452 : vector<16xf32>
          %swap3A = arith.index_cast %select_n3A_177 : i32 to index
          %swap3A_454 = arith.index_cast %select_n3A_145 : i32 to index
          %swap3A_455 = arith.index_cast %scan3A_354 : i32 to index
          %swap3A_456 = arith.constant 0 : index
          %swap3A_457 = tpu.vector_load %arg9[%swap3A, %swap3A_454, %swap3A_455, %swap3A_456] {strides = array<i32>} : memref<2x2x16x128xf32, #tpu.memory_space<vmem>>, vector<1x1x1x16xf32>,
          %swap3A_458 = vector.shape_cast %swap3A_457 : vector<1x1x1x16xf32> to vector<16xf32>
          %swap3A_459 = vector.shape_cast %add3A_453 : vector<16xf32> to vector<1x1x1x16xf32>
          tpu.vector_store %arg9[%swap3A, %swap3A_454, %swap3A_455, %swap3A_456], %swap3A_459 {strides = array<i32>} : memref<2x2x16x128xf32, #tpu.memory_space<vmem>>, vector<1x1x1x16xf32>,
          %mul3A_460 = arith.constant 10 : i32
          %mul3A_461 = arith.muli %scan3A_354, %mul3A_460 : i32
          %add3A_462 = arith.constant 0 : i32
          %add3A_463 = arith.addi %mul3A_461, %add3A_462 : i32
          %get3A_464 = arith.index_cast %select_n3A_161 : i32 to index
          %get3A_465 = arith.index_cast %add3A_463 : i32 to index
          %get3A_466 = arith.constant 16 : index
          %get3A_467 = tpu.vector_load %arg8[%get3A_464, %get3A_465, %get3A_466] {strides = array<i32>} : memref<3x160x128xf32, #tpu.memory_space<vmem>>, vector<1x1x16xf32>,
          %get3A_468 = vector.shape_cast %get3A_467 : vector<1x1x16xf32> to vector<16xf32>
          %mul3A_469 = arith.constant 10 : i32
          %mul3A_470 = arith.muli %scan3A_354, %mul3A_469 : i32
          %add3A_471 = arith.constant 1 : i32
          %add3A_472 = arith.addi %mul3A_470, %add3A_471 : i32
          %get3A_473 = arith.index_cast %select_n3A_161 : i32 to index
          %get3A_474 = arith.index_cast %add3A_472 : i32 to index
          %get3A_475 = arith.constant 16 : index
          %get3A_476 = tpu.vector_load %arg8[%get3A_473, %get3A_474, %get3A_475] {strides = array<i32>} : memref<3x160x128xf32, #tpu.memory_space<vmem>>, vector<1x1x16xf32>,
          %get3A_477 = vector.shape_cast %get3A_476 : vector<1x1x16xf32> to vector<16xf32>
          %add3A_478 = arith.addf %get3A_468, %get3A_477 : vector<16xf32>
          %mul3A_479 = arith.constant 10 : i32
          %mul3A_480 = arith.muli %scan3A_354, %mul3A_479 : i32
          %add3A_481 = arith.constant 2 : i32
          %add3A_482 = arith.addi %mul3A_480, %add3A_481 : i32
          %get3A_483 = arith.index_cast %select_n3A_161 : i32 to index
          %get3A_484 = arith.index_cast %add3A_482 : i32 to index
          %get3A_485 = arith.constant 16 : index
          %get3A_486 = tpu.vector_load %arg8[%get3A_483, %get3A_484, %get3A_485] {strides = array<i32>} : memref<3x160x128xf32, #tpu.memory_space<vmem>>, vector<1x1x16xf32>,
          %get3A_487 = vector.shape_cast %get3A_486 : vector<1x1x16xf32> to vector<16xf32>
          %add3A_488 = arith.addf %add3A_478, %get3A_487 : vector<16xf32>
          %mul3A_489 = arith.constant 10 : i32
          %mul3A_490 = arith.muli %scan3A_354, %mul3A_489 : i32
          %add3A_491 = arith.constant 3 : i32
          %add3A_492 = arith.addi %mul3A_490, %add3A_491 : i32
          %get3A_493 = arith.index_cast %select_n3A_161 : i32 to index
          %get3A_494 = arith.index_cast %add3A_492 : i32 to index
          %get3A_495 = arith.constant 16 : index
          %get3A_496 = tpu.vector_load %arg8[%get3A_493, %get3A_494, %get3A_495] {strides = array<i32>} : memref<3x160x128xf32, #tpu.memory_space<vmem>>, vector<1x1x16xf32>,
          %get3A_497 = vector.shape_cast %get3A_496 : vector<1x1x16xf32> to vector<16xf32>
          %add3A_498 = arith.addf %add3A_488, %get3A_497 : vector<16xf32>
          %mul3A_499 = arith.constant 10 : i32
          %mul3A_500 = arith.muli %scan3A_354, %mul3A_499 : i32
          %add3A_501 = arith.constant 4 : i32
          %add3A_502 = arith.addi %mul3A_500, %add3A_501 : i32
          %get3A_503 = arith.index_cast %select_n3A_161 : i32 to index
          %get3A_504 = arith.index_cast %add3A_502 : i32 to index
          %get3A_505 = arith.constant 16 : index
          %get3A_506 = tpu.vector_load %arg8[%get3A_503, %get3A_504, %get3A_505] {strides = array<i32>} : memref<3x160x128xf32, #tpu.memory_space<vmem>>, vector<1x1x16xf32>,
          %get3A_507 = vector.shape_cast %get3A_506 : vector<1x1x16xf32> to vector<16xf32>
          %add3A_508 = arith.addf %add3A_498, %get3A_507 : vector<16xf32>
          %mul3A_509 = arith.constant 10 : i32
          %mul3A_510 = arith.muli %scan3A_354, %mul3A_509 : i32
          %add3A_511 = arith.constant 5 : i32
          %add3A_512 = arith.addi %mul3A_510, %add3A_511 : i32
          %get3A_513 = arith.index_cast %select_n3A_161 : i32 to index
          %get3A_514 = arith.index_cast %add3A_512 : i32 to index
          %get3A_515 = arith.constant 16 : index
          %get3A_516 = tpu.vector_load %arg8[%get3A_513, %get3A_514, %get3A_515] {strides = array<i32>} : memref<3x160x128xf32, #tpu.memory_space<vmem>>, vector<1x1x16xf32>,
          %get3A_517 = vector.shape_cast %get3A_516 : vector<1x1x16xf32> to vector<16xf32>
          %add3A_518 = arith.addf %add3A_508, %get3A_517 : vector<16xf32>
          %mul3A_519 = arith.constant 10 : i32
          %mul3A_520 = arith.muli %scan3A_354, %mul3A_519 : i32
          %add3A_521 = arith.constant 6 : i32
          %add3A_522 = arith.addi %mul3A_520, %add3A_521 : i32
          %get3A_523 = arith.index_cast %select_n3A_161 : i32 to index
          %get3A_524 = arith.index_cast %add3A_522 : i32 to index
          %get3A_525 = arith.constant 16 : index
          %get3A_526 = tpu.vector_load %arg8[%get3A_523, %get3A_524, %get3A_525] {strides = array<i32>} : memref<3x160x128xf32, #tpu.memory_space<vmem>>, vector<1x1x16xf32>,
          %get3A_527 = vector.shape_cast %get3A_526 : vector<1x1x16xf32> to vector<16xf32>
          %add3A_528 = arith.addf %add3A_518, %get3A_527 : vector<16xf32>
          %mul3A_529 = arith.constant 10 : i32
          %mul3A_530 = arith.muli %scan3A_354, %mul3A_529 : i32
          %add3A_531 = arith.constant 7 : i32
          %add3A_532 = arith.addi %mul3A_530, %add3A_531 : i32
          %get3A_533 = arith.index_cast %select_n3A_161 : i32 to index
          %get3A_534 = arith.index_cast %add3A_532 : i32 to index
          %get3A_535 = arith.constant 16 : index
          %get3A_536 = tpu.vector_load %arg8[%get3A_533, %get3A_534, %get3A_535] {strides = array<i32>} : memref<3x160x128xf32, #tpu.memory_space<vmem>>, vector<1x1x16xf32>,
          %get3A_537 = vector.shape_cast %get3A_536 : vector<1x1x16xf32> to vector<16xf32>
          %add3A_538 = arith.addf %add3A_528, %get3A_537 : vector<16xf32>
          %mul3A_539 = arith.constant 10 : i32
          %mul3A_540 = arith.muli %scan3A_354, %mul3A_539 : i32
          %add3A_541 = arith.constant 8 : i32
          %add3A_542 = arith.addi %mul3A_540, %add3A_541 : i32
          %get3A_543 = arith.index_cast %select_n3A_161 : i32 to index
          %get3A_544 = arith.index_cast %add3A_542 : i32 to index
          %get3A_545 = arith.constant 16 : index
          %get3A_546 = tpu.vector_load %arg8[%get3A_543, %get3A_544, %get3A_545] {strides = array<i32>} : memref<3x160x128xf32, #tpu.memory_space<vmem>>, vector<1x1x16xf32>,
          %get3A_547 = vector.shape_cast %get3A_546 : vector<1x1x16xf32> to vector<16xf32>
          %add3A_548 = arith.addf %add3A_538, %get3A_547 : vector<16xf32>
          %mul3A_549 = arith.constant 10 : i32
          %mul3A_550 = arith.muli %scan3A_354, %mul3A_549 : i32
          %add3A_551 = arith.constant 9 : i32
          %add3A_552 = arith.addi %mul3A_550, %add3A_551 : i32
          %get3A_553 = arith.index_cast %select_n3A_161 : i32 to index
          %get3A_554 = arith.index_cast %add3A_552 : i32 to index
          %get3A_555 = arith.constant 16 : index
          %get3A_556 = tpu.vector_load %arg8[%get3A_553, %get3A_554, %get3A_555] {strides = array<i32>} : memref<3x160x128xf32, #tpu.memory_space<vmem>>, vector<1x1x16xf32>,
          %get3A_557 = vector.shape_cast %get3A_556 : vector<1x1x16xf32> to vector<16xf32>
          %add3A_558 = arith.addf %add3A_548, %get3A_557 : vector<16xf32>
          %swap3A_559 = arith.index_cast %select_n3A_177 : i32 to index
          %swap3A_560 = arith.index_cast %select_n3A_145 : i32 to index
          %swap3A_561 = arith.index_cast %scan3A_354 : i32 to index
          %swap3A_562 = arith.constant 16 : index
          %swap3A_563 = tpu.vector_load %arg9[%swap3A_559, %swap3A_560, %swap3A_561, %swap3A_562] {strides = array<i32>} : memref<2x2x16x128xf32, #tpu.memory_space<vmem>>, vector<1x1x1x16xf32>,
          %swap3A_564 = vector.shape_cast %swap3A_563 : vector<1x1x1x16xf32> to vector<16xf32>
          %swap3A_565 = vector.shape_cast %add3A_558 : vector<16xf32> to vector<1x1x1x16xf32>
          tpu.vector_store %arg9[%swap3A_559, %swap3A_560, %swap3A_561, %swap3A_562], %swap3A_565 {strides = array<i32>} : memref<2x2x16x128xf32, #tpu.memory_space<vmem>>, vector<1x1x1x16xf32>,
          %mul3A_566 = arith.constant 10 : i32
          %mul3A_567 = arith.muli %scan3A_354, %mul3A_566 : i32
          %add3A_568 = arith.constant 0 : i32
          %add3A_569 = arith.addi %mul3A_567, %add3A_568 : i32
          %get3A_570 = arith.index_cast %select_n3A_161 : i32 to index
          %get3A_571 = arith.index_cast %add3A_569 : i32 to index
          %get3A_572 = arith.constant 32 : index
          %get3A_573 = tpu.vector_load %arg8[%get3A_570, %get3A_571, %get3A_572] {strides = array<i32>} : memref<3x160x128xf32, #tpu.memory_space<vmem>>, vector<1x1x16xf32>,
          %get3A_574 = vector.shape_cast %get3A_573 : vector<1x1x16xf32> to vector<16xf32>
          %mul3A_575 = arith.constant 10 : i32
          %mul3A_576 = arith.muli %scan3A_354, %mul3A_575 : i32
          %add3A_577 = arith.constant 1 : i32
          %add3A_578 = arith.addi %mul3A_576, %add3A_577 : i32
          %get3A_579 = arith.index_cast %select_n3A_161 : i32 to index
          %get3A_580 = arith.index_cast %add3A_578 : i32 to index
          %get3A_581 = arith.constant 32 : index
          %get3A_582 = tpu.vector_load %arg8[%get3A_579, %get3A_580, %get3A_581] {strides = array<i32>} : memref<3x160x128xf32, #tpu.memory_space<vmem>>, vector<1x1x16xf32>,
          %get3A_583 = vector.shape_cast %get3A_582 : vector<1x1x16xf32> to vector<16xf32>
          %add3A_584 = arith.addf %get3A_574, %get3A_583 : vector<16xf32>
          %mul3A_585 = arith.constant 10 : i32
          %mul3A_586 = arith.muli %scan3A_354, %mul3A_585 : i32
          %add3A_587 = arith.constant 2 : i32
          %add3A_588 = arith.addi %mul3A_586, %add3A_587 : i32
          %get3A_589 = arith.index_cast %select_n3A_161 : i32 to index
          %get3A_590 = arith.index_cast %add3A_588 : i32 to index
          %get3A_591 = arith.constant 32 : index
          %get3A_592 = tpu.vector_load %arg8[%get3A_589, %get3A_590, %get3A_591] {strides = array<i32>} : memref<3x160x128xf32, #tpu.memory_space<vmem>>, vector<1x1x16xf32>,
          %get3A_593 = vector.shape_cast %get3A_592 : vector<1x1x16xf32> to vector<16xf32>
          %add3A_594 = arith.addf %add3A_584, %get3A_593 : vector<16xf32>
          %mul3A_595 = arith.constant 10 : i32
          %mul3A_596 = arith.muli %scan3A_354, %mul3A_595 : i32
          %add3A_597 = arith.constant 3 : i32
          %add3A_598 = arith.addi %mul3A_596, %add3A_597 : i32
          %get3A_599 = arith.index_cast %select_n3A_161 : i32 to index
          %get3A_600 = arith.index_cast %add3A_598 : i32 to index
          %get3A_601 = arith.constant 32 : index
          %get3A_602 = tpu.vector_load %arg8[%get3A_599, %get3A_600, %get3A_601] {strides = array<i32>} : memref<3x160x128xf32, #tpu.memory_space<vmem>>, vector<1x1x16xf32>,
          %get3A_603 = vector.shape_cast %get3A_602 : vector<1x1x16xf32> to vector<16xf32>
          %add3A_604 = arith.addf %add3A_594, %get3A_603 : vector<16xf32>
          %mul3A_605 = arith.constant 10 : i32
          %mul3A_606 = arith.muli %scan3A_354, %mul3A_605 : i32
          %add3A_607 = arith.constant 4 : i32
          %add3A_608 = arith.addi %mul3A_606, %add3A_607 : i32
          %get3A_609 = arith.index_cast %select_n3A_161 : i32 to index
          %get3A_610 = arith.index_cast %add3A_608 : i32 to index
          %get3A_611 = arith.constant 32 : index
          %get3A_612 = tpu.vector_load %arg8[%get3A_609, %get3A_610, %get3A_611] {strides = array<i32>} : memref<3x160x128xf32, #tpu.memory_space<vmem>>, vector<1x1x16xf32>,
          %get3A_613 = vector.shape_cast %get3A_612 : vector<1x1x16xf32> to vector<16xf32>
          %add3A_614 = arith.addf %add3A_604, %get3A_613 : vector<16xf32>
          %mul3A_615 = arith.constant 10 : i32
          %mul3A_616 = arith.muli %scan3A_354, %mul3A_615 : i32
          %add3A_617 = arith.constant 5 : i32
          %add3A_618 = arith.addi %mul3A_616, %add3A_617 : i32
          %get3A_619 = arith.index_cast %select_n3A_161 : i32 to index
          %get3A_620 = arith.index_cast %add3A_618 : i32 to index
          %get3A_621 = arith.constant 32 : index
          %get3A_622 = tpu.vector_load %arg8[%get3A_619, %get3A_620, %get3A_621] {strides = array<i32>} : memref<3x160x128xf32, #tpu.memory_space<vmem>>, vector<1x1x16xf32>,
          %get3A_623 = vector.shape_cast %get3A_622 : vector<1x1x16xf32> to vector<16xf32>
          %add3A_624 = arith.addf %add3A_614, %get3A_623 : vector<16xf32>
          %mul3A_625 = arith.constant 10 : i32
          %mul3A_626 = arith.muli %scan3A_354, %mul3A_625 : i32
          %add3A_627 = arith.constant 6 : i32
          %add3A_628 = arith.addi %mul3A_626, %add3A_627 : i32
          %get3A_629 = arith.index_cast %select_n3A_161 : i32 to index
          %get3A_630 = arith.index_cast %add3A_628 : i32 to index
          %get3A_631 = arith.constant 32 : index
          %get3A_632 = tpu.vector_load %arg8[%get3A_629, %get3A_630, %get3A_631] {strides = array<i32>} : memref<3x160x128xf32, #tpu.memory_space<vmem>>, vector<1x1x16xf32>,
          %get3A_633 = vector.shape_cast %get3A_632 : vector<1x1x16xf32> to vector<16xf32>
          %add3A_634 = arith.addf %add3A_624, %get3A_633 : vector<16xf32>
          %mul3A_635 = arith.constant 10 : i32
          %mul3A_636 = arith.muli %scan3A_354, %mul3A_635 : i32
          %add3A_637 = arith.constant 7 : i32
          %add3A_638 = arith.addi %mul3A_636, %add3A_637 : i32
          %get3A_639 = arith.index_cast %select_n3A_161 : i32 to index
          %get3A_640 = arith.index_cast %add3A_638 : i32 to index
          %get3A_641 = arith.constant 32 : index
          %get3A_642 = tpu.vector_load %arg8[%get3A_639, %get3A_640, %get3A_641] {strides = array<i32>} : memref<3x160x128xf32, #tpu.memory_space<vmem>>, vector<1x1x16xf32>,
          %get3A_643 = vector.shape_cast %get3A_642 : vector<1x1x16xf32> to vector<16xf32>
          %add3A_644 = arith.addf %add3A_634, %get3A_643 : vector<16xf32>
          %mul3A_645 = arith.constant 10 : i32
          %mul3A_646 = arith.muli %scan3A_354, %mul3A_645 : i32
          %add3A_647 = arith.constant 8 : i32
          %add3A_648 = arith.addi %mul3A_646, %add3A_647 : i32
          %get3A_649 = arith.index_cast %select_n3A_161 : i32 to index
          %get3A_650 = arith.index_cast %add3A_648 : i32 to index
          %get3A_651 = arith.constant 32 : index
          %get3A_652 = tpu.vector_load %arg8[%get3A_649, %get3A_650, %get3A_651] {strides = array<i32>} : memref<3x160x128xf32, #tpu.memory_space<vmem>>, vector<1x1x16xf32>,
          %get3A_653 = vector.shape_cast %get3A_652 : vector<1x1x16xf32> to vector<16xf32>
          %add3A_654 = arith.addf %add3A_644, %get3A_653 : vector<16xf32>
          %mul3A_655 = arith.constant 10 : i32
          %mul3A_656 = arith.muli %scan3A_354, %mul3A_655 : i32
          %add3A_657 = arith.constant 9 : i32
          %add3A_658 = arith.addi %mul3A_656, %add3A_657 : i32
          %get3A_659 = arith.index_cast %select_n3A_161 : i32 to index
          %get3A_660 = arith.index_cast %add3A_658 : i32 to index
          %get3A_661 = arith.constant 32 : index
          %get3A_662 = tpu.vector_load %arg8[%get3A_659, %get3A_660, %get3A_661] {strides = array<i32>} : memref<3x160x128xf32, #tpu.memory_space<vmem>>, vector<1x1x16xf32>,
          %get3A_663 = vector.shape_cast %get3A_662 : vector<1x1x16xf32> to vector<16xf32>
          %add3A_664 = arith.addf %add3A_654, %get3A_663 : vector<16xf32>
          %swap3A_665 = arith.index_cast %select_n3A_177 : i32 to index
          %swap3A_666 = arith.index_cast %select_n3A_145 : i32 to index
          %swap3A_667 = arith.index_cast %scan3A_354 : i32 to index
          %swap3A_668 = arith.constant 32 : index
          %swap3A_669 = tpu.vector_load %arg9[%swap3A_665, %swap3A_666, %swap3A_667, %swap3A_668] {strides = array<i32>} : memref<2x2x16x128xf32, #tpu.memory_space<vmem>>, vector<1x1x1x16xf32>,
          %swap3A_670 = vector.shape_cast %swap3A_669 : vector<1x1x1x16xf32> to vector<16xf32>
          %swap3A_671 = vector.shape_cast %add3A_664 : vector<16xf32> to vector<1x1x1x16xf32>
          tpu.vector_store %arg9[%swap3A_665, %swap3A_666, %swap3A_667, %swap3A_668], %swap3A_671 {strides = array<i32>} : memref<2x2x16x128xf32, #tpu.memory_space<vmem>>, vector<1x1x1x16xf32>,
          %mul3A_672 = arith.constant 10 : i32
          %mul3A_673 = arith.muli %scan3A_354, %mul3A_672 : i32
          %add3A_674 = arith.constant 0 : i32
          %add3A_675 = arith.addi %mul3A_673, %add3A_674 : i32
          %get3A_676 = arith.index_cast %select_n3A_161 : i32 to index
          %get3A_677 = arith.index_cast %add3A_675 : i32 to index
          %get3A_678 = arith.constant 48 : index
          %get3A_679 = tpu.vector_load %arg8[%get3A_676, %get3A_677, %get3A_678] {strides = array<i32>} : memref<3x160x128xf32, #tpu.memory_space<vmem>>, vector<1x1x16xf32>,
          %get3A_680 = vector.shape_cast %get3A_679 : vector<1x1x16xf32> to vector<16xf32>
          %mul3A_681 = arith.constant 10 : i32
          %mul3A_682 = arith.muli %scan3A_354, %mul3A_681 : i32
          %add3A_683 = arith.constant 1 : i32
          %add3A_684 = arith.addi %mul3A_682, %add3A_683 : i32
          %get3A_685 = arith.index_cast %select_n3A_161 : i32 to index
          %get3A_686 = arith.index_cast %add3A_684 : i32 to index
          %get3A_687 = arith.constant 48 : index
          %get3A_688 = tpu.vector_load %arg8[%get3A_685, %get3A_686, %get3A_687] {strides = array<i32>} : memref<3x160x128xf32, #tpu.memory_space<vmem>>, vector<1x1x16xf32>,
          %get3A_689 = vector.shape_cast %get3A_688 : vector<1x1x16xf32> to vector<16xf32>
          %add3A_690 = arith.addf %get3A_680, %get3A_689 : vector<16xf32>
          %mul3A_691 = arith.constant 10 : i32
          %mul3A_692 = arith.muli %scan3A_354, %mul3A_691 : i32
          %add3A_693 = arith.constant 2 : i32
          %add3A_694 = arith.addi %mul3A_692, %add3A_693 : i32
          %get3A_695 = arith.index_cast %select_n3A_161 : i32 to index
          %get3A_696 = arith.index_cast %add3A_694 : i32 to index
          %get3A_697 = arith.constant 48 : index
          %get3A_698 = tpu.vector_load %arg8[%get3A_695, %get3A_696, %get3A_697] {strides = array<i32>} : memref<3x160x128xf32, #tpu.memory_space<vmem>>, vector<1x1x16xf32>,
          %get3A_699 = vector.shape_cast %get3A_698 : vector<1x1x16xf32> to vector<16xf32>
          %add3A_700 = arith.addf %add3A_690, %get3A_699 : vector<16xf32>
          %mul3A_701 = arith.constant 10 : i32
          %mul3A_702 = arith.muli %scan3A_354, %mul3A_701 : i32
          %add3A_703 = arith.constant 3 : i32
          %add3A_704 = arith.addi %mul3A_702, %add3A_703 : i32
          %get3A_705 = arith.index_cast %select_n3A_161 : i32 to index
          %get3A_706 = arith.index_cast %add3A_704 : i32 to index
          %get3A_707 = arith.constant 48 : index
          %get3A_708 = tpu.vector_load %arg8[%get3A_705, %get3A_706, %get3A_707] {strides = array<i32>} : memref<3x160x128xf32, #tpu.memory_space<vmem>>, vector<1x1x16xf32>,
          %get3A_709 = vector.shape_cast %get3A_708 : vector<1x1x16xf32> to vector<16xf32>
          %add3A_710 = arith.addf %add3A_700, %get3A_709 : vector<16xf32>
          %mul3A_711 = arith.constant 10 : i32
          %mul3A_712 = arith.muli %scan3A_354, %mul3A_711 : i32
          %add3A_713 = arith.constant 4 : i32
          %add3A_714 = arith.addi %mul3A_712, %add3A_713 : i32
          %get3A_715 = arith.index_cast %select_n3A_161 : i32 to index
          %get3A_716 = arith.index_cast %add3A_714 : i32 to index
          %get3A_717 = arith.constant 48 : index
          %get3A_718 = tpu.vector_load %arg8[%get3A_715, %get3A_716, %get3A_717] {strides = array<i32>} : memref<3x160x128xf32, #tpu.memory_space<vmem>>, vector<1x1x16xf32>,
          %get3A_719 = vector.shape_cast %get3A_718 : vector<1x1x16xf32> to vector<16xf32>
          %add3A_720 = arith.addf %add3A_710, %get3A_719 : vector<16xf32>
          %mul3A_721 = arith.constant 10 : i32
          %mul3A_722 = arith.muli %scan3A_354, %mul3A_721 : i32
          %add3A_723 = arith.constant 5 : i32
          %add3A_724 = arith.addi %mul3A_722, %add3A_723 : i32
          %get3A_725 = arith.index_cast %select_n3A_161 : i32 to index
          %get3A_726 = arith.index_cast %add3A_724 : i32 to index
          %get3A_727 = arith.constant 48 : index
          %get3A_728 = tpu.vector_load %arg8[%get3A_725, %get3A_726, %get3A_727] {strides = array<i32>} : memref<3x160x128xf32, #tpu.memory_space<vmem>>, vector<1x1x16xf32>,
          %get3A_729 = vector.shape_cast %get3A_728 : vector<1x1x16xf32> to vector<16xf32>
          %add3A_730 = arith.addf %add3A_720, %get3A_729 : vector<16xf32>
          %mul3A_731 = arith.constant 10 : i32
          %mul3A_732 = arith.muli %scan3A_354, %mul3A_731 : i32
          %add3A_733 = arith.constant 6 : i32
          %add3A_734 = arith.addi %mul3A_732, %add3A_733 : i32
          %get3A_735 = arith.index_cast %select_n3A_161 : i32 to index
          %get3A_736 = arith.index_cast %add3A_734 : i32 to index
          %get3A_737 = arith.constant 48 : index
          %get3A_738 = tpu.vector_load %arg8[%get3A_735, %get3A_736, %get3A_737] {strides = array<i32>} : memref<3x160x128xf32, #tpu.memory_space<vmem>>, vector<1x1x16xf32>,
          %get3A_739 = vector.shape_cast %get3A_738 : vector<1x1x16xf32> to vector<16xf32>
          %add3A_740 = arith.addf %add3A_730, %get3A_739 : vector<16xf32>
          %mul3A_741 = arith.constant 10 : i32
          %mul3A_742 = arith.muli %scan3A_354, %mul3A_741 : i32
          %add3A_743 = arith.constant 7 : i32
          %add3A_744 = arith.addi %mul3A_742, %add3A_743 : i32
          %get3A_745 = arith.index_cast %select_n3A_161 : i32 to index
          %get3A_746 = arith.index_cast %add3A_744 : i32 to index
          %get3A_747 = arith.constant 48 : index
          %get3A_748 = tpu.vector_load %arg8[%get3A_745, %get3A_746, %get3A_747] {strides = array<i32>} : memref<3x160x128xf32, #tpu.memory_space<vmem>>, vector<1x1x16xf32>,
          %get3A_749 = vector.shape_cast %get3A_748 : vector<1x1x16xf32> to vector<16xf32>
          %add3A_750 = arith.addf %add3A_740, %get3A_749 : vector<16xf32>
          %mul3A_751 = arith.constant 10 : i32
          %mul3A_752 = arith.muli %scan3A_354, %mul3A_751 : i32
          %add3A_753 = arith.constant 8 : i32
          %add3A_754 = arith.addi %mul3A_752, %add3A_753 : i32
          %get3A_755 = arith.index_cast %select_n3A_161 : i32 to index
          %get3A_756 = arith.index_cast %add3A_754 : i32 to index
          %get3A_757 = arith.constant 48 : index
          %get3A_758 = tpu.vector_load %arg8[%get3A_755, %get3A_756, %get3A_757] {strides = array<i32>} : memref<3x160x128xf32, #tpu.memory_space<vmem>>, vector<1x1x16xf32>,
          %get3A_759 = vector.shape_cast %get3A_758 : vector<1x1x16xf32> to vector<16xf32>
          %add3A_760 = arith.addf %add3A_750, %get3A_759 : vector<16xf32>
          %mul3A_761 = arith.constant 10 : i32
          %mul3A_762 = arith.muli %scan3A_354, %mul3A_761 : i32
          %add3A_763 = arith.constant 9 : i32
          %add3A_764 = arith.addi %mul3A_762, %add3A_763 : i32
          %get3A_765 = arith.index_cast %select_n3A_161 : i32 to index
          %get3A_766 = arith.index_cast %add3A_764 : i32 to index
          %get3A_767 = arith.constant 48 : index
          %get3A_768 = tpu.vector_load %arg8[%get3A_765, %get3A_766, %get3A_767] {strides = array<i32>} : memref<3x160x128xf32, #tpu.memory_space<vmem>>, vector<1x1x16xf32>,
          %get3A_769 = vector.shape_cast %get3A_768 : vector<1x1x16xf32> to vector<16xf32>
          %add3A_770 = arith.addf %add3A_760, %get3A_769 : vector<16xf32>
          %swap3A_771 = arith.index_cast %select_n3A_177 : i32 to index
          %swap3A_772 = arith.index_cast %select_n3A_145 : i32 to index
          %swap3A_773 = arith.index_cast %scan3A_354 : i32 to index
          %swap3A_774 = arith.constant 48 : index
          %swap3A_775 = tpu.vector_load %arg9[%swap3A_771, %swap3A_772, %swap3A_773, %swap3A_774] {strides = array<i32>} : memref<2x2x16x128xf32, #tpu.memory_space<vmem>>, vector<1x1x1x16xf32>,
          %swap3A_776 = vector.shape_cast %swap3A_775 : vector<1x1x1x16xf32> to vector<16xf32>
          %swap3A_777 = vector.shape_cast %add3A_770 : vector<16xf32> to vector<1x1x1x16xf32>
          tpu.vector_store %arg9[%swap3A_771, %swap3A_772, %swap3A_773, %swap3A_774], %swap3A_777 {strides = array<i32>} : memref<2x2x16x128xf32, #tpu.memory_space<vmem>>, vector<1x1x1x16xf32>,
          %mul3A_778 = arith.constant 10 : i32
          %mul3A_779 = arith.muli %scan3A_354, %mul3A_778 : i32
          %add3A_780 = arith.constant 0 : i32
          %add3A_781 = arith.addi %mul3A_779, %add3A_780 : i32
          %get3A_782 = arith.index_cast %select_n3A_161 : i32 to index
          %get3A_783 = arith.index_cast %add3A_781 : i32 to index
          %get3A_784 = arith.constant 64 : index
          %get3A_785 = tpu.vector_load %arg8[%get3A_782, %get3A_783, %get3A_784] {strides = array<i32>} : memref<3x160x128xf32, #tpu.memory_space<vmem>>, vector<1x1x16xf32>,
          %get3A_786 = vector.shape_cast %get3A_785 : vector<1x1x16xf32> to vector<16xf32>
          %mul3A_787 = arith.constant 10 : i32
          %mul3A_788 = arith.muli %scan3A_354, %mul3A_787 : i32
          %add3A_789 = arith.constant 1 : i32
          %add3A_790 = arith.addi %mul3A_788, %add3A_789 : i32
          %get3A_791 = arith.index_cast %select_n3A_161 : i32 to index
          %get3A_792 = arith.index_cast %add3A_790 : i32 to index
          %get3A_793 = arith.constant 64 : index
          %get3A_794 = tpu.vector_load %arg8[%get3A_791, %get3A_792, %get3A_793] {strides = array<i32>} : memref<3x160x128xf32, #tpu.memory_space<vmem>>, vector<1x1x16xf32>,
          %get3A_795 = vector.shape_cast %get3A_794 : vector<1x1x16xf32> to vector<16xf32>
          %add3A_796 = arith.addf %get3A_786, %get3A_795 : vector<16xf32>
          %mul3A_797 = arith.constant 10 : i32
          %mul3A_798 = arith.muli %scan3A_354, %mul3A_797 : i32
          %add3A_799 = arith.constant 2 : i32
          %add3A_800 = arith.addi %mul3A_798, %add3A_799 : i32
          %get3A_801 = arith.index_cast %select_n3A_161 : i32 to index
          %get3A_802 = arith.index_cast %add3A_800 : i32 to index
          %get3A_803 = arith.constant 64 : index
          %get3A_804 = tpu.vector_load %arg8[%get3A_801, %get3A_802, %get3A_803] {strides = array<i32>} : memref<3x160x128xf32, #tpu.memory_space<vmem>>, vector<1x1x16xf32>,
          %get3A_805 = vector.shape_cast %get3A_804 : vector<1x1x16xf32> to vector<16xf32>
          %add3A_806 = arith.addf %add3A_796, %get3A_805 : vector<16xf32>
          %mul3A_807 = arith.constant 10 : i32
          %mul3A_808 = arith.muli %scan3A_354, %mul3A_807 : i32
          %add3A_809 = arith.constant 3 : i32
          %add3A_810 = arith.addi %mul3A_808, %add3A_809 : i32
          %get3A_811 = arith.index_cast %select_n3A_161 : i32 to index
          %get3A_812 = arith.index_cast %add3A_810 : i32 to index
          %get3A_813 = arith.constant 64 : index
          %get3A_814 = tpu.vector_load %arg8[%get3A_811, %get3A_812, %get3A_813] {strides = array<i32>} : memref<3x160x128xf32, #tpu.memory_space<vmem>>, vector<1x1x16xf32>,
          %get3A_815 = vector.shape_cast %get3A_814 : vector<1x1x16xf32> to vector<16xf32>
          %add3A_816 = arith.addf %add3A_806, %get3A_815 : vector<16xf32>
          %mul3A_817 = arith.constant 10 : i32
          %mul3A_818 = arith.muli %scan3A_354, %mul3A_817 : i32
          %add3A_819 = arith.constant 4 : i32
          %add3A_820 = arith.addi %mul3A_818, %add3A_819 : i32
          %get3A_821 = arith.index_cast %select_n3A_161 : i32 to index
          %get3A_822 = arith.index_cast %add3A_820 : i32 to index
          %get3A_823 = arith.constant 64 : index
          %get3A_824 = tpu.vector_load %arg8[%get3A_821, %get3A_822, %get3A_823] {strides = array<i32>} : memref<3x160x128xf32, #tpu.memory_space<vmem>>, vector<1x1x16xf32>,
          %get3A_825 = vector.shape_cast %get3A_824 : vector<1x1x16xf32> to vector<16xf32>
          %add3A_826 = arith.addf %add3A_816, %get3A_825 : vector<16xf32>
          %mul3A_827 = arith.constant 10 : i32
          %mul3A_828 = arith.muli %scan3A_354, %mul3A_827 : i32
          %add3A_829 = arith.constant 5 : i32
          %add3A_830 = arith.addi %mul3A_828, %add3A_829 : i32
          %get3A_831 = arith.index_cast %select_n3A_161 : i32 to index
          %get3A_832 = arith.index_cast %add3A_830 : i32 to index
          %get3A_833 = arith.constant 64 : index
          %get3A_834 = tpu.vector_load %arg8[%get3A_831, %get3A_832, %get3A_833] {strides = array<i32>} : memref<3x160x128xf32, #tpu.memory_space<vmem>>, vector<1x1x16xf32>,
          %get3A_835 = vector.shape_cast %get3A_834 : vector<1x1x16xf32> to vector<16xf32>
          %add3A_836 = arith.addf %add3A_826, %get3A_835 : vector<16xf32>
          %mul3A_837 = arith.constant 10 : i32
          %mul3A_838 = arith.muli %scan3A_354, %mul3A_837 : i32
          %add3A_839 = arith.constant 6 : i32
          %add3A_840 = arith.addi %mul3A_838, %add3A_839 : i32
          %get3A_841 = arith.index_cast %select_n3A_161 : i32 to index
          %get3A_842 = arith.index_cast %add3A_840 : i32 to index
          %get3A_843 = arith.constant 64 : index
          %get3A_844 = tpu.vector_load %arg8[%get3A_841, %get3A_842, %get3A_843] {strides = array<i32>} : memref<3x160x128xf32, #tpu.memory_space<vmem>>, vector<1x1x16xf32>,
          %get3A_845 = vector.shape_cast %get3A_844 : vector<1x1x16xf32> to vector<16xf32>
          %add3A_846 = arith.addf %add3A_836, %get3A_845 : vector<16xf32>
          %mul3A_847 = arith.constant 10 : i32
          %mul3A_848 = arith.muli %scan3A_354, %mul3A_847 : i32
          %add3A_849 = arith.constant 7 : i32
          %add3A_850 = arith.addi %mul3A_848, %add3A_849 : i32
          %get3A_851 = arith.index_cast %select_n3A_161 : i32 to index
          %get3A_852 = arith.index_cast %add3A_850 : i32 to index
          %get3A_853 = arith.constant 64 : index
          %get3A_854 = tpu.vector_load %arg8[%get3A_851, %get3A_852, %get3A_853] {strides = array<i32>} : memref<3x160x128xf32, #tpu.memory_space<vmem>>, vector<1x1x16xf32>,
          %get3A_855 = vector.shape_cast %get3A_854 : vector<1x1x16xf32> to vector<16xf32>
          %add3A_856 = arith.addf %add3A_846, %get3A_855 : vector<16xf32>
          %mul3A_857 = arith.constant 10 : i32
          %mul3A_858 = arith.muli %scan3A_354, %mul3A_857 : i32
          %add3A_859 = arith.constant 8 : i32
          %add3A_860 = arith.addi %mul3A_858, %add3A_859 : i32
          %get3A_861 = arith.index_cast %select_n3A_161 : i32 to index
          %get3A_862 = arith.index_cast %add3A_860 : i32 to index
          %get3A_863 = arith.constant 64 : index
          %get3A_864 = tpu.vector_load %arg8[%get3A_861, %get3A_862, %get3A_863] {strides = array<i32>} : memref<3x160x128xf32, #tpu.memory_space<vmem>>, vector<1x1x16xf32>,
          %get3A_865 = vector.shape_cast %get3A_864 : vector<1x1x16xf32> to vector<16xf32>
          %add3A_866 = arith.addf %add3A_856, %get3A_865 : vector<16xf32>
          %mul3A_867 = arith.constant 10 : i32
          %mul3A_868 = arith.muli %scan3A_354, %mul3A_867 : i32
          %add3A_869 = arith.constant 9 : i32
          %add3A_870 = arith.addi %mul3A_868, %add3A_869 : i32
          %get3A_871 = arith.index_cast %select_n3A_161 : i32 to index
          %get3A_872 = arith.index_cast %add3A_870 : i32 to index
          %get3A_873 = arith.constant 64 : index
          %get3A_874 = tpu.vector_load %arg8[%get3A_871, %get3A_872, %get3A_873] {strides = array<i32>} : memref<3x160x128xf32, #tpu.memory_space<vmem>>, vector<1x1x16xf32>,
          %get3A_875 = vector.shape_cast %get3A_874 : vector<1x1x16xf32> to vector<16xf32>
          %add3A_876 = arith.addf %add3A_866, %get3A_875 : vector<16xf32>
          %swap3A_877 = arith.index_cast %select_n3A_177 : i32 to index
          %swap3A_878 = arith.index_cast %select_n3A_145 : i32 to index
          %swap3A_879 = arith.index_cast %scan3A_354 : i32 to index
          %swap3A_880 = arith.constant 64 : index
          %swap3A_881 = tpu.vector_load %arg9[%swap3A_877, %swap3A_878, %swap3A_879, %swap3A_880] {strides = array<i32>} : memref<2x2x16x128xf32, #tpu.memory_space<vmem>>, vector<1x1x1x16xf32>,
          %swap3A_882 = vector.shape_cast %swap3A_881 : vector<1x1x1x16xf32> to vector<16xf32>
          %swap3A_883 = vector.shape_cast %add3A_876 : vector<16xf32> to vector<1x1x1x16xf32>
          tpu.vector_store %arg9[%swap3A_877, %swap3A_878, %swap3A_879, %swap3A_880], %swap3A_883 {strides = array<i32>} : memref<2x2x16x128xf32, #tpu.memory_space<vmem>>, vector<1x1x1x16xf32>,
          %mul3A_884 = arith.constant 10 : i32
          %mul3A_885 = arith.muli %scan3A_354, %mul3A_884 : i32
          %add3A_886 = arith.constant 0 : i32
          %add3A_887 = arith.addi %mul3A_885, %add3A_886 : i32
          %get3A_888 = arith.index_cast %select_n3A_161 : i32 to index
          %get3A_889 = arith.index_cast %add3A_887 : i32 to index
          %get3A_890 = arith.constant 80 : index
          %get3A_891 = tpu.vector_load %arg8[%get3A_888, %get3A_889, %get3A_890] {strides = array<i32>} : memref<3x160x128xf32, #tpu.memory_space<vmem>>, vector<1x1x16xf32>,
          %get3A_892 = vector.shape_cast %get3A_891 : vector<1x1x16xf32> to vector<16xf32>
          %mul3A_893 = arith.constant 10 : i32
          %mul3A_894 = arith.muli %scan3A_354, %mul3A_893 : i32
          %add3A_895 = arith.constant 1 : i32
          %add3A_896 = arith.addi %mul3A_894, %add3A_895 : i32
          %get3A_897 = arith.index_cast %select_n3A_161 : i32 to index
          %get3A_898 = arith.index_cast %add3A_896 : i32 to index
          %get3A_899 = arith.constant 80 : index
          %get3A_900 = tpu.vector_load %arg8[%get3A_897, %get3A_898, %get3A_899] {strides = array<i32>} : memref<3x160x128xf32, #tpu.memory_space<vmem>>, vector<1x1x16xf32>,
          %get3A_901 = vector.shape_cast %get3A_900 : vector<1x1x16xf32> to vector<16xf32>
          %add3A_902 = arith.addf %get3A_892, %get3A_901 : vector<16xf32>
          %mul3A_903 = arith.constant 10 : i32
          %mul3A_904 = arith.muli %scan3A_354, %mul3A_903 : i32
          %add3A_905 = arith.constant 2 : i32
          %add3A_906 = arith.addi %mul3A_904, %add3A_905 : i32
          %get3A_907 = arith.index_cast %select_n3A_161 : i32 to index
          %get3A_908 = arith.index_cast %add3A_906 : i32 to index
          %get3A_909 = arith.constant 80 : index
          %get3A_910 = tpu.vector_load %arg8[%get3A_907, %get3A_908, %get3A_909] {strides = array<i32>} : memref<3x160x128xf32, #tpu.memory_space<vmem>>, vector<1x1x16xf32>,
          %get3A_911 = vector.shape_cast %get3A_910 : vector<1x1x16xf32> to vector<16xf32>
          %add3A_912 = arith.addf %add3A_902, %get3A_911 : vector<16xf32>
          %mul3A_913 = arith.constant 10 : i32
          %mul3A_914 = arith.muli %scan3A_354, %mul3A_913 : i32
          %add3A_915 = arith.constant 3 : i32
          %add3A_916 = arith.addi %mul3A_914, %add3A_915 : i32
          %get3A_917 = arith.index_cast %select_n3A_161 : i32 to index
          %get3A_918 = arith.index_cast %add3A_916 : i32 to index
          %get3A_919 = arith.constant 80 : index
          %get3A_920 = tpu.vector_load %arg8[%get3A_917, %get3A_918, %get3A_919] {strides = array<i32>} : memref<3x160x128xf32, #tpu.memory_space<vmem>>, vector<1x1x16xf32>,
          %get3A_921 = vector.shape_cast %get3A_920 : vector<1x1x16xf32> to vector<16xf32>
          %add3A_922 = arith.addf %add3A_912, %get3A_921 : vector<16xf32>
          %mul3A_923 = arith.constant 10 : i32
          %mul3A_924 = arith.muli %scan3A_354, %mul3A_923 : i32
          %add3A_925 = arith.constant 4 : i32
          %add3A_926 = arith.addi %mul3A_924, %add3A_925 : i32
          %get3A_927 = arith.index_cast %select_n3A_161 : i32 to index
          %get3A_928 = arith.index_cast %add3A_926 : i32 to index
          %get3A_929 = arith.constant 80 : index
          %get3A_930 = tpu.vector_load %arg8[%get3A_927, %get3A_928, %get3A_929] {strides = array<i32>} : memref<3x160x128xf32, #tpu.memory_space<vmem>>, vector<1x1x16xf32>,
          %get3A_931 = vector.shape_cast %get3A_930 : vector<1x1x16xf32> to vector<16xf32>
          %add3A_932 = arith.addf %add3A_922, %get3A_931 : vector<16xf32>
          %mul3A_933 = arith.constant 10 : i32
          %mul3A_934 = arith.muli %scan3A_354, %mul3A_933 : i32
          %add3A_935 = arith.constant 5 : i32
          %add3A_936 = arith.addi %mul3A_934, %add3A_935 : i32
          %get3A_937 = arith.index_cast %select_n3A_161 : i32 to index
          %get3A_938 = arith.index_cast %add3A_936 : i32 to index
          %get3A_939 = arith.constant 80 : index
          %get3A_940 = tpu.vector_load %arg8[%get3A_937, %get3A_938, %get3A_939] {strides = array<i32>} : memref<3x160x128xf32, #tpu.memory_space<vmem>>, vector<1x1x16xf32>,
          %get3A_941 = vector.shape_cast %get3A_940 : vector<1x1x16xf32> to vector<16xf32>
          %add3A_942 = arith.addf %add3A_932, %get3A_941 : vector<16xf32>
          %mul3A_943 = arith.constant 10 : i32
          %mul3A_944 = arith.muli %scan3A_354, %mul3A_943 : i32
          %add3A_945 = arith.constant 6 : i32
          %add3A_946 = arith.addi %mul3A_944, %add3A_945 : i32
          %get3A_947 = arith.index_cast %select_n3A_161 : i32 to index
          %get3A_948 = arith.index_cast %add3A_946 : i32 to index
          %get3A_949 = arith.constant 80 : index
          %get3A_950 = tpu.vector_load %arg8[%get3A_947, %get3A_948, %get3A_949] {strides = array<i32>} : memref<3x160x128xf32, #tpu.memory_space<vmem>>, vector<1x1x16xf32>,
          %get3A_951 = vector.shape_cast %get3A_950 : vector<1x1x16xf32> to vector<16xf32>
          %add3A_952 = arith.addf %add3A_942, %get3A_951 : vector<16xf32>
          %mul3A_953 = arith.constant 10 : i32
          %mul3A_954 = arith.muli %scan3A_354, %mul3A_953 : i32
          %add3A_955 = arith.constant 7 : i32
          %add3A_956 = arith.addi %mul3A_954, %add3A_955 : i32
          %get3A_957 = arith.index_cast %select_n3A_161 : i32 to index
          %get3A_958 = arith.index_cast %add3A_956 : i32 to index
          %get3A_959 = arith.constant 80 : index
          %get3A_960 = tpu.vector_load %arg8[%get3A_957, %get3A_958, %get3A_959] {strides = array<i32>} : memref<3x160x128xf32, #tpu.memory_space<vmem>>, vector<1x1x16xf32>,
          %get3A_961 = vector.shape_cast %get3A_960 : vector<1x1x16xf32> to vector<16xf32>
          %add3A_962 = arith.addf %add3A_952, %get3A_961 : vector<16xf32>
          %mul3A_963 = arith.constant 10 : i32
          %mul3A_964 = arith.muli %scan3A_354, %mul3A_963 : i32
          %add3A_965 = arith.constant 8 : i32
          %add3A_966 = arith.addi %mul3A_964, %add3A_965 : i32
          %get3A_967 = arith.index_cast %select_n3A_161 : i32 to index
          %get3A_968 = arith.index_cast %add3A_966 : i32 to index
          %get3A_969 = arith.constant 80 : index
          %get3A_970 = tpu.vector_load %arg8[%get3A_967, %get3A_968, %get3A_969] {strides = array<i32>} : memref<3x160x128xf32, #tpu.memory_space<vmem>>, vector<1x1x16xf32>,
          %get3A_971 = vector.shape_cast %get3A_970 : vector<1x1x16xf32> to vector<16xf32>
          %add3A_972 = arith.addf %add3A_962, %get3A_971 : vector<16xf32>
          %mul3A_973 = arith.constant 10 : i32
          %mul3A_974 = arith.muli %scan3A_354, %mul3A_973 : i32
          %add3A_975 = arith.constant 9 : i32
          %add3A_976 = arith.addi %mul3A_974, %add3A_975 : i32
          %get3A_977 = arith.index_cast %select_n3A_161 : i32 to index
          %get3A_978 = arith.index_cast %add3A_976 : i32 to index
          %get3A_979 = arith.constant 80 : index
          %get3A_980 = tpu.vector_load %arg8[%get3A_977, %get3A_978, %get3A_979] {strides = array<i32>} : memref<3x160x128xf32, #tpu.memory_space<vmem>>, vector<1x1x16xf32>,
          %get3A_981 = vector.shape_cast %get3A_980 : vector<1x1x16xf32> to vector<16xf32>
          %add3A_982 = arith.addf %add3A_972, %get3A_981 : vector<16xf32>
          %swap3A_983 = arith.index_cast %select_n3A_177 : i32 to index
          %swap3A_984 = arith.index_cast %select_n3A_145 : i32 to index
          %swap3A_985 = arith.index_cast %scan3A_354 : i32 to index
          %swap3A_986 = arith.constant 80 : index
          %swap3A_987 = tpu.vector_load %arg9[%swap3A_983, %swap3A_984, %swap3A_985, %swap3A_986] {strides = array<i32>} : memref<2x2x16x128xf32, #tpu.memory_space<vmem>>, vector<1x1x1x16xf32>,
          %swap3A_988 = vector.shape_cast %swap3A_987 : vector<1x1x1x16xf32> to vector<16xf32>
          %swap3A_989 = vector.shape_cast %add3A_982 : vector<16xf32> to vector<1x1x1x16xf32>
          tpu.vector_store %arg9[%swap3A_983, %swap3A_984, %swap3A_985, %swap3A_986], %swap3A_989 {strides = array<i32>} : memref<2x2x16x128xf32, #tpu.memory_space<vmem>>, vector<1x1x1x16xf32>,
          %mul3A_990 = arith.constant 10 : i32
          %mul3A_991 = arith.muli %scan3A_354, %mul3A_990 : i32
          %add3A_992 = arith.constant 0 : i32
          %add3A_993 = arith.addi %mul3A_991, %add3A_992 : i32
          %get3A_994 = arith.index_cast %select_n3A_161 : i32 to index
          %get3A_995 = arith.index_cast %add3A_993 : i32 to index
          %get3A_996 = arith.constant 96 : index
          %get3A_997 = tpu.vector_load %arg8[%get3A_994, %get3A_995, %get3A_996] {strides = array<i32>} : memref<3x160x128xf32, #tpu.memory_space<vmem>>, vector<1x1x16xf32>,
          %get3A_998 = vector.shape_cast %get3A_997 : vector<1x1x16xf32> to vector<16xf32>
          %mul3A_999 = arith.constant 10 : i32
          %mul3A_1000 = arith.muli %scan3A_354, %mul3A_999 : i32
          %add3A_1001 = arith.constant 1 : i32
          %add3A_1002 = arith.addi %mul3A_1000, %add3A_1001 : i32
          %get3A_1003 = arith.index_cast %select_n3A_161 : i32 to index
          %get3A_1004 = arith.index_cast %add3A_1002 : i32 to index
          %get3A_1005 = arith.constant 96 : index
          %get3A_1006 = tpu.vector_load %arg8[%get3A_1003, %get3A_1004, %get3A_1005] {strides = array<i32>} : memref<3x160x128xf32, #tpu.memory_space<vmem>>, vector<1x1x16xf32>,
          %get3A_1007 = vector.shape_cast %get3A_1006 : vector<1x1x16xf32> to vector<16xf32>
          %add3A_1008 = arith.addf %get3A_998, %get3A_1007 : vector<16xf32>
          %mul3A_1009 = arith.constant 10 : i32
          %mul3A_1010 = arith.muli %scan3A_354, %mul3A_1009 : i32
          %add3A_1011 = arith.constant 2 : i32
          %add3A_1012 = arith.addi %mul3A_1010, %add3A_1011 : i32
          %get3A_1013 = arith.index_cast %select_n3A_161 : i32 to index
          %get3A_1014 = arith.index_cast %add3A_1012 : i32 to index
          %get3A_1015 = arith.constant 96 : index
          %get3A_1016 = tpu.vector_load %arg8[%get3A_1013, %get3A_1014, %get3A_1015] {strides = array<i32>} : memref<3x160x128xf32, #tpu.memory_space<vmem>>, vector<1x1x16xf32>,
          %get3A_1017 = vector.shape_cast %get3A_1016 : vector<1x1x16xf32> to vector<16xf32>
          %add3A_1018 = arith.addf %add3A_1008, %get3A_1017 : vector<16xf32>
          %mul3A_1019 = arith.constant 10 : i32
          %mul3A_1020 = arith.muli %scan3A_354, %mul3A_1019 : i32
          %add3A_1021 = arith.constant 3 : i32
          %add3A_1022 = arith.addi %mul3A_1020, %add3A_1021 : i32
          %get3A_1023 = arith.index_cast %select_n3A_161 : i32 to index
          %get3A_1024 = arith.index_cast %add3A_1022 : i32 to index
          %get3A_1025 = arith.constant 96 : index
          %get3A_1026 = tpu.vector_load %arg8[%get3A_1023, %get3A_1024, %get3A_1025] {strides = array<i32>} : memref<3x160x128xf32, #tpu.memory_space<vmem>>, vector<1x1x16xf32>,
          %get3A_1027 = vector.shape_cast %get3A_1026 : vector<1x1x16xf32> to vector<16xf32>
          %add3A_1028 = arith.addf %add3A_1018, %get3A_1027 : vector<16xf32>
          %mul3A_1029 = arith.constant 10 : i32
          %mul3A_1030 = arith.muli %scan3A_354, %mul3A_1029 : i32
          %add3A_1031 = arith.constant 4 : i32
          %add3A_1032 = arith.addi %mul3A_1030, %add3A_1031 : i32
          %get3A_1033 = arith.index_cast %select_n3A_161 : i32 to index
          %get3A_1034 = arith.index_cast %add3A_1032 : i32 to index
          %get3A_1035 = arith.constant 96 : index
          %get3A_1036 = tpu.vector_load %arg8[%get3A_1033, %get3A_1034, %get3A_1035] {strides = array<i32>} : memref<3x160x128xf32, #tpu.memory_space<vmem>>, vector<1x1x16xf32>,
          %get3A_1037 = vector.shape_cast %get3A_1036 : vector<1x1x16xf32> to vector<16xf32>
          %add3A_1038 = arith.addf %add3A_1028, %get3A_1037 : vector<16xf32>
          %mul3A_1039 = arith.constant 10 : i32
          %mul3A_1040 = arith.muli %scan3A_354, %mul3A_1039 : i32
          %add3A_1041 = arith.constant 5 : i32
          %add3A_1042 = arith.addi %mul3A_1040, %add3A_1041 : i32
          %get3A_1043 = arith.index_cast %select_n3A_161 : i32 to index
          %get3A_1044 = arith.index_cast %add3A_1042 : i32 to index
          %get3A_1045 = arith.constant 96 : index
          %get3A_1046 = tpu.vector_load %arg8[%get3A_1043, %get3A_1044, %get3A_1045] {strides = array<i32>} : memref<3x160x128xf32, #tpu.memory_space<vmem>>, vector<1x1x16xf32>,
          %get3A_1047 = vector.shape_cast %get3A_1046 : vector<1x1x16xf32> to vector<16xf32>
          %add3A_1048 = arith.addf %add3A_1038, %get3A_1047 : vector<16xf32>
          %mul3A_1049 = arith.constant 10 : i32
          %mul3A_1050 = arith.muli %scan3A_354, %mul3A_1049 : i32
          %add3A_1051 = arith.constant 6 : i32
          %add3A_1052 = arith.addi %mul3A_1050, %add3A_1051 : i32
          %get3A_1053 = arith.index_cast %select_n3A_161 : i32 to index
          %get3A_1054 = arith.index_cast %add3A_1052 : i32 to index
          %get3A_1055 = arith.constant 96 : index
          %get3A_1056 = tpu.vector_load %arg8[%get3A_1053, %get3A_1054, %get3A_1055] {strides = array<i32>} : memref<3x160x128xf32, #tpu.memory_space<vmem>>, vector<1x1x16xf32>,
          %get3A_1057 = vector.shape_cast %get3A_1056 : vector<1x1x16xf32> to vector<16xf32>
          %add3A_1058 = arith.addf %add3A_1048, %get3A_1057 : vector<16xf32>
          %mul3A_1059 = arith.constant 10 : i32
          %mul3A_1060 = arith.muli %scan3A_354, %mul3A_1059 : i32
          %add3A_1061 = arith.constant 7 : i32
          %add3A_1062 = arith.addi %mul3A_1060, %add3A_1061 : i32
          %get3A_1063 = arith.index_cast %select_n3A_161 : i32 to index
          %get3A_1064 = arith.index_cast %add3A_1062 : i32 to index
          %get3A_1065 = arith.constant 96 : index
          %get3A_1066 = tpu.vector_load %arg8[%get3A_1063, %get3A_1064, %get3A_1065] {strides = array<i32>} : memref<3x160x128xf32, #tpu.memory_space<vmem>>, vector<1x1x16xf32>,
          %get3A_1067 = vector.shape_cast %get3A_1066 : vector<1x1x16xf32> to vector<16xf32>
          %add3A_1068 = arith.addf %add3A_1058, %get3A_1067 : vector<16xf32>
          %mul3A_1069 = arith.constant 10 : i32
          %mul3A_1070 = arith.muli %scan3A_354, %mul3A_1069 : i32
          %add3A_1071 = arith.constant 8 : i32
          %add3A_1072 = arith.addi %mul3A_1070, %add3A_1071 : i32
          %get3A_1073 = arith.index_cast %select_n3A_161 : i32 to index
          %get3A_1074 = arith.index_cast %add3A_1072 : i32 to index
          %get3A_1075 = arith.constant 96 : index
          %get3A_1076 = tpu.vector_load %arg8[%get3A_1073, %get3A_1074, %get3A_1075] {strides = array<i32>} : memref<3x160x128xf32, #tpu.memory_space<vmem>>, vector<1x1x16xf32>,
          %get3A_1077 = vector.shape_cast %get3A_1076 : vector<1x1x16xf32> to vector<16xf32>
          %add3A_1078 = arith.addf %add3A_1068, %get3A_1077 : vector<16xf32>
          %mul3A_1079 = arith.constant 10 : i32
          %mul3A_1080 = arith.muli %scan3A_354, %mul3A_1079 : i32
          %add3A_1081 = arith.constant 9 : i32
          %add3A_1082 = arith.addi %mul3A_1080, %add3A_1081 : i32
          %get3A_1083 = arith.index_cast %select_n3A_161 : i32 to index
          %get3A_1084 = arith.index_cast %add3A_1082 : i32 to index
          %get3A_1085 = arith.constant 96 : index
          %get3A_1086 = tpu.vector_load %arg8[%get3A_1083, %get3A_1084, %get3A_1085] {strides = array<i32>} : memref<3x160x128xf32, #tpu.memory_space<vmem>>, vector<1x1x16xf32>,
          %get3A_1087 = vector.shape_cast %get3A_1086 : vector<1x1x16xf32> to vector<16xf32>
          %add3A_1088 = arith.addf %add3A_1078, %get3A_1087 : vector<16xf32>
          %swap3A_1089 = arith.index_cast %select_n3A_177 : i32 to index
          %swap3A_1090 = arith.index_cast %select_n3A_145 : i32 to index
          %swap3A_1091 = arith.index_cast %scan3A_354 : i32 to index
          %swap3A_1092 = arith.constant 96 : index
          %swap3A_1093 = tpu.vector_load %arg9[%swap3A_1089, %swap3A_1090, %swap3A_1091, %swap3A_1092] {strides = array<i32>} : memref<2x2x16x128xf32, #tpu.memory_space<vmem>>, vector<1x1x1x16xf32>,
          %swap3A_1094 = vector.shape_cast %swap3A_1093 : vector<1x1x1x16xf32> to vector<16xf32>
          %swap3A_1095 = vector.shape_cast %add3A_1088 : vector<16xf32> to vector<1x1x1x16xf32>
          tpu.vector_store %arg9[%swap3A_1089, %swap3A_1090, %swap3A_1091, %swap3A_1092], %swap3A_1095 {strides = array<i32>} : memref<2x2x16x128xf32, #tpu.memory_space<vmem>>, vector<1x1x1x16xf32>,
          %mul3A_1096 = arith.constant 10 : i32
          %mul3A_1097 = arith.muli %scan3A_354, %mul3A_1096 : i32
          %add3A_1098 = arith.constant 0 : i32
          %add3A_1099 = arith.addi %mul3A_1097, %add3A_1098 : i32
          %get3A_1100 = arith.index_cast %select_n3A_161 : i32 to index
          %get3A_1101 = arith.index_cast %add3A_1099 : i32 to index
          %get3A_1102 = arith.constant 112 : index
          %get3A_1103 = tpu.vector_load %arg8[%get3A_1100, %get3A_1101, %get3A_1102] {strides = array<i32>} : memref<3x160x128xf32, #tpu.memory_space<vmem>>, vector<1x1x16xf32>,
          %get3A_1104 = vector.shape_cast %get3A_1103 : vector<1x1x16xf32> to vector<16xf32>
          %mul3A_1105 = arith.constant 10 : i32
          %mul3A_1106 = arith.muli %scan3A_354, %mul3A_1105 : i32
          %add3A_1107 = arith.constant 1 : i32
          %add3A_1108 = arith.addi %mul3A_1106, %add3A_1107 : i32
          %get3A_1109 = arith.index_cast %select_n3A_161 : i32 to index
          %get3A_1110 = arith.index_cast %add3A_1108 : i32 to index
          %get3A_1111 = arith.constant 112 : index
          %get3A_1112 = tpu.vector_load %arg8[%get3A_1109, %get3A_1110, %get3A_1111] {strides = array<i32>} : memref<3x160x128xf32, #tpu.memory_space<vmem>>, vector<1x1x16xf32>,
          %get3A_1113 = vector.shape_cast %get3A_1112 : vector<1x1x16xf32> to vector<16xf32>
          %add3A_1114 = arith.addf %get3A_1104, %get3A_1113 : vector<16xf32>
          %mul3A_1115 = arith.constant 10 : i32
          %mul3A_1116 = arith.muli %scan3A_354, %mul3A_1115 : i32
          %add3A_1117 = arith.constant 2 : i32
          %add3A_1118 = arith.addi %mul3A_1116, %add3A_1117 : i32
          %get3A_1119 = arith.index_cast %select_n3A_161 : i32 to index
          %get3A_1120 = arith.index_cast %add3A_1118 : i32 to index
          %get3A_1121 = arith.constant 112 : index
          %get3A_1122 = tpu.vector_load %arg8[%get3A_1119, %get3A_1120, %get3A_1121] {strides = array<i32>} : memref<3x160x128xf32, #tpu.memory_space<vmem>>, vector<1x1x16xf32>,
          %get3A_1123 = vector.shape_cast %get3A_1122 : vector<1x1x16xf32> to vector<16xf32>
          %add3A_1124 = arith.addf %add3A_1114, %get3A_1123 : vector<16xf32>
          %mul3A_1125 = arith.constant 10 : i32
          %mul3A_1126 = arith.muli %scan3A_354, %mul3A_1125 : i32
          %add3A_1127 = arith.constant 3 : i32
          %add3A_1128 = arith.addi %mul3A_1126, %add3A_1127 : i32
          %get3A_1129 = arith.index_cast %select_n3A_161 : i32 to index
          %get3A_1130 = arith.index_cast %add3A_1128 : i32 to index
          %get3A_1131 = arith.constant 112 : index
          %get3A_1132 = tpu.vector_load %arg8[%get3A_1129, %get3A_1130, %get3A_1131] {strides = array<i32>} : memref<3x160x128xf32, #tpu.memory_space<vmem>>, vector<1x1x16xf32>,
          %get3A_1133 = vector.shape_cast %get3A_1132 : vector<1x1x16xf32> to vector<16xf32>
          %add3A_1134 = arith.addf %add3A_1124, %get3A_1133 : vector<16xf32>
          %mul3A_1135 = arith.constant 10 : i32
          %mul3A_1136 = arith.muli %scan3A_354, %mul3A_1135 : i32
          %add3A_1137 = arith.constant 4 : i32
          %add3A_1138 = arith.addi %mul3A_1136, %add3A_1137 : i32
          %get3A_1139 = arith.index_cast %select_n3A_161 : i32 to index
          %get3A_1140 = arith.index_cast %add3A_1138 : i32 to index
          %get3A_1141 = arith.constant 112 : index
          %get3A_1142 = tpu.vector_load %arg8[%get3A_1139, %get3A_1140, %get3A_1141] {strides = array<i32>} : memref<3x160x128xf32, #tpu.memory_space<vmem>>, vector<1x1x16xf32>,
          %get3A_1143 = vector.shape_cast %get3A_1142 : vector<1x1x16xf32> to vector<16xf32>
          %add3A_1144 = arith.addf %add3A_1134, %get3A_1143 : vector<16xf32>
          %mul3A_1145 = arith.constant 10 : i32
          %mul3A_1146 = arith.muli %scan3A_354, %mul3A_1145 : i32
          %add3A_1147 = arith.constant 5 : i32
          %add3A_1148 = arith.addi %mul3A_1146, %add3A_1147 : i32
          %get3A_1149 = arith.index_cast %select_n3A_161 : i32 to index
          %get3A_1150 = arith.index_cast %add3A_1148 : i32 to index
          %get3A_1151 = arith.constant 112 : index
          %get3A_1152 = tpu.vector_load %arg8[%get3A_1149, %get3A_1150, %get3A_1151] {strides = array<i32>} : memref<3x160x128xf32, #tpu.memory_space<vmem>>, vector<1x1x16xf32>,
          %get3A_1153 = vector.shape_cast %get3A_1152 : vector<1x1x16xf32> to vector<16xf32>
          %add3A_1154 = arith.addf %add3A_1144, %get3A_1153 : vector<16xf32>
          %mul3A_1155 = arith.constant 10 : i32
          %mul3A_1156 = arith.muli %scan3A_354, %mul3A_1155 : i32
          %add3A_1157 = arith.constant 6 : i32
          %add3A_1158 = arith.addi %mul3A_1156, %add3A_1157 : i32
          %get3A_1159 = arith.index_cast %select_n3A_161 : i32 to index
          %get3A_1160 = arith.index_cast %add3A_1158 : i32 to index
          %get3A_1161 = arith.constant 112 : index
          %get3A_1162 = tpu.vector_load %arg8[%get3A_1159, %get3A_1160, %get3A_1161] {strides = array<i32>} : memref<3x160x128xf32, #tpu.memory_space<vmem>>, vector<1x1x16xf32>,
          %get3A_1163 = vector.shape_cast %get3A_1162 : vector<1x1x16xf32> to vector<16xf32>
          %add3A_1164 = arith.addf %add3A_1154, %get3A_1163 : vector<16xf32>
          %mul3A_1165 = arith.constant 10 : i32
          %mul3A_1166 = arith.muli %scan3A_354, %mul3A_1165 : i32
          %add3A_1167 = arith.constant 7 : i32
          %add3A_1168 = arith.addi %mul3A_1166, %add3A_1167 : i32
          %get3A_1169 = arith.index_cast %select_n3A_161 : i32 to index
          %get3A_1170 = arith.index_cast %add3A_1168 : i32 to index
          %get3A_1171 = arith.constant 112 : index
          %get3A_1172 = tpu.vector_load %arg8[%get3A_1169, %get3A_1170, %get3A_1171] {strides = array<i32>} : memref<3x160x128xf32, #tpu.memory_space<vmem>>, vector<1x1x16xf32>,
          %get3A_1173 = vector.shape_cast %get3A_1172 : vector<1x1x16xf32> to vector<16xf32>
          %add3A_1174 = arith.addf %add3A_1164, %get3A_1173 : vector<16xf32>
          %mul3A_1175 = arith.constant 10 : i32
          %mul3A_1176 = arith.muli %scan3A_354, %mul3A_1175 : i32
          %add3A_1177 = arith.constant 8 : i32
          %add3A_1178 = arith.addi %mul3A_1176, %add3A_1177 : i32
          %get3A_1179 = arith.index_cast %select_n3A_161 : i32 to index
          %get3A_1180 = arith.index_cast %add3A_1178 : i32 to index
          %get3A_1181 = arith.constant 112 : index
          %get3A_1182 = tpu.vector_load %arg8[%get3A_1179, %get3A_1180, %get3A_1181] {strides = array<i32>} : memref<3x160x128xf32, #tpu.memory_space<vmem>>, vector<1x1x16xf32>,
          %get3A_1183 = vector.shape_cast %get3A_1182 : vector<1x1x16xf32> to vector<16xf32>
          %add3A_1184 = arith.addf %add3A_1174, %get3A_1183 : vector<16xf32>
          %mul3A_1185 = arith.constant 10 : i32
          %mul3A_1186 = arith.muli %scan3A_354, %mul3A_1185 : i32
          %add3A_1187 = arith.constant 9 : i32
          %add3A_1188 = arith.addi %mul3A_1186, %add3A_1187 : i32
          %get3A_1189 = arith.index_cast %select_n3A_161 : i32 to index
          %get3A_1190 = arith.index_cast %add3A_1188 : i32 to index
          %get3A_1191 = arith.constant 112 : index
          %get3A_1192 = tpu.vector_load %arg8[%get3A_1189, %get3A_1190, %get3A_1191] {strides = array<i32>} : memref<3x160x128xf32, #tpu.memory_space<vmem>>, vector<1x1x16xf32>,
          %get3A_1193 = vector.shape_cast %get3A_1192 : vector<1x1x16xf32> to vector<16xf32>
          %add3A_1194 = arith.addf %add3A_1184, %get3A_1193 : vector<16xf32>
          %swap3A_1195 = arith.index_cast %select_n3A_177 : i32 to index
          %swap3A_1196 = arith.index_cast %select_n3A_145 : i32 to index
          %swap3A_1197 = arith.index_cast %scan3A_354 : i32 to index
          %swap3A_1198 = arith.constant 112 : index
          %swap3A_1199 = tpu.vector_load %arg9[%swap3A_1195, %swap3A_1196, %swap3A_1197, %swap3A_1198] {strides = array<i32>} : memref<2x2x16x128xf32, #tpu.memory_space<vmem>>, vector<1x1x1x16xf32>,
          %swap3A_1200 = vector.shape_cast %swap3A_1199 : vector<1x1x1x16xf32> to vector<16xf32>
          %swap3A_1201 = vector.shape_cast %add3A_1194 : vector<16xf32> to vector<1x1x1x16xf32>
          tpu.vector_store %arg9[%swap3A_1195, %swap3A_1196, %swap3A_1197, %swap3A_1198], %swap3A_1201 {strides = array<i32>} : memref<2x2x16x128xf32, #tpu.memory_space<vmem>>, vector<1x1x1x16xf32>,
          %scan3A_1202 = arith.constant 0 : i32
          scf.yield %scan3A_1202 : i32
        }
        %scan3A_269 = arith.constant 8 : i32
        %jit3A_270 = arith.constant 2 : i32
        %div3A_271 = arith.divsi %scan3A_113, %jit3A_270 : i32
        %sign3A_272 = arith.constant 0 : i32
        %sign3A_273 = arith.cmpi sgt, %scan3A_113, %sign3A_272 : i32
        %sign3A_274 = arith.extui %sign3A_273 : i1 to i32
        %sign3A_275 = arith.constant 0 : i32
        %sign3A_276 = arith.cmpi slt, %scan3A_113, %sign3A_275 : i32
        %sign3A_277 = arith.extui %sign3A_276 : i1 to i32
        %sign3A_278 = arith.subi %sign3A_274, %sign3A_277 : i32
        %sign3A_279 = arith.constant 0 : i32
        %sign3A_280 = arith.cmpi sgt, %jit3A_270, %sign3A_279 : i32
        %sign3A_281 = arith.extui %sign3A_280 : i1 to i32
        %sign3A_282 = arith.constant 0 : i32
        %sign3A_283 = arith.cmpi slt, %jit3A_270, %sign3A_282 : i32
        %sign3A_284 = arith.extui %sign3A_283 : i1 to i32
        %sign3A_285 = arith.subi %sign3A_281, %sign3A_284 : i32
        %ne3A_286 = arith.cmpi ne, %sign3A_278, %sign3A_285 : i32
        %rem3A_287 = arith.remsi %scan3A_113, %jit3A_270 : i32
        %ne3A_288 = arith.constant 0 : i32
        %ne3A_289 = arith.cmpi ne, %rem3A_287, %ne3A_288 : i32
        %and3A_290 = arith.andi %ne3A_286, %ne3A_289 : i1
        %sub3A_291 = arith.constant 1 : i32
        %sub3A_292 = arith.subi %div3A_271, %sub3A_291 : i32
        %select_n3A_293 = arith.select %and3A_290, %sub3A_292, %div3A_271 : i32
        %jit3A_294 = arith.constant 2 : i32
        %eq3A_295 = arith.constant 0 : i32
        %eq3A_296 = arith.cmpi eq, %jit3A_294, %eq3A_295 : i32
        %jit3A_297 = arith.constant 1 : i32
        %select_n3A_298 = arith.select %eq3A_296, %jit3A_297, %jit3A_294 : i32
        %rem3A_299 = arith.remsi %scan3A_113, %select_n3A_298 : i32
        %ne3A_300 = arith.constant 0 : i32
        %ne3A_301 = arith.cmpi ne, %rem3A_299, %ne3A_300 : i32
        %lt3A_302 = arith.constant 0 : i32
        %lt3A_303 = arith.cmpi slt, %rem3A_299, %lt3A_302 : i32
        %lt3A_304 = arith.constant 0 : i32
        %lt3A_305 = arith.cmpi slt, %select_n3A_298, %lt3A_304 : i32
        %ne3A_306 = arith.xori %lt3A_303, %lt3A_305 : i1
        %and3A_307 = arith.andi %ne3A_306, %ne3A_301 : i1
        %add3A_308 = arith.addi %rem3A_299, %select_n3A_298 : i32
        %select_n3A_309 = arith.select %and3A_307, %add3A_308, %rem3A_299 : i32
        %jit3A_310 = arith.constant 3 : i32
        %eq3A_311 = arith.constant 0 : i32
        %eq3A_312 = arith.cmpi eq, %jit3A_310, %eq3A_311 : i32
        %jit3A_313 = arith.constant 1 : i32
        %select_n3A_314 = arith.select %eq3A_312, %jit3A_313, %jit3A_310 : i32
        %rem3A_315 = arith.remsi %scan3A_113, %select_n3A_314 : i32
        %ne3A_316 = arith.constant 0 : i32
        %ne3A_317 = arith.cmpi ne, %rem3A_315, %ne3A_316 : i32
        %lt3A_318 = arith.constant 0 : i32
        %lt3A_319 = arith.cmpi slt, %rem3A_315, %lt3A_318 : i32
        %lt3A_320 = arith.constant 0 : i32
        %lt3A_321 = arith.cmpi slt, %select_n3A_314, %lt3A_320 : i32
        %ne3A_322 = arith.xori %lt3A_319, %lt3A_321 : i1
        %and3A_323 = arith.andi %ne3A_322, %ne3A_317 : i1
        %add3A_324 = arith.addi %rem3A_315, %select_n3A_314 : i32
        %select_n3A_325 = arith.select %and3A_323, %add3A_324, %rem3A_315 : i32
        %mul3A_326 = arith.constant 19040 : i32
        %mul3A_327 = arith.muli %select_n3A_309, %mul3A_326 : i32
        %mul3A_328 = arith.constant 160 : i32
        %mul3A_329 = arith.muli %select_n3A_293, %mul3A_328 : i32
        %add3A_330 = arith.addi %mul3A_327, %mul3A_329 : i32
        %add3A_331 = arith.constant 80 : i32
        %add3A_332 = arith.addi %add3A_330, %add3A_331 : i32
        %dma_wait3A_333 = arith.constant 80 : i32
        %dma_wait3A_334 = arith.constant 0 : i32
        %dma_wait3A_335 = tpu.memref_slice %arg8[%select_n3A_325, %dma_wait3A_333, %dma_wait3A_334] : memref<3x160x128xf32, #tpu.memory_space<vmem>> -> memref<1x80x128xf32, #tpu.memory_space<vmem>>
        %dma_wait3A_336 = tpu.memref_squeeze %dma_wait3A_335 : memref<1x80x128xf32, #tpu.memory_space<vmem>> -> memref<80x128xf32, #tpu.memory_space<vmem>>
        %dma_wait3A_337 = tpu.memref_slice %arg7[%add3A_332] : memref<38080xi32, #tpu.memory_space<vmem>> -> memref<80xi32, #tpu.memory_space<vmem>>
        %dma_wait3A_338 = arith.constant 0 : i32
        %dma_wait3A_339 = arith.constant 0 : i32
        %dma_wait3A_340 = tpu.memref_slice %arg2[%dma_wait3A_338, %dma_wait3A_339] : memref<50000x128xf32, #tpu.memory_space<hbm>> -> memref<50000x128xf32, #tpu.memory_space<hbm>>
        tpu.wait_indirect_dma semaphore(%arg10 : memref<!tpu.dma_semaphore, #tpu.memory_space<semaphore_mem>>) src(%dma_wait3A_340 : memref<50000x128xf32, #tpu.memory_space<hbm>>) dst(%dma_wait3A_336 : memref<80x128xf32, #tpu.memory_space<vmem>>)
        %scan3A_341 = arith.constant 0 : i32
        %scan3A_342 = arith.constant 8 : i32
        %scan3A_343 = arith.constant 8 : i32
        %scan3A_344 = arith.addi %scan3A_342, %scan3A_343 : i32
        %scan3A_345 = arith.constant 1 : i32
        %scan3A_346 = scf.for %scan3A_354 = %scan3A_342 to %scan3A_344 step %scan3A_345 iter_args(%scan3A_355 = %scan3A_341) -> (i32)  : i32 {
          %mul3A_356 = arith.constant 10 : i32
          %mul3A_357 = arith.muli %scan3A_354, %mul3A_356 : i32
          %add3A_358 = arith.constant 0 : i32
          %add3A_359 = arith.addi %mul3A_357, %add3A_358 : i32
          %get3A = arith.index_cast %select_n3A_161 : i32 to index
          %get3A_360 = arith.index_cast %add3A_359 : i32 to index
          %get3A_361 = arith.constant 0 : index
          %get3A_362 = tpu.vector_load %arg8[%get3A, %get3A_360, %get3A_361] {strides = array<i32>} : memref<3x160x128xf32, #tpu.memory_space<vmem>>, vector<1x1x16xf32>,
          %get3A_363 = vector.shape_cast %get3A_362 : vector<1x1x16xf32> to vector<16xf32>
          %mul3A_364 = arith.constant 10 : i32
          %mul3A_365 = arith.muli %scan3A_354, %mul3A_364 : i32
          %add3A_366 = arith.constant 1 : i32
          %add3A_367 = arith.addi %mul3A_365, %add3A_366 : i32
          %get3A_368 = arith.index_cast %select_n3A_161 : i32 to index
          %get3A_369 = arith.index_cast %add3A_367 : i32 to index
          %get3A_370 = arith.constant 0 : index
          %get3A_371 = tpu.vector_load %arg8[%get3A_368, %get3A_369, %get3A_370] {strides = array<i32>} : memref<3x160x128xf32, #tpu.memory_space<vmem>>, vector<1x1x16xf32>,
          %get3A_372 = vector.shape_cast %get3A_371 : vector<1x1x16xf32> to vector<16xf32>
          %add3A_373 = arith.addf %get3A_363, %get3A_372 : vector<16xf32>
          %mul3A_374 = arith.constant 10 : i32
          %mul3A_375 = arith.muli %scan3A_354, %mul3A_374 : i32
          %add3A_376 = arith.constant 2 : i32
          %add3A_377 = arith.addi %mul3A_375, %add3A_376 : i32
          %get3A_378 = arith.index_cast %select_n3A_161 : i32 to index
          %get3A_379 = arith.index_cast %add3A_377 : i32 to index
          %get3A_380 = arith.constant 0 : index
          %get3A_381 = tpu.vector_load %arg8[%get3A_378, %get3A_379, %get3A_380] {strides = array<i32>} : memref<3x160x128xf32, #tpu.memory_space<vmem>>, vector<1x1x16xf32>,
          %get3A_382 = vector.shape_cast %get3A_381 : vector<1x1x16xf32> to vector<16xf32>
          %add3A_383 = arith.addf %add3A_373, %get3A_382 : vector<16xf32>
          %mul3A_384 = arith.constant 10 : i32
          %mul3A_385 = arith.muli %scan3A_354, %mul3A_384 : i32
          %add3A_386 = arith.constant 3 : i32
          %add3A_387 = arith.addi %mul3A_385, %add3A_386 : i32
          %get3A_388 = arith.index_cast %select_n3A_161 : i32 to index
          %get3A_389 = arith.index_cast %add3A_387 : i32 to index
          %get3A_390 = arith.constant 0 : index
          %get3A_391 = tpu.vector_load %arg8[%get3A_388, %get3A_389, %get3A_390] {strides = array<i32>} : memref<3x160x128xf32, #tpu.memory_space<vmem>>, vector<1x1x16xf32>,
          %get3A_392 = vector.shape_cast %get3A_391 : vector<1x1x16xf32> to vector<16xf32>
          %add3A_393 = arith.addf %add3A_383, %get3A_392 : vector<16xf32>
          %mul3A_394 = arith.constant 10 : i32
          %mul3A_395 = arith.muli %scan3A_354, %mul3A_394 : i32
          %add3A_396 = arith.constant 4 : i32
          %add3A_397 = arith.addi %mul3A_395, %add3A_396 : i32
          %get3A_398 = arith.index_cast %select_n3A_161 : i32 to index
          %get3A_399 = arith.index_cast %add3A_397 : i32 to index
          %get3A_400 = arith.constant 0 : index
          %get3A_401 = tpu.vector_load %arg8[%get3A_398, %get3A_399, %get3A_400] {strides = array<i32>} : memref<3x160x128xf32, #tpu.memory_space<vmem>>, vector<1x1x16xf32>,
          %get3A_402 = vector.shape_cast %get3A_401 : vector<1x1x16xf32> to vector<16xf32>
          %add3A_403 = arith.addf %add3A_393, %get3A_402 : vector<16xf32>
          %mul3A_404 = arith.constant 10 : i32
          %mul3A_405 = arith.muli %scan3A_354, %mul3A_404 : i32
          %add3A_406 = arith.constant 5 : i32
          %add3A_407 = arith.addi %mul3A_405, %add3A_406 : i32
          %get3A_408 = arith.index_cast %select_n3A_161 : i32 to index
          %get3A_409 = arith.index_cast %add3A_407 : i32 to index
          %get3A_410 = arith.constant 0 : index
          %get3A_411 = tpu.vector_load %arg8[%get3A_408, %get3A_409, %get3A_410] {strides = array<i32>} : memref<3x160x128xf32, #tpu.memory_space<vmem>>, vector<1x1x16xf32>,
          %get3A_412 = vector.shape_cast %get3A_411 : vector<1x1x16xf32> to vector<16xf32>
          %add3A_413 = arith.addf %add3A_403, %get3A_412 : vector<16xf32>
          %mul3A_414 = arith.constant 10 : i32
          %mul3A_415 = arith.muli %scan3A_354, %mul3A_414 : i32
          %add3A_416 = arith.constant 6 : i32
          %add3A_417 = arith.addi %mul3A_415, %add3A_416 : i32
          %get3A_418 = arith.index_cast %select_n3A_161 : i32 to index
          %get3A_419 = arith.index_cast %add3A_417 : i32 to index
          %get3A_420 = arith.constant 0 : index
          %get3A_421 = tpu.vector_load %arg8[%get3A_418, %get3A_419, %get3A_420] {strides = array<i32>} : memref<3x160x128xf32, #tpu.memory_space<vmem>>, vector<1x1x16xf32>,
          %get3A_422 = vector.shape_cast %get3A_421 : vector<1x1x16xf32> to vector<16xf32>
          %add3A_423 = arith.addf %add3A_413, %get3A_422 : vector<16xf32>
          %mul3A_424 = arith.constant 10 : i32
          %mul3A_425 = arith.muli %scan3A_354, %mul3A_424 : i32
          %add3A_426 = arith.constant 7 : i32
          %add3A_427 = arith.addi %mul3A_425, %add3A_426 : i32
          %get3A_428 = arith.index_cast %select_n3A_161 : i32 to index
          %get3A_429 = arith.index_cast %add3A_427 : i32 to index
          %get3A_430 = arith.constant 0 : index
          %get3A_431 = tpu.vector_load %arg8[%get3A_428, %get3A_429, %get3A_430] {strides = array<i32>} : memref<3x160x128xf32, #tpu.memory_space<vmem>>, vector<1x1x16xf32>,
          %get3A_432 = vector.shape_cast %get3A_431 : vector<1x1x16xf32> to vector<16xf32>
          %add3A_433 = arith.addf %add3A_423, %get3A_432 : vector<16xf32>
          %mul3A_434 = arith.constant 10 : i32
          %mul3A_435 = arith.muli %scan3A_354, %mul3A_434 : i32
          %add3A_436 = arith.constant 8 : i32
          %add3A_437 = arith.addi %mul3A_435, %add3A_436 : i32
          %get3A_438 = arith.index_cast %select_n3A_161 : i32 to index
          %get3A_439 = arith.index_cast %add3A_437 : i32 to index
          %get3A_440 = arith.constant 0 : index
          %get3A_441 = tpu.vector_load %arg8[%get3A_438, %get3A_439, %get3A_440] {strides = array<i32>} : memref<3x160x128xf32, #tpu.memory_space<vmem>>, vector<1x1x16xf32>,
          %get3A_442 = vector.shape_cast %get3A_441 : vector<1x1x16xf32> to vector<16xf32>
          %add3A_443 = arith.addf %add3A_433, %get3A_442 : vector<16xf32>
          %mul3A_444 = arith.constant 10 : i32
          %mul3A_445 = arith.muli %scan3A_354, %mul3A_444 : i32
          %add3A_446 = arith.constant 9 : i32
          %add3A_447 = arith.addi %mul3A_445, %add3A_446 : i32
          %get3A_448 = arith.index_cast %select_n3A_161 : i32 to index
          %get3A_449 = arith.index_cast %add3A_447 : i32 to index
          %get3A_450 = arith.constant 0 : index
          %get3A_451 = tpu.vector_load %arg8[%get3A_448, %get3A_449, %get3A_450] {strides = array<i32>} : memref<3x160x128xf32, #tpu.memory_space<vmem>>, vector<1x1x16xf32>,
          %get3A_452 = vector.shape_cast %get3A_451 : vector<1x1x16xf32> to vector<16xf32>
          %add3A_453 = arith.addf %add3A_443, %get3A_452 : vector<16xf32>
          %swap3A = arith.index_cast %select_n3A_177 : i32 to index
          %swap3A_454 = arith.index_cast %select_n3A_145 : i32 to index
          %swap3A_455 = arith.index_cast %scan3A_354 : i32 to index
          %swap3A_456 = arith.constant 0 : index
          %swap3A_457 = tpu.vector_load %arg9[%swap3A, %swap3A_454, %swap3A_455, %swap3A_456] {strides = array<i32>} : memref<2x2x16x128xf32, #tpu.memory_space<vmem>>, vector<1x1x1x16xf32>,
          %swap3A_458 = vector.shape_cast %swap3A_457 : vector<1x1x1x16xf32> to vector<16xf32>
          %swap3A_459 = vector.shape_cast %add3A_453 : vector<16xf32> to vector<1x1x1x16xf32>
          tpu.vector_store %arg9[%swap3A, %swap3A_454, %swap3A_455, %swap3A_456], %swap3A_459 {strides = array<i32>} : memref<2x2x16x128xf32, #tpu.memory_space<vmem>>, vector<1x1x1x16xf32>,
          %mul3A_460 = arith.constant 10 : i32
          %mul3A_461 = arith.muli %scan3A_354, %mul3A_460 : i32
          %add3A_462 = arith.constant 0 : i32
          %add3A_463 = arith.addi %mul3A_461, %add3A_462 : i32
          %get3A_464 = arith.index_cast %select_n3A_161 : i32 to index
          %get3A_465 = arith.index_cast %add3A_463 : i32 to index
          %get3A_466 = arith.constant 16 : index
          %get3A_467 = tpu.vector_load %arg8[%get3A_464, %get3A_465, %get3A_466] {strides = array<i32>} : memref<3x160x128xf32, #tpu.memory_space<vmem>>, vector<1x1x16xf32>,
          %get3A_468 = vector.shape_cast %get3A_467 : vector<1x1x16xf32> to vector<16xf32>
          %mul3A_469 = arith.constant 10 : i32
          %mul3A_470 = arith.muli %scan3A_354, %mul3A_469 : i32
          %add3A_471 = arith.constant 1 : i32
          %add3A_472 = arith.addi %mul3A_470, %add3A_471 : i32
          %get3A_473 = arith.index_cast %select_n3A_161 : i32 to index
          %get3A_474 = arith.index_cast %add3A_472 : i32 to index
          %get3A_475 = arith.constant 16 : index
          %get3A_476 = tpu.vector_load %arg8[%get3A_473, %get3A_474, %get3A_475] {strides = array<i32>} : memref<3x160x128xf32, #tpu.memory_space<vmem>>, vector<1x1x16xf32>,
          %get3A_477 = vector.shape_cast %get3A_476 : vector<1x1x16xf32> to vector<16xf32>
          %add3A_478 = arith.addf %get3A_468, %get3A_477 : vector<16xf32>
          %mul3A_479 = arith.constant 10 : i32
          %mul3A_480 = arith.muli %scan3A_354, %mul3A_479 : i32
          %add3A_481 = arith.constant 2 : i32
          %add3A_482 = arith.addi %mul3A_480, %add3A_481 : i32
          %get3A_483 = arith.index_cast %select_n3A_161 : i32 to index
          %get3A_484 = arith.index_cast %add3A_482 : i32 to index
          %get3A_485 = arith.constant 16 : index
          %get3A_486 = tpu.vector_load %arg8[%get3A_483, %get3A_484, %get3A_485] {strides = array<i32>} : memref<3x160x128xf32, #tpu.memory_space<vmem>>, vector<1x1x16xf32>,
          %get3A_487 = vector.shape_cast %get3A_486 : vector<1x1x16xf32> to vector<16xf32>
          %add3A_488 = arith.addf %add3A_478, %get3A_487 : vector<16xf32>
          %mul3A_489 = arith.constant 10 : i32
          %mul3A_490 = arith.muli %scan3A_354, %mul3A_489 : i32
          %add3A_491 = arith.constant 3 : i32
          %add3A_492 = arith.addi %mul3A_490, %add3A_491 : i32
          %get3A_493 = arith.index_cast %select_n3A_161 : i32 to index
          %get3A_494 = arith.index_cast %add3A_492 : i32 to index
          %get3A_495 = arith.constant 16 : index
          %get3A_496 = tpu.vector_load %arg8[%get3A_493, %get3A_494, %get3A_495] {strides = array<i32>} : memref<3x160x128xf32, #tpu.memory_space<vmem>>, vector<1x1x16xf32>,
          %get3A_497 = vector.shape_cast %get3A_496 : vector<1x1x16xf32> to vector<16xf32>
          %add3A_498 = arith.addf %add3A_488, %get3A_497 : vector<16xf32>
          %mul3A_499 = arith.constant 10 : i32
          %mul3A_500 = arith.muli %scan3A_354, %mul3A_499 : i32
          %add3A_501 = arith.constant 4 : i32
          %add3A_502 = arith.addi %mul3A_500, %add3A_501 : i32
          %get3A_503 = arith.index_cast %select_n3A_161 : i32 to index
          %get3A_504 = arith.index_cast %add3A_502 : i32 to index
          %get3A_505 = arith.constant 16 : index
          %get3A_506 = tpu.vector_load %arg8[%get3A_503, %get3A_504, %get3A_505] {strides = array<i32>} : memref<3x160x128xf32, #tpu.memory_space<vmem>>, vector<1x1x16xf32>,
          %get3A_507 = vector.shape_cast %get3A_506 : vector<1x1x16xf32> to vector<16xf32>
          %add3A_508 = arith.addf %add3A_498, %get3A_507 : vector<16xf32>
          %mul3A_509 = arith.constant 10 : i32
          %mul3A_510 = arith.muli %scan3A_354, %mul3A_509 : i32
          %add3A_511 = arith.constant 5 : i32
          %add3A_512 = arith.addi %mul3A_510, %add3A_511 : i32
          %get3A_513 = arith.index_cast %select_n3A_161 : i32 to index
          %get3A_514 = arith.index_cast %add3A_512 : i32 to index
          %get3A_515 = arith.constant 16 : index
          %get3A_516 = tpu.vector_load %arg8[%get3A_513, %get3A_514, %get3A_515] {strides = array<i32>} : memref<3x160x128xf32, #tpu.memory_space<vmem>>, vector<1x1x16xf32>,
          %get3A_517 = vector.shape_cast %get3A_516 : vector<1x1x16xf32> to vector<16xf32>
          %add3A_518 = arith.addf %add3A_508, %get3A_517 : vector<16xf32>
          %mul3A_519 = arith.constant 10 : i32
          %mul3A_520 = arith.muli %scan3A_354, %mul3A_519 : i32
          %add3A_521 = arith.constant 6 : i32
          %add3A_522 = arith.addi %mul3A_520, %add3A_521 : i32
          %get3A_523 = arith.index_cast %select_n3A_161 : i32 to index
          %get3A_524 = arith.index_cast %add3A_522 : i32 to index
          %get3A_525 = arith.constant 16 : index
          %get3A_526 = tpu.vector_load %arg8[%get3A_523, %get3A_524, %get3A_525] {strides = array<i32>} : memref<3x160x128xf32, #tpu.memory_space<vmem>>, vector<1x1x16xf32>,
          %get3A_527 = vector.shape_cast %get3A_526 : vector<1x1x16xf32> to vector<16xf32>
          %add3A_528 = arith.addf %add3A_518, %get3A_527 : vector<16xf32>
          %mul3A_529 = arith.constant 10 : i32
          %mul3A_530 = arith.muli %scan3A_354, %mul3A_529 : i32
          %add3A_531 = arith.constant 7 : i32
          %add3A_532 = arith.addi %mul3A_530, %add3A_531 : i32
          %get3A_533 = arith.index_cast %select_n3A_161 : i32 to index
          %get3A_534 = arith.index_cast %add3A_532 : i32 to index
          %get3A_535 = arith.constant 16 : index
          %get3A_536 = tpu.vector_load %arg8[%get3A_533, %get3A_534, %get3A_535] {strides = array<i32>} : memref<3x160x128xf32, #tpu.memory_space<vmem>>, vector<1x1x16xf32>,
          %get3A_537 = vector.shape_cast %get3A_536 : vector<1x1x16xf32> to vector<16xf32>
          %add3A_538 = arith.addf %add3A_528, %get3A_537 : vector<16xf32>
          %mul3A_539 = arith.constant 10 : i32
          %mul3A_540 = arith.muli %scan3A_354, %mul3A_539 : i32
          %add3A_541 = arith.constant 8 : i32
          %add3A_542 = arith.addi %mul3A_540, %add3A_541 : i32
          %get3A_543 = arith.index_cast %select_n3A_161 : i32 to index
          %get3A_544 = arith.index_cast %add3A_542 : i32 to index
          %get3A_545 = arith.constant 16 : index
          %get3A_546 = tpu.vector_load %arg8[%get3A_543, %get3A_544, %get3A_545] {strides = array<i32>} : memref<3x160x128xf32, #tpu.memory_space<vmem>>, vector<1x1x16xf32>,
          %get3A_547 = vector.shape_cast %get3A_546 : vector<1x1x16xf32> to vector<16xf32>
          %add3A_548 = arith.addf %add3A_538, %get3A_547 : vector<16xf32>
          %mul3A_549 = arith.constant 10 : i32
          %mul3A_550 = arith.muli %scan3A_354, %mul3A_549 : i32
          %add3A_551 = arith.constant 9 : i32
          %add3A_552 = arith.addi %mul3A_550, %add3A_551 : i32
          %get3A_553 = arith.index_cast %select_n3A_161 : i32 to index
          %get3A_554 = arith.index_cast %add3A_552 : i32 to index
          %get3A_555 = arith.constant 16 : index
          %get3A_556 = tpu.vector_load %arg8[%get3A_553, %get3A_554, %get3A_555] {strides = array<i32>} : memref<3x160x128xf32, #tpu.memory_space<vmem>>, vector<1x1x16xf32>,
          %get3A_557 = vector.shape_cast %get3A_556 : vector<1x1x16xf32> to vector<16xf32>
          %add3A_558 = arith.addf %add3A_548, %get3A_557 : vector<16xf32>
          %swap3A_559 = arith.index_cast %select_n3A_177 : i32 to index
          %swap3A_560 = arith.index_cast %select_n3A_145 : i32 to index
          %swap3A_561 = arith.index_cast %scan3A_354 : i32 to index
          %swap3A_562 = arith.constant 16 : index
          %swap3A_563 = tpu.vector_load %arg9[%swap3A_559, %swap3A_560, %swap3A_561, %swap3A_562] {strides = array<i32>} : memref<2x2x16x128xf32, #tpu.memory_space<vmem>>, vector<1x1x1x16xf32>,
          %swap3A_564 = vector.shape_cast %swap3A_563 : vector<1x1x1x16xf32> to vector<16xf32>
          %swap3A_565 = vector.shape_cast %add3A_558 : vector<16xf32> to vector<1x1x1x16xf32>
          tpu.vector_store %arg9[%swap3A_559, %swap3A_560, %swap3A_561, %swap3A_562], %swap3A_565 {strides = array<i32>} : memref<2x2x16x128xf32, #tpu.memory_space<vmem>>, vector<1x1x1x16xf32>,
          %mul3A_566 = arith.constant 10 : i32
          %mul3A_567 = arith.muli %scan3A_354, %mul3A_566 : i32
          %add3A_568 = arith.constant 0 : i32
          %add3A_569 = arith.addi %mul3A_567, %add3A_568 : i32
          %get3A_570 = arith.index_cast %select_n3A_161 : i32 to index
          %get3A_571 = arith.index_cast %add3A_569 : i32 to index
          %get3A_572 = arith.constant 32 : index
          %get3A_573 = tpu.vector_load %arg8[%get3A_570, %get3A_571, %get3A_572] {strides = array<i32>} : memref<3x160x128xf32, #tpu.memory_space<vmem>>, vector<1x1x16xf32>,
          %get3A_574 = vector.shape_cast %get3A_573 : vector<1x1x16xf32> to vector<16xf32>
          %mul3A_575 = arith.constant 10 : i32
          %mul3A_576 = arith.muli %scan3A_354, %mul3A_575 : i32
          %add3A_577 = arith.constant 1 : i32
          %add3A_578 = arith.addi %mul3A_576, %add3A_577 : i32
          %get3A_579 = arith.index_cast %select_n3A_161 : i32 to index
          %get3A_580 = arith.index_cast %add3A_578 : i32 to index
          %get3A_581 = arith.constant 32 : index
          %get3A_582 = tpu.vector_load %arg8[%get3A_579, %get3A_580, %get3A_581] {strides = array<i32>} : memref<3x160x128xf32, #tpu.memory_space<vmem>>, vector<1x1x16xf32>,
          %get3A_583 = vector.shape_cast %get3A_582 : vector<1x1x16xf32> to vector<16xf32>
          %add3A_584 = arith.addf %get3A_574, %get3A_583 : vector<16xf32>
          %mul3A_585 = arith.constant 10 : i32
          %mul3A_586 = arith.muli %scan3A_354, %mul3A_585 : i32
          %add3A_587 = arith.constant 2 : i32
          %add3A_588 = arith.addi %mul3A_586, %add3A_587 : i32
          %get3A_589 = arith.index_cast %select_n3A_161 : i32 to index
          %get3A_590 = arith.index_cast %add3A_588 : i32 to index
          %get3A_591 = arith.constant 32 : index
          %get3A_592 = tpu.vector_load %arg8[%get3A_589, %get3A_590, %get3A_591] {strides = array<i32>} : memref<3x160x128xf32, #tpu.memory_space<vmem>>, vector<1x1x16xf32>,
          %get3A_593 = vector.shape_cast %get3A_592 : vector<1x1x16xf32> to vector<16xf32>
          %add3A_594 = arith.addf %add3A_584, %get3A_593 : vector<16xf32>
          %mul3A_595 = arith.constant 10 : i32
          %mul3A_596 = arith.muli %scan3A_354, %mul3A_595 : i32
          %add3A_597 = arith.constant 3 : i32
          %add3A_598 = arith.addi %mul3A_596, %add3A_597 : i32
          %get3A_599 = arith.index_cast %select_n3A_161 : i32 to index
          %get3A_600 = arith.index_cast %add3A_598 : i32 to index
          %get3A_601 = arith.constant 32 : index
          %get3A_602 = tpu.vector_load %arg8[%get3A_599, %get3A_600, %get3A_601] {strides = array<i32>} : memref<3x160x128xf32, #tpu.memory_space<vmem>>, vector<1x1x16xf32>,
          %get3A_603 = vector.shape_cast %get3A_602 : vector<1x1x16xf32> to vector<16xf32>
          %add3A_604 = arith.addf %add3A_594, %get3A_603 : vector<16xf32>
          %mul3A_605 = arith.constant 10 : i32
          %mul3A_606 = arith.muli %scan3A_354, %mul3A_605 : i32
          %add3A_607 = arith.constant 4 : i32
          %add3A_608 = arith.addi %mul3A_606, %add3A_607 : i32
          %get3A_609 = arith.index_cast %select_n3A_161 : i32 to index
          %get3A_610 = arith.index_cast %add3A_608 : i32 to index
          %get3A_611 = arith.constant 32 : index
          %get3A_612 = tpu.vector_load %arg8[%get3A_609, %get3A_610, %get3A_611] {strides = array<i32>} : memref<3x160x128xf32, #tpu.memory_space<vmem>>, vector<1x1x16xf32>,
          %get3A_613 = vector.shape_cast %get3A_612 : vector<1x1x16xf32> to vector<16xf32>
          %add3A_614 = arith.addf %add3A_604, %get3A_613 : vector<16xf32>
          %mul3A_615 = arith.constant 10 : i32
          %mul3A_616 = arith.muli %scan3A_354, %mul3A_615 : i32
          %add3A_617 = arith.constant 5 : i32
          %add3A_618 = arith.addi %mul3A_616, %add3A_617 : i32
          %get3A_619 = arith.index_cast %select_n3A_161 : i32 to index
          %get3A_620 = arith.index_cast %add3A_618 : i32 to index
          %get3A_621 = arith.constant 32 : index
          %get3A_622 = tpu.vector_load %arg8[%get3A_619, %get3A_620, %get3A_621] {strides = array<i32>} : memref<3x160x128xf32, #tpu.memory_space<vmem>>, vector<1x1x16xf32>,
          %get3A_623 = vector.shape_cast %get3A_622 : vector<1x1x16xf32> to vector<16xf32>
          %add3A_624 = arith.addf %add3A_614, %get3A_623 : vector<16xf32>
          %mul3A_625 = arith.constant 10 : i32
          %mul3A_626 = arith.muli %scan3A_354, %mul3A_625 : i32
          %add3A_627 = arith.constant 6 : i32
          %add3A_628 = arith.addi %mul3A_626, %add3A_627 : i32
          %get3A_629 = arith.index_cast %select_n3A_161 : i32 to index
          %get3A_630 = arith.index_cast %add3A_628 : i32 to index
          %get3A_631 = arith.constant 32 : index
          %get3A_632 = tpu.vector_load %arg8[%get3A_629, %get3A_630, %get3A_631] {strides = array<i32>} : memref<3x160x128xf32, #tpu.memory_space<vmem>>, vector<1x1x16xf32>,
          %get3A_633 = vector.shape_cast %get3A_632 : vector<1x1x16xf32> to vector<16xf32>
          %add3A_634 = arith.addf %add3A_624, %get3A_633 : vector<16xf32>
          %mul3A_635 = arith.constant 10 : i32
          %mul3A_636 = arith.muli %scan3A_354, %mul3A_635 : i32
          %add3A_637 = arith.constant 7 : i32
          %add3A_638 = arith.addi %mul3A_636, %add3A_637 : i32
          %get3A_639 = arith.index_cast %select_n3A_161 : i32 to index
          %get3A_640 = arith.index_cast %add3A_638 : i32 to index
          %get3A_641 = arith.constant 32 : index
          %get3A_642 = tpu.vector_load %arg8[%get3A_639, %get3A_640, %get3A_641] {strides = array<i32>} : memref<3x160x128xf32, #tpu.memory_space<vmem>>, vector<1x1x16xf32>,
          %get3A_643 = vector.shape_cast %get3A_642 : vector<1x1x16xf32> to vector<16xf32>
          %add3A_644 = arith.addf %add3A_634, %get3A_643 : vector<16xf32>
          %mul3A_645 = arith.constant 10 : i32
          %mul3A_646 = arith.muli %scan3A_354, %mul3A_645 : i32
          %add3A_647 = arith.constant 8 : i32
          %add3A_648 = arith.addi %mul3A_646, %add3A_647 : i32
          %get3A_649 = arith.index_cast %select_n3A_161 : i32 to index
          %get3A_650 = arith.index_cast %add3A_648 : i32 to index
          %get3A_651 = arith.constant 32 : index
          %get3A_652 = tpu.vector_load %arg8[%get3A_649, %get3A_650, %get3A_651] {strides = array<i32>} : memref<3x160x128xf32, #tpu.memory_space<vmem>>, vector<1x1x16xf32>,
          %get3A_653 = vector.shape_cast %get3A_652 : vector<1x1x16xf32> to vector<16xf32>
          %add3A_654 = arith.addf %add3A_644, %get3A_653 : vector<16xf32>
          %mul3A_655 = arith.constant 10 : i32
          %mul3A_656 = arith.muli %scan3A_354, %mul3A_655 : i32
          %add3A_657 = arith.constant 9 : i32
          %add3A_658 = arith.addi %mul3A_656, %add3A_657 : i32
          %get3A_659 = arith.index_cast %select_n3A_161 : i32 to index
          %get3A_660 = arith.index_cast %add3A_658 : i32 to index
          %get3A_661 = arith.constant 32 : index
          %get3A_662 = tpu.vector_load %arg8[%get3A_659, %get3A_660, %get3A_661] {strides = array<i32>} : memref<3x160x128xf32, #tpu.memory_space<vmem>>, vector<1x1x16xf32>,
          %get3A_663 = vector.shape_cast %get3A_662 : vector<1x1x16xf32> to vector<16xf32>
          %add3A_664 = arith.addf %add3A_654, %get3A_663 : vector<16xf32>
          %swap3A_665 = arith.index_cast %select_n3A_177 : i32 to index
          %swap3A_666 = arith.index_cast %select_n3A_145 : i32 to index
          %swap3A_667 = arith.index_cast %scan3A_354 : i32 to index
          %swap3A_668 = arith.constant 32 : index
          %swap3A_669 = tpu.vector_load %arg9[%swap3A_665, %swap3A_666, %swap3A_667, %swap3A_668] {strides = array<i32>} : memref<2x2x16x128xf32, #tpu.memory_space<vmem>>, vector<1x1x1x16xf32>,
          %swap3A_670 = vector.shape_cast %swap3A_669 : vector<1x1x1x16xf32> to vector<16xf32>
          %swap3A_671 = vector.shape_cast %add3A_664 : vector<16xf32> to vector<1x1x1x16xf32>
          tpu.vector_store %arg9[%swap3A_665, %swap3A_666, %swap3A_667, %swap3A_668], %swap3A_671 {strides = array<i32>} : memref<2x2x16x128xf32, #tpu.memory_space<vmem>>, vector<1x1x1x16xf32>,
          %mul3A_672 = arith.constant 10 : i32
          %mul3A_673 = arith.muli %scan3A_354, %mul3A_672 : i32
          %add3A_674 = arith.constant 0 : i32
          %add3A_675 = arith.addi %mul3A_673, %add3A_674 : i32
          %get3A_676 = arith.index_cast %select_n3A_161 : i32 to index
          %get3A_677 = arith.index_cast %add3A_675 : i32 to index
          %get3A_678 = arith.constant 48 : index
          %get3A_679 = tpu.vector_load %arg8[%get3A_676, %get3A_677, %get3A_678] {strides = array<i32>} : memref<3x160x128xf32, #tpu.memory_space<vmem>>, vector<1x1x16xf32>,
          %get3A_680 = vector.shape_cast %get3A_679 : vector<1x1x16xf32> to vector<16xf32>
          %mul3A_681 = arith.constant 10 : i32
          %mul3A_682 = arith.muli %scan3A_354, %mul3A_681 : i32
          %add3A_683 = arith.constant 1 : i32
          %add3A_684 = arith.addi %mul3A_682, %add3A_683 : i32
          %get3A_685 = arith.index_cast %select_n3A_161 : i32 to index
          %get3A_686 = arith.index_cast %add3A_684 : i32 to index
          %get3A_687 = arith.constant 48 : index
          %get3A_688 = tpu.vector_load %arg8[%get3A_685, %get3A_686, %get3A_687] {strides = array<i32>} : memref<3x160x128xf32, #tpu.memory_space<vmem>>, vector<1x1x16xf32>,
          %get3A_689 = vector.shape_cast %get3A_688 : vector<1x1x16xf32> to vector<16xf32>
          %add3A_690 = arith.addf %get3A_680, %get3A_689 : vector<16xf32>
          %mul3A_691 = arith.constant 10 : i32
          %mul3A_692 = arith.muli %scan3A_354, %mul3A_691 : i32
          %add3A_693 = arith.constant 2 : i32
          %add3A_694 = arith.addi %mul3A_692, %add3A_693 : i32
          %get3A_695 = arith.index_cast %select_n3A_161 : i32 to index
          %get3A_696 = arith.index_cast %add3A_694 : i32 to index
          %get3A_697 = arith.constant 48 : index
          %get3A_698 = tpu.vector_load %arg8[%get3A_695, %get3A_696, %get3A_697] {strides = array<i32>} : memref<3x160x128xf32, #tpu.memory_space<vmem>>, vector<1x1x16xf32>,
          %get3A_699 = vector.shape_cast %get3A_698 : vector<1x1x16xf32> to vector<16xf32>
          %add3A_700 = arith.addf %add3A_690, %get3A_699 : vector<16xf32>
          %mul3A_701 = arith.constant 10 : i32
          %mul3A_702 = arith.muli %scan3A_354, %mul3A_701 : i32
          %add3A_703 = arith.constant 3 : i32
          %add3A_704 = arith.addi %mul3A_702, %add3A_703 : i32
          %get3A_705 = arith.index_cast %select_n3A_161 : i32 to index
          %get3A_706 = arith.index_cast %add3A_704 : i32 to index
          %get3A_707 = arith.constant 48 : index
          %get3A_708 = tpu.vector_load %arg8[%get3A_705, %get3A_706, %get3A_707] {strides = array<i32>} : memref<3x160x128xf32, #tpu.memory_space<vmem>>, vector<1x1x16xf32>,
          %get3A_709 = vector.shape_cast %get3A_708 : vector<1x1x16xf32> to vector<16xf32>
          %add3A_710 = arith.addf %add3A_700, %get3A_709 : vector<16xf32>
          %mul3A_711 = arith.constant 10 : i32
          %mul3A_712 = arith.muli %scan3A_354, %mul3A_711 : i32
          %add3A_713 = arith.constant 4 : i32
          %add3A_714 = arith.addi %mul3A_712, %add3A_713 : i32
          %get3A_715 = arith.index_cast %select_n3A_161 : i32 to index
          %get3A_716 = arith.index_cast %add3A_714 : i32 to index
          %get3A_717 = arith.constant 48 : index
          %get3A_718 = tpu.vector_load %arg8[%get3A_715, %get3A_716, %get3A_717] {strides = array<i32>} : memref<3x160x128xf32, #tpu.memory_space<vmem>>, vector<1x1x16xf32>,
          %get3A_719 = vector.shape_cast %get3A_718 : vector<1x1x16xf32> to vector<16xf32>
          %add3A_720 = arith.addf %add3A_710, %get3A_719 : vector<16xf32>
          %mul3A_721 = arith.constant 10 : i32
          %mul3A_722 = arith.muli %scan3A_354, %mul3A_721 : i32
          %add3A_723 = arith.constant 5 : i32
          %add3A_724 = arith.addi %mul3A_722, %add3A_723 : i32
          %get3A_725 = arith.index_cast %select_n3A_161 : i32 to index
          %get3A_726 = arith.index_cast %add3A_724 : i32 to index
          %get3A_727 = arith.constant 48 : index
          %get3A_728 = tpu.vector_load %arg8[%get3A_725, %get3A_726, %get3A_727] {strides = array<i32>} : memref<3x160x128xf32, #tpu.memory_space<vmem>>, vector<1x1x16xf32>,
          %get3A_729 = vector.shape_cast %get3A_728 : vector<1x1x16xf32> to vector<16xf32>
          %add3A_730 = arith.addf %add3A_720, %get3A_729 : vector<16xf32>
          %mul3A_731 = arith.constant 10 : i32
          %mul3A_732 = arith.muli %scan3A_354, %mul3A_731 : i32
          %add3A_733 = arith.constant 6 : i32
          %add3A_734 = arith.addi %mul3A_732, %add3A_733 : i32
          %get3A_735 = arith.index_cast %select_n3A_161 : i32 to index
          %get3A_736 = arith.index_cast %add3A_734 : i32 to index
          %get3A_737 = arith.constant 48 : index
          %get3A_738 = tpu.vector_load %arg8[%get3A_735, %get3A_736, %get3A_737] {strides = array<i32>} : memref<3x160x128xf32, #tpu.memory_space<vmem>>, vector<1x1x16xf32>,
          %get3A_739 = vector.shape_cast %get3A_738 : vector<1x1x16xf32> to vector<16xf32>
          %add3A_740 = arith.addf %add3A_730, %get3A_739 : vector<16xf32>
          %mul3A_741 = arith.constant 10 : i32
          %mul3A_742 = arith.muli %scan3A_354, %mul3A_741 : i32
          %add3A_743 = arith.constant 7 : i32
          %add3A_744 = arith.addi %mul3A_742, %add3A_743 : i32
          %get3A_745 = arith.index_cast %select_n3A_161 : i32 to index
          %get3A_746 = arith.index_cast %add3A_744 : i32 to index
          %get3A_747 = arith.constant 48 : index
          %get3A_748 = tpu.vector_load %arg8[%get3A_745, %get3A_746, %get3A_747] {strides = array<i32>} : memref<3x160x128xf32, #tpu.memory_space<vmem>>, vector<1x1x16xf32>,
          %get3A_749 = vector.shape_cast %get3A_748 : vector<1x1x16xf32> to vector<16xf32>
          %add3A_750 = arith.addf %add3A_740, %get3A_749 : vector<16xf32>
          %mul3A_751 = arith.constant 10 : i32
          %mul3A_752 = arith.muli %scan3A_354, %mul3A_751 : i32
          %add3A_753 = arith.constant 8 : i32
          %add3A_754 = arith.addi %mul3A_752, %add3A_753 : i32
          %get3A_755 = arith.index_cast %select_n3A_161 : i32 to index
          %get3A_756 = arith.index_cast %add3A_754 : i32 to index
          %get3A_757 = arith.constant 48 : index
          %get3A_758 = tpu.vector_load %arg8[%get3A_755, %get3A_756, %get3A_757] {strides = array<i32>} : memref<3x160x128xf32, #tpu.memory_space<vmem>>, vector<1x1x16xf32>,
          %get3A_759 = vector.shape_cast %get3A_758 : vector<1x1x16xf32> to vector<16xf32>
          %add3A_760 = arith.addf %add3A_750, %get3A_759 : vector<16xf32>
          %mul3A_761 = arith.constant 10 : i32
          %mul3A_762 = arith.muli %scan3A_354, %mul3A_761 : i32
          %add3A_763 = arith.constant 9 : i32
          %add3A_764 = arith.addi %mul3A_762, %add3A_763 : i32
          %get3A_765 = arith.index_cast %select_n3A_161 : i32 to index
          %get3A_766 = arith.index_cast %add3A_764 : i32 to index
          %get3A_767 = arith.constant 48 : index
          %get3A_768 = tpu.vector_load %arg8[%get3A_765, %get3A_766, %get3A_767] {strides = array<i32>} : memref<3x160x128xf32, #tpu.memory_space<vmem>>, vector<1x1x16xf32>,
          %get3A_769 = vector.shape_cast %get3A_768 : vector<1x1x16xf32> to vector<16xf32>
          %add3A_770 = arith.addf %add3A_760, %get3A_769 : vector<16xf32>
          %swap3A_771 = arith.index_cast %select_n3A_177 : i32 to index
          %swap3A_772 = arith.index_cast %select_n3A_145 : i32 to index
          %swap3A_773 = arith.index_cast %scan3A_354 : i32 to index
          %swap3A_774 = arith.constant 48 : index
          %swap3A_775 = tpu.vector_load %arg9[%swap3A_771, %swap3A_772, %swap3A_773, %swap3A_774] {strides = array<i32>} : memref<2x2x16x128xf32, #tpu.memory_space<vmem>>, vector<1x1x1x16xf32>,
          %swap3A_776 = vector.shape_cast %swap3A_775 : vector<1x1x1x16xf32> to vector<16xf32>
          %swap3A_777 = vector.shape_cast %add3A_770 : vector<16xf32> to vector<1x1x1x16xf32>
          tpu.vector_store %arg9[%swap3A_771, %swap3A_772, %swap3A_773, %swap3A_774], %swap3A_777 {strides = array<i32>} : memref<2x2x16x128xf32, #tpu.memory_space<vmem>>, vector<1x1x1x16xf32>,
          %mul3A_778 = arith.constant 10 : i32
          %mul3A_779 = arith.muli %scan3A_354, %mul3A_778 : i32
          %add3A_780 = arith.constant 0 : i32
          %add3A_781 = arith.addi %mul3A_779, %add3A_780 : i32
          %get3A_782 = arith.index_cast %select_n3A_161 : i32 to index
          %get3A_783 = arith.index_cast %add3A_781 : i32 to index
          %get3A_784 = arith.constant 64 : index
          %get3A_785 = tpu.vector_load %arg8[%get3A_782, %get3A_783, %get3A_784] {strides = array<i32>} : memref<3x160x128xf32, #tpu.memory_space<vmem>>, vector<1x1x16xf32>,
          %get3A_786 = vector.shape_cast %get3A_785 : vector<1x1x16xf32> to vector<16xf32>
          %mul3A_787 = arith.constant 10 : i32
          %mul3A_788 = arith.muli %scan3A_354, %mul3A_787 : i32
          %add3A_789 = arith.constant 1 : i32
          %add3A_790 = arith.addi %mul3A_788, %add3A_789 : i32
          %get3A_791 = arith.index_cast %select_n3A_161 : i32 to index
          %get3A_792 = arith.index_cast %add3A_790 : i32 to index
          %get3A_793 = arith.constant 64 : index
          %get3A_794 = tpu.vector_load %arg8[%get3A_791, %get3A_792, %get3A_793] {strides = array<i32>} : memref<3x160x128xf32, #tpu.memory_space<vmem>>, vector<1x1x16xf32>,
          %get3A_795 = vector.shape_cast %get3A_794 : vector<1x1x16xf32> to vector<16xf32>
          %add3A_796 = arith.addf %get3A_786, %get3A_795 : vector<16xf32>
          %mul3A_797 = arith.constant 10 : i32
          %mul3A_798 = arith.muli %scan3A_354, %mul3A_797 : i32
          %add3A_799 = arith.constant 2 : i32
          %add3A_800 = arith.addi %mul3A_798, %add3A_799 : i32
          %get3A_801 = arith.index_cast %select_n3A_161 : i32 to index
          %get3A_802 = arith.index_cast %add3A_800 : i32 to index
          %get3A_803 = arith.constant 64 : index
          %get3A_804 = tpu.vector_load %arg8[%get3A_801, %get3A_802, %get3A_803] {strides = array<i32>} : memref<3x160x128xf32, #tpu.memory_space<vmem>>, vector<1x1x16xf32>,
          %get3A_805 = vector.shape_cast %get3A_804 : vector<1x1x16xf32> to vector<16xf32>
          %add3A_806 = arith.addf %add3A_796, %get3A_805 : vector<16xf32>
          %mul3A_807 = arith.constant 10 : i32
          %mul3A_808 = arith.muli %scan3A_354, %mul3A_807 : i32
          %add3A_809 = arith.constant 3 : i32
          %add3A_810 = arith.addi %mul3A_808, %add3A_809 : i32
          %get3A_811 = arith.index_cast %select_n3A_161 : i32 to index
          %get3A_812 = arith.index_cast %add3A_810 : i32 to index
          %get3A_813 = arith.constant 64 : index
          %get3A_814 = tpu.vector_load %arg8[%get3A_811, %get3A_812, %get3A_813] {strides = array<i32>} : memref<3x160x128xf32, #tpu.memory_space<vmem>>, vector<1x1x16xf32>,
          %get3A_815 = vector.shape_cast %get3A_814 : vector<1x1x16xf32> to vector<16xf32>
          %add3A_816 = arith.addf %add3A_806, %get3A_815 : vector<16xf32>
          %mul3A_817 = arith.constant 10 : i32
          %mul3A_818 = arith.muli %scan3A_354, %mul3A_817 : i32
          %add3A_819 = arith.constant 4 : i32
          %add3A_820 = arith.addi %mul3A_818, %add3A_819 : i32
          %get3A_821 = arith.index_cast %select_n3A_161 : i32 to index
          %get3A_822 = arith.index_cast %add3A_820 : i32 to index
          %get3A_823 = arith.constant 64 : index
          %get3A_824 = tpu.vector_load %arg8[%get3A_821, %get3A_822, %get3A_823] {strides = array<i32>} : memref<3x160x128xf32, #tpu.memory_space<vmem>>, vector<1x1x16xf32>,
          %get3A_825 = vector.shape_cast %get3A_824 : vector<1x1x16xf32> to vector<16xf32>
          %add3A_826 = arith.addf %add3A_816, %get3A_825 : vector<16xf32>
          %mul3A_827 = arith.constant 10 : i32
          %mul3A_828 = arith.muli %scan3A_354, %mul3A_827 : i32
          %add3A_829 = arith.constant 5 : i32
          %add3A_830 = arith.addi %mul3A_828, %add3A_829 : i32
          %get3A_831 = arith.index_cast %select_n3A_161 : i32 to index
          %get3A_832 = arith.index_cast %add3A_830 : i32 to index
          %get3A_833 = arith.constant 64 : index
          %get3A_834 = tpu.vector_load %arg8[%get3A_831, %get3A_832, %get3A_833] {strides = array<i32>} : memref<3x160x128xf32, #tpu.memory_space<vmem>>, vector<1x1x16xf32>,
          %get3A_835 = vector.shape_cast %get3A_834 : vector<1x1x16xf32> to vector<16xf32>
          %add3A_836 = arith.addf %add3A_826, %get3A_835 : vector<16xf32>
          %mul3A_837 = arith.constant 10 : i32
          %mul3A_838 = arith.muli %scan3A_354, %mul3A_837 : i32
          %add3A_839 = arith.constant 6 : i32
          %add3A_840 = arith.addi %mul3A_838, %add3A_839 : i32
          %get3A_841 = arith.index_cast %select_n3A_161 : i32 to index
          %get3A_842 = arith.index_cast %add3A_840 : i32 to index
          %get3A_843 = arith.constant 64 : index
          %get3A_844 = tpu.vector_load %arg8[%get3A_841, %get3A_842, %get3A_843] {strides = array<i32>} : memref<3x160x128xf32, #tpu.memory_space<vmem>>, vector<1x1x16xf32>,
          %get3A_845 = vector.shape_cast %get3A_844 : vector<1x1x16xf32> to vector<16xf32>
          %add3A_846 = arith.addf %add3A_836, %get3A_845 : vector<16xf32>
          %mul3A_847 = arith.constant 10 : i32
          %mul3A_848 = arith.muli %scan3A_354, %mul3A_847 : i32
          %add3A_849 = arith.constant 7 : i32
          %add3A_850 = arith.addi %mul3A_848, %add3A_849 : i32
          %get3A_851 = arith.index_cast %select_n3A_161 : i32 to index
          %get3A_852 = arith.index_cast %add3A_850 : i32 to index
          %get3A_853 = arith.constant 64 : index
          %get3A_854 = tpu.vector_load %arg8[%get3A_851, %get3A_852, %get3A_853] {strides = array<i32>} : memref<3x160x128xf32, #tpu.memory_space<vmem>>, vector<1x1x16xf32>,
          %get3A_855 = vector.shape_cast %get3A_854 : vector<1x1x16xf32> to vector<16xf32>
          %add3A_856 = arith.addf %add3A_846, %get3A_855 : vector<16xf32>
          %mul3A_857 = arith.constant 10 : i32
          %mul3A_858 = arith.muli %scan3A_354, %mul3A_857 : i32
          %add3A_859 = arith.constant 8 : i32
          %add3A_860 = arith.addi %mul3A_858, %add3A_859 : i32
          %get3A_861 = arith.index_cast %select_n3A_161 : i32 to index
          %get3A_862 = arith.index_cast %add3A_860 : i32 to index
          %get3A_863 = arith.constant 64 : index
          %get3A_864 = tpu.vector_load %arg8[%get3A_861, %get3A_862, %get3A_863] {strides = array<i32>} : memref<3x160x128xf32, #tpu.memory_space<vmem>>, vector<1x1x16xf32>,
          %get3A_865 = vector.shape_cast %get3A_864 : vector<1x1x16xf32> to vector<16xf32>
          %add3A_866 = arith.addf %add3A_856, %get3A_865 : vector<16xf32>
          %mul3A_867 = arith.constant 10 : i32
          %mul3A_868 = arith.muli %scan3A_354, %mul3A_867 : i32
          %add3A_869 = arith.constant 9 : i32
          %add3A_870 = arith.addi %mul3A_868, %add3A_869 : i32
          %get3A_871 = arith.index_cast %select_n3A_161 : i32 to index
          %get3A_872 = arith.index_cast %add3A_870 : i32 to index
          %get3A_873 = arith.constant 64 : index
          %get3A_874 = tpu.vector_load %arg8[%get3A_871, %get3A_872, %get3A_873] {strides = array<i32>} : memref<3x160x128xf32, #tpu.memory_space<vmem>>, vector<1x1x16xf32>,
          %get3A_875 = vector.shape_cast %get3A_874 : vector<1x1x16xf32> to vector<16xf32>
          %add3A_876 = arith.addf %add3A_866, %get3A_875 : vector<16xf32>
          %swap3A_877 = arith.index_cast %select_n3A_177 : i32 to index
          %swap3A_878 = arith.index_cast %select_n3A_145 : i32 to index
          %swap3A_879 = arith.index_cast %scan3A_354 : i32 to index
          %swap3A_880 = arith.constant 64 : index
          %swap3A_881 = tpu.vector_load %arg9[%swap3A_877, %swap3A_878, %swap3A_879, %swap3A_880] {strides = array<i32>} : memref<2x2x16x128xf32, #tpu.memory_space<vmem>>, vector<1x1x1x16xf32>,
          %swap3A_882 = vector.shape_cast %swap3A_881 : vector<1x1x1x16xf32> to vector<16xf32>
          %swap3A_883 = vector.shape_cast %add3A_876 : vector<16xf32> to vector<1x1x1x16xf32>
          tpu.vector_store %arg9[%swap3A_877, %swap3A_878, %swap3A_879, %swap3A_880], %swap3A_883 {strides = array<i32>} : memref<2x2x16x128xf32, #tpu.memory_space<vmem>>, vector<1x1x1x16xf32>,
          %mul3A_884 = arith.constant 10 : i32
          %mul3A_885 = arith.muli %scan3A_354, %mul3A_884 : i32
          %add3A_886 = arith.constant 0 : i32
          %add3A_887 = arith.addi %mul3A_885, %add3A_886 : i32
          %get3A_888 = arith.index_cast %select_n3A_161 : i32 to index
          %get3A_889 = arith.index_cast %add3A_887 : i32 to index
          %get3A_890 = arith.constant 80 : index
          %get3A_891 = tpu.vector_load %arg8[%get3A_888, %get3A_889, %get3A_890] {strides = array<i32>} : memref<3x160x128xf32, #tpu.memory_space<vmem>>, vector<1x1x16xf32>,
          %get3A_892 = vector.shape_cast %get3A_891 : vector<1x1x16xf32> to vector<16xf32>
          %mul3A_893 = arith.constant 10 : i32
          %mul3A_894 = arith.muli %scan3A_354, %mul3A_893 : i32
          %add3A_895 = arith.constant 1 : i32
          %add3A_896 = arith.addi %mul3A_894, %add3A_895 : i32
          %get3A_897 = arith.index_cast %select_n3A_161 : i32 to index
          %get3A_898 = arith.index_cast %add3A_896 : i32 to index
          %get3A_899 = arith.constant 80 : index
          %get3A_900 = tpu.vector_load %arg8[%get3A_897, %get3A_898, %get3A_899] {strides = array<i32>} : memref<3x160x128xf32, #tpu.memory_space<vmem>>, vector<1x1x16xf32>,
          %get3A_901 = vector.shape_cast %get3A_900 : vector<1x1x16xf32> to vector<16xf32>
          %add3A_902 = arith.addf %get3A_892, %get3A_901 : vector<16xf32>
          %mul3A_903 = arith.constant 10 : i32
          %mul3A_904 = arith.muli %scan3A_354, %mul3A_903 : i32
          %add3A_905 = arith.constant 2 : i32
          %add3A_906 = arith.addi %mul3A_904, %add3A_905 : i32
          %get3A_907 = arith.index_cast %select_n3A_161 : i32 to index
          %get3A_908 = arith.index_cast %add3A_906 : i32 to index
          %get3A_909 = arith.constant 80 : index
          %get3A_910 = tpu.vector_load %arg8[%get3A_907, %get3A_908, %get3A_909] {strides = array<i32>} : memref<3x160x128xf32, #tpu.memory_space<vmem>>, vector<1x1x16xf32>,
          %get3A_911 = vector.shape_cast %get3A_910 : vector<1x1x16xf32> to vector<16xf32>
          %add3A_912 = arith.addf %add3A_902, %get3A_911 : vector<16xf32>
          %mul3A_913 = arith.constant 10 : i32
          %mul3A_914 = arith.muli %scan3A_354, %mul3A_913 : i32
          %add3A_915 = arith.constant 3 : i32
          %add3A_916 = arith.addi %mul3A_914, %add3A_915 : i32
          %get3A_917 = arith.index_cast %select_n3A_161 : i32 to index
          %get3A_918 = arith.index_cast %add3A_916 : i32 to index
          %get3A_919 = arith.constant 80 : index
          %get3A_920 = tpu.vector_load %arg8[%get3A_917, %get3A_918, %get3A_919] {strides = array<i32>} : memref<3x160x128xf32, #tpu.memory_space<vmem>>, vector<1x1x16xf32>,
          %get3A_921 = vector.shape_cast %get3A_920 : vector<1x1x16xf32> to vector<16xf32>
          %add3A_922 = arith.addf %add3A_912, %get3A_921 : vector<16xf32>
          %mul3A_923 = arith.constant 10 : i32
          %mul3A_924 = arith.muli %scan3A_354, %mul3A_923 : i32
          %add3A_925 = arith.constant 4 : i32
          %add3A_926 = arith.addi %mul3A_924, %add3A_925 : i32
          %get3A_927 = arith.index_cast %select_n3A_161 : i32 to index
          %get3A_928 = arith.index_cast %add3A_926 : i32 to index
          %get3A_929 = arith.constant 80 : index
          %get3A_930 = tpu.vector_load %arg8[%get3A_927, %get3A_928, %get3A_929] {strides = array<i32>} : memref<3x160x128xf32, #tpu.memory_space<vmem>>, vector<1x1x16xf32>,
          %get3A_931 = vector.shape_cast %get3A_930 : vector<1x1x16xf32> to vector<16xf32>
          %add3A_932 = arith.addf %add3A_922, %get3A_931 : vector<16xf32>
          %mul3A_933 = arith.constant 10 : i32
          %mul3A_934 = arith.muli %scan3A_354, %mul3A_933 : i32
          %add3A_935 = arith.constant 5 : i32
          %add3A_936 = arith.addi %mul3A_934, %add3A_935 : i32
          %get3A_937 = arith.index_cast %select_n3A_161 : i32 to index
          %get3A_938 = arith.index_cast %add3A_936 : i32 to index
          %get3A_939 = arith.constant 80 : index
          %get3A_940 = tpu.vector_load %arg8[%get3A_937, %get3A_938, %get3A_939] {strides = array<i32>} : memref<3x160x128xf32, #tpu.memory_space<vmem>>, vector<1x1x16xf32>,
          %get3A_941 = vector.shape_cast %get3A_940 : vector<1x1x16xf32> to vector<16xf32>
          %add3A_942 = arith.addf %add3A_932, %get3A_941 : vector<16xf32>
          %mul3A_943 = arith.constant 10 : i32
          %mul3A_944 = arith.muli %scan3A_354, %mul3A_943 : i32
          %add3A_945 = arith.constant 6 : i32
          %add3A_946 = arith.addi %mul3A_944, %add3A_945 : i32
          %get3A_947 = arith.index_cast %select_n3A_161 : i32 to index
          %get3A_948 = arith.index_cast %add3A_946 : i32 to index
          %get3A_949 = arith.constant 80 : index
          %get3A_950 = tpu.vector_load %arg8[%get3A_947, %get3A_948, %get3A_949] {strides = array<i32>} : memref<3x160x128xf32, #tpu.memory_space<vmem>>, vector<1x1x16xf32>,
          %get3A_951 = vector.shape_cast %get3A_950 : vector<1x1x16xf32> to vector<16xf32>
          %add3A_952 = arith.addf %add3A_942, %get3A_951 : vector<16xf32>
          %mul3A_953 = arith.constant 10 : i32
          %mul3A_954 = arith.muli %scan3A_354, %mul3A_953 : i32
          %add3A_955 = arith.constant 7 : i32
          %add3A_956 = arith.addi %mul3A_954, %add3A_955 : i32
          %get3A_957 = arith.index_cast %select_n3A_161 : i32 to index
          %get3A_958 = arith.index_cast %add3A_956 : i32 to index
          %get3A_959 = arith.constant 80 : index
          %get3A_960 = tpu.vector_load %arg8[%get3A_957, %get3A_958, %get3A_959] {strides = array<i32>} : memref<3x160x128xf32, #tpu.memory_space<vmem>>, vector<1x1x16xf32>,
          %get3A_961 = vector.shape_cast %get3A_960 : vector<1x1x16xf32> to vector<16xf32>
          %add3A_962 = arith.addf %add3A_952, %get3A_961 : vector<16xf32>
          %mul3A_963 = arith.constant 10 : i32
          %mul3A_964 = arith.muli %scan3A_354, %mul3A_963 : i32
          %add3A_965 = arith.constant 8 : i32
          %add3A_966 = arith.addi %mul3A_964, %add3A_965 : i32
          %get3A_967 = arith.index_cast %select_n3A_161 : i32 to index
          %get3A_968 = arith.index_cast %add3A_966 : i32 to index
          %get3A_969 = arith.constant 80 : index
          %get3A_970 = tpu.vector_load %arg8[%get3A_967, %get3A_968, %get3A_969] {strides = array<i32>} : memref<3x160x128xf32, #tpu.memory_space<vmem>>, vector<1x1x16xf32>,
          %get3A_971 = vector.shape_cast %get3A_970 : vector<1x1x16xf32> to vector<16xf32>
          %add3A_972 = arith.addf %add3A_962, %get3A_971 : vector<16xf32>
          %mul3A_973 = arith.constant 10 : i32
          %mul3A_974 = arith.muli %scan3A_354, %mul3A_973 : i32
          %add3A_975 = arith.constant 9 : i32
          %add3A_976 = arith.addi %mul3A_974, %add3A_975 : i32
          %get3A_977 = arith.index_cast %select_n3A_161 : i32 to index
          %get3A_978 = arith.index_cast %add3A_976 : i32 to index
          %get3A_979 = arith.constant 80 : index
          %get3A_980 = tpu.vector_load %arg8[%get3A_977, %get3A_978, %get3A_979] {strides = array<i32>} : memref<3x160x128xf32, #tpu.memory_space<vmem>>, vector<1x1x16xf32>,
          %get3A_981 = vector.shape_cast %get3A_980 : vector<1x1x16xf32> to vector<16xf32>
          %add3A_982 = arith.addf %add3A_972, %get3A_981 : vector<16xf32>
          %swap3A_983 = arith.index_cast %select_n3A_177 : i32 to index
          %swap3A_984 = arith.index_cast %select_n3A_145 : i32 to index
          %swap3A_985 = arith.index_cast %scan3A_354 : i32 to index
          %swap3A_986 = arith.constant 80 : index
          %swap3A_987 = tpu.vector_load %arg9[%swap3A_983, %swap3A_984, %swap3A_985, %swap3A_986] {strides = array<i32>} : memref<2x2x16x128xf32, #tpu.memory_space<vmem>>, vector<1x1x1x16xf32>,
          %swap3A_988 = vector.shape_cast %swap3A_987 : vector<1x1x1x16xf32> to vector<16xf32>
          %swap3A_989 = vector.shape_cast %add3A_982 : vector<16xf32> to vector<1x1x1x16xf32>
          tpu.vector_store %arg9[%swap3A_983, %swap3A_984, %swap3A_985, %swap3A_986], %swap3A_989 {strides = array<i32>} : memref<2x2x16x128xf32, #tpu.memory_space<vmem>>, vector<1x1x1x16xf32>,
          %mul3A_990 = arith.constant 10 : i32
          %mul3A_991 = arith.muli %scan3A_354, %mul3A_990 : i32
          %add3A_992 = arith.constant 0 : i32
          %add3A_993 = arith.addi %mul3A_991, %add3A_992 : i32
          %get3A_994 = arith.index_cast %select_n3A_161 : i32 to index
          %get3A_995 = arith.index_cast %add3A_993 : i32 to index
          %get3A_996 = arith.constant 96 : index
          %get3A_997 = tpu.vector_load %arg8[%get3A_994, %get3A_995, %get3A_996] {strides = array<i32>} : memref<3x160x128xf32, #tpu.memory_space<vmem>>, vector<1x1x16xf32>,
          %get3A_998 = vector.shape_cast %get3A_997 : vector<1x1x16xf32> to vector<16xf32>
          %mul3A_999 = arith.constant 10 : i32
          %mul3A_1000 = arith.muli %scan3A_354, %mul3A_999 : i32
          %add3A_1001 = arith.constant 1 : i32
          %add3A_1002 = arith.addi %mul3A_1000, %add3A_1001 : i32
          %get3A_1003 = arith.index_cast %select_n3A_161 : i32 to index
          %get3A_1004 = arith.index_cast %add3A_1002 : i32 to index
          %get3A_1005 = arith.constant 96 : index
          %get3A_1006 = tpu.vector_load %arg8[%get3A_1003, %get3A_1004, %get3A_1005] {strides = array<i32>} : memref<3x160x128xf32, #tpu.memory_space<vmem>>, vector<1x1x16xf32>,
          %get3A_1007 = vector.shape_cast %get3A_1006 : vector<1x1x16xf32> to vector<16xf32>
          %add3A_1008 = arith.addf %get3A_998, %get3A_1007 : vector<16xf32>
          %mul3A_1009 = arith.constant 10 : i32
          %mul3A_1010 = arith.muli %scan3A_354, %mul3A_1009 : i32
          %add3A_1011 = arith.constant 2 : i32
          %add3A_1012 = arith.addi %mul3A_1010, %add3A_1011 : i32
          %get3A_1013 = arith.index_cast %select_n3A_161 : i32 to index
          %get3A_1014 = arith.index_cast %add3A_1012 : i32 to index
          %get3A_1015 = arith.constant 96 : index
          %get3A_1016 = tpu.vector_load %arg8[%get3A_1013, %get3A_1014, %get3A_1015] {strides = array<i32>} : memref<3x160x128xf32, #tpu.memory_space<vmem>>, vector<1x1x16xf32>,
          %get3A_1017 = vector.shape_cast %get3A_1016 : vector<1x1x16xf32> to vector<16xf32>
          %add3A_1018 = arith.addf %add3A_1008, %get3A_1017 : vector<16xf32>
          %mul3A_1019 = arith.constant 10 : i32
          %mul3A_1020 = arith.muli %scan3A_354, %mul3A_1019 : i32
          %add3A_1021 = arith.constant 3 : i32
          %add3A_1022 = arith.addi %mul3A_1020, %add3A_1021 : i32
          %get3A_1023 = arith.index_cast %select_n3A_161 : i32 to index
          %get3A_1024 = arith.index_cast %add3A_1022 : i32 to index
          %get3A_1025 = arith.constant 96 : index
          %get3A_1026 = tpu.vector_load %arg8[%get3A_1023, %get3A_1024, %get3A_1025] {strides = array<i32>} : memref<3x160x128xf32, #tpu.memory_space<vmem>>, vector<1x1x16xf32>,
          %get3A_1027 = vector.shape_cast %get3A_1026 : vector<1x1x16xf32> to vector<16xf32>
          %add3A_1028 = arith.addf %add3A_1018, %get3A_1027 : vector<16xf32>
          %mul3A_1029 = arith.constant 10 : i32
          %mul3A_1030 = arith.muli %scan3A_354, %mul3A_1029 : i32
          %add3A_1031 = arith.constant 4 : i32
          %add3A_1032 = arith.addi %mul3A_1030, %add3A_1031 : i32
          %get3A_1033 = arith.index_cast %select_n3A_161 : i32 to index
          %get3A_1034 = arith.index_cast %add3A_1032 : i32 to index
          %get3A_1035 = arith.constant 96 : index
          %get3A_1036 = tpu.vector_load %arg8[%get3A_1033, %get3A_1034, %get3A_1035] {strides = array<i32>} : memref<3x160x128xf32, #tpu.memory_space<vmem>>, vector<1x1x16xf32>,
          %get3A_1037 = vector.shape_cast %get3A_1036 : vector<1x1x16xf32> to vector<16xf32>
          %add3A_1038 = arith.addf %add3A_1028, %get3A_1037 : vector<16xf32>
          %mul3A_1039 = arith.constant 10 : i32
          %mul3A_1040 = arith.muli %scan3A_354, %mul3A_1039 : i32
          %add3A_1041 = arith.constant 5 : i32
          %add3A_1042 = arith.addi %mul3A_1040, %add3A_1041 : i32
          %get3A_1043 = arith.index_cast %select_n3A_161 : i32 to index
          %get3A_1044 = arith.index_cast %add3A_1042 : i32 to index
          %get3A_1045 = arith.constant 96 : index
          %get3A_1046 = tpu.vector_load %arg8[%get3A_1043, %get3A_1044, %get3A_1045] {strides = array<i32>} : memref<3x160x128xf32, #tpu.memory_space<vmem>>, vector<1x1x16xf32>,
          %get3A_1047 = vector.shape_cast %get3A_1046 : vector<1x1x16xf32> to vector<16xf32>
          %add3A_1048 = arith.addf %add3A_1038, %get3A_1047 : vector<16xf32>
          %mul3A_1049 = arith.constant 10 : i32
          %mul3A_1050 = arith.muli %scan3A_354, %mul3A_1049 : i32
          %add3A_1051 = arith.constant 6 : i32
          %add3A_1052 = arith.addi %mul3A_1050, %add3A_1051 : i32
          %get3A_1053 = arith.index_cast %select_n3A_161 : i32 to index
          %get3A_1054 = arith.index_cast %add3A_1052 : i32 to index
          %get3A_1055 = arith.constant 96 : index
          %get3A_1056 = tpu.vector_load %arg8[%get3A_1053, %get3A_1054, %get3A_1055] {strides = array<i32>} : memref<3x160x128xf32, #tpu.memory_space<vmem>>, vector<1x1x16xf32>,
          %get3A_1057 = vector.shape_cast %get3A_1056 : vector<1x1x16xf32> to vector<16xf32>
          %add3A_1058 = arith.addf %add3A_1048, %get3A_1057 : vector<16xf32>
          %mul3A_1059 = arith.constant 10 : i32
          %mul3A_1060 = arith.muli %scan3A_354, %mul3A_1059 : i32
          %add3A_1061 = arith.constant 7 : i32
          %add3A_1062 = arith.addi %mul3A_1060, %add3A_1061 : i32
          %get3A_1063 = arith.index_cast %select_n3A_161 : i32 to index
          %get3A_1064 = arith.index_cast %add3A_1062 : i32 to index
          %get3A_1065 = arith.constant 96 : index
          %get3A_1066 = tpu.vector_load %arg8[%get3A_1063, %get3A_1064, %get3A_1065] {strides = array<i32>} : memref<3x160x128xf32, #tpu.memory_space<vmem>>, vector<1x1x16xf32>,
          %get3A_1067 = vector.shape_cast %get3A_1066 : vector<1x1x16xf32> to vector<16xf32>
          %add3A_1068 = arith.addf %add3A_1058, %get3A_1067 : vector<16xf32>
          %mul3A_1069 = arith.constant 10 : i32
          %mul3A_1070 = arith.muli %scan3A_354, %mul3A_1069 : i32
          %add3A_1071 = arith.constant 8 : i32
          %add3A_1072 = arith.addi %mul3A_1070, %add3A_1071 : i32
          %get3A_1073 = arith.index_cast %select_n3A_161 : i32 to index
          %get3A_1074 = arith.index_cast %add3A_1072 : i32 to index
          %get3A_1075 = arith.constant 96 : index
          %get3A_1076 = tpu.vector_load %arg8[%get3A_1073, %get3A_1074, %get3A_1075] {strides = array<i32>} : memref<3x160x128xf32, #tpu.memory_space<vmem>>, vector<1x1x16xf32>,
          %get3A_1077 = vector.shape_cast %get3A_1076 : vector<1x1x16xf32> to vector<16xf32>
          %add3A_1078 = arith.addf %add3A_1068, %get3A_1077 : vector<16xf32>
          %mul3A_1079 = arith.constant 10 : i32
          %mul3A_1080 = arith.muli %scan3A_354, %mul3A_1079 : i32
          %add3A_1081 = arith.constant 9 : i32
          %add3A_1082 = arith.addi %mul3A_1080, %add3A_1081 : i32
          %get3A_1083 = arith.index_cast %select_n3A_161 : i32 to index
          %get3A_1084 = arith.index_cast %add3A_1082 : i32 to index
          %get3A_1085 = arith.constant 96 : index
          %get3A_1086 = tpu.vector_load %arg8[%get3A_1083, %get3A_1084, %get3A_1085] {strides = array<i32>} : memref<3x160x128xf32, #tpu.memory_space<vmem>>, vector<1x1x16xf32>,
          %get3A_1087 = vector.shape_cast %get3A_1086 : vector<1x1x16xf32> to vector<16xf32>
          %add3A_1088 = arith.addf %add3A_1078, %get3A_1087 : vector<16xf32>
          %swap3A_1089 = arith.index_cast %select_n3A_177 : i32 to index
          %swap3A_1090 = arith.index_cast %select_n3A_145 : i32 to index
          %swap3A_1091 = arith.index_cast %scan3A_354 : i32 to index
          %swap3A_1092 = arith.constant 96 : index
          %swap3A_1093 = tpu.vector_load %arg9[%swap3A_1089, %swap3A_1090, %swap3A_1091, %swap3A_1092] {strides = array<i32>} : memref<2x2x16x128xf32, #tpu.memory_space<vmem>>, vector<1x1x1x16xf32>,
          %swap3A_1094 = vector.shape_cast %swap3A_1093 : vector<1x1x1x16xf32> to vector<16xf32>
          %swap3A_1095 = vector.shape_cast %add3A_1088 : vector<16xf32> to vector<1x1x1x16xf32>
          tpu.vector_store %arg9[%swap3A_1089, %swap3A_1090, %swap3A_1091, %swap3A_1092], %swap3A_1095 {strides = array<i32>} : memref<2x2x16x128xf32, #tpu.memory_space<vmem>>, vector<1x1x1x16xf32>,
          %mul3A_1096 = arith.constant 10 : i32
          %mul3A_1097 = arith.muli %scan3A_354, %mul3A_1096 : i32
          %add3A_1098 = arith.constant 0 : i32
          %add3A_1099 = arith.addi %mul3A_1097, %add3A_1098 : i32
          %get3A_1100 = arith.index_cast %select_n3A_161 : i32 to index
          %get3A_1101 = arith.index_cast %add3A_1099 : i32 to index
          %get3A_1102 = arith.constant 112 : index
          %get3A_1103 = tpu.vector_load %arg8[%get3A_1100, %get3A_1101, %get3A_1102] {strides = array<i32>} : memref<3x160x128xf32, #tpu.memory_space<vmem>>, vector<1x1x16xf32>,
          %get3A_1104 = vector.shape_cast %get3A_1103 : vector<1x1x16xf32> to vector<16xf32>
          %mul3A_1105 = arith.constant 10 : i32
          %mul3A_1106 = arith.muli %scan3A_354, %mul3A_1105 : i32
          %add3A_1107 = arith.constant 1 : i32
          %add3A_1108 = arith.addi %mul3A_1106, %add3A_1107 : i32
          %get3A_1109 = arith.index_cast %select_n3A_161 : i32 to index
          %get3A_1110 = arith.index_cast %add3A_1108 : i32 to index
          %get3A_1111 = arith.constant 112 : index
          %get3A_1112 = tpu.vector_load %arg8[%get3A_1109, %get3A_1110, %get3A_1111] {strides = array<i32>} : memref<3x160x128xf32, #tpu.memory_space<vmem>>, vector<1x1x16xf32>,
          %get3A_1113 = vector.shape_cast %get3A_1112 : vector<1x1x16xf32> to vector<16xf32>
          %add3A_1114 = arith.addf %get3A_1104, %get3A_1113 : vector<16xf32>
          %mul3A_1115 = arith.constant 10 : i32
          %mul3A_1116 = arith.muli %scan3A_354, %mul3A_1115 : i32
          %add3A_1117 = arith.constant 2 : i32
          %add3A_1118 = arith.addi %mul3A_1116, %add3A_1117 : i32
          %get3A_1119 = arith.index_cast %select_n3A_161 : i32 to index
          %get3A_1120 = arith.index_cast %add3A_1118 : i32 to index
          %get3A_1121 = arith.constant 112 : index
          %get3A_1122 = tpu.vector_load %arg8[%get3A_1119, %get3A_1120, %get3A_1121] {strides = array<i32>} : memref<3x160x128xf32, #tpu.memory_space<vmem>>, vector<1x1x16xf32>,
          %get3A_1123 = vector.shape_cast %get3A_1122 : vector<1x1x16xf32> to vector<16xf32>
          %add3A_1124 = arith.addf %add3A_1114, %get3A_1123 : vector<16xf32>
          %mul3A_1125 = arith.constant 10 : i32
          %mul3A_1126 = arith.muli %scan3A_354, %mul3A_1125 : i32
          %add3A_1127 = arith.constant 3 : i32
          %add3A_1128 = arith.addi %mul3A_1126, %add3A_1127 : i32
          %get3A_1129 = arith.index_cast %select_n3A_161 : i32 to index
          %get3A_1130 = arith.index_cast %add3A_1128 : i32 to index
          %get3A_1131 = arith.constant 112 : index
          %get3A_1132 = tpu.vector_load %arg8[%get3A_1129, %get3A_1130, %get3A_1131] {strides = array<i32>} : memref<3x160x128xf32, #tpu.memory_space<vmem>>, vector<1x1x16xf32>,
          %get3A_1133 = vector.shape_cast %get3A_1132 : vector<1x1x16xf32> to vector<16xf32>
          %add3A_1134 = arith.addf %add3A_1124, %get3A_1133 : vector<16xf32>
          %mul3A_1135 = arith.constant 10 : i32
          %mul3A_1136 = arith.muli %scan3A_354, %mul3A_1135 : i32
          %add3A_1137 = arith.constant 4 : i32
          %add3A_1138 = arith.addi %mul3A_1136, %add3A_1137 : i32
          %get3A_1139 = arith.index_cast %select_n3A_161 : i32 to index
          %get3A_1140 = arith.index_cast %add3A_1138 : i32 to index
          %get3A_1141 = arith.constant 112 : index
          %get3A_1142 = tpu.vector_load %arg8[%get3A_1139, %get3A_1140, %get3A_1141] {strides = array<i32>} : memref<3x160x128xf32, #tpu.memory_space<vmem>>, vector<1x1x16xf32>,
          %get3A_1143 = vector.shape_cast %get3A_1142 : vector<1x1x16xf32> to vector<16xf32>
          %add3A_1144 = arith.addf %add3A_1134, %get3A_1143 : vector<16xf32>
          %mul3A_1145 = arith.constant 10 : i32
          %mul3A_1146 = arith.muli %scan3A_354, %mul3A_1145 : i32
          %add3A_1147 = arith.constant 5 : i32
          %add3A_1148 = arith.addi %mul3A_1146, %add3A_1147 : i32
          %get3A_1149 = arith.index_cast %select_n3A_161 : i32 to index
          %get3A_1150 = arith.index_cast %add3A_1148 : i32 to index
          %get3A_1151 = arith.constant 112 : index
          %get3A_1152 = tpu.vector_load %arg8[%get3A_1149, %get3A_1150, %get3A_1151] {strides = array<i32>} : memref<3x160x128xf32, #tpu.memory_space<vmem>>, vector<1x1x16xf32>,
          %get3A_1153 = vector.shape_cast %get3A_1152 : vector<1x1x16xf32> to vector<16xf32>
          %add3A_1154 = arith.addf %add3A_1144, %get3A_1153 : vector<16xf32>
          %mul3A_1155 = arith.constant 10 : i32
          %mul3A_1156 = arith.muli %scan3A_354, %mul3A_1155 : i32
          %add3A_1157 = arith.constant 6 : i32
          %add3A_1158 = arith.addi %mul3A_1156, %add3A_1157 : i32
          %get3A_1159 = arith.index_cast %select_n3A_161 : i32 to index
          %get3A_1160 = arith.index_cast %add3A_1158 : i32 to index
          %get3A_1161 = arith.constant 112 : index
          %get3A_1162 = tpu.vector_load %arg8[%get3A_1159, %get3A_1160, %get3A_1161] {strides = array<i32>} : memref<3x160x128xf32, #tpu.memory_space<vmem>>, vector<1x1x16xf32>,
          %get3A_1163 = vector.shape_cast %get3A_1162 : vector<1x1x16xf32> to vector<16xf32>
          %add3A_1164 = arith.addf %add3A_1154, %get3A_1163 : vector<16xf32>
          %mul3A_1165 = arith.constant 10 : i32
          %mul3A_1166 = arith.muli %scan3A_354, %mul3A_1165 : i32
          %add3A_1167 = arith.constant 7 : i32
          %add3A_1168 = arith.addi %mul3A_1166, %add3A_1167 : i32
          %get3A_1169 = arith.index_cast %select_n3A_161 : i32 to index
          %get3A_1170 = arith.index_cast %add3A_1168 : i32 to index
          %get3A_1171 = arith.constant 112 : index
          %get3A_1172 = tpu.vector_load %arg8[%get3A_1169, %get3A_1170, %get3A_1171] {strides = array<i32>} : memref<3x160x128xf32, #tpu.memory_space<vmem>>, vector<1x1x16xf32>,
          %get3A_1173 = vector.shape_cast %get3A_1172 : vector<1x1x16xf32> to vector<16xf32>
          %add3A_1174 = arith.addf %add3A_1164, %get3A_1173 : vector<16xf32>
          %mul3A_1175 = arith.constant 10 : i32
          %mul3A_1176 = arith.muli %scan3A_354, %mul3A_1175 : i32
          %add3A_1177 = arith.constant 8 : i32
          %add3A_1178 = arith.addi %mul3A_1176, %add3A_1177 : i32
          %get3A_1179 = arith.index_cast %select_n3A_161 : i32 to index
          %get3A_1180 = arith.index_cast %add3A_1178 : i32 to index
          %get3A_1181 = arith.constant 112 : index
          %get3A_1182 = tpu.vector_load %arg8[%get3A_1179, %get3A_1180, %get3A_1181] {strides = array<i32>} : memref<3x160x128xf32, #tpu.memory_space<vmem>>, vector<1x1x16xf32>,
          %get3A_1183 = vector.shape_cast %get3A_1182 : vector<1x1x16xf32> to vector<16xf32>
          %add3A_1184 = arith.addf %add3A_1174, %get3A_1183 : vector<16xf32>
          %mul3A_1185 = arith.constant 10 : i32
          %mul3A_1186 = arith.muli %scan3A_354, %mul3A_1185 : i32
          %add3A_1187 = arith.constant 9 : i32
          %add3A_1188 = arith.addi %mul3A_1186, %add3A_1187 : i32
          %get3A_1189 = arith.index_cast %select_n3A_161 : i32 to index
          %get3A_1190 = arith.index_cast %add3A_1188 : i32 to index
          %get3A_1191 = arith.constant 112 : index
          %get3A_1192 = tpu.vector_load %arg8[%get3A_1189, %get3A_1190, %get3A_1191] {strides = array<i32>} : memref<3x160x128xf32, #tpu.memory_space<vmem>>, vector<1x1x16xf32>,
          %get3A_1193 = vector.shape_cast %get3A_1192 : vector<1x1x16xf32> to vector<16xf32>
          %add3A_1194 = arith.addf %add3A_1184, %get3A_1193 : vector<16xf32>
          %swap3A_1195 = arith.index_cast %select_n3A_177 : i32 to index
          %swap3A_1196 = arith.index_cast %select_n3A_145 : i32 to index
          %swap3A_1197 = arith.index_cast %scan3A_354 : i32 to index
          %swap3A_1198 = arith.constant 112 : index
          %swap3A_1199 = tpu.vector_load %arg9[%swap3A_1195, %swap3A_1196, %swap3A_1197, %swap3A_1198] {strides = array<i32>} : memref<2x2x16x128xf32, #tpu.memory_space<vmem>>, vector<1x1x1x16xf32>,
          %swap3A_1200 = vector.shape_cast %swap3A_1199 : vector<1x1x1x16xf32> to vector<16xf32>
          %swap3A_1201 = vector.shape_cast %add3A_1194 : vector<16xf32> to vector<1x1x1x16xf32>
          tpu.vector_store %arg9[%swap3A_1195, %swap3A_1196, %swap3A_1197, %swap3A_1198], %swap3A_1201 {strides = array<i32>} : memref<2x2x16x128xf32, #tpu.memory_space<vmem>>, vector<1x1x1x16xf32>,
          %scan3A_1202 = arith.constant 0 : i32
          scf.yield %scan3A_1202 : i32
        }
        %scan3A_347 = arith.constant 8 : i32
        %eq3A_348 = arith.constant 1 : i32
        %eq3A_349 = arith.cmpi eq, %select_n3A_145, %eq3A_348 : i32
        %convert_element_type3A_350 = arith.extui %eq3A_349 : i1 to i32
        %cond3A_351 = arith.constant 0 : i32
        %cond3A_352 = arith.cmpi ne, %convert_element_type3A_350, %cond3A_351 : i32
        scf.if %cond3A_352 {
          %jit3A_354 = arith.constant 2 : i32
          %eq3A_355 = arith.constant 0 : i32
          %eq3A_356 = arith.cmpi eq, %jit3A_354, %eq3A_355 : i32
          %jit3A_357 = arith.constant 1 : i32
          %select_n3A_358 = arith.select %eq3A_356, %jit3A_357, %jit3A_354 : i32
          %rem3A_359 = arith.remsi %select_n3A, %select_n3A_358 : i32
          %ne3A_360 = arith.constant 0 : i32
          %ne3A_361 = arith.cmpi ne, %rem3A_359, %ne3A_360 : i32
          %lt3A_362 = arith.constant 0 : i32
          %lt3A_363 = arith.cmpi slt, %rem3A_359, %lt3A_362 : i32
          %lt3A_364 = arith.constant 0 : i32
          %lt3A_365 = arith.cmpi slt, %select_n3A_358, %lt3A_364 : i32
          %ne3A_366 = arith.xori %lt3A_363, %lt3A_365 : i1
          %and3A_367 = arith.andi %ne3A_366, %ne3A_361 : i1
          %add3A_368 = arith.addi %rem3A_359, %select_n3A_358 : i32
          %select_n3A_369 = arith.select %and3A_367, %add3A_368, %rem3A_359 : i32
          %mul3A_370 = arith.constant 16 : i32
          %mul3A_371 = arith.muli %select_n3A, %mul3A_370 : i32
          %add3A_372 = arith.addi %mul3A_7, %mul3A_371 : i32
          %dma_start3A_373 = arith.constant 0 : i32
          %dma_start3A_374 = arith.constant 0 : i32
          %dma_start3A_375 = arith.constant 0 : i32
          %dma_start3A_376 = tpu.memref_slice %arg9[%select_n3A_369, %dma_start3A_373, %dma_start3A_374, %dma_start3A_375] : memref<2x2x16x128xf32, #tpu.memory_space<vmem>> -> memref<1x1x16x128xf32, #tpu.memory_space<vmem>>
          %dma_start3A_377 = tpu.memref_squeeze %dma_start3A_376 : memref<1x1x16x128xf32, #tpu.memory_space<vmem>> -> memref<16x128xf32, #tpu.memory_space<vmem>>
          %dma_start3A_378 = arith.constant 0 : i32
          %dma_start3A_379 = tpu.memref_slice %arg5[%add3A_372, %dma_start3A_378] : memref<50176x128xf32, #tpu.memory_space<hbm>> -> memref<16x128xf32, #tpu.memory_space<hbm>>
          %dma_start3A_380 = arith.constant 0 : i32
          %dma_start3A_381 = tpu.memref_slice %arg5[%add3A_372, %dma_start3A_380] : memref<50176x128xf32, #tpu.memory_space<hbm>> -> memref<16x128xf32, #tpu.memory_space<hbm>>
          %dma_start3A_382 = arith.constant 0 : i32
          %dma_start3A_383 = arith.constant 0 : i32
          %dma_start3A_384 = tpu.memref_slice %arg9[%select_n3A_369, %dma_start3A_373, %dma_start3A_382, %dma_start3A_383] : memref<2x2x16x128xf32, #tpu.memory_space<vmem>> -> memref<1x1x16x128xf32, #tpu.memory_space<vmem>>
          %dma_start3A_385 = tpu.memref_squeeze %dma_start3A_384 : memref<1x1x16x128xf32, #tpu.memory_space<vmem>> -> memref<16x128xf32, #tpu.memory_space<vmem>>
          tpu.enqueue_dma source(%dma_start3A_385 : memref<16x128xf32, #tpu.memory_space<vmem>>) target(%dma_start3A_381 : memref<16x128xf32, #tpu.memory_space<hbm>>) target_semaphore(%arg11 : memref<!tpu.dma_semaphore, #tpu.memory_space<semaphore_mem>>)
          %dma_start3A_386 = arith.constant 1 : i32
          %dma_start3A_387 = arith.constant 0 : i32
          %dma_start3A_388 = arith.constant 0 : i32
          %dma_start3A_389 = tpu.memref_slice %arg9[%select_n3A_369, %dma_start3A_386, %dma_start3A_387, %dma_start3A_388] : memref<2x2x16x128xf32, #tpu.memory_space<vmem>> -> memref<1x1x16x128xf32, #tpu.memory_space<vmem>>
          %dma_start3A_390 = tpu.memref_squeeze %dma_start3A_389 : memref<1x1x16x128xf32, #tpu.memory_space<vmem>> -> memref<16x128xf32, #tpu.memory_space<vmem>>
          %dma_start3A_391 = arith.constant 0 : i32
          %dma_start3A_392 = tpu.memref_slice %arg6[%add3A_372, %dma_start3A_391] : memref<50176x128xf32, #tpu.memory_space<hbm>> -> memref<16x128xf32, #tpu.memory_space<hbm>>
          %dma_start3A_393 = arith.constant 0 : i32
          %dma_start3A_394 = tpu.memref_slice %arg6[%add3A_372, %dma_start3A_393] : memref<50176x128xf32, #tpu.memory_space<hbm>> -> memref<16x128xf32, #tpu.memory_space<hbm>>
          %dma_start3A_395 = arith.constant 0 : i32
          %dma_start3A_396 = arith.constant 0 : i32
          %dma_start3A_397 = tpu.memref_slice %arg9[%select_n3A_369, %dma_start3A_386, %dma_start3A_395, %dma_start3A_396] : memref<2x2x16x128xf32, #tpu.memory_space<vmem>> -> memref<1x1x16x128xf32, #tpu.memory_space<vmem>>
          %dma_start3A_398 = tpu.memref_squeeze %dma_start3A_397 : memref<1x1x16x128xf32, #tpu.memory_space<vmem>> -> memref<16x128xf32, #tpu.memory_space<vmem>>
          tpu.enqueue_dma source(%dma_start3A_398 : memref<16x128xf32, #tpu.memory_space<vmem>>) target(%dma_start3A_394 : memref<16x128xf32, #tpu.memory_space<hbm>>) target_semaphore(%arg11 : memref<!tpu.dma_semaphore, #tpu.memory_space<semaphore_mem>>)
        } else {
        }
        %scan3A_353 = arith.constant 0 : i32
        scf.yield %scan3A_353 : i32
      }
      %scan3A_54 = arith.constant 238 : i32
      %add3A = arith.constant 1872 : i32
      %add3A_55 = arith.addi %mul3A_7, %add3A : i32
      %dma_wait3A = arith.constant 1 : i32
      %dma_wait3A_56 = arith.constant 0 : i32
      %dma_wait3A_57 = arith.constant 0 : i32
      %dma_wait3A_58 = arith.constant 0 : i32
      %dma_wait3A_59 = tpu.memref_slice %arg9[%dma_wait3A, %dma_wait3A_56, %dma_wait3A_57, %dma_wait3A_58] : memref<2x2x16x128xf32, #tpu.memory_space<vmem>> -> memref<1x1x16x128xf32, #tpu.memory_space<vmem>>
      %dma_wait3A_60 = tpu.memref_squeeze %dma_wait3A_59 : memref<1x1x16x128xf32, #tpu.memory_space<vmem>> -> memref<16x128xf32, #tpu.memory_space<vmem>>
      %dma_wait3A_61 = arith.constant 0 : i32
      %dma_wait3A_62 = tpu.memref_slice %arg5[%add3A_55, %dma_wait3A_61] : memref<50176x128xf32, #tpu.memory_space<hbm>> -> memref<16x128xf32, #tpu.memory_space<hbm>>
      %dma_wait3A_63 = arith.constant 0 : i32
      %dma_wait3A_64 = tpu.memref_slice %arg5[%add3A_55, %dma_wait3A_63] : memref<50176x128xf32, #tpu.memory_space<hbm>> -> memref<16x128xf32, #tpu.memory_space<hbm>>
      %dma_wait3A_65 = arith.constant 0 : i32
      %dma_wait3A_66 = arith.constant 0 : i32
      %dma_wait3A_67 = tpu.memref_slice %arg9[%dma_wait3A, %dma_wait3A_56, %dma_wait3A_65, %dma_wait3A_66] : memref<2x2x16x128xf32, #tpu.memory_space<vmem>> -> memref<1x1x16x128xf32, #tpu.memory_space<vmem>>
      %dma_wait3A_68 = tpu.memref_squeeze %dma_wait3A_67 : memref<1x1x16x128xf32, #tpu.memory_space<vmem>> -> memref<16x128xf32, #tpu.memory_space<vmem>>
      tpu.wait_dma2 semaphore(%arg11 : memref<!tpu.dma_semaphore, #tpu.memory_space<semaphore_mem>>) src(%dma_wait3A_68 : memref<16x128xf32, #tpu.memory_space<vmem>>) dst(%dma_wait3A_64 : memref<16x128xf32, #tpu.memory_space<hbm>>)
      %dma_wait3A_69 = arith.constant 1 : i32
      %dma_wait3A_70 = arith.constant 1 : i32
      %dma_wait3A_71 = arith.constant 0 : i32
      %dma_wait3A_72 = arith.constant 0 : i32
      %dma_wait3A_73 = tpu.memref_slice %arg9[%dma_wait3A_69, %dma_wait3A_70, %dma_wait3A_71, %dma_wait3A_72] : memref<2x2x16x128xf32, #tpu.memory_space<vmem>> -> memref<1x1x16x128xf32, #tpu.memory_space<vmem>>
      %dma_wait3A_74 = tpu.memref_squeeze %dma_wait3A_73 : memref<1x1x16x128xf32, #tpu.memory_space<vmem>> -> memref<16x128xf32, #tpu.memory_space<vmem>>
      %dma_wait3A_75 = arith.constant 0 : i32
      %dma_wait3A_76 = tpu.memref_slice %arg6[%add3A_55, %dma_wait3A_75] : memref<50176x128xf32, #tpu.memory_space<hbm>> -> memref<16x128xf32, #tpu.memory_space<hbm>>
      %dma_wait3A_77 = arith.constant 0 : i32
      %dma_wait3A_78 = tpu.memref_slice %arg6[%add3A_55, %dma_wait3A_77] : memref<50176x128xf32, #tpu.memory_space<hbm>> -> memref<16x128xf32, #tpu.memory_space<hbm>>
      %dma_wait3A_79 = arith.constant 0 : i32
      %dma_wait3A_80 = arith.constant 0 : i32
      %dma_wait3A_81 = tpu.memref_slice %arg9[%dma_wait3A_69, %dma_wait3A_70, %dma_wait3A_79, %dma_wait3A_80] : memref<2x2x16x128xf32, #tpu.memory_space<vmem>> -> memref<1x1x16x128xf32, #tpu.memory_space<vmem>>
      %dma_wait3A_82 = tpu.memref_squeeze %dma_wait3A_81 : memref<1x1x16x128xf32, #tpu.memory_space<vmem>> -> memref<16x128xf32, #tpu.memory_space<vmem>>
      tpu.wait_dma2 semaphore(%arg11 : memref<!tpu.dma_semaphore, #tpu.memory_space<semaphore_mem>>) src(%dma_wait3A_82 : memref<16x128xf32, #tpu.memory_space<vmem>>) dst(%dma_wait3A_78 : memref<16x128xf32, #tpu.memory_space<hbm>>)
      %add3A_83 = arith.constant 1888 : i32
      %add3A_84 = arith.addi %mul3A_7, %add3A_83 : i32
      %dma_wait3A_85 = arith.constant 0 : i32
      %dma_wait3A_86 = arith.constant 0 : i32
      %dma_wait3A_87 = arith.constant 0 : i32
      %dma_wait3A_88 = arith.constant 0 : i32
      %dma_wait3A_89 = tpu.memref_slice %arg9[%dma_wait3A_85, %dma_wait3A_86, %dma_wait3A_87, %dma_wait3A_88] : memref<2x2x16x128xf32, #tpu.memory_space<vmem>> -> memref<1x1x16x128xf32, #tpu.memory_space<vmem>>
      %dma_wait3A_90 = tpu.memref_squeeze %dma_wait3A_89 : memref<1x1x16x128xf32, #tpu.memory_space<vmem>> -> memref<16x128xf32, #tpu.memory_space<vmem>>
      %dma_wait3A_91 = arith.constant 0 : i32
      %dma_wait3A_92 = tpu.memref_slice %arg5[%add3A_84, %dma_wait3A_91] : memref<50176x128xf32, #tpu.memory_space<hbm>> -> memref<16x128xf32, #tpu.memory_space<hbm>>
      %dma_wait3A_93 = arith.constant 0 : i32
      %dma_wait3A_94 = tpu.memref_slice %arg5[%add3A_84, %dma_wait3A_93] : memref<50176x128xf32, #tpu.memory_space<hbm>> -> memref<16x128xf32, #tpu.memory_space<hbm>>
      %dma_wait3A_95 = arith.constant 0 : i32
      %dma_wait3A_96 = arith.constant 0 : i32
      %dma_wait3A_97 = tpu.memref_slice %arg9[%dma_wait3A_85, %dma_wait3A_86, %dma_wait3A_95, %dma_wait3A_96] : memref<2x2x16x128xf32, #tpu.memory_space<vmem>> -> memref<1x1x16x128xf32, #tpu.memory_space<vmem>>
      %dma_wait3A_98 = tpu.memref_squeeze %dma_wait3A_97 : memref<1x1x16x128xf32, #tpu.memory_space<vmem>> -> memref<16x128xf32, #tpu.memory_space<vmem>>
      tpu.wait_dma2 semaphore(%arg11 : memref<!tpu.dma_semaphore, #tpu.memory_space<semaphore_mem>>) src(%dma_wait3A_98 : memref<16x128xf32, #tpu.memory_space<vmem>>) dst(%dma_wait3A_94 : memref<16x128xf32, #tpu.memory_space<hbm>>)
      %dma_wait3A_99 = arith.constant 0 : i32
      %dma_wait3A_100 = arith.constant 1 : i32
      %dma_wait3A_101 = arith.constant 0 : i32
      %dma_wait3A_102 = arith.constant 0 : i32
      %dma_wait3A_103 = tpu.memref_slice %arg9[%dma_wait3A_99, %dma_wait3A_100, %dma_wait3A_101, %dma_wait3A_102] : memref<2x2x16x128xf32, #tpu.memory_space<vmem>> -> memref<1x1x16x128xf32, #tpu.memory_space<vmem>>
      %dma_wait3A_104 = tpu.memref_squeeze %dma_wait3A_103 : memref<1x1x16x128xf32, #tpu.memory_space<vmem>> -> memref<16x128xf32, #tpu.memory_space<vmem>>
      %dma_wait3A_105 = arith.constant 0 : i32
      %dma_wait3A_106 = tpu.memref_slice %arg6[%add3A_84, %dma_wait3A_105] : memref<50176x128xf32, #tpu.memory_space<hbm>> -> memref<16x128xf32, #tpu.memory_space<hbm>>
      %dma_wait3A_107 = arith.constant 0 : i32
      %dma_wait3A_108 = tpu.memref_slice %arg6[%add3A_84, %dma_wait3A_107] : memref<50176x128xf32, #tpu.memory_space<hbm>> -> memref<16x128xf32, #tpu.memory_space<hbm>>
      %dma_wait3A_109 = arith.constant 0 : i32
      %dma_wait3A_110 = arith.constant 0 : i32
      %dma_wait3A_111 = tpu.memref_slice %arg9[%dma_wait3A_99, %dma_wait3A_100, %dma_wait3A_109, %dma_wait3A_110] : memref<2x2x16x128xf32, #tpu.memory_space<vmem>> -> memref<1x1x16x128xf32, #tpu.memory_space<vmem>>
      %dma_wait3A_112 = tpu.memref_squeeze %dma_wait3A_111 : memref<1x1x16x128xf32, #tpu.memory_space<vmem>> -> memref<16x128xf32, #tpu.memory_space<vmem>>
      tpu.wait_dma2 semaphore(%arg11 : memref<!tpu.dma_semaphore, #tpu.memory_space<semaphore_mem>>) src(%dma_wait3A_112 : memref<16x128xf32, #tpu.memory_space<vmem>>) dst(%dma_wait3A_108 : memref<16x128xf32, #tpu.memory_space<hbm>>)
    } else {
    }
    %eq3A_2 = arith.constant 1 : i32
    %eq3A_3 = arith.cmpi eq, %arg0, %eq3A_2 : i32
    %convert_element_type3A_4 = arith.extui %eq3A_3 : i1 to i32
    %cond3A_5 = arith.constant 0 : i32
    %cond3A_6 = arith.cmpi ne, %convert_element_type3A_4, %cond3A_5 : i32
    scf.if %cond3A_6 {
      %mul3A = arith.constant 3136 : i32
      %mul3A_7 = arith.muli %arg1, %mul3A : i32
      %add3A = arith.constant 1904 : i32
      %add3A_8 = arith.addi %mul3A_7, %add3A : i32
      %mul3A_9 = arith.constant 10 : i32
      %mul3A_10 = arith.muli %add3A_8, %mul3A_9 : i32
      %lt3A = arith.constant 15 : i32
      %lt3A_11 = arith.cmpi slt, %arg1, %lt3A : i32
      %convert_element_type3A_12 = arith.extui %lt3A_11 : i1 to i32
      %cond3A_13 = arith.constant 0 : i32
      %cond3A_14 = arith.cmpi ne, %convert_element_type3A_12, %cond3A_13 : i32
      scf.if %cond3A_14 {
        "tpu.region"() ({
          %run_scoped3A = tpu.sem_alloc : memref<!tpu.dma_semaphore, #tpu.memory_space<semaphore_mem>>
          %dma_start3A_134 = arith.constant 0 : i32
          %dma_start3A_135 = tpu.memref_slice %arg7[%dma_start3A_134] : memref<38080xi32, #tpu.memory_space<vmem>> -> memref<12320xi32, #tpu.memory_space<vmem>>
          %dma_start3A_136 = tpu.memref_slice %arg3[%mul3A_10] : memref<500000xi32, #tpu.memory_space<hbm>> -> memref<12320xi32, #tpu.memory_space<hbm>>
          %dma_start3A_137 = arith.constant 0 : i32
          %dma_start3A_138 = tpu.memref_slice %arg7[%dma_start3A_137] : memref<38080xi32, #tpu.memory_space<vmem>> -> memref<12320xi32, #tpu.memory_space<vmem>>
          %dma_start3A_139 = tpu.memref_slice %arg3[%mul3A_10] : memref<500000xi32, #tpu.memory_space<hbm>> -> memref<12320xi32, #tpu.memory_space<hbm>>
          tpu.enqueue_dma source(%dma_start3A_139 : memref<12320xi32, #tpu.memory_space<hbm>>) target(%dma_start3A_138 : memref<12320xi32, #tpu.memory_space<vmem>>) target_semaphore(%run_scoped3A : memref<!tpu.dma_semaphore, #tpu.memory_space<semaphore_mem>>)
          %dma_wait3A_140 = arith.constant 0 : i32
          %dma_wait3A_141 = tpu.memref_slice %arg7[%dma_wait3A_140] : memref<38080xi32, #tpu.memory_space<vmem>> -> memref<12320xi32, #tpu.memory_space<vmem>>
          %dma_wait3A_142 = tpu.memref_slice %arg3[%mul3A_10] : memref<500000xi32, #tpu.memory_space<hbm>> -> memref<12320xi32, #tpu.memory_space<hbm>>
          %dma_wait3A_143 = arith.constant 0 : i32
          %dma_wait3A_144 = tpu.memref_slice %arg7[%dma_wait3A_143] : memref<38080xi32, #tpu.memory_space<vmem>> -> memref<12320xi32, #tpu.memory_space<vmem>>
          %dma_wait3A_145 = tpu.memref_slice %arg3[%mul3A_10] : memref<500000xi32, #tpu.memory_space<hbm>> -> memref<12320xi32, #tpu.memory_space<hbm>>
          tpu.wait_dma2 semaphore(%run_scoped3A : memref<!tpu.dma_semaphore, #tpu.memory_space<semaphore_mem>>) src(%dma_wait3A_145 : memref<12320xi32, #tpu.memory_space<hbm>>) dst(%dma_wait3A_144 : memref<12320xi32, #tpu.memory_space<vmem>>)
          tpu.yield
        }) : () -> ()
      } else {
      }
      %eq3A_15 = arith.constant 15 : i32
      %eq3A_16 = arith.cmpi eq, %arg1, %eq3A_15 : i32
      %convert_element_type3A_17 = arith.extui %eq3A_16 : i1 to i32
      %cond3A_18 = arith.constant 0 : i32
      %cond3A_19 = arith.cmpi ne, %convert_element_type3A_17, %cond3A_18 : i32
      scf.if %cond3A_19 {
        "tpu.region"() ({
          %run_scoped3A = tpu.sem_alloc : memref<!tpu.dma_semaphore, #tpu.memory_space<semaphore_mem>>
          %dma_start3A_142 = arith.constant 0 : i32
          %dma_start3A_143 = tpu.memref_slice %arg7[%dma_start3A_142] : memref<38080xi32, #tpu.memory_space<vmem>> -> memref<10560xi32, #tpu.memory_space<vmem>>
          %dma_start3A_144 = tpu.memref_slice %arg3[%mul3A_10] : memref<500000xi32, #tpu.memory_space<hbm>> -> memref<10560xi32, #tpu.memory_space<hbm>>
          %dma_start3A_145 = arith.constant 0 : i32
          %dma_start3A_146 = tpu.memref_slice %arg7[%dma_start3A_145] : memref<38080xi32, #tpu.memory_space<vmem>> -> memref<10560xi32, #tpu.memory_space<vmem>>
          %dma_start3A_147 = tpu.memref_slice %arg3[%mul3A_10] : memref<500000xi32, #tpu.memory_space<hbm>> -> memref<10560xi32, #tpu.memory_space<hbm>>
          tpu.enqueue_dma source(%dma_start3A_147 : memref<10560xi32, #tpu.memory_space<hbm>>) target(%dma_start3A_146 : memref<10560xi32, #tpu.memory_space<vmem>>) target_semaphore(%run_scoped3A : memref<!tpu.dma_semaphore, #tpu.memory_space<semaphore_mem>>)
          %dma_wait3A_148 = arith.constant 0 : i32
          %dma_wait3A_149 = tpu.memref_slice %arg7[%dma_wait3A_148] : memref<38080xi32, #tpu.memory_space<vmem>> -> memref<10560xi32, #tpu.memory_space<vmem>>
          %dma_wait3A_150 = tpu.memref_slice %arg3[%mul3A_10] : memref<500000xi32, #tpu.memory_space<hbm>> -> memref<10560xi32, #tpu.memory_space<hbm>>
          %dma_wait3A_151 = arith.constant 0 : i32
          %dma_wait3A_152 = tpu.memref_slice %arg7[%dma_wait3A_151] : memref<38080xi32, #tpu.memory_space<vmem>> -> memref<10560xi32, #tpu.memory_space<vmem>>
          %dma_wait3A_153 = tpu.memref_slice %arg3[%mul3A_10] : memref<500000xi32, #tpu.memory_space<hbm>> -> memref<10560xi32, #tpu.memory_space<hbm>>
          tpu.wait_dma2 semaphore(%run_scoped3A : memref<!tpu.dma_semaphore, #tpu.memory_space<semaphore_mem>>) src(%dma_wait3A_153 : memref<10560xi32, #tpu.memory_space<hbm>>) dst(%dma_wait3A_152 : memref<10560xi32, #tpu.memory_space<vmem>>)
          tpu.yield
        }) : () -> ()
        %broadcast_in_dim3A = arith.constant 0 : i32
        %broadcast_in_dim3A_134 = vector.broadcast %broadcast_in_dim3A : i32 to vector<16xi32>
        %scan3A_135 = arith.constant 0 : i32
        %scan3A_136 = arith.constant 0 : i32
        %scan3A_137 = arith.constant 110 : i32
        %scan3A_138 = arith.addi %scan3A_136, %scan3A_137 : i32
        %scan3A_139 = arith.constant 1 : i32
        %scan3A_140 = scf.for %scan3A_142 = %scan3A_136 to %scan3A_138 step %scan3A_139 iter_args(%scan3A_143 = %scan3A_135) -> (i32)  : i32 {
          %mul3A_144 = arith.constant 16 : i32
          %mul3A_145 = arith.muli %scan3A_142, %mul3A_144 : i32
          %add3A_146 = arith.constant 10560 : i32
          %add3A_147 = arith.addi %add3A_146, %mul3A_145 : i32
          %swap3A = arith.index_cast %add3A_147 : i32 to index
          %swap3A_148 = tpu.vector_load %arg7[%swap3A] {strides = array<i32>} : memref<38080xi32, #tpu.memory_space<vmem>>, vector<16xi32>,
          %swap3A_149 = vector.shape_cast %swap3A_148 : vector<16xi32> to vector<16xi32>
          %swap3A_150 = vector.shape_cast %broadcast_in_dim3A_134 : vector<16xi32> to vector<16xi32>
          tpu.vector_store %arg7[%swap3A], %swap3A_150 {strides = array<i32>} : memref<38080xi32, #tpu.memory_space<vmem>>, vector<16xi32>,
          %scan3A_151 = arith.constant 0 : i32
          scf.yield %scan3A_151 : i32
        }
        %scan3A_141 = arith.constant 110 : i32
      } else {
      }
      %lt3A_20 = arith.constant 15 : i32
      %lt3A_21 = arith.cmpi slt, %arg1, %lt3A_20 : i32
      %convert_element_type3A_22 = arith.extui %lt3A_21 : i1 to i32
      %cond3A_23 = arith.constant 0 : i32
      %cond3A_24 = arith.cmpi ne, %convert_element_type3A_22, %cond3A_23 : i32
      scf.if %cond3A_24 {
        "tpu.region"() ({
          %run_scoped3A = tpu.sem_alloc : memref<!tpu.dma_semaphore, #tpu.memory_space<semaphore_mem>>
          %dma_start3A_134 = arith.constant 19040 : i32
          %dma_start3A_135 = tpu.memref_slice %arg7[%dma_start3A_134] : memref<38080xi32, #tpu.memory_space<vmem>> -> memref<12320xi32, #tpu.memory_space<vmem>>
          %dma_start3A_136 = tpu.memref_slice %arg4[%mul3A_10] : memref<500000xi32, #tpu.memory_space<hbm>> -> memref<12320xi32, #tpu.memory_space<hbm>>
          %dma_start3A_137 = arith.constant 19040 : i32
          %dma_start3A_138 = tpu.memref_slice %arg7[%dma_start3A_137] : memref<38080xi32, #tpu.memory_space<vmem>> -> memref<12320xi32, #tpu.memory_space<vmem>>
          %dma_start3A_139 = tpu.memref_slice %arg4[%mul3A_10] : memref<500000xi32, #tpu.memory_space<hbm>> -> memref<12320xi32, #tpu.memory_space<hbm>>
          tpu.enqueue_dma source(%dma_start3A_139 : memref<12320xi32, #tpu.memory_space<hbm>>) target(%dma_start3A_138 : memref<12320xi32, #tpu.memory_space<vmem>>) target_semaphore(%run_scoped3A : memref<!tpu.dma_semaphore, #tpu.memory_space<semaphore_mem>>)
          %dma_wait3A_140 = arith.constant 19040 : i32
          %dma_wait3A_141 = tpu.memref_slice %arg7[%dma_wait3A_140] : memref<38080xi32, #tpu.memory_space<vmem>> -> memref<12320xi32, #tpu.memory_space<vmem>>
          %dma_wait3A_142 = tpu.memref_slice %arg4[%mul3A_10] : memref<500000xi32, #tpu.memory_space<hbm>> -> memref<12320xi32, #tpu.memory_space<hbm>>
          %dma_wait3A_143 = arith.constant 19040 : i32
          %dma_wait3A_144 = tpu.memref_slice %arg7[%dma_wait3A_143] : memref<38080xi32, #tpu.memory_space<vmem>> -> memref<12320xi32, #tpu.memory_space<vmem>>
          %dma_wait3A_145 = tpu.memref_slice %arg4[%mul3A_10] : memref<500000xi32, #tpu.memory_space<hbm>> -> memref<12320xi32, #tpu.memory_space<hbm>>
          tpu.wait_dma2 semaphore(%run_scoped3A : memref<!tpu.dma_semaphore, #tpu.memory_space<semaphore_mem>>) src(%dma_wait3A_145 : memref<12320xi32, #tpu.memory_space<hbm>>) dst(%dma_wait3A_144 : memref<12320xi32, #tpu.memory_space<vmem>>)
          tpu.yield
        }) : () -> ()
      } else {
      }
      %eq3A_25 = arith.constant 15 : i32
      %eq3A_26 = arith.cmpi eq, %arg1, %eq3A_25 : i32
      %convert_element_type3A_27 = arith.extui %eq3A_26 : i1 to i32
      %cond3A_28 = arith.constant 0 : i32
      %cond3A_29 = arith.cmpi ne, %convert_element_type3A_27, %cond3A_28 : i32
      scf.if %cond3A_29 {
        "tpu.region"() ({
          %run_scoped3A = tpu.sem_alloc : memref<!tpu.dma_semaphore, #tpu.memory_space<semaphore_mem>>
          %dma_start3A_142 = arith.constant 19040 : i32
          %dma_start3A_143 = tpu.memref_slice %arg7[%dma_start3A_142] : memref<38080xi32, #tpu.memory_space<vmem>> -> memref<10560xi32, #tpu.memory_space<vmem>>
          %dma_start3A_144 = tpu.memref_slice %arg4[%mul3A_10] : memref<500000xi32, #tpu.memory_space<hbm>> -> memref<10560xi32, #tpu.memory_space<hbm>>
          %dma_start3A_145 = arith.constant 19040 : i32
          %dma_start3A_146 = tpu.memref_slice %arg7[%dma_start3A_145] : memref<38080xi32, #tpu.memory_space<vmem>> -> memref<10560xi32, #tpu.memory_space<vmem>>
          %dma_start3A_147 = tpu.memref_slice %arg4[%mul3A_10] : memref<500000xi32, #tpu.memory_space<hbm>> -> memref<10560xi32, #tpu.memory_space<hbm>>
          tpu.enqueue_dma source(%dma_start3A_147 : memref<10560xi32, #tpu.memory_space<hbm>>) target(%dma_start3A_146 : memref<10560xi32, #tpu.memory_space<vmem>>) target_semaphore(%run_scoped3A : memref<!tpu.dma_semaphore, #tpu.memory_space<semaphore_mem>>)
          %dma_wait3A_148 = arith.constant 19040 : i32
          %dma_wait3A_149 = tpu.memref_slice %arg7[%dma_wait3A_148] : memref<38080xi32, #tpu.memory_space<vmem>> -> memref<10560xi32, #tpu.memory_space<vmem>>
          %dma_wait3A_150 = tpu.memref_slice %arg4[%mul3A_10] : memref<500000xi32, #tpu.memory_space<hbm>> -> memref<10560xi32, #tpu.memory_space<hbm>>
          %dma_wait3A_151 = arith.constant 19040 : i32
          %dma_wait3A_152 = tpu.memref_slice %arg7[%dma_wait3A_151] : memref<38080xi32, #tpu.memory_space<vmem>> -> memref<10560xi32, #tpu.memory_space<vmem>>
          %dma_wait3A_153 = tpu.memref_slice %arg4[%mul3A_10] : memref<500000xi32, #tpu.memory_space<hbm>> -> memref<10560xi32, #tpu.memory_space<hbm>>
          tpu.wait_dma2 semaphore(%run_scoped3A : memref<!tpu.dma_semaphore, #tpu.memory_space<semaphore_mem>>) src(%dma_wait3A_153 : memref<10560xi32, #tpu.memory_space<hbm>>) dst(%dma_wait3A_152 : memref<10560xi32, #tpu.memory_space<vmem>>)
          tpu.yield
        }) : () -> ()
        %broadcast_in_dim3A = arith.constant 0 : i32
        %broadcast_in_dim3A_134 = vector.broadcast %broadcast_in_dim3A : i32 to vector<16xi32>
        %scan3A_135 = arith.constant 0 : i32
        %scan3A_136 = arith.constant 0 : i32
        %scan3A_137 = arith.constant 110 : i32
        %scan3A_138 = arith.addi %scan3A_136, %scan3A_137 : i32
        %scan3A_139 = arith.constant 1 : i32
        %scan3A_140 = scf.for %scan3A_142 = %scan3A_136 to %scan3A_138 step %scan3A_139 iter_args(%scan3A_143 = %scan3A_135) -> (i32)  : i32 {
          %mul3A_144 = arith.constant 16 : i32
          %mul3A_145 = arith.muli %scan3A_142, %mul3A_144 : i32
          %add3A_146 = arith.constant 29600 : i32
          %add3A_147 = arith.addi %add3A_146, %mul3A_145 : i32
          %swap3A = arith.index_cast %add3A_147 : i32 to index
          %swap3A_148 = tpu.vector_load %arg7[%swap3A] {strides = array<i32>} : memref<38080xi32, #tpu.memory_space<vmem>>, vector<16xi32>,
          %swap3A_149 = vector.shape_cast %swap3A_148 : vector<16xi32> to vector<16xi32>
          %swap3A_150 = vector.shape_cast %broadcast_in_dim3A_134 : vector<16xi32> to vector<16xi32>
          tpu.vector_store %arg7[%swap3A], %swap3A_150 {strides = array<i32>} : memref<38080xi32, #tpu.memory_space<vmem>>, vector<16xi32>,
          %scan3A_151 = arith.constant 0 : i32
          scf.yield %scan3A_151 : i32
        }
        %scan3A_141 = arith.constant 110 : i32
      } else {
      }
      %dma_start3A = arith.constant 0 : i32
      %dma_start3A_30 = arith.constant 0 : i32
      %dma_start3A_31 = arith.constant 0 : i32
      %dma_start3A_32 = tpu.memref_slice %arg8[%dma_start3A, %dma_start3A_30, %dma_start3A_31] : memref<3x160x128xf32, #tpu.memory_space<vmem>> -> memref<1x80x128xf32, #tpu.memory_space<vmem>>
      %dma_start3A_33 = tpu.memref_squeeze %dma_start3A_32 : memref<1x80x128xf32, #tpu.memory_space<vmem>> -> memref<80x128xf32, #tpu.memory_space<vmem>>
      %dma_start3A_34 = arith.constant 0 : i32
      %dma_start3A_35 = tpu.memref_slice %arg7[%dma_start3A_34] : memref<38080xi32, #tpu.memory_space<vmem>> -> memref<80xi32, #tpu.memory_space<vmem>>
      %dma_start3A_36 = arith.constant 0 : i32
      %dma_start3A_37 = arith.constant 0 : i32
      %dma_start3A_38 = tpu.memref_slice %arg2[%dma_start3A_36, %dma_start3A_37] : memref<50000x128xf32, #tpu.memory_space<hbm>> -> memref<50000x128xf32, #tpu.memory_space<hbm>>
      tpu.enqueue_indirect_dma source(%dma_start3A_38 : memref<50000x128xf32, #tpu.memory_space<hbm>>) target(%dma_start3A_33 : memref<80x128xf32, #tpu.memory_space<vmem>>) offsets(%dma_start3A_35 : memref<80xi32, #tpu.memory_space<vmem>>) semaphore(%arg10 : memref<!tpu.dma_semaphore, #tpu.memory_space<semaphore_mem>>)
      %dma_start3A_39 = arith.constant 0 : i32
      %dma_start3A_40 = arith.constant 80 : i32
      %dma_start3A_41 = arith.constant 0 : i32
      %dma_start3A_42 = tpu.memref_slice %arg8[%dma_start3A_39, %dma_start3A_40, %dma_start3A_41] : memref<3x160x128xf32, #tpu.memory_space<vmem>> -> memref<1x80x128xf32, #tpu.memory_space<vmem>>
      %dma_start3A_43 = tpu.memref_squeeze %dma_start3A_42 : memref<1x80x128xf32, #tpu.memory_space<vmem>> -> memref<80x128xf32, #tpu.memory_space<vmem>>
      %dma_start3A_44 = arith.constant 80 : i32
      %dma_start3A_45 = tpu.memref_slice %arg7[%dma_start3A_44] : memref<38080xi32, #tpu.memory_space<vmem>> -> memref<80xi32, #tpu.memory_space<vmem>>
      %dma_start3A_46 = arith.constant 0 : i32
      %dma_start3A_47 = arith.constant 0 : i32
      %dma_start3A_48 = tpu.memref_slice %arg2[%dma_start3A_46, %dma_start3A_47] : memref<50000x128xf32, #tpu.memory_space<hbm>> -> memref<50000x128xf32, #tpu.memory_space<hbm>>
      tpu.enqueue_indirect_dma source(%dma_start3A_48 : memref<50000x128xf32, #tpu.memory_space<hbm>>) target(%dma_start3A_43 : memref<80x128xf32, #tpu.memory_space<vmem>>) offsets(%dma_start3A_45 : memref<80xi32, #tpu.memory_space<vmem>>) semaphore(%arg10 : memref<!tpu.dma_semaphore, #tpu.memory_space<semaphore_mem>>)
      %dma_start3A_49 = arith.constant 1 : i32
      %dma_start3A_50 = arith.constant 0 : i32
      %dma_start3A_51 = arith.constant 0 : i32
      %dma_start3A_52 = tpu.memref_slice %arg8[%dma_start3A_49, %dma_start3A_50, %dma_start3A_51] : memref<3x160x128xf32, #tpu.memory_space<vmem>> -> memref<1x80x128xf32, #tpu.memory_space<vmem>>
      %dma_start3A_53 = tpu.memref_squeeze %dma_start3A_52 : memref<1x80x128xf32, #tpu.memory_space<vmem>> -> memref<80x128xf32, #tpu.memory_space<vmem>>
      %dma_start3A_54 = arith.constant 19040 : i32
      %dma_start3A_55 = tpu.memref_slice %arg7[%dma_start3A_54] : memref<38080xi32, #tpu.memory_space<vmem>> -> memref<80xi32, #tpu.memory_space<vmem>>
      %dma_start3A_56 = arith.constant 0 : i32
      %dma_start3A_57 = arith.constant 0 : i32
      %dma_start3A_58 = tpu.memref_slice %arg2[%dma_start3A_56, %dma_start3A_57] : memref<50000x128xf32, #tpu.memory_space<hbm>> -> memref<50000x128xf32, #tpu.memory_space<hbm>>
      tpu.enqueue_indirect_dma source(%dma_start3A_58 : memref<50000x128xf32, #tpu.memory_space<hbm>>) target(%dma_start3A_53 : memref<80x128xf32, #tpu.memory_space<vmem>>) offsets(%dma_start3A_55 : memref<80xi32, #tpu.memory_space<vmem>>) semaphore(%arg10 : memref<!tpu.dma_semaphore, #tpu.memory_space<semaphore_mem>>)
      %dma_start3A_59 = arith.constant 1 : i32
      %dma_start3A_60 = arith.constant 80 : i32
      %dma_start3A_61 = arith.constant 0 : i32
      %dma_start3A_62 = tpu.memref_slice %arg8[%dma_start3A_59, %dma_start3A_60, %dma_start3A_61] : memref<3x160x128xf32, #tpu.memory_space<vmem>> -> memref<1x80x128xf32, #tpu.memory_space<vmem>>
      %dma_start3A_63 = tpu.memref_squeeze %dma_start3A_62 : memref<1x80x128xf32, #tpu.memory_space<vmem>> -> memref<80x128xf32, #tpu.memory_space<vmem>>
      %dma_start3A_64 = arith.constant 19120 : i32
      %dma_start3A_65 = tpu.memref_slice %arg7[%dma_start3A_64] : memref<38080xi32, #tpu.memory_space<vmem>> -> memref<80xi32, #tpu.memory_space<vmem>>
      %dma_start3A_66 = arith.constant 0 : i32
      %dma_start3A_67 = arith.constant 0 : i32
      %dma_start3A_68 = tpu.memref_slice %arg2[%dma_start3A_66, %dma_start3A_67] : memref<50000x128xf32, #tpu.memory_space<hbm>> -> memref<50000x128xf32, #tpu.memory_space<hbm>>
      tpu.enqueue_indirect_dma source(%dma_start3A_68 : memref<50000x128xf32, #tpu.memory_space<hbm>>) target(%dma_start3A_63 : memref<80x128xf32, #tpu.memory_space<vmem>>) offsets(%dma_start3A_65 : memref<80xi32, #tpu.memory_space<vmem>>) semaphore(%arg10 : memref<!tpu.dma_semaphore, #tpu.memory_space<semaphore_mem>>)
      %scan3A = arith.constant 0 : i32
      %scan3A_69 = arith.constant 0 : i32
      %scan3A_70 = arith.constant 154 : i32
      %scan3A_71 = arith.addi %scan3A_69, %scan3A_70 : i32
      %scan3A_72 = arith.constant 1 : i32
      %scan3A_73 = scf.for %scan3A_134 = %scan3A_69 to %scan3A_71 step %scan3A_72 iter_args(%scan3A_135 = %scan3A) -> (i32)  : i32 {
        %jit3A = arith.constant 2 : i32
        %div3A = arith.divsi %scan3A_134, %jit3A : i32
        %sign3A = arith.constant 0 : i32
        %sign3A_136 = arith.cmpi sgt, %scan3A_134, %sign3A : i32
        %sign3A_137 = arith.extui %sign3A_136 : i1 to i32
        %sign3A_138 = arith.constant 0 : i32
        %sign3A_139 = arith.cmpi slt, %scan3A_134, %sign3A_138 : i32
        %sign3A_140 = arith.extui %sign3A_139 : i1 to i32
        %sign3A_141 = arith.subi %sign3A_137, %sign3A_140 : i32
        %sign3A_142 = arith.constant 0 : i32
        %sign3A_143 = arith.cmpi sgt, %jit3A, %sign3A_142 : i32
        %sign3A_144 = arith.extui %sign3A_143 : i1 to i32
        %sign3A_145 = arith.constant 0 : i32
        %sign3A_146 = arith.cmpi slt, %jit3A, %sign3A_145 : i32
        %sign3A_147 = arith.extui %sign3A_146 : i1 to i32
        %sign3A_148 = arith.subi %sign3A_144, %sign3A_147 : i32
        %ne3A = arith.cmpi ne, %sign3A_141, %sign3A_148 : i32
        %rem3A = arith.remsi %scan3A_134, %jit3A : i32
        %ne3A_149 = arith.constant 0 : i32
        %ne3A_150 = arith.cmpi ne, %rem3A, %ne3A_149 : i32
        %and3A = arith.andi %ne3A, %ne3A_150 : i1
        %sub3A = arith.constant 1 : i32
        %sub3A_151 = arith.subi %div3A, %sub3A : i32
        %select_n3A = arith.select %and3A, %sub3A_151, %div3A : i32
        %jit3A_152 = arith.constant 2 : i32
        %eq3A_153 = arith.constant 0 : i32
        %eq3A_154 = arith.cmpi eq, %jit3A_152, %eq3A_153 : i32
        %jit3A_155 = arith.constant 1 : i32
        %select_n3A_156 = arith.select %eq3A_154, %jit3A_155, %jit3A_152 : i32
        %rem3A_157 = arith.remsi %scan3A_134, %select_n3A_156 : i32
        %ne3A_158 = arith.constant 0 : i32
        %ne3A_159 = arith.cmpi ne, %rem3A_157, %ne3A_158 : i32
        %lt3A_160 = arith.constant 0 : i32
        %lt3A_161 = arith.cmpi slt, %rem3A_157, %lt3A_160 : i32
        %lt3A_162 = arith.constant 0 : i32
        %lt3A_163 = arith.cmpi slt, %select_n3A_156, %lt3A_162 : i32
        %ne3A_164 = arith.xori %lt3A_161, %lt3A_163 : i1
        %and3A_165 = arith.andi %ne3A_164, %ne3A_159 : i1
        %add3A_166 = arith.addi %rem3A_157, %select_n3A_156 : i32
        %select_n3A_167 = arith.select %and3A_165, %add3A_166, %rem3A_157 : i32
        %jit3A_168 = arith.constant 3 : i32
        %eq3A_169 = arith.constant 0 : i32
        %eq3A_170 = arith.cmpi eq, %jit3A_168, %eq3A_169 : i32
        %jit3A_171 = arith.constant 1 : i32
        %select_n3A_172 = arith.select %eq3A_170, %jit3A_171, %jit3A_168 : i32
        %rem3A_173 = arith.remsi %scan3A_134, %select_n3A_172 : i32
        %ne3A_174 = arith.constant 0 : i32
        %ne3A_175 = arith.cmpi ne, %rem3A_173, %ne3A_174 : i32
        %lt3A_176 = arith.constant 0 : i32
        %lt3A_177 = arith.cmpi slt, %rem3A_173, %lt3A_176 : i32
        %lt3A_178 = arith.constant 0 : i32
        %lt3A_179 = arith.cmpi slt, %select_n3A_172, %lt3A_178 : i32
        %ne3A_180 = arith.xori %lt3A_177, %lt3A_179 : i1
        %and3A_181 = arith.andi %ne3A_180, %ne3A_175 : i1
        %add3A_182 = arith.addi %rem3A_173, %select_n3A_172 : i32
        %select_n3A_183 = arith.select %and3A_181, %add3A_182, %rem3A_173 : i32
        %jit3A_184 = arith.constant 2 : i32
        %eq3A_185 = arith.constant 0 : i32
        %eq3A_186 = arith.cmpi eq, %jit3A_184, %eq3A_185 : i32
        %jit3A_187 = arith.constant 1 : i32
        %select_n3A_188 = arith.select %eq3A_186, %jit3A_187, %jit3A_184 : i32
        %rem3A_189 = arith.remsi %select_n3A, %select_n3A_188 : i32
        %ne3A_190 = arith.constant 0 : i32
        %ne3A_191 = arith.cmpi ne, %rem3A_189, %ne3A_190 : i32
        %lt3A_192 = arith.constant 0 : i32
        %lt3A_193 = arith.cmpi slt, %rem3A_189, %lt3A_192 : i32
        %lt3A_194 = arith.constant 0 : i32
        %lt3A_195 = arith.cmpi slt, %select_n3A_188, %lt3A_194 : i32
        %ne3A_196 = arith.xori %lt3A_193, %lt3A_195 : i1
        %and3A_197 = arith.andi %ne3A_196, %ne3A_191 : i1
        %add3A_198 = arith.addi %rem3A_189, %select_n3A_188 : i32
        %select_n3A_199 = arith.select %and3A_197, %add3A_198, %rem3A_189 : i32
        %add3A_200 = arith.constant 2 : i32
        %add3A_201 = arith.addi %scan3A_134, %add3A_200 : i32
        %lt3A_202 = arith.constant 154 : i32
        %lt3A_203 = arith.cmpi slt, %add3A_201, %lt3A_202 : i32
        %convert_element_type3A_204 = arith.extui %lt3A_203 : i1 to i32
        %cond3A_205 = arith.constant 0 : i32
        %cond3A_206 = arith.cmpi ne, %convert_element_type3A_204, %cond3A_205 : i32
        scf.if %cond3A_206 {
          %add3A_376 = arith.constant 2 : i32
          %add3A_377 = arith.addi %scan3A_134, %add3A_376 : i32
          %jit3A_378 = arith.constant 2 : i32
          %div3A_379 = arith.divsi %add3A_377, %jit3A_378 : i32
          %sign3A_380 = arith.constant 0 : i32
          %sign3A_381 = arith.cmpi sgt, %add3A_377, %sign3A_380 : i32
          %sign3A_382 = arith.extui %sign3A_381 : i1 to i32
          %sign3A_383 = arith.constant 0 : i32
          %sign3A_384 = arith.cmpi slt, %add3A_377, %sign3A_383 : i32
          %sign3A_385 = arith.extui %sign3A_384 : i1 to i32
          %sign3A_386 = arith.subi %sign3A_382, %sign3A_385 : i32
          %sign3A_387 = arith.constant 0 : i32
          %sign3A_388 = arith.cmpi sgt, %jit3A_378, %sign3A_387 : i32
          %sign3A_389 = arith.extui %sign3A_388 : i1 to i32
          %sign3A_390 = arith.constant 0 : i32
          %sign3A_391 = arith.cmpi slt, %jit3A_378, %sign3A_390 : i32
          %sign3A_392 = arith.extui %sign3A_391 : i1 to i32
          %sign3A_393 = arith.subi %sign3A_389, %sign3A_392 : i32
          %ne3A_394 = arith.cmpi ne, %sign3A_386, %sign3A_393 : i32
          %rem3A_395 = arith.remsi %add3A_377, %jit3A_378 : i32
          %ne3A_396 = arith.constant 0 : i32
          %ne3A_397 = arith.cmpi ne, %rem3A_395, %ne3A_396 : i32
          %and3A_398 = arith.andi %ne3A_394, %ne3A_397 : i1
          %sub3A_399 = arith.constant 1 : i32
          %sub3A_400 = arith.subi %div3A_379, %sub3A_399 : i32
          %select_n3A_401 = arith.select %and3A_398, %sub3A_400, %div3A_379 : i32
          %jit3A_402 = arith.constant 2 : i32
          %eq3A_403 = arith.constant 0 : i32
          %eq3A_404 = arith.cmpi eq, %jit3A_402, %eq3A_403 : i32
          %jit3A_405 = arith.constant 1 : i32
          %select_n3A_406 = arith.select %eq3A_404, %jit3A_405, %jit3A_402 : i32
          %rem3A_407 = arith.remsi %add3A_377, %select_n3A_406 : i32
          %ne3A_408 = arith.constant 0 : i32
          %ne3A_409 = arith.cmpi ne, %rem3A_407, %ne3A_408 : i32
          %lt3A_410 = arith.constant 0 : i32
          %lt3A_411 = arith.cmpi slt, %rem3A_407, %lt3A_410 : i32
          %lt3A_412 = arith.constant 0 : i32
          %lt3A_413 = arith.cmpi slt, %select_n3A_406, %lt3A_412 : i32
          %ne3A_414 = arith.xori %lt3A_411, %lt3A_413 : i1
          %and3A_415 = arith.andi %ne3A_414, %ne3A_409 : i1
          %add3A_416 = arith.addi %rem3A_407, %select_n3A_406 : i32
          %select_n3A_417 = arith.select %and3A_415, %add3A_416, %rem3A_407 : i32
          %jit3A_418 = arith.constant 3 : i32
          %eq3A_419 = arith.constant 0 : i32
          %eq3A_420 = arith.cmpi eq, %jit3A_418, %eq3A_419 : i32
          %jit3A_421 = arith.constant 1 : i32
          %select_n3A_422 = arith.select %eq3A_420, %jit3A_421, %jit3A_418 : i32
          %rem3A_423 = arith.remsi %add3A_377, %select_n3A_422 : i32
          %ne3A_424 = arith.constant 0 : i32
          %ne3A_425 = arith.cmpi ne, %rem3A_423, %ne3A_424 : i32
          %lt3A_426 = arith.constant 0 : i32
          %lt3A_427 = arith.cmpi slt, %rem3A_423, %lt3A_426 : i32
          %lt3A_428 = arith.constant 0 : i32
          %lt3A_429 = arith.cmpi slt, %select_n3A_422, %lt3A_428 : i32
          %ne3A_430 = arith.xori %lt3A_427, %lt3A_429 : i1
          %and3A_431 = arith.andi %ne3A_430, %ne3A_425 : i1
          %add3A_432 = arith.addi %rem3A_423, %select_n3A_422 : i32
          %select_n3A_433 = arith.select %and3A_431, %add3A_432, %rem3A_423 : i32
          %mul3A_434 = arith.constant 19040 : i32
          %mul3A_435 = arith.muli %select_n3A_417, %mul3A_434 : i32
          %mul3A_436 = arith.constant 160 : i32
          %mul3A_437 = arith.muli %select_n3A_401, %mul3A_436 : i32
          %add3A_438 = arith.addi %mul3A_435, %mul3A_437 : i32
          %add3A_439 = arith.constant 0 : i32
          %add3A_440 = arith.addi %add3A_438, %add3A_439 : i32
          %dma_start3A_441 = arith.constant 0 : i32
          %dma_start3A_442 = arith.constant 0 : i32
          %dma_start3A_443 = tpu.memref_slice %arg8[%select_n3A_433, %dma_start3A_441, %dma_start3A_442] : memref<3x160x128xf32, #tpu.memory_space<vmem>> -> memref<1x80x128xf32, #tpu.memory_space<vmem>>
          %dma_start3A_444 = tpu.memref_squeeze %dma_start3A_443 : memref<1x80x128xf32, #tpu.memory_space<vmem>> -> memref<80x128xf32, #tpu.memory_space<vmem>>
          %dma_start3A_445 = tpu.memref_slice %arg7[%add3A_440] : memref<38080xi32, #tpu.memory_space<vmem>> -> memref<80xi32, #tpu.memory_space<vmem>>
          %dma_start3A_446 = arith.constant 0 : i32
          %dma_start3A_447 = arith.constant 0 : i32
          %dma_start3A_448 = tpu.memref_slice %arg2[%dma_start3A_446, %dma_start3A_447] : memref<50000x128xf32, #tpu.memory_space<hbm>> -> memref<50000x128xf32, #tpu.memory_space<hbm>>
          tpu.enqueue_indirect_dma source(%dma_start3A_448 : memref<50000x128xf32, #tpu.memory_space<hbm>>) target(%dma_start3A_444 : memref<80x128xf32, #tpu.memory_space<vmem>>) offsets(%dma_start3A_445 : memref<80xi32, #tpu.memory_space<vmem>>) semaphore(%arg10 : memref<!tpu.dma_semaphore, #tpu.memory_space<semaphore_mem>>)
          %jit3A_449 = arith.constant 2 : i32
          %div3A_450 = arith.divsi %add3A_377, %jit3A_449 : i32
          %sign3A_451 = arith.constant 0 : i32
          %sign3A_452 = arith.cmpi sgt, %add3A_377, %sign3A_451 : i32
          %sign3A_453 = arith.extui %sign3A_452 : i1 to i32
          %sign3A_454 = arith.constant 0 : i32
          %sign3A_455 = arith.cmpi slt, %add3A_377, %sign3A_454 : i32
          %sign3A_456 = arith.extui %sign3A_455 : i1 to i32
          %sign3A_457 = arith.subi %sign3A_453, %sign3A_456 : i32
          %sign3A_458 = arith.constant 0 : i32
          %sign3A_459 = arith.cmpi sgt, %jit3A_449, %sign3A_458 : i32
          %sign3A_460 = arith.extui %sign3A_459 : i1 to i32
          %sign3A_461 = arith.constant 0 : i32
          %sign3A_462 = arith.cmpi slt, %jit3A_449, %sign3A_461 : i32
          %sign3A_463 = arith.extui %sign3A_462 : i1 to i32
          %sign3A_464 = arith.subi %sign3A_460, %sign3A_463 : i32
          %ne3A_465 = arith.cmpi ne, %sign3A_457, %sign3A_464 : i32
          %rem3A_466 = arith.remsi %add3A_377, %jit3A_449 : i32
          %ne3A_467 = arith.constant 0 : i32
          %ne3A_468 = arith.cmpi ne, %rem3A_466, %ne3A_467 : i32
          %and3A_469 = arith.andi %ne3A_465, %ne3A_468 : i1
          %sub3A_470 = arith.constant 1 : i32
          %sub3A_471 = arith.subi %div3A_450, %sub3A_470 : i32
          %select_n3A_472 = arith.select %and3A_469, %sub3A_471, %div3A_450 : i32
          %jit3A_473 = arith.constant 2 : i32
          %eq3A_474 = arith.constant 0 : i32
          %eq3A_475 = arith.cmpi eq, %jit3A_473, %eq3A_474 : i32
          %jit3A_476 = arith.constant 1 : i32
          %select_n3A_477 = arith.select %eq3A_475, %jit3A_476, %jit3A_473 : i32
          %rem3A_478 = arith.remsi %add3A_377, %select_n3A_477 : i32
          %ne3A_479 = arith.constant 0 : i32
          %ne3A_480 = arith.cmpi ne, %rem3A_478, %ne3A_479 : i32
          %lt3A_481 = arith.constant 0 : i32
          %lt3A_482 = arith.cmpi slt, %rem3A_478, %lt3A_481 : i32
          %lt3A_483 = arith.constant 0 : i32
          %lt3A_484 = arith.cmpi slt, %select_n3A_477, %lt3A_483 : i32
          %ne3A_485 = arith.xori %lt3A_482, %lt3A_484 : i1
          %and3A_486 = arith.andi %ne3A_485, %ne3A_480 : i1
          %add3A_487 = arith.addi %rem3A_478, %select_n3A_477 : i32
          %select_n3A_488 = arith.select %and3A_486, %add3A_487, %rem3A_478 : i32
          %jit3A_489 = arith.constant 3 : i32
          %eq3A_490 = arith.constant 0 : i32
          %eq3A_491 = arith.cmpi eq, %jit3A_489, %eq3A_490 : i32
          %jit3A_492 = arith.constant 1 : i32
          %select_n3A_493 = arith.select %eq3A_491, %jit3A_492, %jit3A_489 : i32
          %rem3A_494 = arith.remsi %add3A_377, %select_n3A_493 : i32
          %ne3A_495 = arith.constant 0 : i32
          %ne3A_496 = arith.cmpi ne, %rem3A_494, %ne3A_495 : i32
          %lt3A_497 = arith.constant 0 : i32
          %lt3A_498 = arith.cmpi slt, %rem3A_494, %lt3A_497 : i32
          %lt3A_499 = arith.constant 0 : i32
          %lt3A_500 = arith.cmpi slt, %select_n3A_493, %lt3A_499 : i32
          %ne3A_501 = arith.xori %lt3A_498, %lt3A_500 : i1
          %and3A_502 = arith.andi %ne3A_501, %ne3A_496 : i1
          %add3A_503 = arith.addi %rem3A_494, %select_n3A_493 : i32
          %select_n3A_504 = arith.select %and3A_502, %add3A_503, %rem3A_494 : i32
          %mul3A_505 = arith.constant 19040 : i32
          %mul3A_506 = arith.muli %select_n3A_488, %mul3A_505 : i32
          %mul3A_507 = arith.constant 160 : i32
          %mul3A_508 = arith.muli %select_n3A_472, %mul3A_507 : i32
          %add3A_509 = arith.addi %mul3A_506, %mul3A_508 : i32
          %add3A_510 = arith.constant 80 : i32
          %add3A_511 = arith.addi %add3A_509, %add3A_510 : i32
          %dma_start3A_512 = arith.constant 80 : i32
          %dma_start3A_513 = arith.constant 0 : i32
          %dma_start3A_514 = tpu.memref_slice %arg8[%select_n3A_504, %dma_start3A_512, %dma_start3A_513] : memref<3x160x128xf32, #tpu.memory_space<vmem>> -> memref<1x80x128xf32, #tpu.memory_space<vmem>>
          %dma_start3A_515 = tpu.memref_squeeze %dma_start3A_514 : memref<1x80x128xf32, #tpu.memory_space<vmem>> -> memref<80x128xf32, #tpu.memory_space<vmem>>
          %dma_start3A_516 = tpu.memref_slice %arg7[%add3A_511] : memref<38080xi32, #tpu.memory_space<vmem>> -> memref<80xi32, #tpu.memory_space<vmem>>
          %dma_start3A_517 = arith.constant 0 : i32
          %dma_start3A_518 = arith.constant 0 : i32
          %dma_start3A_519 = tpu.memref_slice %arg2[%dma_start3A_517, %dma_start3A_518] : memref<50000x128xf32, #tpu.memory_space<hbm>> -> memref<50000x128xf32, #tpu.memory_space<hbm>>
          tpu.enqueue_indirect_dma source(%dma_start3A_519 : memref<50000x128xf32, #tpu.memory_space<hbm>>) target(%dma_start3A_515 : memref<80x128xf32, #tpu.memory_space<vmem>>) offsets(%dma_start3A_516 : memref<80xi32, #tpu.memory_space<vmem>>) semaphore(%arg10 : memref<!tpu.dma_semaphore, #tpu.memory_space<semaphore_mem>>)
        } else {
        }
        %eq3A_207 = arith.constant 0 : i32
        %eq3A_208 = arith.cmpi eq, %select_n3A_167, %eq3A_207 : i32
        %ge3A = arith.constant 2 : i32
        %ge3A_209 = arith.cmpi sge, %select_n3A, %ge3A : i32
        %and3A_210 = arith.andi %eq3A_208, %ge3A_209 : i1
        %convert_element_type3A_211 = arith.extui %and3A_210 : i1 to i32
        %cond3A_212 = arith.constant 0 : i32
        %cond3A_213 = arith.cmpi ne, %convert_element_type3A_211, %cond3A_212 : i32
        scf.if %cond3A_213 {
          %sub3A_376 = arith.constant 2 : i32
          %sub3A_377 = arith.subi %select_n3A, %sub3A_376 : i32
          %jit3A_378 = arith.constant 2 : i32
          %eq3A_379 = arith.constant 0 : i32
          %eq3A_380 = arith.cmpi eq, %jit3A_378, %eq3A_379 : i32
          %jit3A_381 = arith.constant 1 : i32
          %select_n3A_382 = arith.select %eq3A_380, %jit3A_381, %jit3A_378 : i32
          %rem3A_383 = arith.remsi %sub3A_377, %select_n3A_382 : i32
          %ne3A_384 = arith.constant 0 : i32
          %ne3A_385 = arith.cmpi ne, %rem3A_383, %ne3A_384 : i32
          %lt3A_386 = arith.constant 0 : i32
          %lt3A_387 = arith.cmpi slt, %rem3A_383, %lt3A_386 : i32
          %lt3A_388 = arith.constant 0 : i32
          %lt3A_389 = arith.cmpi slt, %select_n3A_382, %lt3A_388 : i32
          %ne3A_390 = arith.xori %lt3A_387, %lt3A_389 : i1
          %and3A_391 = arith.andi %ne3A_390, %ne3A_385 : i1
          %add3A_392 = arith.addi %rem3A_383, %select_n3A_382 : i32
          %select_n3A_393 = arith.select %and3A_391, %add3A_392, %rem3A_383 : i32
          %mul3A_394 = arith.constant 16 : i32
          %mul3A_395 = arith.muli %sub3A_377, %mul3A_394 : i32
          %add3A_396 = arith.addi %add3A_8, %mul3A_395 : i32
          %dma_wait3A_397 = arith.constant 0 : i32
          %dma_wait3A_398 = arith.constant 0 : i32
          %dma_wait3A_399 = arith.constant 0 : i32
          %dma_wait3A_400 = tpu.memref_slice %arg9[%select_n3A_393, %dma_wait3A_397, %dma_wait3A_398, %dma_wait3A_399] : memref<2x2x16x128xf32, #tpu.memory_space<vmem>> -> memref<1x1x16x128xf32, #tpu.memory_space<vmem>>
          %dma_wait3A_401 = tpu.memref_squeeze %dma_wait3A_400 : memref<1x1x16x128xf32, #tpu.memory_space<vmem>> -> memref<16x128xf32, #tpu.memory_space<vmem>>
          %dma_wait3A_402 = arith.constant 0 : i32
          %dma_wait3A_403 = tpu.memref_slice %arg5[%add3A_396, %dma_wait3A_402] : memref<50176x128xf32, #tpu.memory_space<hbm>> -> memref<16x128xf32, #tpu.memory_space<hbm>>
          %dma_wait3A_404 = arith.constant 0 : i32
          %dma_wait3A_405 = tpu.memref_slice %arg5[%add3A_396, %dma_wait3A_404] : memref<50176x128xf32, #tpu.memory_space<hbm>> -> memref<16x128xf32, #tpu.memory_space<hbm>>
          %dma_wait3A_406 = arith.constant 0 : i32
          %dma_wait3A_407 = arith.constant 0 : i32
          %dma_wait3A_408 = tpu.memref_slice %arg9[%select_n3A_393, %dma_wait3A_397, %dma_wait3A_406, %dma_wait3A_407] : memref<2x2x16x128xf32, #tpu.memory_space<vmem>> -> memref<1x1x16x128xf32, #tpu.memory_space<vmem>>
          %dma_wait3A_409 = tpu.memref_squeeze %dma_wait3A_408 : memref<1x1x16x128xf32, #tpu.memory_space<vmem>> -> memref<16x128xf32, #tpu.memory_space<vmem>>
          tpu.wait_dma2 semaphore(%arg11 : memref<!tpu.dma_semaphore, #tpu.memory_space<semaphore_mem>>) src(%dma_wait3A_409 : memref<16x128xf32, #tpu.memory_space<vmem>>) dst(%dma_wait3A_405 : memref<16x128xf32, #tpu.memory_space<hbm>>)
          %dma_wait3A_410 = arith.constant 1 : i32
          %dma_wait3A_411 = arith.constant 0 : i32
          %dma_wait3A_412 = arith.constant 0 : i32
          %dma_wait3A_413 = tpu.memref_slice %arg9[%select_n3A_393, %dma_wait3A_410, %dma_wait3A_411, %dma_wait3A_412] : memref<2x2x16x128xf32, #tpu.memory_space<vmem>> -> memref<1x1x16x128xf32, #tpu.memory_space<vmem>>
          %dma_wait3A_414 = tpu.memref_squeeze %dma_wait3A_413 : memref<1x1x16x128xf32, #tpu.memory_space<vmem>> -> memref<16x128xf32, #tpu.memory_space<vmem>>
          %dma_wait3A_415 = arith.constant 0 : i32
          %dma_wait3A_416 = tpu.memref_slice %arg6[%add3A_396, %dma_wait3A_415] : memref<50176x128xf32, #tpu.memory_space<hbm>> -> memref<16x128xf32, #tpu.memory_space<hbm>>
          %dma_wait3A_417 = arith.constant 0 : i32
          %dma_wait3A_418 = tpu.memref_slice %arg6[%add3A_396, %dma_wait3A_417] : memref<50176x128xf32, #tpu.memory_space<hbm>> -> memref<16x128xf32, #tpu.memory_space<hbm>>
          %dma_wait3A_419 = arith.constant 0 : i32
          %dma_wait3A_420 = arith.constant 0 : i32
          %dma_wait3A_421 = tpu.memref_slice %arg9[%select_n3A_393, %dma_wait3A_410, %dma_wait3A_419, %dma_wait3A_420] : memref<2x2x16x128xf32, #tpu.memory_space<vmem>> -> memref<1x1x16x128xf32, #tpu.memory_space<vmem>>
          %dma_wait3A_422 = tpu.memref_squeeze %dma_wait3A_421 : memref<1x1x16x128xf32, #tpu.memory_space<vmem>> -> memref<16x128xf32, #tpu.memory_space<vmem>>
          tpu.wait_dma2 semaphore(%arg11 : memref<!tpu.dma_semaphore, #tpu.memory_space<semaphore_mem>>) src(%dma_wait3A_422 : memref<16x128xf32, #tpu.memory_space<vmem>>) dst(%dma_wait3A_418 : memref<16x128xf32, #tpu.memory_space<hbm>>)
        } else {
        }
        %jit3A_214 = arith.constant 2 : i32
        %div3A_215 = arith.divsi %scan3A_134, %jit3A_214 : i32
        %sign3A_216 = arith.constant 0 : i32
        %sign3A_217 = arith.cmpi sgt, %scan3A_134, %sign3A_216 : i32
        %sign3A_218 = arith.extui %sign3A_217 : i1 to i32
        %sign3A_219 = arith.constant 0 : i32
        %sign3A_220 = arith.cmpi slt, %scan3A_134, %sign3A_219 : i32
        %sign3A_221 = arith.extui %sign3A_220 : i1 to i32
        %sign3A_222 = arith.subi %sign3A_218, %sign3A_221 : i32
        %sign3A_223 = arith.constant 0 : i32
        %sign3A_224 = arith.cmpi sgt, %jit3A_214, %sign3A_223 : i32
        %sign3A_225 = arith.extui %sign3A_224 : i1 to i32
        %sign3A_226 = arith.constant 0 : i32
        %sign3A_227 = arith.cmpi slt, %jit3A_214, %sign3A_226 : i32
        %sign3A_228 = arith.extui %sign3A_227 : i1 to i32
        %sign3A_229 = arith.subi %sign3A_225, %sign3A_228 : i32
        %ne3A_230 = arith.cmpi ne, %sign3A_222, %sign3A_229 : i32
        %rem3A_231 = arith.remsi %scan3A_134, %jit3A_214 : i32
        %ne3A_232 = arith.constant 0 : i32
        %ne3A_233 = arith.cmpi ne, %rem3A_231, %ne3A_232 : i32
        %and3A_234 = arith.andi %ne3A_230, %ne3A_233 : i1
        %sub3A_235 = arith.constant 1 : i32
        %sub3A_236 = arith.subi %div3A_215, %sub3A_235 : i32
        %select_n3A_237 = arith.select %and3A_234, %sub3A_236, %div3A_215 : i32
        %jit3A_238 = arith.constant 2 : i32
        %eq3A_239 = arith.constant 0 : i32
        %eq3A_240 = arith.cmpi eq, %jit3A_238, %eq3A_239 : i32
        %jit3A_241 = arith.constant 1 : i32
        %select_n3A_242 = arith.select %eq3A_240, %jit3A_241, %jit3A_238 : i32
        %rem3A_243 = arith.remsi %scan3A_134, %select_n3A_242 : i32
        %ne3A_244 = arith.constant 0 : i32
        %ne3A_245 = arith.cmpi ne, %rem3A_243, %ne3A_244 : i32
        %lt3A_246 = arith.constant 0 : i32
        %lt3A_247 = arith.cmpi slt, %rem3A_243, %lt3A_246 : i32
        %lt3A_248 = arith.constant 0 : i32
        %lt3A_249 = arith.cmpi slt, %select_n3A_242, %lt3A_248 : i32
        %ne3A_250 = arith.xori %lt3A_247, %lt3A_249 : i1
        %and3A_251 = arith.andi %ne3A_250, %ne3A_245 : i1
        %add3A_252 = arith.addi %rem3A_243, %select_n3A_242 : i32
        %select_n3A_253 = arith.select %and3A_251, %add3A_252, %rem3A_243 : i32
        %jit3A_254 = arith.constant 3 : i32
        %eq3A_255 = arith.constant 0 : i32
        %eq3A_256 = arith.cmpi eq, %jit3A_254, %eq3A_255 : i32
        %jit3A_257 = arith.constant 1 : i32
        %select_n3A_258 = arith.select %eq3A_256, %jit3A_257, %jit3A_254 : i32
        %rem3A_259 = arith.remsi %scan3A_134, %select_n3A_258 : i32
        %ne3A_260 = arith.constant 0 : i32
        %ne3A_261 = arith.cmpi ne, %rem3A_259, %ne3A_260 : i32
        %lt3A_262 = arith.constant 0 : i32
        %lt3A_263 = arith.cmpi slt, %rem3A_259, %lt3A_262 : i32
        %lt3A_264 = arith.constant 0 : i32
        %lt3A_265 = arith.cmpi slt, %select_n3A_258, %lt3A_264 : i32
        %ne3A_266 = arith.xori %lt3A_263, %lt3A_265 : i1
        %and3A_267 = arith.andi %ne3A_266, %ne3A_261 : i1
        %add3A_268 = arith.addi %rem3A_259, %select_n3A_258 : i32
        %select_n3A_269 = arith.select %and3A_267, %add3A_268, %rem3A_259 : i32
        %mul3A_270 = arith.constant 19040 : i32
        %mul3A_271 = arith.muli %select_n3A_253, %mul3A_270 : i32
        %mul3A_272 = arith.constant 160 : i32
        %mul3A_273 = arith.muli %select_n3A_237, %mul3A_272 : i32
        %add3A_274 = arith.addi %mul3A_271, %mul3A_273 : i32
        %add3A_275 = arith.constant 0 : i32
        %add3A_276 = arith.addi %add3A_274, %add3A_275 : i32
        %dma_wait3A_277 = arith.constant 0 : i32
        %dma_wait3A_278 = arith.constant 0 : i32
        %dma_wait3A_279 = tpu.memref_slice %arg8[%select_n3A_269, %dma_wait3A_277, %dma_wait3A_278] : memref<3x160x128xf32, #tpu.memory_space<vmem>> -> memref<1x80x128xf32, #tpu.memory_space<vmem>>
        %dma_wait3A_280 = tpu.memref_squeeze %dma_wait3A_279 : memref<1x80x128xf32, #tpu.memory_space<vmem>> -> memref<80x128xf32, #tpu.memory_space<vmem>>
        %dma_wait3A_281 = tpu.memref_slice %arg7[%add3A_276] : memref<38080xi32, #tpu.memory_space<vmem>> -> memref<80xi32, #tpu.memory_space<vmem>>
        %dma_wait3A_282 = arith.constant 0 : i32
        %dma_wait3A_283 = arith.constant 0 : i32
        %dma_wait3A_284 = tpu.memref_slice %arg2[%dma_wait3A_282, %dma_wait3A_283] : memref<50000x128xf32, #tpu.memory_space<hbm>> -> memref<50000x128xf32, #tpu.memory_space<hbm>>
        tpu.wait_indirect_dma semaphore(%arg10 : memref<!tpu.dma_semaphore, #tpu.memory_space<semaphore_mem>>) src(%dma_wait3A_284 : memref<50000x128xf32, #tpu.memory_space<hbm>>) dst(%dma_wait3A_280 : memref<80x128xf32, #tpu.memory_space<vmem>>)
        %scan3A_285 = arith.constant 0 : i32
        %scan3A_286 = arith.constant 0 : i32
        %scan3A_287 = arith.constant 8 : i32
        %scan3A_288 = arith.addi %scan3A_286, %scan3A_287 : i32
        %scan3A_289 = arith.constant 1 : i32
        %scan3A_290 = scf.for %scan3A_376 = %scan3A_286 to %scan3A_288 step %scan3A_289 iter_args(%scan3A_377 = %scan3A_285) -> (i32)  : i32 {
          %mul3A_378 = arith.constant 10 : i32
          %mul3A_379 = arith.muli %scan3A_376, %mul3A_378 : i32
          %add3A_380 = arith.constant 0 : i32
          %add3A_381 = arith.addi %mul3A_379, %add3A_380 : i32
          %get3A = arith.index_cast %select_n3A_183 : i32 to index
          %get3A_382 = arith.index_cast %add3A_381 : i32 to index
          %get3A_383 = arith.constant 0 : index
          %get3A_384 = tpu.vector_load %arg8[%get3A, %get3A_382, %get3A_383] {strides = array<i32>} : memref<3x160x128xf32, #tpu.memory_space<vmem>>, vector<1x1x16xf32>,
          %get3A_385 = vector.shape_cast %get3A_384 : vector<1x1x16xf32> to vector<16xf32>
          %mul3A_386 = arith.constant 10 : i32
          %mul3A_387 = arith.muli %scan3A_376, %mul3A_386 : i32
          %add3A_388 = arith.constant 1 : i32
          %add3A_389 = arith.addi %mul3A_387, %add3A_388 : i32
          %get3A_390 = arith.index_cast %select_n3A_183 : i32 to index
          %get3A_391 = arith.index_cast %add3A_389 : i32 to index
          %get3A_392 = arith.constant 0 : index
          %get3A_393 = tpu.vector_load %arg8[%get3A_390, %get3A_391, %get3A_392] {strides = array<i32>} : memref<3x160x128xf32, #tpu.memory_space<vmem>>, vector<1x1x16xf32>,
          %get3A_394 = vector.shape_cast %get3A_393 : vector<1x1x16xf32> to vector<16xf32>
          %add3A_395 = arith.addf %get3A_385, %get3A_394 : vector<16xf32>
          %mul3A_396 = arith.constant 10 : i32
          %mul3A_397 = arith.muli %scan3A_376, %mul3A_396 : i32
          %add3A_398 = arith.constant 2 : i32
          %add3A_399 = arith.addi %mul3A_397, %add3A_398 : i32
          %get3A_400 = arith.index_cast %select_n3A_183 : i32 to index
          %get3A_401 = arith.index_cast %add3A_399 : i32 to index
          %get3A_402 = arith.constant 0 : index
          %get3A_403 = tpu.vector_load %arg8[%get3A_400, %get3A_401, %get3A_402] {strides = array<i32>} : memref<3x160x128xf32, #tpu.memory_space<vmem>>, vector<1x1x16xf32>,
          %get3A_404 = vector.shape_cast %get3A_403 : vector<1x1x16xf32> to vector<16xf32>
          %add3A_405 = arith.addf %add3A_395, %get3A_404 : vector<16xf32>
          %mul3A_406 = arith.constant 10 : i32
          %mul3A_407 = arith.muli %scan3A_376, %mul3A_406 : i32
          %add3A_408 = arith.constant 3 : i32
          %add3A_409 = arith.addi %mul3A_407, %add3A_408 : i32
          %get3A_410 = arith.index_cast %select_n3A_183 : i32 to index
          %get3A_411 = arith.index_cast %add3A_409 : i32 to index
          %get3A_412 = arith.constant 0 : index
          %get3A_413 = tpu.vector_load %arg8[%get3A_410, %get3A_411, %get3A_412] {strides = array<i32>} : memref<3x160x128xf32, #tpu.memory_space<vmem>>, vector<1x1x16xf32>,
          %get3A_414 = vector.shape_cast %get3A_413 : vector<1x1x16xf32> to vector<16xf32>
          %add3A_415 = arith.addf %add3A_405, %get3A_414 : vector<16xf32>
          %mul3A_416 = arith.constant 10 : i32
          %mul3A_417 = arith.muli %scan3A_376, %mul3A_416 : i32
          %add3A_418 = arith.constant 4 : i32
          %add3A_419 = arith.addi %mul3A_417, %add3A_418 : i32
          %get3A_420 = arith.index_cast %select_n3A_183 : i32 to index
          %get3A_421 = arith.index_cast %add3A_419 : i32 to index
          %get3A_422 = arith.constant 0 : index
          %get3A_423 = tpu.vector_load %arg8[%get3A_420, %get3A_421, %get3A_422] {strides = array<i32>} : memref<3x160x128xf32, #tpu.memory_space<vmem>>, vector<1x1x16xf32>,
          %get3A_424 = vector.shape_cast %get3A_423 : vector<1x1x16xf32> to vector<16xf32>
          %add3A_425 = arith.addf %add3A_415, %get3A_424 : vector<16xf32>
          %mul3A_426 = arith.constant 10 : i32
          %mul3A_427 = arith.muli %scan3A_376, %mul3A_426 : i32
          %add3A_428 = arith.constant 5 : i32
          %add3A_429 = arith.addi %mul3A_427, %add3A_428 : i32
          %get3A_430 = arith.index_cast %select_n3A_183 : i32 to index
          %get3A_431 = arith.index_cast %add3A_429 : i32 to index
          %get3A_432 = arith.constant 0 : index
          %get3A_433 = tpu.vector_load %arg8[%get3A_430, %get3A_431, %get3A_432] {strides = array<i32>} : memref<3x160x128xf32, #tpu.memory_space<vmem>>, vector<1x1x16xf32>,
          %get3A_434 = vector.shape_cast %get3A_433 : vector<1x1x16xf32> to vector<16xf32>
          %add3A_435 = arith.addf %add3A_425, %get3A_434 : vector<16xf32>
          %mul3A_436 = arith.constant 10 : i32
          %mul3A_437 = arith.muli %scan3A_376, %mul3A_436 : i32
          %add3A_438 = arith.constant 6 : i32
          %add3A_439 = arith.addi %mul3A_437, %add3A_438 : i32
          %get3A_440 = arith.index_cast %select_n3A_183 : i32 to index
          %get3A_441 = arith.index_cast %add3A_439 : i32 to index
          %get3A_442 = arith.constant 0 : index
          %get3A_443 = tpu.vector_load %arg8[%get3A_440, %get3A_441, %get3A_442] {strides = array<i32>} : memref<3x160x128xf32, #tpu.memory_space<vmem>>, vector<1x1x16xf32>,
          %get3A_444 = vector.shape_cast %get3A_443 : vector<1x1x16xf32> to vector<16xf32>
          %add3A_445 = arith.addf %add3A_435, %get3A_444 : vector<16xf32>
          %mul3A_446 = arith.constant 10 : i32
          %mul3A_447 = arith.muli %scan3A_376, %mul3A_446 : i32
          %add3A_448 = arith.constant 7 : i32
          %add3A_449 = arith.addi %mul3A_447, %add3A_448 : i32
          %get3A_450 = arith.index_cast %select_n3A_183 : i32 to index
          %get3A_451 = arith.index_cast %add3A_449 : i32 to index
          %get3A_452 = arith.constant 0 : index
          %get3A_453 = tpu.vector_load %arg8[%get3A_450, %get3A_451, %get3A_452] {strides = array<i32>} : memref<3x160x128xf32, #tpu.memory_space<vmem>>, vector<1x1x16xf32>,
          %get3A_454 = vector.shape_cast %get3A_453 : vector<1x1x16xf32> to vector<16xf32>
          %add3A_455 = arith.addf %add3A_445, %get3A_454 : vector<16xf32>
          %mul3A_456 = arith.constant 10 : i32
          %mul3A_457 = arith.muli %scan3A_376, %mul3A_456 : i32
          %add3A_458 = arith.constant 8 : i32
          %add3A_459 = arith.addi %mul3A_457, %add3A_458 : i32
          %get3A_460 = arith.index_cast %select_n3A_183 : i32 to index
          %get3A_461 = arith.index_cast %add3A_459 : i32 to index
          %get3A_462 = arith.constant 0 : index
          %get3A_463 = tpu.vector_load %arg8[%get3A_460, %get3A_461, %get3A_462] {strides = array<i32>} : memref<3x160x128xf32, #tpu.memory_space<vmem>>, vector<1x1x16xf32>,
          %get3A_464 = vector.shape_cast %get3A_463 : vector<1x1x16xf32> to vector<16xf32>
          %add3A_465 = arith.addf %add3A_455, %get3A_464 : vector<16xf32>
          %mul3A_466 = arith.constant 10 : i32
          %mul3A_467 = arith.muli %scan3A_376, %mul3A_466 : i32
          %add3A_468 = arith.constant 9 : i32
          %add3A_469 = arith.addi %mul3A_467, %add3A_468 : i32
          %get3A_470 = arith.index_cast %select_n3A_183 : i32 to index
          %get3A_471 = arith.index_cast %add3A_469 : i32 to index
          %get3A_472 = arith.constant 0 : index
          %get3A_473 = tpu.vector_load %arg8[%get3A_470, %get3A_471, %get3A_472] {strides = array<i32>} : memref<3x160x128xf32, #tpu.memory_space<vmem>>, vector<1x1x16xf32>,
          %get3A_474 = vector.shape_cast %get3A_473 : vector<1x1x16xf32> to vector<16xf32>
          %add3A_475 = arith.addf %add3A_465, %get3A_474 : vector<16xf32>
          %swap3A = arith.index_cast %select_n3A_199 : i32 to index
          %swap3A_476 = arith.index_cast %select_n3A_167 : i32 to index
          %swap3A_477 = arith.index_cast %scan3A_376 : i32 to index
          %swap3A_478 = arith.constant 0 : index
          %swap3A_479 = tpu.vector_load %arg9[%swap3A, %swap3A_476, %swap3A_477, %swap3A_478] {strides = array<i32>} : memref<2x2x16x128xf32, #tpu.memory_space<vmem>>, vector<1x1x1x16xf32>,
          %swap3A_480 = vector.shape_cast %swap3A_479 : vector<1x1x1x16xf32> to vector<16xf32>
          %swap3A_481 = vector.shape_cast %add3A_475 : vector<16xf32> to vector<1x1x1x16xf32>
          tpu.vector_store %arg9[%swap3A, %swap3A_476, %swap3A_477, %swap3A_478], %swap3A_481 {strides = array<i32>} : memref<2x2x16x128xf32, #tpu.memory_space<vmem>>, vector<1x1x1x16xf32>,
          %mul3A_482 = arith.constant 10 : i32
          %mul3A_483 = arith.muli %scan3A_376, %mul3A_482 : i32
          %add3A_484 = arith.constant 0 : i32
          %add3A_485 = arith.addi %mul3A_483, %add3A_484 : i32
          %get3A_486 = arith.index_cast %select_n3A_183 : i32 to index
          %get3A_487 = arith.index_cast %add3A_485 : i32 to index
          %get3A_488 = arith.constant 16 : index
          %get3A_489 = tpu.vector_load %arg8[%get3A_486, %get3A_487, %get3A_488] {strides = array<i32>} : memref<3x160x128xf32, #tpu.memory_space<vmem>>, vector<1x1x16xf32>,
          %get3A_490 = vector.shape_cast %get3A_489 : vector<1x1x16xf32> to vector<16xf32>
          %mul3A_491 = arith.constant 10 : i32
          %mul3A_492 = arith.muli %scan3A_376, %mul3A_491 : i32
          %add3A_493 = arith.constant 1 : i32
          %add3A_494 = arith.addi %mul3A_492, %add3A_493 : i32
          %get3A_495 = arith.index_cast %select_n3A_183 : i32 to index
          %get3A_496 = arith.index_cast %add3A_494 : i32 to index
          %get3A_497 = arith.constant 16 : index
          %get3A_498 = tpu.vector_load %arg8[%get3A_495, %get3A_496, %get3A_497] {strides = array<i32>} : memref<3x160x128xf32, #tpu.memory_space<vmem>>, vector<1x1x16xf32>,
          %get3A_499 = vector.shape_cast %get3A_498 : vector<1x1x16xf32> to vector<16xf32>
          %add3A_500 = arith.addf %get3A_490, %get3A_499 : vector<16xf32>
          %mul3A_501 = arith.constant 10 : i32
          %mul3A_502 = arith.muli %scan3A_376, %mul3A_501 : i32
          %add3A_503 = arith.constant 2 : i32
          %add3A_504 = arith.addi %mul3A_502, %add3A_503 : i32
          %get3A_505 = arith.index_cast %select_n3A_183 : i32 to index
          %get3A_506 = arith.index_cast %add3A_504 : i32 to index
          %get3A_507 = arith.constant 16 : index
          %get3A_508 = tpu.vector_load %arg8[%get3A_505, %get3A_506, %get3A_507] {strides = array<i32>} : memref<3x160x128xf32, #tpu.memory_space<vmem>>, vector<1x1x16xf32>,
          %get3A_509 = vector.shape_cast %get3A_508 : vector<1x1x16xf32> to vector<16xf32>
          %add3A_510 = arith.addf %add3A_500, %get3A_509 : vector<16xf32>
          %mul3A_511 = arith.constant 10 : i32
          %mul3A_512 = arith.muli %scan3A_376, %mul3A_511 : i32
          %add3A_513 = arith.constant 3 : i32
          %add3A_514 = arith.addi %mul3A_512, %add3A_513 : i32
          %get3A_515 = arith.index_cast %select_n3A_183 : i32 to index
          %get3A_516 = arith.index_cast %add3A_514 : i32 to index
          %get3A_517 = arith.constant 16 : index
          %get3A_518 = tpu.vector_load %arg8[%get3A_515, %get3A_516, %get3A_517] {strides = array<i32>} : memref<3x160x128xf32, #tpu.memory_space<vmem>>, vector<1x1x16xf32>,
          %get3A_519 = vector.shape_cast %get3A_518 : vector<1x1x16xf32> to vector<16xf32>
          %add3A_520 = arith.addf %add3A_510, %get3A_519 : vector<16xf32>
          %mul3A_521 = arith.constant 10 : i32
          %mul3A_522 = arith.muli %scan3A_376, %mul3A_521 : i32
          %add3A_523 = arith.constant 4 : i32
          %add3A_524 = arith.addi %mul3A_522, %add3A_523 : i32
          %get3A_525 = arith.index_cast %select_n3A_183 : i32 to index
          %get3A_526 = arith.index_cast %add3A_524 : i32 to index
          %get3A_527 = arith.constant 16 : index
          %get3A_528 = tpu.vector_load %arg8[%get3A_525, %get3A_526, %get3A_527] {strides = array<i32>} : memref<3x160x128xf32, #tpu.memory_space<vmem>>, vector<1x1x16xf32>,
          %get3A_529 = vector.shape_cast %get3A_528 : vector<1x1x16xf32> to vector<16xf32>
          %add3A_530 = arith.addf %add3A_520, %get3A_529 : vector<16xf32>
          %mul3A_531 = arith.constant 10 : i32
          %mul3A_532 = arith.muli %scan3A_376, %mul3A_531 : i32
          %add3A_533 = arith.constant 5 : i32
          %add3A_534 = arith.addi %mul3A_532, %add3A_533 : i32
          %get3A_535 = arith.index_cast %select_n3A_183 : i32 to index
          %get3A_536 = arith.index_cast %add3A_534 : i32 to index
          %get3A_537 = arith.constant 16 : index
          %get3A_538 = tpu.vector_load %arg8[%get3A_535, %get3A_536, %get3A_537] {strides = array<i32>} : memref<3x160x128xf32, #tpu.memory_space<vmem>>, vector<1x1x16xf32>,
          %get3A_539 = vector.shape_cast %get3A_538 : vector<1x1x16xf32> to vector<16xf32>
          %add3A_540 = arith.addf %add3A_530, %get3A_539 : vector<16xf32>
          %mul3A_541 = arith.constant 10 : i32
          %mul3A_542 = arith.muli %scan3A_376, %mul3A_541 : i32
          %add3A_543 = arith.constant 6 : i32
          %add3A_544 = arith.addi %mul3A_542, %add3A_543 : i32
          %get3A_545 = arith.index_cast %select_n3A_183 : i32 to index
          %get3A_546 = arith.index_cast %add3A_544 : i32 to index
          %get3A_547 = arith.constant 16 : index
          %get3A_548 = tpu.vector_load %arg8[%get3A_545, %get3A_546, %get3A_547] {strides = array<i32>} : memref<3x160x128xf32, #tpu.memory_space<vmem>>, vector<1x1x16xf32>,
          %get3A_549 = vector.shape_cast %get3A_548 : vector<1x1x16xf32> to vector<16xf32>
          %add3A_550 = arith.addf %add3A_540, %get3A_549 : vector<16xf32>
          %mul3A_551 = arith.constant 10 : i32
          %mul3A_552 = arith.muli %scan3A_376, %mul3A_551 : i32
          %add3A_553 = arith.constant 7 : i32
          %add3A_554 = arith.addi %mul3A_552, %add3A_553 : i32
          %get3A_555 = arith.index_cast %select_n3A_183 : i32 to index
          %get3A_556 = arith.index_cast %add3A_554 : i32 to index
          %get3A_557 = arith.constant 16 : index
          %get3A_558 = tpu.vector_load %arg8[%get3A_555, %get3A_556, %get3A_557] {strides = array<i32>} : memref<3x160x128xf32, #tpu.memory_space<vmem>>, vector<1x1x16xf32>,
          %get3A_559 = vector.shape_cast %get3A_558 : vector<1x1x16xf32> to vector<16xf32>
          %add3A_560 = arith.addf %add3A_550, %get3A_559 : vector<16xf32>
          %mul3A_561 = arith.constant 10 : i32
          %mul3A_562 = arith.muli %scan3A_376, %mul3A_561 : i32
          %add3A_563 = arith.constant 8 : i32
          %add3A_564 = arith.addi %mul3A_562, %add3A_563 : i32
          %get3A_565 = arith.index_cast %select_n3A_183 : i32 to index
          %get3A_566 = arith.index_cast %add3A_564 : i32 to index
          %get3A_567 = arith.constant 16 : index
          %get3A_568 = tpu.vector_load %arg8[%get3A_565, %get3A_566, %get3A_567] {strides = array<i32>} : memref<3x160x128xf32, #tpu.memory_space<vmem>>, vector<1x1x16xf32>,
          %get3A_569 = vector.shape_cast %get3A_568 : vector<1x1x16xf32> to vector<16xf32>
          %add3A_570 = arith.addf %add3A_560, %get3A_569 : vector<16xf32>
          %mul3A_571 = arith.constant 10 : i32
          %mul3A_572 = arith.muli %scan3A_376, %mul3A_571 : i32
          %add3A_573 = arith.constant 9 : i32
          %add3A_574 = arith.addi %mul3A_572, %add3A_573 : i32
          %get3A_575 = arith.index_cast %select_n3A_183 : i32 to index
          %get3A_576 = arith.index_cast %add3A_574 : i32 to index
          %get3A_577 = arith.constant 16 : index
          %get3A_578 = tpu.vector_load %arg8[%get3A_575, %get3A_576, %get3A_577] {strides = array<i32>} : memref<3x160x128xf32, #tpu.memory_space<vmem>>, vector<1x1x16xf32>,
          %get3A_579 = vector.shape_cast %get3A_578 : vector<1x1x16xf32> to vector<16xf32>
          %add3A_580 = arith.addf %add3A_570, %get3A_579 : vector<16xf32>
          %swap3A_581 = arith.index_cast %select_n3A_199 : i32 to index
          %swap3A_582 = arith.index_cast %select_n3A_167 : i32 to index
          %swap3A_583 = arith.index_cast %scan3A_376 : i32 to index
          %swap3A_584 = arith.constant 16 : index
          %swap3A_585 = tpu.vector_load %arg9[%swap3A_581, %swap3A_582, %swap3A_583, %swap3A_584] {strides = array<i32>} : memref<2x2x16x128xf32, #tpu.memory_space<vmem>>, vector<1x1x1x16xf32>,
          %swap3A_586 = vector.shape_cast %swap3A_585 : vector<1x1x1x16xf32> to vector<16xf32>
          %swap3A_587 = vector.shape_cast %add3A_580 : vector<16xf32> to vector<1x1x1x16xf32>
          tpu.vector_store %arg9[%swap3A_581, %swap3A_582, %swap3A_583, %swap3A_584], %swap3A_587 {strides = array<i32>} : memref<2x2x16x128xf32, #tpu.memory_space<vmem>>, vector<1x1x1x16xf32>,
          %mul3A_588 = arith.constant 10 : i32
          %mul3A_589 = arith.muli %scan3A_376, %mul3A_588 : i32
          %add3A_590 = arith.constant 0 : i32
          %add3A_591 = arith.addi %mul3A_589, %add3A_590 : i32
          %get3A_592 = arith.index_cast %select_n3A_183 : i32 to index
          %get3A_593 = arith.index_cast %add3A_591 : i32 to index
          %get3A_594 = arith.constant 32 : index
          %get3A_595 = tpu.vector_load %arg8[%get3A_592, %get3A_593, %get3A_594] {strides = array<i32>} : memref<3x160x128xf32, #tpu.memory_space<vmem>>, vector<1x1x16xf32>,
          %get3A_596 = vector.shape_cast %get3A_595 : vector<1x1x16xf32> to vector<16xf32>
          %mul3A_597 = arith.constant 10 : i32
          %mul3A_598 = arith.muli %scan3A_376, %mul3A_597 : i32
          %add3A_599 = arith.constant 1 : i32
          %add3A_600 = arith.addi %mul3A_598, %add3A_599 : i32
          %get3A_601 = arith.index_cast %select_n3A_183 : i32 to index
          %get3A_602 = arith.index_cast %add3A_600 : i32 to index
          %get3A_603 = arith.constant 32 : index
          %get3A_604 = tpu.vector_load %arg8[%get3A_601, %get3A_602, %get3A_603] {strides = array<i32>} : memref<3x160x128xf32, #tpu.memory_space<vmem>>, vector<1x1x16xf32>,
          %get3A_605 = vector.shape_cast %get3A_604 : vector<1x1x16xf32> to vector<16xf32>
          %add3A_606 = arith.addf %get3A_596, %get3A_605 : vector<16xf32>
          %mul3A_607 = arith.constant 10 : i32
          %mul3A_608 = arith.muli %scan3A_376, %mul3A_607 : i32
          %add3A_609 = arith.constant 2 : i32
          %add3A_610 = arith.addi %mul3A_608, %add3A_609 : i32
          %get3A_611 = arith.index_cast %select_n3A_183 : i32 to index
          %get3A_612 = arith.index_cast %add3A_610 : i32 to index
          %get3A_613 = arith.constant 32 : index
          %get3A_614 = tpu.vector_load %arg8[%get3A_611, %get3A_612, %get3A_613] {strides = array<i32>} : memref<3x160x128xf32, #tpu.memory_space<vmem>>, vector<1x1x16xf32>,
          %get3A_615 = vector.shape_cast %get3A_614 : vector<1x1x16xf32> to vector<16xf32>
          %add3A_616 = arith.addf %add3A_606, %get3A_615 : vector<16xf32>
          %mul3A_617 = arith.constant 10 : i32
          %mul3A_618 = arith.muli %scan3A_376, %mul3A_617 : i32
          %add3A_619 = arith.constant 3 : i32
          %add3A_620 = arith.addi %mul3A_618, %add3A_619 : i32
          %get3A_621 = arith.index_cast %select_n3A_183 : i32 to index
          %get3A_622 = arith.index_cast %add3A_620 : i32 to index
          %get3A_623 = arith.constant 32 : index
          %get3A_624 = tpu.vector_load %arg8[%get3A_621, %get3A_622, %get3A_623] {strides = array<i32>} : memref<3x160x128xf32, #tpu.memory_space<vmem>>, vector<1x1x16xf32>,
          %get3A_625 = vector.shape_cast %get3A_624 : vector<1x1x16xf32> to vector<16xf32>
          %add3A_626 = arith.addf %add3A_616, %get3A_625 : vector<16xf32>
          %mul3A_627 = arith.constant 10 : i32
          %mul3A_628 = arith.muli %scan3A_376, %mul3A_627 : i32
          %add3A_629 = arith.constant 4 : i32
          %add3A_630 = arith.addi %mul3A_628, %add3A_629 : i32
          %get3A_631 = arith.index_cast %select_n3A_183 : i32 to index
          %get3A_632 = arith.index_cast %add3A_630 : i32 to index
          %get3A_633 = arith.constant 32 : index
          %get3A_634 = tpu.vector_load %arg8[%get3A_631, %get3A_632, %get3A_633] {strides = array<i32>} : memref<3x160x128xf32, #tpu.memory_space<vmem>>, vector<1x1x16xf32>,
          %get3A_635 = vector.shape_cast %get3A_634 : vector<1x1x16xf32> to vector<16xf32>
          %add3A_636 = arith.addf %add3A_626, %get3A_635 : vector<16xf32>
          %mul3A_637 = arith.constant 10 : i32
          %mul3A_638 = arith.muli %scan3A_376, %mul3A_637 : i32
          %add3A_639 = arith.constant 5 : i32
          %add3A_640 = arith.addi %mul3A_638, %add3A_639 : i32
          %get3A_641 = arith.index_cast %select_n3A_183 : i32 to index
          %get3A_642 = arith.index_cast %add3A_640 : i32 to index
          %get3A_643 = arith.constant 32 : index
          %get3A_644 = tpu.vector_load %arg8[%get3A_641, %get3A_642, %get3A_643] {strides = array<i32>} : memref<3x160x128xf32, #tpu.memory_space<vmem>>, vector<1x1x16xf32>,
          %get3A_645 = vector.shape_cast %get3A_644 : vector<1x1x16xf32> to vector<16xf32>
          %add3A_646 = arith.addf %add3A_636, %get3A_645 : vector<16xf32>
          %mul3A_647 = arith.constant 10 : i32
          %mul3A_648 = arith.muli %scan3A_376, %mul3A_647 : i32
          %add3A_649 = arith.constant 6 : i32
          %add3A_650 = arith.addi %mul3A_648, %add3A_649 : i32
          %get3A_651 = arith.index_cast %select_n3A_183 : i32 to index
          %get3A_652 = arith.index_cast %add3A_650 : i32 to index
          %get3A_653 = arith.constant 32 : index
          %get3A_654 = tpu.vector_load %arg8[%get3A_651, %get3A_652, %get3A_653] {strides = array<i32>} : memref<3x160x128xf32, #tpu.memory_space<vmem>>, vector<1x1x16xf32>,
          %get3A_655 = vector.shape_cast %get3A_654 : vector<1x1x16xf32> to vector<16xf32>
          %add3A_656 = arith.addf %add3A_646, %get3A_655 : vector<16xf32>
          %mul3A_657 = arith.constant 10 : i32
          %mul3A_658 = arith.muli %scan3A_376, %mul3A_657 : i32
          %add3A_659 = arith.constant 7 : i32
          %add3A_660 = arith.addi %mul3A_658, %add3A_659 : i32
          %get3A_661 = arith.index_cast %select_n3A_183 : i32 to index
          %get3A_662 = arith.index_cast %add3A_660 : i32 to index
          %get3A_663 = arith.constant 32 : index
          %get3A_664 = tpu.vector_load %arg8[%get3A_661, %get3A_662, %get3A_663] {strides = array<i32>} : memref<3x160x128xf32, #tpu.memory_space<vmem>>, vector<1x1x16xf32>,
          %get3A_665 = vector.shape_cast %get3A_664 : vector<1x1x16xf32> to vector<16xf32>
          %add3A_666 = arith.addf %add3A_656, %get3A_665 : vector<16xf32>
          %mul3A_667 = arith.constant 10 : i32
          %mul3A_668 = arith.muli %scan3A_376, %mul3A_667 : i32
          %add3A_669 = arith.constant 8 : i32
          %add3A_670 = arith.addi %mul3A_668, %add3A_669 : i32
          %get3A_671 = arith.index_cast %select_n3A_183 : i32 to index
          %get3A_672 = arith.index_cast %add3A_670 : i32 to index
          %get3A_673 = arith.constant 32 : index
          %get3A_674 = tpu.vector_load %arg8[%get3A_671, %get3A_672, %get3A_673] {strides = array<i32>} : memref<3x160x128xf32, #tpu.memory_space<vmem>>, vector<1x1x16xf32>,
          %get3A_675 = vector.shape_cast %get3A_674 : vector<1x1x16xf32> to vector<16xf32>
          %add3A_676 = arith.addf %add3A_666, %get3A_675 : vector<16xf32>
          %mul3A_677 = arith.constant 10 : i32
          %mul3A_678 = arith.muli %scan3A_376, %mul3A_677 : i32
          %add3A_679 = arith.constant 9 : i32
          %add3A_680 = arith.addi %mul3A_678, %add3A_679 : i32
          %get3A_681 = arith.index_cast %select_n3A_183 : i32 to index
          %get3A_682 = arith.index_cast %add3A_680 : i32 to index
          %get3A_683 = arith.constant 32 : index
          %get3A_684 = tpu.vector_load %arg8[%get3A_681, %get3A_682, %get3A_683] {strides = array<i32>} : memref<3x160x128xf32, #tpu.memory_space<vmem>>, vector<1x1x16xf32>,
          %get3A_685 = vector.shape_cast %get3A_684 : vector<1x1x16xf32> to vector<16xf32>
          %add3A_686 = arith.addf %add3A_676, %get3A_685 : vector<16xf32>
          %swap3A_687 = arith.index_cast %select_n3A_199 : i32 to index
          %swap3A_688 = arith.index_cast %select_n3A_167 : i32 to index
          %swap3A_689 = arith.index_cast %scan3A_376 : i32 to index
          %swap3A_690 = arith.constant 32 : index
          %swap3A_691 = tpu.vector_load %arg9[%swap3A_687, %swap3A_688, %swap3A_689, %swap3A_690] {strides = array<i32>} : memref<2x2x16x128xf32, #tpu.memory_space<vmem>>, vector<1x1x1x16xf32>,
          %swap3A_692 = vector.shape_cast %swap3A_691 : vector<1x1x1x16xf32> to vector<16xf32>
          %swap3A_693 = vector.shape_cast %add3A_686 : vector<16xf32> to vector<1x1x1x16xf32>
          tpu.vector_store %arg9[%swap3A_687, %swap3A_688, %swap3A_689, %swap3A_690], %swap3A_693 {strides = array<i32>} : memref<2x2x16x128xf32, #tpu.memory_space<vmem>>, vector<1x1x1x16xf32>,
          %mul3A_694 = arith.constant 10 : i32
          %mul3A_695 = arith.muli %scan3A_376, %mul3A_694 : i32
          %add3A_696 = arith.constant 0 : i32
          %add3A_697 = arith.addi %mul3A_695, %add3A_696 : i32
          %get3A_698 = arith.index_cast %select_n3A_183 : i32 to index
          %get3A_699 = arith.index_cast %add3A_697 : i32 to index
          %get3A_700 = arith.constant 48 : index
          %get3A_701 = tpu.vector_load %arg8[%get3A_698, %get3A_699, %get3A_700] {strides = array<i32>} : memref<3x160x128xf32, #tpu.memory_space<vmem>>, vector<1x1x16xf32>,
          %get3A_702 = vector.shape_cast %get3A_701 : vector<1x1x16xf32> to vector<16xf32>
          %mul3A_703 = arith.constant 10 : i32
          %mul3A_704 = arith.muli %scan3A_376, %mul3A_703 : i32
          %add3A_705 = arith.constant 1 : i32
          %add3A_706 = arith.addi %mul3A_704, %add3A_705 : i32
          %get3A_707 = arith.index_cast %select_n3A_183 : i32 to index
          %get3A_708 = arith.index_cast %add3A_706 : i32 to index
          %get3A_709 = arith.constant 48 : index
          %get3A_710 = tpu.vector_load %arg8[%get3A_707, %get3A_708, %get3A_709] {strides = array<i32>} : memref<3x160x128xf32, #tpu.memory_space<vmem>>, vector<1x1x16xf32>,
          %get3A_711 = vector.shape_cast %get3A_710 : vector<1x1x16xf32> to vector<16xf32>
          %add3A_712 = arith.addf %get3A_702, %get3A_711 : vector<16xf32>
          %mul3A_713 = arith.constant 10 : i32
          %mul3A_714 = arith.muli %scan3A_376, %mul3A_713 : i32
          %add3A_715 = arith.constant 2 : i32
          %add3A_716 = arith.addi %mul3A_714, %add3A_715 : i32
          %get3A_717 = arith.index_cast %select_n3A_183 : i32 to index
          %get3A_718 = arith.index_cast %add3A_716 : i32 to index
          %get3A_719 = arith.constant 48 : index
          %get3A_720 = tpu.vector_load %arg8[%get3A_717, %get3A_718, %get3A_719] {strides = array<i32>} : memref<3x160x128xf32, #tpu.memory_space<vmem>>, vector<1x1x16xf32>,
          %get3A_721 = vector.shape_cast %get3A_720 : vector<1x1x16xf32> to vector<16xf32>
          %add3A_722 = arith.addf %add3A_712, %get3A_721 : vector<16xf32>
          %mul3A_723 = arith.constant 10 : i32
          %mul3A_724 = arith.muli %scan3A_376, %mul3A_723 : i32
          %add3A_725 = arith.constant 3 : i32
          %add3A_726 = arith.addi %mul3A_724, %add3A_725 : i32
          %get3A_727 = arith.index_cast %select_n3A_183 : i32 to index
          %get3A_728 = arith.index_cast %add3A_726 : i32 to index
          %get3A_729 = arith.constant 48 : index
          %get3A_730 = tpu.vector_load %arg8[%get3A_727, %get3A_728, %get3A_729] {strides = array<i32>} : memref<3x160x128xf32, #tpu.memory_space<vmem>>, vector<1x1x16xf32>,
          %get3A_731 = vector.shape_cast %get3A_730 : vector<1x1x16xf32> to vector<16xf32>
          %add3A_732 = arith.addf %add3A_722, %get3A_731 : vector<16xf32>
          %mul3A_733 = arith.constant 10 : i32
          %mul3A_734 = arith.muli %scan3A_376, %mul3A_733 : i32
          %add3A_735 = arith.constant 4 : i32
          %add3A_736 = arith.addi %mul3A_734, %add3A_735 : i32
          %get3A_737 = arith.index_cast %select_n3A_183 : i32 to index
          %get3A_738 = arith.index_cast %add3A_736 : i32 to index
          %get3A_739 = arith.constant 48 : index
          %get3A_740 = tpu.vector_load %arg8[%get3A_737, %get3A_738, %get3A_739] {strides = array<i32>} : memref<3x160x128xf32, #tpu.memory_space<vmem>>, vector<1x1x16xf32>,
          %get3A_741 = vector.shape_cast %get3A_740 : vector<1x1x16xf32> to vector<16xf32>
          %add3A_742 = arith.addf %add3A_732, %get3A_741 : vector<16xf32>
          %mul3A_743 = arith.constant 10 : i32
          %mul3A_744 = arith.muli %scan3A_376, %mul3A_743 : i32
          %add3A_745 = arith.constant 5 : i32
          %add3A_746 = arith.addi %mul3A_744, %add3A_745 : i32
          %get3A_747 = arith.index_cast %select_n3A_183 : i32 to index
          %get3A_748 = arith.index_cast %add3A_746 : i32 to index
          %get3A_749 = arith.constant 48 : index
          %get3A_750 = tpu.vector_load %arg8[%get3A_747, %get3A_748, %get3A_749] {strides = array<i32>} : memref<3x160x128xf32, #tpu.memory_space<vmem>>, vector<1x1x16xf32>,
          %get3A_751 = vector.shape_cast %get3A_750 : vector<1x1x16xf32> to vector<16xf32>
          %add3A_752 = arith.addf %add3A_742, %get3A_751 : vector<16xf32>
          %mul3A_753 = arith.constant 10 : i32
          %mul3A_754 = arith.muli %scan3A_376, %mul3A_753 : i32
          %add3A_755 = arith.constant 6 : i32
          %add3A_756 = arith.addi %mul3A_754, %add3A_755 : i32
          %get3A_757 = arith.index_cast %select_n3A_183 : i32 to index
          %get3A_758 = arith.index_cast %add3A_756 : i32 to index
          %get3A_759 = arith.constant 48 : index
          %get3A_760 = tpu.vector_load %arg8[%get3A_757, %get3A_758, %get3A_759] {strides = array<i32>} : memref<3x160x128xf32, #tpu.memory_space<vmem>>, vector<1x1x16xf32>,
          %get3A_761 = vector.shape_cast %get3A_760 : vector<1x1x16xf32> to vector<16xf32>
          %add3A_762 = arith.addf %add3A_752, %get3A_761 : vector<16xf32>
          %mul3A_763 = arith.constant 10 : i32
          %mul3A_764 = arith.muli %scan3A_376, %mul3A_763 : i32
          %add3A_765 = arith.constant 7 : i32
          %add3A_766 = arith.addi %mul3A_764, %add3A_765 : i32
          %get3A_767 = arith.index_cast %select_n3A_183 : i32 to index
          %get3A_768 = arith.index_cast %add3A_766 : i32 to index
          %get3A_769 = arith.constant 48 : index
          %get3A_770 = tpu.vector_load %arg8[%get3A_767, %get3A_768, %get3A_769] {strides = array<i32>} : memref<3x160x128xf32, #tpu.memory_space<vmem>>, vector<1x1x16xf32>,
          %get3A_771 = vector.shape_cast %get3A_770 : vector<1x1x16xf32> to vector<16xf32>
          %add3A_772 = arith.addf %add3A_762, %get3A_771 : vector<16xf32>
          %mul3A_773 = arith.constant 10 : i32
          %mul3A_774 = arith.muli %scan3A_376, %mul3A_773 : i32
          %add3A_775 = arith.constant 8 : i32
          %add3A_776 = arith.addi %mul3A_774, %add3A_775 : i32
          %get3A_777 = arith.index_cast %select_n3A_183 : i32 to index
          %get3A_778 = arith.index_cast %add3A_776 : i32 to index
          %get3A_779 = arith.constant 48 : index
          %get3A_780 = tpu.vector_load %arg8[%get3A_777, %get3A_778, %get3A_779] {strides = array<i32>} : memref<3x160x128xf32, #tpu.memory_space<vmem>>, vector<1x1x16xf32>,
          %get3A_781 = vector.shape_cast %get3A_780 : vector<1x1x16xf32> to vector<16xf32>
          %add3A_782 = arith.addf %add3A_772, %get3A_781 : vector<16xf32>
          %mul3A_783 = arith.constant 10 : i32
          %mul3A_784 = arith.muli %scan3A_376, %mul3A_783 : i32
          %add3A_785 = arith.constant 9 : i32
          %add3A_786 = arith.addi %mul3A_784, %add3A_785 : i32
          %get3A_787 = arith.index_cast %select_n3A_183 : i32 to index
          %get3A_788 = arith.index_cast %add3A_786 : i32 to index
          %get3A_789 = arith.constant 48 : index
          %get3A_790 = tpu.vector_load %arg8[%get3A_787, %get3A_788, %get3A_789] {strides = array<i32>} : memref<3x160x128xf32, #tpu.memory_space<vmem>>, vector<1x1x16xf32>,
          %get3A_791 = vector.shape_cast %get3A_790 : vector<1x1x16xf32> to vector<16xf32>
          %add3A_792 = arith.addf %add3A_782, %get3A_791 : vector<16xf32>
          %swap3A_793 = arith.index_cast %select_n3A_199 : i32 to index
          %swap3A_794 = arith.index_cast %select_n3A_167 : i32 to index
          %swap3A_795 = arith.index_cast %scan3A_376 : i32 to index
          %swap3A_796 = arith.constant 48 : index
          %swap3A_797 = tpu.vector_load %arg9[%swap3A_793, %swap3A_794, %swap3A_795, %swap3A_796] {strides = array<i32>} : memref<2x2x16x128xf32, #tpu.memory_space<vmem>>, vector<1x1x1x16xf32>,
          %swap3A_798 = vector.shape_cast %swap3A_797 : vector<1x1x1x16xf32> to vector<16xf32>
          %swap3A_799 = vector.shape_cast %add3A_792 : vector<16xf32> to vector<1x1x1x16xf32>
          tpu.vector_store %arg9[%swap3A_793, %swap3A_794, %swap3A_795, %swap3A_796], %swap3A_799 {strides = array<i32>} : memref<2x2x16x128xf32, #tpu.memory_space<vmem>>, vector<1x1x1x16xf32>,
          %mul3A_800 = arith.constant 10 : i32
          %mul3A_801 = arith.muli %scan3A_376, %mul3A_800 : i32
          %add3A_802 = arith.constant 0 : i32
          %add3A_803 = arith.addi %mul3A_801, %add3A_802 : i32
          %get3A_804 = arith.index_cast %select_n3A_183 : i32 to index
          %get3A_805 = arith.index_cast %add3A_803 : i32 to index
          %get3A_806 = arith.constant 64 : index
          %get3A_807 = tpu.vector_load %arg8[%get3A_804, %get3A_805, %get3A_806] {strides = array<i32>} : memref<3x160x128xf32, #tpu.memory_space<vmem>>, vector<1x1x16xf32>,
          %get3A_808 = vector.shape_cast %get3A_807 : vector<1x1x16xf32> to vector<16xf32>
          %mul3A_809 = arith.constant 10 : i32
          %mul3A_810 = arith.muli %scan3A_376, %mul3A_809 : i32
          %add3A_811 = arith.constant 1 : i32
          %add3A_812 = arith.addi %mul3A_810, %add3A_811 : i32
          %get3A_813 = arith.index_cast %select_n3A_183 : i32 to index
          %get3A_814 = arith.index_cast %add3A_812 : i32 to index
          %get3A_815 = arith.constant 64 : index
          %get3A_816 = tpu.vector_load %arg8[%get3A_813, %get3A_814, %get3A_815] {strides = array<i32>} : memref<3x160x128xf32, #tpu.memory_space<vmem>>, vector<1x1x16xf32>,
          %get3A_817 = vector.shape_cast %get3A_816 : vector<1x1x16xf32> to vector<16xf32>
          %add3A_818 = arith.addf %get3A_808, %get3A_817 : vector<16xf32>
          %mul3A_819 = arith.constant 10 : i32
          %mul3A_820 = arith.muli %scan3A_376, %mul3A_819 : i32
          %add3A_821 = arith.constant 2 : i32
          %add3A_822 = arith.addi %mul3A_820, %add3A_821 : i32
          %get3A_823 = arith.index_cast %select_n3A_183 : i32 to index
          %get3A_824 = arith.index_cast %add3A_822 : i32 to index
          %get3A_825 = arith.constant 64 : index
          %get3A_826 = tpu.vector_load %arg8[%get3A_823, %get3A_824, %get3A_825] {strides = array<i32>} : memref<3x160x128xf32, #tpu.memory_space<vmem>>, vector<1x1x16xf32>,
          %get3A_827 = vector.shape_cast %get3A_826 : vector<1x1x16xf32> to vector<16xf32>
          %add3A_828 = arith.addf %add3A_818, %get3A_827 : vector<16xf32>
          %mul3A_829 = arith.constant 10 : i32
          %mul3A_830 = arith.muli %scan3A_376, %mul3A_829 : i32
          %add3A_831 = arith.constant 3 : i32
          %add3A_832 = arith.addi %mul3A_830, %add3A_831 : i32
          %get3A_833 = arith.index_cast %select_n3A_183 : i32 to index
          %get3A_834 = arith.index_cast %add3A_832 : i32 to index
          %get3A_835 = arith.constant 64 : index
          %get3A_836 = tpu.vector_load %arg8[%get3A_833, %get3A_834, %get3A_835] {strides = array<i32>} : memref<3x160x128xf32, #tpu.memory_space<vmem>>, vector<1x1x16xf32>,
          %get3A_837 = vector.shape_cast %get3A_836 : vector<1x1x16xf32> to vector<16xf32>
          %add3A_838 = arith.addf %add3A_828, %get3A_837 : vector<16xf32>
          %mul3A_839 = arith.constant 10 : i32
          %mul3A_840 = arith.muli %scan3A_376, %mul3A_839 : i32
          %add3A_841 = arith.constant 4 : i32
          %add3A_842 = arith.addi %mul3A_840, %add3A_841 : i32
          %get3A_843 = arith.index_cast %select_n3A_183 : i32 to index
          %get3A_844 = arith.index_cast %add3A_842 : i32 to index
          %get3A_845 = arith.constant 64 : index
          %get3A_846 = tpu.vector_load %arg8[%get3A_843, %get3A_844, %get3A_845] {strides = array<i32>} : memref<3x160x128xf32, #tpu.memory_space<vmem>>, vector<1x1x16xf32>,
          %get3A_847 = vector.shape_cast %get3A_846 : vector<1x1x16xf32> to vector<16xf32>
          %add3A_848 = arith.addf %add3A_838, %get3A_847 : vector<16xf32>
          %mul3A_849 = arith.constant 10 : i32
          %mul3A_850 = arith.muli %scan3A_376, %mul3A_849 : i32
          %add3A_851 = arith.constant 5 : i32
          %add3A_852 = arith.addi %mul3A_850, %add3A_851 : i32
          %get3A_853 = arith.index_cast %select_n3A_183 : i32 to index
          %get3A_854 = arith.index_cast %add3A_852 : i32 to index
          %get3A_855 = arith.constant 64 : index
          %get3A_856 = tpu.vector_load %arg8[%get3A_853, %get3A_854, %get3A_855] {strides = array<i32>} : memref<3x160x128xf32, #tpu.memory_space<vmem>>, vector<1x1x16xf32>,
          %get3A_857 = vector.shape_cast %get3A_856 : vector<1x1x16xf32> to vector<16xf32>
          %add3A_858 = arith.addf %add3A_848, %get3A_857 : vector<16xf32>
          %mul3A_859 = arith.constant 10 : i32
          %mul3A_860 = arith.muli %scan3A_376, %mul3A_859 : i32
          %add3A_861 = arith.constant 6 : i32
          %add3A_862 = arith.addi %mul3A_860, %add3A_861 : i32
          %get3A_863 = arith.index_cast %select_n3A_183 : i32 to index
          %get3A_864 = arith.index_cast %add3A_862 : i32 to index
          %get3A_865 = arith.constant 64 : index
          %get3A_866 = tpu.vector_load %arg8[%get3A_863, %get3A_864, %get3A_865] {strides = array<i32>} : memref<3x160x128xf32, #tpu.memory_space<vmem>>, vector<1x1x16xf32>,
          %get3A_867 = vector.shape_cast %get3A_866 : vector<1x1x16xf32> to vector<16xf32>
          %add3A_868 = arith.addf %add3A_858, %get3A_867 : vector<16xf32>
          %mul3A_869 = arith.constant 10 : i32
          %mul3A_870 = arith.muli %scan3A_376, %mul3A_869 : i32
          %add3A_871 = arith.constant 7 : i32
          %add3A_872 = arith.addi %mul3A_870, %add3A_871 : i32
          %get3A_873 = arith.index_cast %select_n3A_183 : i32 to index
          %get3A_874 = arith.index_cast %add3A_872 : i32 to index
          %get3A_875 = arith.constant 64 : index
          %get3A_876 = tpu.vector_load %arg8[%get3A_873, %get3A_874, %get3A_875] {strides = array<i32>} : memref<3x160x128xf32, #tpu.memory_space<vmem>>, vector<1x1x16xf32>,
          %get3A_877 = vector.shape_cast %get3A_876 : vector<1x1x16xf32> to vector<16xf32>
          %add3A_878 = arith.addf %add3A_868, %get3A_877 : vector<16xf32>
          %mul3A_879 = arith.constant 10 : i32
          %mul3A_880 = arith.muli %scan3A_376, %mul3A_879 : i32
          %add3A_881 = arith.constant 8 : i32
          %add3A_882 = arith.addi %mul3A_880, %add3A_881 : i32
          %get3A_883 = arith.index_cast %select_n3A_183 : i32 to index
          %get3A_884 = arith.index_cast %add3A_882 : i32 to index
          %get3A_885 = arith.constant 64 : index
          %get3A_886 = tpu.vector_load %arg8[%get3A_883, %get3A_884, %get3A_885] {strides = array<i32>} : memref<3x160x128xf32, #tpu.memory_space<vmem>>, vector<1x1x16xf32>,
          %get3A_887 = vector.shape_cast %get3A_886 : vector<1x1x16xf32> to vector<16xf32>
          %add3A_888 = arith.addf %add3A_878, %get3A_887 : vector<16xf32>
          %mul3A_889 = arith.constant 10 : i32
          %mul3A_890 = arith.muli %scan3A_376, %mul3A_889 : i32
          %add3A_891 = arith.constant 9 : i32
          %add3A_892 = arith.addi %mul3A_890, %add3A_891 : i32
          %get3A_893 = arith.index_cast %select_n3A_183 : i32 to index
          %get3A_894 = arith.index_cast %add3A_892 : i32 to index
          %get3A_895 = arith.constant 64 : index
          %get3A_896 = tpu.vector_load %arg8[%get3A_893, %get3A_894, %get3A_895] {strides = array<i32>} : memref<3x160x128xf32, #tpu.memory_space<vmem>>, vector<1x1x16xf32>,
          %get3A_897 = vector.shape_cast %get3A_896 : vector<1x1x16xf32> to vector<16xf32>
          %add3A_898 = arith.addf %add3A_888, %get3A_897 : vector<16xf32>
          %swap3A_899 = arith.index_cast %select_n3A_199 : i32 to index
          %swap3A_900 = arith.index_cast %select_n3A_167 : i32 to index
          %swap3A_901 = arith.index_cast %scan3A_376 : i32 to index
          %swap3A_902 = arith.constant 64 : index
          %swap3A_903 = tpu.vector_load %arg9[%swap3A_899, %swap3A_900, %swap3A_901, %swap3A_902] {strides = array<i32>} : memref<2x2x16x128xf32, #tpu.memory_space<vmem>>, vector<1x1x1x16xf32>,
          %swap3A_904 = vector.shape_cast %swap3A_903 : vector<1x1x1x16xf32> to vector<16xf32>
          %swap3A_905 = vector.shape_cast %add3A_898 : vector<16xf32> to vector<1x1x1x16xf32>
          tpu.vector_store %arg9[%swap3A_899, %swap3A_900, %swap3A_901, %swap3A_902], %swap3A_905 {strides = array<i32>} : memref<2x2x16x128xf32, #tpu.memory_space<vmem>>, vector<1x1x1x16xf32>,
          %mul3A_906 = arith.constant 10 : i32
          %mul3A_907 = arith.muli %scan3A_376, %mul3A_906 : i32
          %add3A_908 = arith.constant 0 : i32
          %add3A_909 = arith.addi %mul3A_907, %add3A_908 : i32
          %get3A_910 = arith.index_cast %select_n3A_183 : i32 to index
          %get3A_911 = arith.index_cast %add3A_909 : i32 to index
          %get3A_912 = arith.constant 80 : index
          %get3A_913 = tpu.vector_load %arg8[%get3A_910, %get3A_911, %get3A_912] {strides = array<i32>} : memref<3x160x128xf32, #tpu.memory_space<vmem>>, vector<1x1x16xf32>,
          %get3A_914 = vector.shape_cast %get3A_913 : vector<1x1x16xf32> to vector<16xf32>
          %mul3A_915 = arith.constant 10 : i32
          %mul3A_916 = arith.muli %scan3A_376, %mul3A_915 : i32
          %add3A_917 = arith.constant 1 : i32
          %add3A_918 = arith.addi %mul3A_916, %add3A_917 : i32
          %get3A_919 = arith.index_cast %select_n3A_183 : i32 to index
          %get3A_920 = arith.index_cast %add3A_918 : i32 to index
          %get3A_921 = arith.constant 80 : index
          %get3A_922 = tpu.vector_load %arg8[%get3A_919, %get3A_920, %get3A_921] {strides = array<i32>} : memref<3x160x128xf32, #tpu.memory_space<vmem>>, vector<1x1x16xf32>,
          %get3A_923 = vector.shape_cast %get3A_922 : vector<1x1x16xf32> to vector<16xf32>
          %add3A_924 = arith.addf %get3A_914, %get3A_923 : vector<16xf32>
          %mul3A_925 = arith.constant 10 : i32
          %mul3A_926 = arith.muli %scan3A_376, %mul3A_925 : i32
          %add3A_927 = arith.constant 2 : i32
          %add3A_928 = arith.addi %mul3A_926, %add3A_927 : i32
          %get3A_929 = arith.index_cast %select_n3A_183 : i32 to index
          %get3A_930 = arith.index_cast %add3A_928 : i32 to index
          %get3A_931 = arith.constant 80 : index
          %get3A_932 = tpu.vector_load %arg8[%get3A_929, %get3A_930, %get3A_931] {strides = array<i32>} : memref<3x160x128xf32, #tpu.memory_space<vmem>>, vector<1x1x16xf32>,
          %get3A_933 = vector.shape_cast %get3A_932 : vector<1x1x16xf32> to vector<16xf32>
          %add3A_934 = arith.addf %add3A_924, %get3A_933 : vector<16xf32>
          %mul3A_935 = arith.constant 10 : i32
          %mul3A_936 = arith.muli %scan3A_376, %mul3A_935 : i32
          %add3A_937 = arith.constant 3 : i32
          %add3A_938 = arith.addi %mul3A_936, %add3A_937 : i32
          %get3A_939 = arith.index_cast %select_n3A_183 : i32 to index
          %get3A_940 = arith.index_cast %add3A_938 : i32 to index
          %get3A_941 = arith.constant 80 : index
          %get3A_942 = tpu.vector_load %arg8[%get3A_939, %get3A_940, %get3A_941] {strides = array<i32>} : memref<3x160x128xf32, #tpu.memory_space<vmem>>, vector<1x1x16xf32>,
          %get3A_943 = vector.shape_cast %get3A_942 : vector<1x1x16xf32> to vector<16xf32>
          %add3A_944 = arith.addf %add3A_934, %get3A_943 : vector<16xf32>
          %mul3A_945 = arith.constant 10 : i32
          %mul3A_946 = arith.muli %scan3A_376, %mul3A_945 : i32
          %add3A_947 = arith.constant 4 : i32
          %add3A_948 = arith.addi %mul3A_946, %add3A_947 : i32
          %get3A_949 = arith.index_cast %select_n3A_183 : i32 to index
          %get3A_950 = arith.index_cast %add3A_948 : i32 to index
          %get3A_951 = arith.constant 80 : index
          %get3A_952 = tpu.vector_load %arg8[%get3A_949, %get3A_950, %get3A_951] {strides = array<i32>} : memref<3x160x128xf32, #tpu.memory_space<vmem>>, vector<1x1x16xf32>,
          %get3A_953 = vector.shape_cast %get3A_952 : vector<1x1x16xf32> to vector<16xf32>
          %add3A_954 = arith.addf %add3A_944, %get3A_953 : vector<16xf32>
          %mul3A_955 = arith.constant 10 : i32
          %mul3A_956 = arith.muli %scan3A_376, %mul3A_955 : i32
          %add3A_957 = arith.constant 5 : i32
          %add3A_958 = arith.addi %mul3A_956, %add3A_957 : i32
          %get3A_959 = arith.index_cast %select_n3A_183 : i32 to index
          %get3A_960 = arith.index_cast %add3A_958 : i32 to index
          %get3A_961 = arith.constant 80 : index
          %get3A_962 = tpu.vector_load %arg8[%get3A_959, %get3A_960, %get3A_961] {strides = array<i32>} : memref<3x160x128xf32, #tpu.memory_space<vmem>>, vector<1x1x16xf32>,
          %get3A_963 = vector.shape_cast %get3A_962 : vector<1x1x16xf32> to vector<16xf32>
          %add3A_964 = arith.addf %add3A_954, %get3A_963 : vector<16xf32>
          %mul3A_965 = arith.constant 10 : i32
          %mul3A_966 = arith.muli %scan3A_376, %mul3A_965 : i32
          %add3A_967 = arith.constant 6 : i32
          %add3A_968 = arith.addi %mul3A_966, %add3A_967 : i32
          %get3A_969 = arith.index_cast %select_n3A_183 : i32 to index
          %get3A_970 = arith.index_cast %add3A_968 : i32 to index
          %get3A_971 = arith.constant 80 : index
          %get3A_972 = tpu.vector_load %arg8[%get3A_969, %get3A_970, %get3A_971] {strides = array<i32>} : memref<3x160x128xf32, #tpu.memory_space<vmem>>, vector<1x1x16xf32>,
          %get3A_973 = vector.shape_cast %get3A_972 : vector<1x1x16xf32> to vector<16xf32>
          %add3A_974 = arith.addf %add3A_964, %get3A_973 : vector<16xf32>
          %mul3A_975 = arith.constant 10 : i32
          %mul3A_976 = arith.muli %scan3A_376, %mul3A_975 : i32
          %add3A_977 = arith.constant 7 : i32
          %add3A_978 = arith.addi %mul3A_976, %add3A_977 : i32
          %get3A_979 = arith.index_cast %select_n3A_183 : i32 to index
          %get3A_980 = arith.index_cast %add3A_978 : i32 to index
          %get3A_981 = arith.constant 80 : index
          %get3A_982 = tpu.vector_load %arg8[%get3A_979, %get3A_980, %get3A_981] {strides = array<i32>} : memref<3x160x128xf32, #tpu.memory_space<vmem>>, vector<1x1x16xf32>,
          %get3A_983 = vector.shape_cast %get3A_982 : vector<1x1x16xf32> to vector<16xf32>
          %add3A_984 = arith.addf %add3A_974, %get3A_983 : vector<16xf32>
          %mul3A_985 = arith.constant 10 : i32
          %mul3A_986 = arith.muli %scan3A_376, %mul3A_985 : i32
          %add3A_987 = arith.constant 8 : i32
          %add3A_988 = arith.addi %mul3A_986, %add3A_987 : i32
          %get3A_989 = arith.index_cast %select_n3A_183 : i32 to index
          %get3A_990 = arith.index_cast %add3A_988 : i32 to index
          %get3A_991 = arith.constant 80 : index
          %get3A_992 = tpu.vector_load %arg8[%get3A_989, %get3A_990, %get3A_991] {strides = array<i32>} : memref<3x160x128xf32, #tpu.memory_space<vmem>>, vector<1x1x16xf32>,
          %get3A_993 = vector.shape_cast %get3A_992 : vector<1x1x16xf32> to vector<16xf32>
          %add3A_994 = arith.addf %add3A_984, %get3A_993 : vector<16xf32>
          %mul3A_995 = arith.constant 10 : i32
          %mul3A_996 = arith.muli %scan3A_376, %mul3A_995 : i32
          %add3A_997 = arith.constant 9 : i32
          %add3A_998 = arith.addi %mul3A_996, %add3A_997 : i32
          %get3A_999 = arith.index_cast %select_n3A_183 : i32 to index
          %get3A_1000 = arith.index_cast %add3A_998 : i32 to index
          %get3A_1001 = arith.constant 80 : index
          %get3A_1002 = tpu.vector_load %arg8[%get3A_999, %get3A_1000, %get3A_1001] {strides = array<i32>} : memref<3x160x128xf32, #tpu.memory_space<vmem>>, vector<1x1x16xf32>,
          %get3A_1003 = vector.shape_cast %get3A_1002 : vector<1x1x16xf32> to vector<16xf32>
          %add3A_1004 = arith.addf %add3A_994, %get3A_1003 : vector<16xf32>
          %swap3A_1005 = arith.index_cast %select_n3A_199 : i32 to index
          %swap3A_1006 = arith.index_cast %select_n3A_167 : i32 to index
          %swap3A_1007 = arith.index_cast %scan3A_376 : i32 to index
          %swap3A_1008 = arith.constant 80 : index
          %swap3A_1009 = tpu.vector_load %arg9[%swap3A_1005, %swap3A_1006, %swap3A_1007, %swap3A_1008] {strides = array<i32>} : memref<2x2x16x128xf32, #tpu.memory_space<vmem>>, vector<1x1x1x16xf32>,
          %swap3A_1010 = vector.shape_cast %swap3A_1009 : vector<1x1x1x16xf32> to vector<16xf32>
          %swap3A_1011 = vector.shape_cast %add3A_1004 : vector<16xf32> to vector<1x1x1x16xf32>
          tpu.vector_store %arg9[%swap3A_1005, %swap3A_1006, %swap3A_1007, %swap3A_1008], %swap3A_1011 {strides = array<i32>} : memref<2x2x16x128xf32, #tpu.memory_space<vmem>>, vector<1x1x1x16xf32>,
          %mul3A_1012 = arith.constant 10 : i32
          %mul3A_1013 = arith.muli %scan3A_376, %mul3A_1012 : i32
          %add3A_1014 = arith.constant 0 : i32
          %add3A_1015 = arith.addi %mul3A_1013, %add3A_1014 : i32
          %get3A_1016 = arith.index_cast %select_n3A_183 : i32 to index
          %get3A_1017 = arith.index_cast %add3A_1015 : i32 to index
          %get3A_1018 = arith.constant 96 : index
          %get3A_1019 = tpu.vector_load %arg8[%get3A_1016, %get3A_1017, %get3A_1018] {strides = array<i32>} : memref<3x160x128xf32, #tpu.memory_space<vmem>>, vector<1x1x16xf32>,
          %get3A_1020 = vector.shape_cast %get3A_1019 : vector<1x1x16xf32> to vector<16xf32>
          %mul3A_1021 = arith.constant 10 : i32
          %mul3A_1022 = arith.muli %scan3A_376, %mul3A_1021 : i32
          %add3A_1023 = arith.constant 1 : i32
          %add3A_1024 = arith.addi %mul3A_1022, %add3A_1023 : i32
          %get3A_1025 = arith.index_cast %select_n3A_183 : i32 to index
          %get3A_1026 = arith.index_cast %add3A_1024 : i32 to index
          %get3A_1027 = arith.constant 96 : index
          %get3A_1028 = tpu.vector_load %arg8[%get3A_1025, %get3A_1026, %get3A_1027] {strides = array<i32>} : memref<3x160x128xf32, #tpu.memory_space<vmem>>, vector<1x1x16xf32>,
          %get3A_1029 = vector.shape_cast %get3A_1028 : vector<1x1x16xf32> to vector<16xf32>
          %add3A_1030 = arith.addf %get3A_1020, %get3A_1029 : vector<16xf32>
          %mul3A_1031 = arith.constant 10 : i32
          %mul3A_1032 = arith.muli %scan3A_376, %mul3A_1031 : i32
          %add3A_1033 = arith.constant 2 : i32
          %add3A_1034 = arith.addi %mul3A_1032, %add3A_1033 : i32
          %get3A_1035 = arith.index_cast %select_n3A_183 : i32 to index
          %get3A_1036 = arith.index_cast %add3A_1034 : i32 to index
          %get3A_1037 = arith.constant 96 : index
          %get3A_1038 = tpu.vector_load %arg8[%get3A_1035, %get3A_1036, %get3A_1037] {strides = array<i32>} : memref<3x160x128xf32, #tpu.memory_space<vmem>>, vector<1x1x16xf32>,
          %get3A_1039 = vector.shape_cast %get3A_1038 : vector<1x1x16xf32> to vector<16xf32>
          %add3A_1040 = arith.addf %add3A_1030, %get3A_1039 : vector<16xf32>
          %mul3A_1041 = arith.constant 10 : i32
          %mul3A_1042 = arith.muli %scan3A_376, %mul3A_1041 : i32
          %add3A_1043 = arith.constant 3 : i32
          %add3A_1044 = arith.addi %mul3A_1042, %add3A_1043 : i32
          %get3A_1045 = arith.index_cast %select_n3A_183 : i32 to index
          %get3A_1046 = arith.index_cast %add3A_1044 : i32 to index
          %get3A_1047 = arith.constant 96 : index
          %get3A_1048 = tpu.vector_load %arg8[%get3A_1045, %get3A_1046, %get3A_1047] {strides = array<i32>} : memref<3x160x128xf32, #tpu.memory_space<vmem>>, vector<1x1x16xf32>,
          %get3A_1049 = vector.shape_cast %get3A_1048 : vector<1x1x16xf32> to vector<16xf32>
          %add3A_1050 = arith.addf %add3A_1040, %get3A_1049 : vector<16xf32>
          %mul3A_1051 = arith.constant 10 : i32
          %mul3A_1052 = arith.muli %scan3A_376, %mul3A_1051 : i32
          %add3A_1053 = arith.constant 4 : i32
          %add3A_1054 = arith.addi %mul3A_1052, %add3A_1053 : i32
          %get3A_1055 = arith.index_cast %select_n3A_183 : i32 to index
          %get3A_1056 = arith.index_cast %add3A_1054 : i32 to index
          %get3A_1057 = arith.constant 96 : index
          %get3A_1058 = tpu.vector_load %arg8[%get3A_1055, %get3A_1056, %get3A_1057] {strides = array<i32>} : memref<3x160x128xf32, #tpu.memory_space<vmem>>, vector<1x1x16xf32>,
          %get3A_1059 = vector.shape_cast %get3A_1058 : vector<1x1x16xf32> to vector<16xf32>
          %add3A_1060 = arith.addf %add3A_1050, %get3A_1059 : vector<16xf32>
          %mul3A_1061 = arith.constant 10 : i32
          %mul3A_1062 = arith.muli %scan3A_376, %mul3A_1061 : i32
          %add3A_1063 = arith.constant 5 : i32
          %add3A_1064 = arith.addi %mul3A_1062, %add3A_1063 : i32
          %get3A_1065 = arith.index_cast %select_n3A_183 : i32 to index
          %get3A_1066 = arith.index_cast %add3A_1064 : i32 to index
          %get3A_1067 = arith.constant 96 : index
          %get3A_1068 = tpu.vector_load %arg8[%get3A_1065, %get3A_1066, %get3A_1067] {strides = array<i32>} : memref<3x160x128xf32, #tpu.memory_space<vmem>>, vector<1x1x16xf32>,
          %get3A_1069 = vector.shape_cast %get3A_1068 : vector<1x1x16xf32> to vector<16xf32>
          %add3A_1070 = arith.addf %add3A_1060, %get3A_1069 : vector<16xf32>
          %mul3A_1071 = arith.constant 10 : i32
          %mul3A_1072 = arith.muli %scan3A_376, %mul3A_1071 : i32
          %add3A_1073 = arith.constant 6 : i32
          %add3A_1074 = arith.addi %mul3A_1072, %add3A_1073 : i32
          %get3A_1075 = arith.index_cast %select_n3A_183 : i32 to index
          %get3A_1076 = arith.index_cast %add3A_1074 : i32 to index
          %get3A_1077 = arith.constant 96 : index
          %get3A_1078 = tpu.vector_load %arg8[%get3A_1075, %get3A_1076, %get3A_1077] {strides = array<i32>} : memref<3x160x128xf32, #tpu.memory_space<vmem>>, vector<1x1x16xf32>,
          %get3A_1079 = vector.shape_cast %get3A_1078 : vector<1x1x16xf32> to vector<16xf32>
          %add3A_1080 = arith.addf %add3A_1070, %get3A_1079 : vector<16xf32>
          %mul3A_1081 = arith.constant 10 : i32
          %mul3A_1082 = arith.muli %scan3A_376, %mul3A_1081 : i32
          %add3A_1083 = arith.constant 7 : i32
          %add3A_1084 = arith.addi %mul3A_1082, %add3A_1083 : i32
          %get3A_1085 = arith.index_cast %select_n3A_183 : i32 to index
          %get3A_1086 = arith.index_cast %add3A_1084 : i32 to index
          %get3A_1087 = arith.constant 96 : index
          %get3A_1088 = tpu.vector_load %arg8[%get3A_1085, %get3A_1086, %get3A_1087] {strides = array<i32>} : memref<3x160x128xf32, #tpu.memory_space<vmem>>, vector<1x1x16xf32>,
          %get3A_1089 = vector.shape_cast %get3A_1088 : vector<1x1x16xf32> to vector<16xf32>
          %add3A_1090 = arith.addf %add3A_1080, %get3A_1089 : vector<16xf32>
          %mul3A_1091 = arith.constant 10 : i32
          %mul3A_1092 = arith.muli %scan3A_376, %mul3A_1091 : i32
          %add3A_1093 = arith.constant 8 : i32
          %add3A_1094 = arith.addi %mul3A_1092, %add3A_1093 : i32
          %get3A_1095 = arith.index_cast %select_n3A_183 : i32 to index
          %get3A_1096 = arith.index_cast %add3A_1094 : i32 to index
          %get3A_1097 = arith.constant 96 : index
          %get3A_1098 = tpu.vector_load %arg8[%get3A_1095, %get3A_1096, %get3A_1097] {strides = array<i32>} : memref<3x160x128xf32, #tpu.memory_space<vmem>>, vector<1x1x16xf32>,
          %get3A_1099 = vector.shape_cast %get3A_1098 : vector<1x1x16xf32> to vector<16xf32>
          %add3A_1100 = arith.addf %add3A_1090, %get3A_1099 : vector<16xf32>
          %mul3A_1101 = arith.constant 10 : i32
          %mul3A_1102 = arith.muli %scan3A_376, %mul3A_1101 : i32
          %add3A_1103 = arith.constant 9 : i32
          %add3A_1104 = arith.addi %mul3A_1102, %add3A_1103 : i32
          %get3A_1105 = arith.index_cast %select_n3A_183 : i32 to index
          %get3A_1106 = arith.index_cast %add3A_1104 : i32 to index
          %get3A_1107 = arith.constant 96 : index
          %get3A_1108 = tpu.vector_load %arg8[%get3A_1105, %get3A_1106, %get3A_1107] {strides = array<i32>} : memref<3x160x128xf32, #tpu.memory_space<vmem>>, vector<1x1x16xf32>,
          %get3A_1109 = vector.shape_cast %get3A_1108 : vector<1x1x16xf32> to vector<16xf32>
          %add3A_1110 = arith.addf %add3A_1100, %get3A_1109 : vector<16xf32>
          %swap3A_1111 = arith.index_cast %select_n3A_199 : i32 to index
          %swap3A_1112 = arith.index_cast %select_n3A_167 : i32 to index
          %swap3A_1113 = arith.index_cast %scan3A_376 : i32 to index
          %swap3A_1114 = arith.constant 96 : index
          %swap3A_1115 = tpu.vector_load %arg9[%swap3A_1111, %swap3A_1112, %swap3A_1113, %swap3A_1114] {strides = array<i32>} : memref<2x2x16x128xf32, #tpu.memory_space<vmem>>, vector<1x1x1x16xf32>,
          %swap3A_1116 = vector.shape_cast %swap3A_1115 : vector<1x1x1x16xf32> to vector<16xf32>
          %swap3A_1117 = vector.shape_cast %add3A_1110 : vector<16xf32> to vector<1x1x1x16xf32>
          tpu.vector_store %arg9[%swap3A_1111, %swap3A_1112, %swap3A_1113, %swap3A_1114], %swap3A_1117 {strides = array<i32>} : memref<2x2x16x128xf32, #tpu.memory_space<vmem>>, vector<1x1x1x16xf32>,
          %mul3A_1118 = arith.constant 10 : i32
          %mul3A_1119 = arith.muli %scan3A_376, %mul3A_1118 : i32
          %add3A_1120 = arith.constant 0 : i32
          %add3A_1121 = arith.addi %mul3A_1119, %add3A_1120 : i32
          %get3A_1122 = arith.index_cast %select_n3A_183 : i32 to index
          %get3A_1123 = arith.index_cast %add3A_1121 : i32 to index
          %get3A_1124 = arith.constant 112 : index
          %get3A_1125 = tpu.vector_load %arg8[%get3A_1122, %get3A_1123, %get3A_1124] {strides = array<i32>} : memref<3x160x128xf32, #tpu.memory_space<vmem>>, vector<1x1x16xf32>,
          %get3A_1126 = vector.shape_cast %get3A_1125 : vector<1x1x16xf32> to vector<16xf32>
          %mul3A_1127 = arith.constant 10 : i32
          %mul3A_1128 = arith.muli %scan3A_376, %mul3A_1127 : i32
          %add3A_1129 = arith.constant 1 : i32
          %add3A_1130 = arith.addi %mul3A_1128, %add3A_1129 : i32
          %get3A_1131 = arith.index_cast %select_n3A_183 : i32 to index
          %get3A_1132 = arith.index_cast %add3A_1130 : i32 to index
          %get3A_1133 = arith.constant 112 : index
          %get3A_1134 = tpu.vector_load %arg8[%get3A_1131, %get3A_1132, %get3A_1133] {strides = array<i32>} : memref<3x160x128xf32, #tpu.memory_space<vmem>>, vector<1x1x16xf32>,
          %get3A_1135 = vector.shape_cast %get3A_1134 : vector<1x1x16xf32> to vector<16xf32>
          %add3A_1136 = arith.addf %get3A_1126, %get3A_1135 : vector<16xf32>
          %mul3A_1137 = arith.constant 10 : i32
          %mul3A_1138 = arith.muli %scan3A_376, %mul3A_1137 : i32
          %add3A_1139 = arith.constant 2 : i32
          %add3A_1140 = arith.addi %mul3A_1138, %add3A_1139 : i32
          %get3A_1141 = arith.index_cast %select_n3A_183 : i32 to index
          %get3A_1142 = arith.index_cast %add3A_1140 : i32 to index
          %get3A_1143 = arith.constant 112 : index
          %get3A_1144 = tpu.vector_load %arg8[%get3A_1141, %get3A_1142, %get3A_1143] {strides = array<i32>} : memref<3x160x128xf32, #tpu.memory_space<vmem>>, vector<1x1x16xf32>,
          %get3A_1145 = vector.shape_cast %get3A_1144 : vector<1x1x16xf32> to vector<16xf32>
          %add3A_1146 = arith.addf %add3A_1136, %get3A_1145 : vector<16xf32>
          %mul3A_1147 = arith.constant 10 : i32
          %mul3A_1148 = arith.muli %scan3A_376, %mul3A_1147 : i32
          %add3A_1149 = arith.constant 3 : i32
          %add3A_1150 = arith.addi %mul3A_1148, %add3A_1149 : i32
          %get3A_1151 = arith.index_cast %select_n3A_183 : i32 to index
          %get3A_1152 = arith.index_cast %add3A_1150 : i32 to index
          %get3A_1153 = arith.constant 112 : index
          %get3A_1154 = tpu.vector_load %arg8[%get3A_1151, %get3A_1152, %get3A_1153] {strides = array<i32>} : memref<3x160x128xf32, #tpu.memory_space<vmem>>, vector<1x1x16xf32>,
          %get3A_1155 = vector.shape_cast %get3A_1154 : vector<1x1x16xf32> to vector<16xf32>
          %add3A_1156 = arith.addf %add3A_1146, %get3A_1155 : vector<16xf32>
          %mul3A_1157 = arith.constant 10 : i32
          %mul3A_1158 = arith.muli %scan3A_376, %mul3A_1157 : i32
          %add3A_1159 = arith.constant 4 : i32
          %add3A_1160 = arith.addi %mul3A_1158, %add3A_1159 : i32
          %get3A_1161 = arith.index_cast %select_n3A_183 : i32 to index
          %get3A_1162 = arith.index_cast %add3A_1160 : i32 to index
          %get3A_1163 = arith.constant 112 : index
          %get3A_1164 = tpu.vector_load %arg8[%get3A_1161, %get3A_1162, %get3A_1163] {strides = array<i32>} : memref<3x160x128xf32, #tpu.memory_space<vmem>>, vector<1x1x16xf32>,
          %get3A_1165 = vector.shape_cast %get3A_1164 : vector<1x1x16xf32> to vector<16xf32>
          %add3A_1166 = arith.addf %add3A_1156, %get3A_1165 : vector<16xf32>
          %mul3A_1167 = arith.constant 10 : i32
          %mul3A_1168 = arith.muli %scan3A_376, %mul3A_1167 : i32
          %add3A_1169 = arith.constant 5 : i32
          %add3A_1170 = arith.addi %mul3A_1168, %add3A_1169 : i32
          %get3A_1171 = arith.index_cast %select_n3A_183 : i32 to index
          %get3A_1172 = arith.index_cast %add3A_1170 : i32 to index
          %get3A_1173 = arith.constant 112 : index
          %get3A_1174 = tpu.vector_load %arg8[%get3A_1171, %get3A_1172, %get3A_1173] {strides = array<i32>} : memref<3x160x128xf32, #tpu.memory_space<vmem>>, vector<1x1x16xf32>,
          %get3A_1175 = vector.shape_cast %get3A_1174 : vector<1x1x16xf32> to vector<16xf32>
          %add3A_1176 = arith.addf %add3A_1166, %get3A_1175 : vector<16xf32>
          %mul3A_1177 = arith.constant 10 : i32
          %mul3A_1178 = arith.muli %scan3A_376, %mul3A_1177 : i32
          %add3A_1179 = arith.constant 6 : i32
          %add3A_1180 = arith.addi %mul3A_1178, %add3A_1179 : i32
          %get3A_1181 = arith.index_cast %select_n3A_183 : i32 to index
          %get3A_1182 = arith.index_cast %add3A_1180 : i32 to index
          %get3A_1183 = arith.constant 112 : index
          %get3A_1184 = tpu.vector_load %arg8[%get3A_1181, %get3A_1182, %get3A_1183] {strides = array<i32>} : memref<3x160x128xf32, #tpu.memory_space<vmem>>, vector<1x1x16xf32>,
          %get3A_1185 = vector.shape_cast %get3A_1184 : vector<1x1x16xf32> to vector<16xf32>
          %add3A_1186 = arith.addf %add3A_1176, %get3A_1185 : vector<16xf32>
          %mul3A_1187 = arith.constant 10 : i32
          %mul3A_1188 = arith.muli %scan3A_376, %mul3A_1187 : i32
          %add3A_1189 = arith.constant 7 : i32
          %add3A_1190 = arith.addi %mul3A_1188, %add3A_1189 : i32
          %get3A_1191 = arith.index_cast %select_n3A_183 : i32 to index
          %get3A_1192 = arith.index_cast %add3A_1190 : i32 to index
          %get3A_1193 = arith.constant 112 : index
          %get3A_1194 = tpu.vector_load %arg8[%get3A_1191, %get3A_1192, %get3A_1193] {strides = array<i32>} : memref<3x160x128xf32, #tpu.memory_space<vmem>>, vector<1x1x16xf32>,
          %get3A_1195 = vector.shape_cast %get3A_1194 : vector<1x1x16xf32> to vector<16xf32>
          %add3A_1196 = arith.addf %add3A_1186, %get3A_1195 : vector<16xf32>
          %mul3A_1197 = arith.constant 10 : i32
          %mul3A_1198 = arith.muli %scan3A_376, %mul3A_1197 : i32
          %add3A_1199 = arith.constant 8 : i32
          %add3A_1200 = arith.addi %mul3A_1198, %add3A_1199 : i32
          %get3A_1201 = arith.index_cast %select_n3A_183 : i32 to index
          %get3A_1202 = arith.index_cast %add3A_1200 : i32 to index
          %get3A_1203 = arith.constant 112 : index
          %get3A_1204 = tpu.vector_load %arg8[%get3A_1201, %get3A_1202, %get3A_1203] {strides = array<i32>} : memref<3x160x128xf32, #tpu.memory_space<vmem>>, vector<1x1x16xf32>,
          %get3A_1205 = vector.shape_cast %get3A_1204 : vector<1x1x16xf32> to vector<16xf32>
          %add3A_1206 = arith.addf %add3A_1196, %get3A_1205 : vector<16xf32>
          %mul3A_1207 = arith.constant 10 : i32
          %mul3A_1208 = arith.muli %scan3A_376, %mul3A_1207 : i32
          %add3A_1209 = arith.constant 9 : i32
          %add3A_1210 = arith.addi %mul3A_1208, %add3A_1209 : i32
          %get3A_1211 = arith.index_cast %select_n3A_183 : i32 to index
          %get3A_1212 = arith.index_cast %add3A_1210 : i32 to index
          %get3A_1213 = arith.constant 112 : index
          %get3A_1214 = tpu.vector_load %arg8[%get3A_1211, %get3A_1212, %get3A_1213] {strides = array<i32>} : memref<3x160x128xf32, #tpu.memory_space<vmem>>, vector<1x1x16xf32>,
          %get3A_1215 = vector.shape_cast %get3A_1214 : vector<1x1x16xf32> to vector<16xf32>
          %add3A_1216 = arith.addf %add3A_1206, %get3A_1215 : vector<16xf32>
          %swap3A_1217 = arith.index_cast %select_n3A_199 : i32 to index
          %swap3A_1218 = arith.index_cast %select_n3A_167 : i32 to index
          %swap3A_1219 = arith.index_cast %scan3A_376 : i32 to index
          %swap3A_1220 = arith.constant 112 : index
          %swap3A_1221 = tpu.vector_load %arg9[%swap3A_1217, %swap3A_1218, %swap3A_1219, %swap3A_1220] {strides = array<i32>} : memref<2x2x16x128xf32, #tpu.memory_space<vmem>>, vector<1x1x1x16xf32>,
          %swap3A_1222 = vector.shape_cast %swap3A_1221 : vector<1x1x1x16xf32> to vector<16xf32>
          %swap3A_1223 = vector.shape_cast %add3A_1216 : vector<16xf32> to vector<1x1x1x16xf32>
          tpu.vector_store %arg9[%swap3A_1217, %swap3A_1218, %swap3A_1219, %swap3A_1220], %swap3A_1223 {strides = array<i32>} : memref<2x2x16x128xf32, #tpu.memory_space<vmem>>, vector<1x1x1x16xf32>,
          %scan3A_1224 = arith.constant 0 : i32
          scf.yield %scan3A_1224 : i32
        }
        %scan3A_291 = arith.constant 8 : i32
        %jit3A_292 = arith.constant 2 : i32
        %div3A_293 = arith.divsi %scan3A_134, %jit3A_292 : i32
        %sign3A_294 = arith.constant 0 : i32
        %sign3A_295 = arith.cmpi sgt, %scan3A_134, %sign3A_294 : i32
        %sign3A_296 = arith.extui %sign3A_295 : i1 to i32
        %sign3A_297 = arith.constant 0 : i32
        %sign3A_298 = arith.cmpi slt, %scan3A_134, %sign3A_297 : i32
        %sign3A_299 = arith.extui %sign3A_298 : i1 to i32
        %sign3A_300 = arith.subi %sign3A_296, %sign3A_299 : i32
        %sign3A_301 = arith.constant 0 : i32
        %sign3A_302 = arith.cmpi sgt, %jit3A_292, %sign3A_301 : i32
        %sign3A_303 = arith.extui %sign3A_302 : i1 to i32
        %sign3A_304 = arith.constant 0 : i32
        %sign3A_305 = arith.cmpi slt, %jit3A_292, %sign3A_304 : i32
        %sign3A_306 = arith.extui %sign3A_305 : i1 to i32
        %sign3A_307 = arith.subi %sign3A_303, %sign3A_306 : i32
        %ne3A_308 = arith.cmpi ne, %sign3A_300, %sign3A_307 : i32
        %rem3A_309 = arith.remsi %scan3A_134, %jit3A_292 : i32
        %ne3A_310 = arith.constant 0 : i32
        %ne3A_311 = arith.cmpi ne, %rem3A_309, %ne3A_310 : i32
        %and3A_312 = arith.andi %ne3A_308, %ne3A_311 : i1
        %sub3A_313 = arith.constant 1 : i32
        %sub3A_314 = arith.subi %div3A_293, %sub3A_313 : i32
        %select_n3A_315 = arith.select %and3A_312, %sub3A_314, %div3A_293 : i32
        %jit3A_316 = arith.constant 2 : i32
        %eq3A_317 = arith.constant 0 : i32
        %eq3A_318 = arith.cmpi eq, %jit3A_316, %eq3A_317 : i32
        %jit3A_319 = arith.constant 1 : i32
        %select_n3A_320 = arith.select %eq3A_318, %jit3A_319, %jit3A_316 : i32
        %rem3A_321 = arith.remsi %scan3A_134, %select_n3A_320 : i32
        %ne3A_322 = arith.constant 0 : i32
        %ne3A_323 = arith.cmpi ne, %rem3A_321, %ne3A_322 : i32
        %lt3A_324 = arith.constant 0 : i32
        %lt3A_325 = arith.cmpi slt, %rem3A_321, %lt3A_324 : i32
        %lt3A_326 = arith.constant 0 : i32
        %lt3A_327 = arith.cmpi slt, %select_n3A_320, %lt3A_326 : i32
        %ne3A_328 = arith.xori %lt3A_325, %lt3A_327 : i1
        %and3A_329 = arith.andi %ne3A_328, %ne3A_323 : i1
        %add3A_330 = arith.addi %rem3A_321, %select_n3A_320 : i32
        %select_n3A_331 = arith.select %and3A_329, %add3A_330, %rem3A_321 : i32
        %jit3A_332 = arith.constant 3 : i32
        %eq3A_333 = arith.constant 0 : i32
        %eq3A_334 = arith.cmpi eq, %jit3A_332, %eq3A_333 : i32
        %jit3A_335 = arith.constant 1 : i32
        %select_n3A_336 = arith.select %eq3A_334, %jit3A_335, %jit3A_332 : i32
        %rem3A_337 = arith.remsi %scan3A_134, %select_n3A_336 : i32
        %ne3A_338 = arith.constant 0 : i32
        %ne3A_339 = arith.cmpi ne, %rem3A_337, %ne3A_338 : i32
        %lt3A_340 = arith.constant 0 : i32
        %lt3A_341 = arith.cmpi slt, %rem3A_337, %lt3A_340 : i32
        %lt3A_342 = arith.constant 0 : i32
        %lt3A_343 = arith.cmpi slt, %select_n3A_336, %lt3A_342 : i32
        %ne3A_344 = arith.xori %lt3A_341, %lt3A_343 : i1
        %and3A_345 = arith.andi %ne3A_344, %ne3A_339 : i1
        %add3A_346 = arith.addi %rem3A_337, %select_n3A_336 : i32
        %select_n3A_347 = arith.select %and3A_345, %add3A_346, %rem3A_337 : i32
        %mul3A_348 = arith.constant 19040 : i32
        %mul3A_349 = arith.muli %select_n3A_331, %mul3A_348 : i32
        %mul3A_350 = arith.constant 160 : i32
        %mul3A_351 = arith.muli %select_n3A_315, %mul3A_350 : i32
        %add3A_352 = arith.addi %mul3A_349, %mul3A_351 : i32
        %add3A_353 = arith.constant 80 : i32
        %add3A_354 = arith.addi %add3A_352, %add3A_353 : i32
        %dma_wait3A_355 = arith.constant 80 : i32
        %dma_wait3A_356 = arith.constant 0 : i32
        %dma_wait3A_357 = tpu.memref_slice %arg8[%select_n3A_347, %dma_wait3A_355, %dma_wait3A_356] : memref<3x160x128xf32, #tpu.memory_space<vmem>> -> memref<1x80x128xf32, #tpu.memory_space<vmem>>
        %dma_wait3A_358 = tpu.memref_squeeze %dma_wait3A_357 : memref<1x80x128xf32, #tpu.memory_space<vmem>> -> memref<80x128xf32, #tpu.memory_space<vmem>>
        %dma_wait3A_359 = tpu.memref_slice %arg7[%add3A_354] : memref<38080xi32, #tpu.memory_space<vmem>> -> memref<80xi32, #tpu.memory_space<vmem>>
        %dma_wait3A_360 = arith.constant 0 : i32
        %dma_wait3A_361 = arith.constant 0 : i32
        %dma_wait3A_362 = tpu.memref_slice %arg2[%dma_wait3A_360, %dma_wait3A_361] : memref<50000x128xf32, #tpu.memory_space<hbm>> -> memref<50000x128xf32, #tpu.memory_space<hbm>>
        tpu.wait_indirect_dma semaphore(%arg10 : memref<!tpu.dma_semaphore, #tpu.memory_space<semaphore_mem>>) src(%dma_wait3A_362 : memref<50000x128xf32, #tpu.memory_space<hbm>>) dst(%dma_wait3A_358 : memref<80x128xf32, #tpu.memory_space<vmem>>)
        %scan3A_363 = arith.constant 0 : i32
        %scan3A_364 = arith.constant 8 : i32
        %scan3A_365 = arith.constant 8 : i32
        %scan3A_366 = arith.addi %scan3A_364, %scan3A_365 : i32
        %scan3A_367 = arith.constant 1 : i32
        %scan3A_368 = scf.for %scan3A_376 = %scan3A_364 to %scan3A_366 step %scan3A_367 iter_args(%scan3A_377 = %scan3A_363) -> (i32)  : i32 {
          %mul3A_378 = arith.constant 10 : i32
          %mul3A_379 = arith.muli %scan3A_376, %mul3A_378 : i32
          %add3A_380 = arith.constant 0 : i32
          %add3A_381 = arith.addi %mul3A_379, %add3A_380 : i32
          %get3A = arith.index_cast %select_n3A_183 : i32 to index
          %get3A_382 = arith.index_cast %add3A_381 : i32 to index
          %get3A_383 = arith.constant 0 : index
          %get3A_384 = tpu.vector_load %arg8[%get3A, %get3A_382, %get3A_383] {strides = array<i32>} : memref<3x160x128xf32, #tpu.memory_space<vmem>>, vector<1x1x16xf32>,
          %get3A_385 = vector.shape_cast %get3A_384 : vector<1x1x16xf32> to vector<16xf32>
          %mul3A_386 = arith.constant 10 : i32
          %mul3A_387 = arith.muli %scan3A_376, %mul3A_386 : i32
          %add3A_388 = arith.constant 1 : i32
          %add3A_389 = arith.addi %mul3A_387, %add3A_388 : i32
          %get3A_390 = arith.index_cast %select_n3A_183 : i32 to index
          %get3A_391 = arith.index_cast %add3A_389 : i32 to index
          %get3A_392 = arith.constant 0 : index
          %get3A_393 = tpu.vector_load %arg8[%get3A_390, %get3A_391, %get3A_392] {strides = array<i32>} : memref<3x160x128xf32, #tpu.memory_space<vmem>>, vector<1x1x16xf32>,
          %get3A_394 = vector.shape_cast %get3A_393 : vector<1x1x16xf32> to vector<16xf32>
          %add3A_395 = arith.addf %get3A_385, %get3A_394 : vector<16xf32>
          %mul3A_396 = arith.constant 10 : i32
          %mul3A_397 = arith.muli %scan3A_376, %mul3A_396 : i32
          %add3A_398 = arith.constant 2 : i32
          %add3A_399 = arith.addi %mul3A_397, %add3A_398 : i32
          %get3A_400 = arith.index_cast %select_n3A_183 : i32 to index
          %get3A_401 = arith.index_cast %add3A_399 : i32 to index
          %get3A_402 = arith.constant 0 : index
          %get3A_403 = tpu.vector_load %arg8[%get3A_400, %get3A_401, %get3A_402] {strides = array<i32>} : memref<3x160x128xf32, #tpu.memory_space<vmem>>, vector<1x1x16xf32>,
          %get3A_404 = vector.shape_cast %get3A_403 : vector<1x1x16xf32> to vector<16xf32>
          %add3A_405 = arith.addf %add3A_395, %get3A_404 : vector<16xf32>
          %mul3A_406 = arith.constant 10 : i32
          %mul3A_407 = arith.muli %scan3A_376, %mul3A_406 : i32
          %add3A_408 = arith.constant 3 : i32
          %add3A_409 = arith.addi %mul3A_407, %add3A_408 : i32
          %get3A_410 = arith.index_cast %select_n3A_183 : i32 to index
          %get3A_411 = arith.index_cast %add3A_409 : i32 to index
          %get3A_412 = arith.constant 0 : index
          %get3A_413 = tpu.vector_load %arg8[%get3A_410, %get3A_411, %get3A_412] {strides = array<i32>} : memref<3x160x128xf32, #tpu.memory_space<vmem>>, vector<1x1x16xf32>,
          %get3A_414 = vector.shape_cast %get3A_413 : vector<1x1x16xf32> to vector<16xf32>
          %add3A_415 = arith.addf %add3A_405, %get3A_414 : vector<16xf32>
          %mul3A_416 = arith.constant 10 : i32
          %mul3A_417 = arith.muli %scan3A_376, %mul3A_416 : i32
          %add3A_418 = arith.constant 4 : i32
          %add3A_419 = arith.addi %mul3A_417, %add3A_418 : i32
          %get3A_420 = arith.index_cast %select_n3A_183 : i32 to index
          %get3A_421 = arith.index_cast %add3A_419 : i32 to index
          %get3A_422 = arith.constant 0 : index
          %get3A_423 = tpu.vector_load %arg8[%get3A_420, %get3A_421, %get3A_422] {strides = array<i32>} : memref<3x160x128xf32, #tpu.memory_space<vmem>>, vector<1x1x16xf32>,
          %get3A_424 = vector.shape_cast %get3A_423 : vector<1x1x16xf32> to vector<16xf32>
          %add3A_425 = arith.addf %add3A_415, %get3A_424 : vector<16xf32>
          %mul3A_426 = arith.constant 10 : i32
          %mul3A_427 = arith.muli %scan3A_376, %mul3A_426 : i32
          %add3A_428 = arith.constant 5 : i32
          %add3A_429 = arith.addi %mul3A_427, %add3A_428 : i32
          %get3A_430 = arith.index_cast %select_n3A_183 : i32 to index
          %get3A_431 = arith.index_cast %add3A_429 : i32 to index
          %get3A_432 = arith.constant 0 : index
          %get3A_433 = tpu.vector_load %arg8[%get3A_430, %get3A_431, %get3A_432] {strides = array<i32>} : memref<3x160x128xf32, #tpu.memory_space<vmem>>, vector<1x1x16xf32>,
          %get3A_434 = vector.shape_cast %get3A_433 : vector<1x1x16xf32> to vector<16xf32>
          %add3A_435 = arith.addf %add3A_425, %get3A_434 : vector<16xf32>
          %mul3A_436 = arith.constant 10 : i32
          %mul3A_437 = arith.muli %scan3A_376, %mul3A_436 : i32
          %add3A_438 = arith.constant 6 : i32
          %add3A_439 = arith.addi %mul3A_437, %add3A_438 : i32
          %get3A_440 = arith.index_cast %select_n3A_183 : i32 to index
          %get3A_441 = arith.index_cast %add3A_439 : i32 to index
          %get3A_442 = arith.constant 0 : index
          %get3A_443 = tpu.vector_load %arg8[%get3A_440, %get3A_441, %get3A_442] {strides = array<i32>} : memref<3x160x128xf32, #tpu.memory_space<vmem>>, vector<1x1x16xf32>,
          %get3A_444 = vector.shape_cast %get3A_443 : vector<1x1x16xf32> to vector<16xf32>
          %add3A_445 = arith.addf %add3A_435, %get3A_444 : vector<16xf32>
          %mul3A_446 = arith.constant 10 : i32
          %mul3A_447 = arith.muli %scan3A_376, %mul3A_446 : i32
          %add3A_448 = arith.constant 7 : i32
          %add3A_449 = arith.addi %mul3A_447, %add3A_448 : i32
          %get3A_450 = arith.index_cast %select_n3A_183 : i32 to index
          %get3A_451 = arith.index_cast %add3A_449 : i32 to index
          %get3A_452 = arith.constant 0 : index
          %get3A_453 = tpu.vector_load %arg8[%get3A_450, %get3A_451, %get3A_452] {strides = array<i32>} : memref<3x160x128xf32, #tpu.memory_space<vmem>>, vector<1x1x16xf32>,
          %get3A_454 = vector.shape_cast %get3A_453 : vector<1x1x16xf32> to vector<16xf32>
          %add3A_455 = arith.addf %add3A_445, %get3A_454 : vector<16xf32>
          %mul3A_456 = arith.constant 10 : i32
          %mul3A_457 = arith.muli %scan3A_376, %mul3A_456 : i32
          %add3A_458 = arith.constant 8 : i32
          %add3A_459 = arith.addi %mul3A_457, %add3A_458 : i32
          %get3A_460 = arith.index_cast %select_n3A_183 : i32 to index
          %get3A_461 = arith.index_cast %add3A_459 : i32 to index
          %get3A_462 = arith.constant 0 : index
          %get3A_463 = tpu.vector_load %arg8[%get3A_460, %get3A_461, %get3A_462] {strides = array<i32>} : memref<3x160x128xf32, #tpu.memory_space<vmem>>, vector<1x1x16xf32>,
          %get3A_464 = vector.shape_cast %get3A_463 : vector<1x1x16xf32> to vector<16xf32>
          %add3A_465 = arith.addf %add3A_455, %get3A_464 : vector<16xf32>
          %mul3A_466 = arith.constant 10 : i32
          %mul3A_467 = arith.muli %scan3A_376, %mul3A_466 : i32
          %add3A_468 = arith.constant 9 : i32
          %add3A_469 = arith.addi %mul3A_467, %add3A_468 : i32
          %get3A_470 = arith.index_cast %select_n3A_183 : i32 to index
          %get3A_471 = arith.index_cast %add3A_469 : i32 to index
          %get3A_472 = arith.constant 0 : index
          %get3A_473 = tpu.vector_load %arg8[%get3A_470, %get3A_471, %get3A_472] {strides = array<i32>} : memref<3x160x128xf32, #tpu.memory_space<vmem>>, vector<1x1x16xf32>,
          %get3A_474 = vector.shape_cast %get3A_473 : vector<1x1x16xf32> to vector<16xf32>
          %add3A_475 = arith.addf %add3A_465, %get3A_474 : vector<16xf32>
          %swap3A = arith.index_cast %select_n3A_199 : i32 to index
          %swap3A_476 = arith.index_cast %select_n3A_167 : i32 to index
          %swap3A_477 = arith.index_cast %scan3A_376 : i32 to index
          %swap3A_478 = arith.constant 0 : index
          %swap3A_479 = tpu.vector_load %arg9[%swap3A, %swap3A_476, %swap3A_477, %swap3A_478] {strides = array<i32>} : memref<2x2x16x128xf32, #tpu.memory_space<vmem>>, vector<1x1x1x16xf32>,
          %swap3A_480 = vector.shape_cast %swap3A_479 : vector<1x1x1x16xf32> to vector<16xf32>
          %swap3A_481 = vector.shape_cast %add3A_475 : vector<16xf32> to vector<1x1x1x16xf32>
          tpu.vector_store %arg9[%swap3A, %swap3A_476, %swap3A_477, %swap3A_478], %swap3A_481 {strides = array<i32>} : memref<2x2x16x128xf32, #tpu.memory_space<vmem>>, vector<1x1x1x16xf32>,
          %mul3A_482 = arith.constant 10 : i32
          %mul3A_483 = arith.muli %scan3A_376, %mul3A_482 : i32
          %add3A_484 = arith.constant 0 : i32
          %add3A_485 = arith.addi %mul3A_483, %add3A_484 : i32
          %get3A_486 = arith.index_cast %select_n3A_183 : i32 to index
          %get3A_487 = arith.index_cast %add3A_485 : i32 to index
          %get3A_488 = arith.constant 16 : index
          %get3A_489 = tpu.vector_load %arg8[%get3A_486, %get3A_487, %get3A_488] {strides = array<i32>} : memref<3x160x128xf32, #tpu.memory_space<vmem>>, vector<1x1x16xf32>,
          %get3A_490 = vector.shape_cast %get3A_489 : vector<1x1x16xf32> to vector<16xf32>
          %mul3A_491 = arith.constant 10 : i32
          %mul3A_492 = arith.muli %scan3A_376, %mul3A_491 : i32
          %add3A_493 = arith.constant 1 : i32
          %add3A_494 = arith.addi %mul3A_492, %add3A_493 : i32
          %get3A_495 = arith.index_cast %select_n3A_183 : i32 to index
          %get3A_496 = arith.index_cast %add3A_494 : i32 to index
          %get3A_497 = arith.constant 16 : index
          %get3A_498 = tpu.vector_load %arg8[%get3A_495, %get3A_496, %get3A_497] {strides = array<i32>} : memref<3x160x128xf32, #tpu.memory_space<vmem>>, vector<1x1x16xf32>,
          %get3A_499 = vector.shape_cast %get3A_498 : vector<1x1x16xf32> to vector<16xf32>
          %add3A_500 = arith.addf %get3A_490, %get3A_499 : vector<16xf32>
          %mul3A_501 = arith.constant 10 : i32
          %mul3A_502 = arith.muli %scan3A_376, %mul3A_501 : i32
          %add3A_503 = arith.constant 2 : i32
          %add3A_504 = arith.addi %mul3A_502, %add3A_503 : i32
          %get3A_505 = arith.index_cast %select_n3A_183 : i32 to index
          %get3A_506 = arith.index_cast %add3A_504 : i32 to index
          %get3A_507 = arith.constant 16 : index
          %get3A_508 = tpu.vector_load %arg8[%get3A_505, %get3A_506, %get3A_507] {strides = array<i32>} : memref<3x160x128xf32, #tpu.memory_space<vmem>>, vector<1x1x16xf32>,
          %get3A_509 = vector.shape_cast %get3A_508 : vector<1x1x16xf32> to vector<16xf32>
          %add3A_510 = arith.addf %add3A_500, %get3A_509 : vector<16xf32>
          %mul3A_511 = arith.constant 10 : i32
          %mul3A_512 = arith.muli %scan3A_376, %mul3A_511 : i32
          %add3A_513 = arith.constant 3 : i32
          %add3A_514 = arith.addi %mul3A_512, %add3A_513 : i32
          %get3A_515 = arith.index_cast %select_n3A_183 : i32 to index
          %get3A_516 = arith.index_cast %add3A_514 : i32 to index
          %get3A_517 = arith.constant 16 : index
          %get3A_518 = tpu.vector_load %arg8[%get3A_515, %get3A_516, %get3A_517] {strides = array<i32>} : memref<3x160x128xf32, #tpu.memory_space<vmem>>, vector<1x1x16xf32>,
          %get3A_519 = vector.shape_cast %get3A_518 : vector<1x1x16xf32> to vector<16xf32>
          %add3A_520 = arith.addf %add3A_510, %get3A_519 : vector<16xf32>
          %mul3A_521 = arith.constant 10 : i32
          %mul3A_522 = arith.muli %scan3A_376, %mul3A_521 : i32
          %add3A_523 = arith.constant 4 : i32
          %add3A_524 = arith.addi %mul3A_522, %add3A_523 : i32
          %get3A_525 = arith.index_cast %select_n3A_183 : i32 to index
          %get3A_526 = arith.index_cast %add3A_524 : i32 to index
          %get3A_527 = arith.constant 16 : index
          %get3A_528 = tpu.vector_load %arg8[%get3A_525, %get3A_526, %get3A_527] {strides = array<i32>} : memref<3x160x128xf32, #tpu.memory_space<vmem>>, vector<1x1x16xf32>,
          %get3A_529 = vector.shape_cast %get3A_528 : vector<1x1x16xf32> to vector<16xf32>
          %add3A_530 = arith.addf %add3A_520, %get3A_529 : vector<16xf32>
          %mul3A_531 = arith.constant 10 : i32
          %mul3A_532 = arith.muli %scan3A_376, %mul3A_531 : i32
          %add3A_533 = arith.constant 5 : i32
          %add3A_534 = arith.addi %mul3A_532, %add3A_533 : i32
          %get3A_535 = arith.index_cast %select_n3A_183 : i32 to index
          %get3A_536 = arith.index_cast %add3A_534 : i32 to index
          %get3A_537 = arith.constant 16 : index
          %get3A_538 = tpu.vector_load %arg8[%get3A_535, %get3A_536, %get3A_537] {strides = array<i32>} : memref<3x160x128xf32, #tpu.memory_space<vmem>>, vector<1x1x16xf32>,
          %get3A_539 = vector.shape_cast %get3A_538 : vector<1x1x16xf32> to vector<16xf32>
          %add3A_540 = arith.addf %add3A_530, %get3A_539 : vector<16xf32>
          %mul3A_541 = arith.constant 10 : i32
          %mul3A_542 = arith.muli %scan3A_376, %mul3A_541 : i32
          %add3A_543 = arith.constant 6 : i32
          %add3A_544 = arith.addi %mul3A_542, %add3A_543 : i32
          %get3A_545 = arith.index_cast %select_n3A_183 : i32 to index
          %get3A_546 = arith.index_cast %add3A_544 : i32 to index
          %get3A_547 = arith.constant 16 : index
          %get3A_548 = tpu.vector_load %arg8[%get3A_545, %get3A_546, %get3A_547] {strides = array<i32>} : memref<3x160x128xf32, #tpu.memory_space<vmem>>, vector<1x1x16xf32>,
          %get3A_549 = vector.shape_cast %get3A_548 : vector<1x1x16xf32> to vector<16xf32>
          %add3A_550 = arith.addf %add3A_540, %get3A_549 : vector<16xf32>
          %mul3A_551 = arith.constant 10 : i32
          %mul3A_552 = arith.muli %scan3A_376, %mul3A_551 : i32
          %add3A_553 = arith.constant 7 : i32
          %add3A_554 = arith.addi %mul3A_552, %add3A_553 : i32
          %get3A_555 = arith.index_cast %select_n3A_183 : i32 to index
          %get3A_556 = arith.index_cast %add3A_554 : i32 to index
          %get3A_557 = arith.constant 16 : index
          %get3A_558 = tpu.vector_load %arg8[%get3A_555, %get3A_556, %get3A_557] {strides = array<i32>} : memref<3x160x128xf32, #tpu.memory_space<vmem>>, vector<1x1x16xf32>,
          %get3A_559 = vector.shape_cast %get3A_558 : vector<1x1x16xf32> to vector<16xf32>
          %add3A_560 = arith.addf %add3A_550, %get3A_559 : vector<16xf32>
          %mul3A_561 = arith.constant 10 : i32
          %mul3A_562 = arith.muli %scan3A_376, %mul3A_561 : i32
          %add3A_563 = arith.constant 8 : i32
          %add3A_564 = arith.addi %mul3A_562, %add3A_563 : i32
          %get3A_565 = arith.index_cast %select_n3A_183 : i32 to index
          %get3A_566 = arith.index_cast %add3A_564 : i32 to index
          %get3A_567 = arith.constant 16 : index
          %get3A_568 = tpu.vector_load %arg8[%get3A_565, %get3A_566, %get3A_567] {strides = array<i32>} : memref<3x160x128xf32, #tpu.memory_space<vmem>>, vector<1x1x16xf32>,
          %get3A_569 = vector.shape_cast %get3A_568 : vector<1x1x16xf32> to vector<16xf32>
          %add3A_570 = arith.addf %add3A_560, %get3A_569 : vector<16xf32>
          %mul3A_571 = arith.constant 10 : i32
          %mul3A_572 = arith.muli %scan3A_376, %mul3A_571 : i32
          %add3A_573 = arith.constant 9 : i32
          %add3A_574 = arith.addi %mul3A_572, %add3A_573 : i32
          %get3A_575 = arith.index_cast %select_n3A_183 : i32 to index
          %get3A_576 = arith.index_cast %add3A_574 : i32 to index
          %get3A_577 = arith.constant 16 : index
          %get3A_578 = tpu.vector_load %arg8[%get3A_575, %get3A_576, %get3A_577] {strides = array<i32>} : memref<3x160x128xf32, #tpu.memory_space<vmem>>, vector<1x1x16xf32>,
          %get3A_579 = vector.shape_cast %get3A_578 : vector<1x1x16xf32> to vector<16xf32>
          %add3A_580 = arith.addf %add3A_570, %get3A_579 : vector<16xf32>
          %swap3A_581 = arith.index_cast %select_n3A_199 : i32 to index
          %swap3A_582 = arith.index_cast %select_n3A_167 : i32 to index
          %swap3A_583 = arith.index_cast %scan3A_376 : i32 to index
          %swap3A_584 = arith.constant 16 : index
          %swap3A_585 = tpu.vector_load %arg9[%swap3A_581, %swap3A_582, %swap3A_583, %swap3A_584] {strides = array<i32>} : memref<2x2x16x128xf32, #tpu.memory_space<vmem>>, vector<1x1x1x16xf32>,
          %swap3A_586 = vector.shape_cast %swap3A_585 : vector<1x1x1x16xf32> to vector<16xf32>
          %swap3A_587 = vector.shape_cast %add3A_580 : vector<16xf32> to vector<1x1x1x16xf32>
          tpu.vector_store %arg9[%swap3A_581, %swap3A_582, %swap3A_583, %swap3A_584], %swap3A_587 {strides = array<i32>} : memref<2x2x16x128xf32, #tpu.memory_space<vmem>>, vector<1x1x1x16xf32>,
          %mul3A_588 = arith.constant 10 : i32
          %mul3A_589 = arith.muli %scan3A_376, %mul3A_588 : i32
          %add3A_590 = arith.constant 0 : i32
          %add3A_591 = arith.addi %mul3A_589, %add3A_590 : i32
          %get3A_592 = arith.index_cast %select_n3A_183 : i32 to index
          %get3A_593 = arith.index_cast %add3A_591 : i32 to index
          %get3A_594 = arith.constant 32 : index
          %get3A_595 = tpu.vector_load %arg8[%get3A_592, %get3A_593, %get3A_594] {strides = array<i32>} : memref<3x160x128xf32, #tpu.memory_space<vmem>>, vector<1x1x16xf32>,
          %get3A_596 = vector.shape_cast %get3A_595 : vector<1x1x16xf32> to vector<16xf32>
          %mul3A_597 = arith.constant 10 : i32
          %mul3A_598 = arith.muli %scan3A_376, %mul3A_597 : i32
          %add3A_599 = arith.constant 1 : i32
          %add3A_600 = arith.addi %mul3A_598, %add3A_599 : i32
          %get3A_601 = arith.index_cast %select_n3A_183 : i32 to index
          %get3A_602 = arith.index_cast %add3A_600 : i32 to index
          %get3A_603 = arith.constant 32 : index
          %get3A_604 = tpu.vector_load %arg8[%get3A_601, %get3A_602, %get3A_603] {strides = array<i32>} : memref<3x160x128xf32, #tpu.memory_space<vmem>>, vector<1x1x16xf32>,
          %get3A_605 = vector.shape_cast %get3A_604 : vector<1x1x16xf32> to vector<16xf32>
          %add3A_606 = arith.addf %get3A_596, %get3A_605 : vector<16xf32>
          %mul3A_607 = arith.constant 10 : i32
          %mul3A_608 = arith.muli %scan3A_376, %mul3A_607 : i32
          %add3A_609 = arith.constant 2 : i32
          %add3A_610 = arith.addi %mul3A_608, %add3A_609 : i32
          %get3A_611 = arith.index_cast %select_n3A_183 : i32 to index
          %get3A_612 = arith.index_cast %add3A_610 : i32 to index
          %get3A_613 = arith.constant 32 : index
          %get3A_614 = tpu.vector_load %arg8[%get3A_611, %get3A_612, %get3A_613] {strides = array<i32>} : memref<3x160x128xf32, #tpu.memory_space<vmem>>, vector<1x1x16xf32>,
          %get3A_615 = vector.shape_cast %get3A_614 : vector<1x1x16xf32> to vector<16xf32>
          %add3A_616 = arith.addf %add3A_606, %get3A_615 : vector<16xf32>
          %mul3A_617 = arith.constant 10 : i32
          %mul3A_618 = arith.muli %scan3A_376, %mul3A_617 : i32
          %add3A_619 = arith.constant 3 : i32
          %add3A_620 = arith.addi %mul3A_618, %add3A_619 : i32
          %get3A_621 = arith.index_cast %select_n3A_183 : i32 to index
          %get3A_622 = arith.index_cast %add3A_620 : i32 to index
          %get3A_623 = arith.constant 32 : index
          %get3A_624 = tpu.vector_load %arg8[%get3A_621, %get3A_622, %get3A_623] {strides = array<i32>} : memref<3x160x128xf32, #tpu.memory_space<vmem>>, vector<1x1x16xf32>,
          %get3A_625 = vector.shape_cast %get3A_624 : vector<1x1x16xf32> to vector<16xf32>
          %add3A_626 = arith.addf %add3A_616, %get3A_625 : vector<16xf32>
          %mul3A_627 = arith.constant 10 : i32
          %mul3A_628 = arith.muli %scan3A_376, %mul3A_627 : i32
          %add3A_629 = arith.constant 4 : i32
          %add3A_630 = arith.addi %mul3A_628, %add3A_629 : i32
          %get3A_631 = arith.index_cast %select_n3A_183 : i32 to index
          %get3A_632 = arith.index_cast %add3A_630 : i32 to index
          %get3A_633 = arith.constant 32 : index
          %get3A_634 = tpu.vector_load %arg8[%get3A_631, %get3A_632, %get3A_633] {strides = array<i32>} : memref<3x160x128xf32, #tpu.memory_space<vmem>>, vector<1x1x16xf32>,
          %get3A_635 = vector.shape_cast %get3A_634 : vector<1x1x16xf32> to vector<16xf32>
          %add3A_636 = arith.addf %add3A_626, %get3A_635 : vector<16xf32>
          %mul3A_637 = arith.constant 10 : i32
          %mul3A_638 = arith.muli %scan3A_376, %mul3A_637 : i32
          %add3A_639 = arith.constant 5 : i32
          %add3A_640 = arith.addi %mul3A_638, %add3A_639 : i32
          %get3A_641 = arith.index_cast %select_n3A_183 : i32 to index
          %get3A_642 = arith.index_cast %add3A_640 : i32 to index
          %get3A_643 = arith.constant 32 : index
          %get3A_644 = tpu.vector_load %arg8[%get3A_641, %get3A_642, %get3A_643] {strides = array<i32>} : memref<3x160x128xf32, #tpu.memory_space<vmem>>, vector<1x1x16xf32>,
          %get3A_645 = vector.shape_cast %get3A_644 : vector<1x1x16xf32> to vector<16xf32>
          %add3A_646 = arith.addf %add3A_636, %get3A_645 : vector<16xf32>
          %mul3A_647 = arith.constant 10 : i32
          %mul3A_648 = arith.muli %scan3A_376, %mul3A_647 : i32
          %add3A_649 = arith.constant 6 : i32
          %add3A_650 = arith.addi %mul3A_648, %add3A_649 : i32
          %get3A_651 = arith.index_cast %select_n3A_183 : i32 to index
          %get3A_652 = arith.index_cast %add3A_650 : i32 to index
          %get3A_653 = arith.constant 32 : index
          %get3A_654 = tpu.vector_load %arg8[%get3A_651, %get3A_652, %get3A_653] {strides = array<i32>} : memref<3x160x128xf32, #tpu.memory_space<vmem>>, vector<1x1x16xf32>,
          %get3A_655 = vector.shape_cast %get3A_654 : vector<1x1x16xf32> to vector<16xf32>
          %add3A_656 = arith.addf %add3A_646, %get3A_655 : vector<16xf32>
          %mul3A_657 = arith.constant 10 : i32
          %mul3A_658 = arith.muli %scan3A_376, %mul3A_657 : i32
          %add3A_659 = arith.constant 7 : i32
          %add3A_660 = arith.addi %mul3A_658, %add3A_659 : i32
          %get3A_661 = arith.index_cast %select_n3A_183 : i32 to index
          %get3A_662 = arith.index_cast %add3A_660 : i32 to index
          %get3A_663 = arith.constant 32 : index
          %get3A_664 = tpu.vector_load %arg8[%get3A_661, %get3A_662, %get3A_663] {strides = array<i32>} : memref<3x160x128xf32, #tpu.memory_space<vmem>>, vector<1x1x16xf32>,
          %get3A_665 = vector.shape_cast %get3A_664 : vector<1x1x16xf32> to vector<16xf32>
          %add3A_666 = arith.addf %add3A_656, %get3A_665 : vector<16xf32>
          %mul3A_667 = arith.constant 10 : i32
          %mul3A_668 = arith.muli %scan3A_376, %mul3A_667 : i32
          %add3A_669 = arith.constant 8 : i32
          %add3A_670 = arith.addi %mul3A_668, %add3A_669 : i32
          %get3A_671 = arith.index_cast %select_n3A_183 : i32 to index
          %get3A_672 = arith.index_cast %add3A_670 : i32 to index
          %get3A_673 = arith.constant 32 : index
          %get3A_674 = tpu.vector_load %arg8[%get3A_671, %get3A_672, %get3A_673] {strides = array<i32>} : memref<3x160x128xf32, #tpu.memory_space<vmem>>, vector<1x1x16xf32>,
          %get3A_675 = vector.shape_cast %get3A_674 : vector<1x1x16xf32> to vector<16xf32>
          %add3A_676 = arith.addf %add3A_666, %get3A_675 : vector<16xf32>
          %mul3A_677 = arith.constant 10 : i32
          %mul3A_678 = arith.muli %scan3A_376, %mul3A_677 : i32
          %add3A_679 = arith.constant 9 : i32
          %add3A_680 = arith.addi %mul3A_678, %add3A_679 : i32
          %get3A_681 = arith.index_cast %select_n3A_183 : i32 to index
          %get3A_682 = arith.index_cast %add3A_680 : i32 to index
          %get3A_683 = arith.constant 32 : index
          %get3A_684 = tpu.vector_load %arg8[%get3A_681, %get3A_682, %get3A_683] {strides = array<i32>} : memref<3x160x128xf32, #tpu.memory_space<vmem>>, vector<1x1x16xf32>,
          %get3A_685 = vector.shape_cast %get3A_684 : vector<1x1x16xf32> to vector<16xf32>
          %add3A_686 = arith.addf %add3A_676, %get3A_685 : vector<16xf32>
          %swap3A_687 = arith.index_cast %select_n3A_199 : i32 to index
          %swap3A_688 = arith.index_cast %select_n3A_167 : i32 to index
          %swap3A_689 = arith.index_cast %scan3A_376 : i32 to index
          %swap3A_690 = arith.constant 32 : index
          %swap3A_691 = tpu.vector_load %arg9[%swap3A_687, %swap3A_688, %swap3A_689, %swap3A_690] {strides = array<i32>} : memref<2x2x16x128xf32, #tpu.memory_space<vmem>>, vector<1x1x1x16xf32>,
          %swap3A_692 = vector.shape_cast %swap3A_691 : vector<1x1x1x16xf32> to vector<16xf32>
          %swap3A_693 = vector.shape_cast %add3A_686 : vector<16xf32> to vector<1x1x1x16xf32>
          tpu.vector_store %arg9[%swap3A_687, %swap3A_688, %swap3A_689, %swap3A_690], %swap3A_693 {strides = array<i32>} : memref<2x2x16x128xf32, #tpu.memory_space<vmem>>, vector<1x1x1x16xf32>,
          %mul3A_694 = arith.constant 10 : i32
          %mul3A_695 = arith.muli %scan3A_376, %mul3A_694 : i32
          %add3A_696 = arith.constant 0 : i32
          %add3A_697 = arith.addi %mul3A_695, %add3A_696 : i32
          %get3A_698 = arith.index_cast %select_n3A_183 : i32 to index
          %get3A_699 = arith.index_cast %add3A_697 : i32 to index
          %get3A_700 = arith.constant 48 : index
          %get3A_701 = tpu.vector_load %arg8[%get3A_698, %get3A_699, %get3A_700] {strides = array<i32>} : memref<3x160x128xf32, #tpu.memory_space<vmem>>, vector<1x1x16xf32>,
          %get3A_702 = vector.shape_cast %get3A_701 : vector<1x1x16xf32> to vector<16xf32>
          %mul3A_703 = arith.constant 10 : i32
          %mul3A_704 = arith.muli %scan3A_376, %mul3A_703 : i32
          %add3A_705 = arith.constant 1 : i32
          %add3A_706 = arith.addi %mul3A_704, %add3A_705 : i32
          %get3A_707 = arith.index_cast %select_n3A_183 : i32 to index
          %get3A_708 = arith.index_cast %add3A_706 : i32 to index
          %get3A_709 = arith.constant 48 : index
          %get3A_710 = tpu.vector_load %arg8[%get3A_707, %get3A_708, %get3A_709] {strides = array<i32>} : memref<3x160x128xf32, #tpu.memory_space<vmem>>, vector<1x1x16xf32>,
          %get3A_711 = vector.shape_cast %get3A_710 : vector<1x1x16xf32> to vector<16xf32>
          %add3A_712 = arith.addf %get3A_702, %get3A_711 : vector<16xf32>
          %mul3A_713 = arith.constant 10 : i32
          %mul3A_714 = arith.muli %scan3A_376, %mul3A_713 : i32
          %add3A_715 = arith.constant 2 : i32
          %add3A_716 = arith.addi %mul3A_714, %add3A_715 : i32
          %get3A_717 = arith.index_cast %select_n3A_183 : i32 to index
          %get3A_718 = arith.index_cast %add3A_716 : i32 to index
          %get3A_719 = arith.constant 48 : index
          %get3A_720 = tpu.vector_load %arg8[%get3A_717, %get3A_718, %get3A_719] {strides = array<i32>} : memref<3x160x128xf32, #tpu.memory_space<vmem>>, vector<1x1x16xf32>,
          %get3A_721 = vector.shape_cast %get3A_720 : vector<1x1x16xf32> to vector<16xf32>
          %add3A_722 = arith.addf %add3A_712, %get3A_721 : vector<16xf32>
          %mul3A_723 = arith.constant 10 : i32
          %mul3A_724 = arith.muli %scan3A_376, %mul3A_723 : i32
          %add3A_725 = arith.constant 3 : i32
          %add3A_726 = arith.addi %mul3A_724, %add3A_725 : i32
          %get3A_727 = arith.index_cast %select_n3A_183 : i32 to index
          %get3A_728 = arith.index_cast %add3A_726 : i32 to index
          %get3A_729 = arith.constant 48 : index
          %get3A_730 = tpu.vector_load %arg8[%get3A_727, %get3A_728, %get3A_729] {strides = array<i32>} : memref<3x160x128xf32, #tpu.memory_space<vmem>>, vector<1x1x16xf32>,
          %get3A_731 = vector.shape_cast %get3A_730 : vector<1x1x16xf32> to vector<16xf32>
          %add3A_732 = arith.addf %add3A_722, %get3A_731 : vector<16xf32>
          %mul3A_733 = arith.constant 10 : i32
          %mul3A_734 = arith.muli %scan3A_376, %mul3A_733 : i32
          %add3A_735 = arith.constant 4 : i32
          %add3A_736 = arith.addi %mul3A_734, %add3A_735 : i32
          %get3A_737 = arith.index_cast %select_n3A_183 : i32 to index
          %get3A_738 = arith.index_cast %add3A_736 : i32 to index
          %get3A_739 = arith.constant 48 : index
          %get3A_740 = tpu.vector_load %arg8[%get3A_737, %get3A_738, %get3A_739] {strides = array<i32>} : memref<3x160x128xf32, #tpu.memory_space<vmem>>, vector<1x1x16xf32>,
          %get3A_741 = vector.shape_cast %get3A_740 : vector<1x1x16xf32> to vector<16xf32>
          %add3A_742 = arith.addf %add3A_732, %get3A_741 : vector<16xf32>
          %mul3A_743 = arith.constant 10 : i32
          %mul3A_744 = arith.muli %scan3A_376, %mul3A_743 : i32
          %add3A_745 = arith.constant 5 : i32
          %add3A_746 = arith.addi %mul3A_744, %add3A_745 : i32
          %get3A_747 = arith.index_cast %select_n3A_183 : i32 to index
          %get3A_748 = arith.index_cast %add3A_746 : i32 to index
          %get3A_749 = arith.constant 48 : index
          %get3A_750 = tpu.vector_load %arg8[%get3A_747, %get3A_748, %get3A_749] {strides = array<i32>} : memref<3x160x128xf32, #tpu.memory_space<vmem>>, vector<1x1x16xf32>,
          %get3A_751 = vector.shape_cast %get3A_750 : vector<1x1x16xf32> to vector<16xf32>
          %add3A_752 = arith.addf %add3A_742, %get3A_751 : vector<16xf32>
          %mul3A_753 = arith.constant 10 : i32
          %mul3A_754 = arith.muli %scan3A_376, %mul3A_753 : i32
          %add3A_755 = arith.constant 6 : i32
          %add3A_756 = arith.addi %mul3A_754, %add3A_755 : i32
          %get3A_757 = arith.index_cast %select_n3A_183 : i32 to index
          %get3A_758 = arith.index_cast %add3A_756 : i32 to index
          %get3A_759 = arith.constant 48 : index
          %get3A_760 = tpu.vector_load %arg8[%get3A_757, %get3A_758, %get3A_759] {strides = array<i32>} : memref<3x160x128xf32, #tpu.memory_space<vmem>>, vector<1x1x16xf32>,
          %get3A_761 = vector.shape_cast %get3A_760 : vector<1x1x16xf32> to vector<16xf32>
          %add3A_762 = arith.addf %add3A_752, %get3A_761 : vector<16xf32>
          %mul3A_763 = arith.constant 10 : i32
          %mul3A_764 = arith.muli %scan3A_376, %mul3A_763 : i32
          %add3A_765 = arith.constant 7 : i32
          %add3A_766 = arith.addi %mul3A_764, %add3A_765 : i32
          %get3A_767 = arith.index_cast %select_n3A_183 : i32 to index
          %get3A_768 = arith.index_cast %add3A_766 : i32 to index
          %get3A_769 = arith.constant 48 : index
          %get3A_770 = tpu.vector_load %arg8[%get3A_767, %get3A_768, %get3A_769] {strides = array<i32>} : memref<3x160x128xf32, #tpu.memory_space<vmem>>, vector<1x1x16xf32>,
          %get3A_771 = vector.shape_cast %get3A_770 : vector<1x1x16xf32> to vector<16xf32>
          %add3A_772 = arith.addf %add3A_762, %get3A_771 : vector<16xf32>
          %mul3A_773 = arith.constant 10 : i32
          %mul3A_774 = arith.muli %scan3A_376, %mul3A_773 : i32
          %add3A_775 = arith.constant 8 : i32
          %add3A_776 = arith.addi %mul3A_774, %add3A_775 : i32
          %get3A_777 = arith.index_cast %select_n3A_183 : i32 to index
          %get3A_778 = arith.index_cast %add3A_776 : i32 to index
          %get3A_779 = arith.constant 48 : index
          %get3A_780 = tpu.vector_load %arg8[%get3A_777, %get3A_778, %get3A_779] {strides = array<i32>} : memref<3x160x128xf32, #tpu.memory_space<vmem>>, vector<1x1x16xf32>,
          %get3A_781 = vector.shape_cast %get3A_780 : vector<1x1x16xf32> to vector<16xf32>
          %add3A_782 = arith.addf %add3A_772, %get3A_781 : vector<16xf32>
          %mul3A_783 = arith.constant 10 : i32
          %mul3A_784 = arith.muli %scan3A_376, %mul3A_783 : i32
          %add3A_785 = arith.constant 9 : i32
          %add3A_786 = arith.addi %mul3A_784, %add3A_785 : i32
          %get3A_787 = arith.index_cast %select_n3A_183 : i32 to index
          %get3A_788 = arith.index_cast %add3A_786 : i32 to index
          %get3A_789 = arith.constant 48 : index
          %get3A_790 = tpu.vector_load %arg8[%get3A_787, %get3A_788, %get3A_789] {strides = array<i32>} : memref<3x160x128xf32, #tpu.memory_space<vmem>>, vector<1x1x16xf32>,
          %get3A_791 = vector.shape_cast %get3A_790 : vector<1x1x16xf32> to vector<16xf32>
          %add3A_792 = arith.addf %add3A_782, %get3A_791 : vector<16xf32>
          %swap3A_793 = arith.index_cast %select_n3A_199 : i32 to index
          %swap3A_794 = arith.index_cast %select_n3A_167 : i32 to index
          %swap3A_795 = arith.index_cast %scan3A_376 : i32 to index
          %swap3A_796 = arith.constant 48 : index
          %swap3A_797 = tpu.vector_load %arg9[%swap3A_793, %swap3A_794, %swap3A_795, %swap3A_796] {strides = array<i32>} : memref<2x2x16x128xf32, #tpu.memory_space<vmem>>, vector<1x1x1x16xf32>,
          %swap3A_798 = vector.shape_cast %swap3A_797 : vector<1x1x1x16xf32> to vector<16xf32>
          %swap3A_799 = vector.shape_cast %add3A_792 : vector<16xf32> to vector<1x1x1x16xf32>
          tpu.vector_store %arg9[%swap3A_793, %swap3A_794, %swap3A_795, %swap3A_796], %swap3A_799 {strides = array<i32>} : memref<2x2x16x128xf32, #tpu.memory_space<vmem>>, vector<1x1x1x16xf32>,
          %mul3A_800 = arith.constant 10 : i32
          %mul3A_801 = arith.muli %scan3A_376, %mul3A_800 : i32
          %add3A_802 = arith.constant 0 : i32
          %add3A_803 = arith.addi %mul3A_801, %add3A_802 : i32
          %get3A_804 = arith.index_cast %select_n3A_183 : i32 to index
          %get3A_805 = arith.index_cast %add3A_803 : i32 to index
          %get3A_806 = arith.constant 64 : index
          %get3A_807 = tpu.vector_load %arg8[%get3A_804, %get3A_805, %get3A_806] {strides = array<i32>} : memref<3x160x128xf32, #tpu.memory_space<vmem>>, vector<1x1x16xf32>,
          %get3A_808 = vector.shape_cast %get3A_807 : vector<1x1x16xf32> to vector<16xf32>
          %mul3A_809 = arith.constant 10 : i32
          %mul3A_810 = arith.muli %scan3A_376, %mul3A_809 : i32
          %add3A_811 = arith.constant 1 : i32
          %add3A_812 = arith.addi %mul3A_810, %add3A_811 : i32
          %get3A_813 = arith.index_cast %select_n3A_183 : i32 to index
          %get3A_814 = arith.index_cast %add3A_812 : i32 to index
          %get3A_815 = arith.constant 64 : index
          %get3A_816 = tpu.vector_load %arg8[%get3A_813, %get3A_814, %get3A_815] {strides = array<i32>} : memref<3x160x128xf32, #tpu.memory_space<vmem>>, vector<1x1x16xf32>,
          %get3A_817 = vector.shape_cast %get3A_816 : vector<1x1x16xf32> to vector<16xf32>
          %add3A_818 = arith.addf %get3A_808, %get3A_817 : vector<16xf32>
          %mul3A_819 = arith.constant 10 : i32
          %mul3A_820 = arith.muli %scan3A_376, %mul3A_819 : i32
          %add3A_821 = arith.constant 2 : i32
          %add3A_822 = arith.addi %mul3A_820, %add3A_821 : i32
          %get3A_823 = arith.index_cast %select_n3A_183 : i32 to index
          %get3A_824 = arith.index_cast %add3A_822 : i32 to index
          %get3A_825 = arith.constant 64 : index
          %get3A_826 = tpu.vector_load %arg8[%get3A_823, %get3A_824, %get3A_825] {strides = array<i32>} : memref<3x160x128xf32, #tpu.memory_space<vmem>>, vector<1x1x16xf32>,
          %get3A_827 = vector.shape_cast %get3A_826 : vector<1x1x16xf32> to vector<16xf32>
          %add3A_828 = arith.addf %add3A_818, %get3A_827 : vector<16xf32>
          %mul3A_829 = arith.constant 10 : i32
          %mul3A_830 = arith.muli %scan3A_376, %mul3A_829 : i32
          %add3A_831 = arith.constant 3 : i32
          %add3A_832 = arith.addi %mul3A_830, %add3A_831 : i32
          %get3A_833 = arith.index_cast %select_n3A_183 : i32 to index
          %get3A_834 = arith.index_cast %add3A_832 : i32 to index
          %get3A_835 = arith.constant 64 : index
          %get3A_836 = tpu.vector_load %arg8[%get3A_833, %get3A_834, %get3A_835] {strides = array<i32>} : memref<3x160x128xf32, #tpu.memory_space<vmem>>, vector<1x1x16xf32>,
          %get3A_837 = vector.shape_cast %get3A_836 : vector<1x1x16xf32> to vector<16xf32>
          %add3A_838 = arith.addf %add3A_828, %get3A_837 : vector<16xf32>
          %mul3A_839 = arith.constant 10 : i32
          %mul3A_840 = arith.muli %scan3A_376, %mul3A_839 : i32
          %add3A_841 = arith.constant 4 : i32
          %add3A_842 = arith.addi %mul3A_840, %add3A_841 : i32
          %get3A_843 = arith.index_cast %select_n3A_183 : i32 to index
          %get3A_844 = arith.index_cast %add3A_842 : i32 to index
          %get3A_845 = arith.constant 64 : index
          %get3A_846 = tpu.vector_load %arg8[%get3A_843, %get3A_844, %get3A_845] {strides = array<i32>} : memref<3x160x128xf32, #tpu.memory_space<vmem>>, vector<1x1x16xf32>,
          %get3A_847 = vector.shape_cast %get3A_846 : vector<1x1x16xf32> to vector<16xf32>
          %add3A_848 = arith.addf %add3A_838, %get3A_847 : vector<16xf32>
          %mul3A_849 = arith.constant 10 : i32
          %mul3A_850 = arith.muli %scan3A_376, %mul3A_849 : i32
          %add3A_851 = arith.constant 5 : i32
          %add3A_852 = arith.addi %mul3A_850, %add3A_851 : i32
          %get3A_853 = arith.index_cast %select_n3A_183 : i32 to index
          %get3A_854 = arith.index_cast %add3A_852 : i32 to index
          %get3A_855 = arith.constant 64 : index
          %get3A_856 = tpu.vector_load %arg8[%get3A_853, %get3A_854, %get3A_855] {strides = array<i32>} : memref<3x160x128xf32, #tpu.memory_space<vmem>>, vector<1x1x16xf32>,
          %get3A_857 = vector.shape_cast %get3A_856 : vector<1x1x16xf32> to vector<16xf32>
          %add3A_858 = arith.addf %add3A_848, %get3A_857 : vector<16xf32>
          %mul3A_859 = arith.constant 10 : i32
          %mul3A_860 = arith.muli %scan3A_376, %mul3A_859 : i32
          %add3A_861 = arith.constant 6 : i32
          %add3A_862 = arith.addi %mul3A_860, %add3A_861 : i32
          %get3A_863 = arith.index_cast %select_n3A_183 : i32 to index
          %get3A_864 = arith.index_cast %add3A_862 : i32 to index
          %get3A_865 = arith.constant 64 : index
          %get3A_866 = tpu.vector_load %arg8[%get3A_863, %get3A_864, %get3A_865] {strides = array<i32>} : memref<3x160x128xf32, #tpu.memory_space<vmem>>, vector<1x1x16xf32>,
          %get3A_867 = vector.shape_cast %get3A_866 : vector<1x1x16xf32> to vector<16xf32>
          %add3A_868 = arith.addf %add3A_858, %get3A_867 : vector<16xf32>
          %mul3A_869 = arith.constant 10 : i32
          %mul3A_870 = arith.muli %scan3A_376, %mul3A_869 : i32
          %add3A_871 = arith.constant 7 : i32
          %add3A_872 = arith.addi %mul3A_870, %add3A_871 : i32
          %get3A_873 = arith.index_cast %select_n3A_183 : i32 to index
          %get3A_874 = arith.index_cast %add3A_872 : i32 to index
          %get3A_875 = arith.constant 64 : index
          %get3A_876 = tpu.vector_load %arg8[%get3A_873, %get3A_874, %get3A_875] {strides = array<i32>} : memref<3x160x128xf32, #tpu.memory_space<vmem>>, vector<1x1x16xf32>,
          %get3A_877 = vector.shape_cast %get3A_876 : vector<1x1x16xf32> to vector<16xf32>
          %add3A_878 = arith.addf %add3A_868, %get3A_877 : vector<16xf32>
          %mul3A_879 = arith.constant 10 : i32
          %mul3A_880 = arith.muli %scan3A_376, %mul3A_879 : i32
          %add3A_881 = arith.constant 8 : i32
          %add3A_882 = arith.addi %mul3A_880, %add3A_881 : i32
          %get3A_883 = arith.index_cast %select_n3A_183 : i32 to index
          %get3A_884 = arith.index_cast %add3A_882 : i32 to index
          %get3A_885 = arith.constant 64 : index
          %get3A_886 = tpu.vector_load %arg8[%get3A_883, %get3A_884, %get3A_885] {strides = array<i32>} : memref<3x160x128xf32, #tpu.memory_space<vmem>>, vector<1x1x16xf32>,
          %get3A_887 = vector.shape_cast %get3A_886 : vector<1x1x16xf32> to vector<16xf32>
          %add3A_888 = arith.addf %add3A_878, %get3A_887 : vector<16xf32>
          %mul3A_889 = arith.constant 10 : i32
          %mul3A_890 = arith.muli %scan3A_376, %mul3A_889 : i32
          %add3A_891 = arith.constant 9 : i32
          %add3A_892 = arith.addi %mul3A_890, %add3A_891 : i32
          %get3A_893 = arith.index_cast %select_n3A_183 : i32 to index
          %get3A_894 = arith.index_cast %add3A_892 : i32 to index
          %get3A_895 = arith.constant 64 : index
          %get3A_896 = tpu.vector_load %arg8[%get3A_893, %get3A_894, %get3A_895] {strides = array<i32>} : memref<3x160x128xf32, #tpu.memory_space<vmem>>, vector<1x1x16xf32>,
          %get3A_897 = vector.shape_cast %get3A_896 : vector<1x1x16xf32> to vector<16xf32>
          %add3A_898 = arith.addf %add3A_888, %get3A_897 : vector<16xf32>
          %swap3A_899 = arith.index_cast %select_n3A_199 : i32 to index
          %swap3A_900 = arith.index_cast %select_n3A_167 : i32 to index
          %swap3A_901 = arith.index_cast %scan3A_376 : i32 to index
          %swap3A_902 = arith.constant 64 : index
          %swap3A_903 = tpu.vector_load %arg9[%swap3A_899, %swap3A_900, %swap3A_901, %swap3A_902] {strides = array<i32>} : memref<2x2x16x128xf32, #tpu.memory_space<vmem>>, vector<1x1x1x16xf32>,
          %swap3A_904 = vector.shape_cast %swap3A_903 : vector<1x1x1x16xf32> to vector<16xf32>
          %swap3A_905 = vector.shape_cast %add3A_898 : vector<16xf32> to vector<1x1x1x16xf32>
          tpu.vector_store %arg9[%swap3A_899, %swap3A_900, %swap3A_901, %swap3A_902], %swap3A_905 {strides = array<i32>} : memref<2x2x16x128xf32, #tpu.memory_space<vmem>>, vector<1x1x1x16xf32>,
          %mul3A_906 = arith.constant 10 : i32
          %mul3A_907 = arith.muli %scan3A_376, %mul3A_906 : i32
          %add3A_908 = arith.constant 0 : i32
          %add3A_909 = arith.addi %mul3A_907, %add3A_908 : i32
          %get3A_910 = arith.index_cast %select_n3A_183 : i32 to index
          %get3A_911 = arith.index_cast %add3A_909 : i32 to index
          %get3A_912 = arith.constant 80 : index
          %get3A_913 = tpu.vector_load %arg8[%get3A_910, %get3A_911, %get3A_912] {strides = array<i32>} : memref<3x160x128xf32, #tpu.memory_space<vmem>>, vector<1x1x16xf32>,
          %get3A_914 = vector.shape_cast %get3A_913 : vector<1x1x16xf32> to vector<16xf32>
          %mul3A_915 = arith.constant 10 : i32
          %mul3A_916 = arith.muli %scan3A_376, %mul3A_915 : i32
          %add3A_917 = arith.constant 1 : i32
          %add3A_918 = arith.addi %mul3A_916, %add3A_917 : i32
          %get3A_919 = arith.index_cast %select_n3A_183 : i32 to index
          %get3A_920 = arith.index_cast %add3A_918 : i32 to index
          %get3A_921 = arith.constant 80 : index
          %get3A_922 = tpu.vector_load %arg8[%get3A_919, %get3A_920, %get3A_921] {strides = array<i32>} : memref<3x160x128xf32, #tpu.memory_space<vmem>>, vector<1x1x16xf32>,
          %get3A_923 = vector.shape_cast %get3A_922 : vector<1x1x16xf32> to vector<16xf32>
          %add3A_924 = arith.addf %get3A_914, %get3A_923 : vector<16xf32>
          %mul3A_925 = arith.constant 10 : i32
          %mul3A_926 = arith.muli %scan3A_376, %mul3A_925 : i32
          %add3A_927 = arith.constant 2 : i32
          %add3A_928 = arith.addi %mul3A_926, %add3A_927 : i32
          %get3A_929 = arith.index_cast %select_n3A_183 : i32 to index
          %get3A_930 = arith.index_cast %add3A_928 : i32 to index
          %get3A_931 = arith.constant 80 : index
          %get3A_932 = tpu.vector_load %arg8[%get3A_929, %get3A_930, %get3A_931] {strides = array<i32>} : memref<3x160x128xf32, #tpu.memory_space<vmem>>, vector<1x1x16xf32>,
          %get3A_933 = vector.shape_cast %get3A_932 : vector<1x1x16xf32> to vector<16xf32>
          %add3A_934 = arith.addf %add3A_924, %get3A_933 : vector<16xf32>
          %mul3A_935 = arith.constant 10 : i32
          %mul3A_936 = arith.muli %scan3A_376, %mul3A_935 : i32
          %add3A_937 = arith.constant 3 : i32
          %add3A_938 = arith.addi %mul3A_936, %add3A_937 : i32
          %get3A_939 = arith.index_cast %select_n3A_183 : i32 to index
          %get3A_940 = arith.index_cast %add3A_938 : i32 to index
          %get3A_941 = arith.constant 80 : index
          %get3A_942 = tpu.vector_load %arg8[%get3A_939, %get3A_940, %get3A_941] {strides = array<i32>} : memref<3x160x128xf32, #tpu.memory_space<vmem>>, vector<1x1x16xf32>,
          %get3A_943 = vector.shape_cast %get3A_942 : vector<1x1x16xf32> to vector<16xf32>
          %add3A_944 = arith.addf %add3A_934, %get3A_943 : vector<16xf32>
          %mul3A_945 = arith.constant 10 : i32
          %mul3A_946 = arith.muli %scan3A_376, %mul3A_945 : i32
          %add3A_947 = arith.constant 4 : i32
          %add3A_948 = arith.addi %mul3A_946, %add3A_947 : i32
          %get3A_949 = arith.index_cast %select_n3A_183 : i32 to index
          %get3A_950 = arith.index_cast %add3A_948 : i32 to index
          %get3A_951 = arith.constant 80 : index
          %get3A_952 = tpu.vector_load %arg8[%get3A_949, %get3A_950, %get3A_951] {strides = array<i32>} : memref<3x160x128xf32, #tpu.memory_space<vmem>>, vector<1x1x16xf32>,
          %get3A_953 = vector.shape_cast %get3A_952 : vector<1x1x16xf32> to vector<16xf32>
          %add3A_954 = arith.addf %add3A_944, %get3A_953 : vector<16xf32>
          %mul3A_955 = arith.constant 10 : i32
          %mul3A_956 = arith.muli %scan3A_376, %mul3A_955 : i32
          %add3A_957 = arith.constant 5 : i32
          %add3A_958 = arith.addi %mul3A_956, %add3A_957 : i32
          %get3A_959 = arith.index_cast %select_n3A_183 : i32 to index
          %get3A_960 = arith.index_cast %add3A_958 : i32 to index
          %get3A_961 = arith.constant 80 : index
          %get3A_962 = tpu.vector_load %arg8[%get3A_959, %get3A_960, %get3A_961] {strides = array<i32>} : memref<3x160x128xf32, #tpu.memory_space<vmem>>, vector<1x1x16xf32>,
          %get3A_963 = vector.shape_cast %get3A_962 : vector<1x1x16xf32> to vector<16xf32>
          %add3A_964 = arith.addf %add3A_954, %get3A_963 : vector<16xf32>
          %mul3A_965 = arith.constant 10 : i32
          %mul3A_966 = arith.muli %scan3A_376, %mul3A_965 : i32
          %add3A_967 = arith.constant 6 : i32
          %add3A_968 = arith.addi %mul3A_966, %add3A_967 : i32
          %get3A_969 = arith.index_cast %select_n3A_183 : i32 to index
          %get3A_970 = arith.index_cast %add3A_968 : i32 to index
          %get3A_971 = arith.constant 80 : index
          %get3A_972 = tpu.vector_load %arg8[%get3A_969, %get3A_970, %get3A_971] {strides = array<i32>} : memref<3x160x128xf32, #tpu.memory_space<vmem>>, vector<1x1x16xf32>,
          %get3A_973 = vector.shape_cast %get3A_972 : vector<1x1x16xf32> to vector<16xf32>
          %add3A_974 = arith.addf %add3A_964, %get3A_973 : vector<16xf32>
          %mul3A_975 = arith.constant 10 : i32
          %mul3A_976 = arith.muli %scan3A_376, %mul3A_975 : i32
          %add3A_977 = arith.constant 7 : i32
          %add3A_978 = arith.addi %mul3A_976, %add3A_977 : i32
          %get3A_979 = arith.index_cast %select_n3A_183 : i32 to index
          %get3A_980 = arith.index_cast %add3A_978 : i32 to index
          %get3A_981 = arith.constant 80 : index
          %get3A_982 = tpu.vector_load %arg8[%get3A_979, %get3A_980, %get3A_981] {strides = array<i32>} : memref<3x160x128xf32, #tpu.memory_space<vmem>>, vector<1x1x16xf32>,
          %get3A_983 = vector.shape_cast %get3A_982 : vector<1x1x16xf32> to vector<16xf32>
          %add3A_984 = arith.addf %add3A_974, %get3A_983 : vector<16xf32>
          %mul3A_985 = arith.constant 10 : i32
          %mul3A_986 = arith.muli %scan3A_376, %mul3A_985 : i32
          %add3A_987 = arith.constant 8 : i32
          %add3A_988 = arith.addi %mul3A_986, %add3A_987 : i32
          %get3A_989 = arith.index_cast %select_n3A_183 : i32 to index
          %get3A_990 = arith.index_cast %add3A_988 : i32 to index
          %get3A_991 = arith.constant 80 : index
          %get3A_992 = tpu.vector_load %arg8[%get3A_989, %get3A_990, %get3A_991] {strides = array<i32>} : memref<3x160x128xf32, #tpu.memory_space<vmem>>, vector<1x1x16xf32>,
          %get3A_993 = vector.shape_cast %get3A_992 : vector<1x1x16xf32> to vector<16xf32>
          %add3A_994 = arith.addf %add3A_984, %get3A_993 : vector<16xf32>
          %mul3A_995 = arith.constant 10 : i32
          %mul3A_996 = arith.muli %scan3A_376, %mul3A_995 : i32
          %add3A_997 = arith.constant 9 : i32
          %add3A_998 = arith.addi %mul3A_996, %add3A_997 : i32
          %get3A_999 = arith.index_cast %select_n3A_183 : i32 to index
          %get3A_1000 = arith.index_cast %add3A_998 : i32 to index
          %get3A_1001 = arith.constant 80 : index
          %get3A_1002 = tpu.vector_load %arg8[%get3A_999, %get3A_1000, %get3A_1001] {strides = array<i32>} : memref<3x160x128xf32, #tpu.memory_space<vmem>>, vector<1x1x16xf32>,
          %get3A_1003 = vector.shape_cast %get3A_1002 : vector<1x1x16xf32> to vector<16xf32>
          %add3A_1004 = arith.addf %add3A_994, %get3A_1003 : vector<16xf32>
          %swap3A_1005 = arith.index_cast %select_n3A_199 : i32 to index
          %swap3A_1006 = arith.index_cast %select_n3A_167 : i32 to index
          %swap3A_1007 = arith.index_cast %scan3A_376 : i32 to index
          %swap3A_1008 = arith.constant 80 : index
          %swap3A_1009 = tpu.vector_load %arg9[%swap3A_1005, %swap3A_1006, %swap3A_1007, %swap3A_1008] {strides = array<i32>} : memref<2x2x16x128xf32, #tpu.memory_space<vmem>>, vector<1x1x1x16xf32>,
          %swap3A_1010 = vector.shape_cast %swap3A_1009 : vector<1x1x1x16xf32> to vector<16xf32>
          %swap3A_1011 = vector.shape_cast %add3A_1004 : vector<16xf32> to vector<1x1x1x16xf32>
          tpu.vector_store %arg9[%swap3A_1005, %swap3A_1006, %swap3A_1007, %swap3A_1008], %swap3A_1011 {strides = array<i32>} : memref<2x2x16x128xf32, #tpu.memory_space<vmem>>, vector<1x1x1x16xf32>,
          %mul3A_1012 = arith.constant 10 : i32
          %mul3A_1013 = arith.muli %scan3A_376, %mul3A_1012 : i32
          %add3A_1014 = arith.constant 0 : i32
          %add3A_1015 = arith.addi %mul3A_1013, %add3A_1014 : i32
          %get3A_1016 = arith.index_cast %select_n3A_183 : i32 to index
          %get3A_1017 = arith.index_cast %add3A_1015 : i32 to index
          %get3A_1018 = arith.constant 96 : index
          %get3A_1019 = tpu.vector_load %arg8[%get3A_1016, %get3A_1017, %get3A_1018] {strides = array<i32>} : memref<3x160x128xf32, #tpu.memory_space<vmem>>, vector<1x1x16xf32>,
          %get3A_1020 = vector.shape_cast %get3A_1019 : vector<1x1x16xf32> to vector<16xf32>
          %mul3A_1021 = arith.constant 10 : i32
          %mul3A_1022 = arith.muli %scan3A_376, %mul3A_1021 : i32
          %add3A_1023 = arith.constant 1 : i32
          %add3A_1024 = arith.addi %mul3A_1022, %add3A_1023 : i32
          %get3A_1025 = arith.index_cast %select_n3A_183 : i32 to index
          %get3A_1026 = arith.index_cast %add3A_1024 : i32 to index
          %get3A_1027 = arith.constant 96 : index
          %get3A_1028 = tpu.vector_load %arg8[%get3A_1025, %get3A_1026, %get3A_1027] {strides = array<i32>} : memref<3x160x128xf32, #tpu.memory_space<vmem>>, vector<1x1x16xf32>,
          %get3A_1029 = vector.shape_cast %get3A_1028 : vector<1x1x16xf32> to vector<16xf32>
          %add3A_1030 = arith.addf %get3A_1020, %get3A_1029 : vector<16xf32>
          %mul3A_1031 = arith.constant 10 : i32
          %mul3A_1032 = arith.muli %scan3A_376, %mul3A_1031 : i32
          %add3A_1033 = arith.constant 2 : i32
          %add3A_1034 = arith.addi %mul3A_1032, %add3A_1033 : i32
          %get3A_1035 = arith.index_cast %select_n3A_183 : i32 to index
          %get3A_1036 = arith.index_cast %add3A_1034 : i32 to index
          %get3A_1037 = arith.constant 96 : index
          %get3A_1038 = tpu.vector_load %arg8[%get3A_1035, %get3A_1036, %get3A_1037] {strides = array<i32>} : memref<3x160x128xf32, #tpu.memory_space<vmem>>, vector<1x1x16xf32>,
          %get3A_1039 = vector.shape_cast %get3A_1038 : vector<1x1x16xf32> to vector<16xf32>
          %add3A_1040 = arith.addf %add3A_1030, %get3A_1039 : vector<16xf32>
          %mul3A_1041 = arith.constant 10 : i32
          %mul3A_1042 = arith.muli %scan3A_376, %mul3A_1041 : i32
          %add3A_1043 = arith.constant 3 : i32
          %add3A_1044 = arith.addi %mul3A_1042, %add3A_1043 : i32
          %get3A_1045 = arith.index_cast %select_n3A_183 : i32 to index
          %get3A_1046 = arith.index_cast %add3A_1044 : i32 to index
          %get3A_1047 = arith.constant 96 : index
          %get3A_1048 = tpu.vector_load %arg8[%get3A_1045, %get3A_1046, %get3A_1047] {strides = array<i32>} : memref<3x160x128xf32, #tpu.memory_space<vmem>>, vector<1x1x16xf32>,
          %get3A_1049 = vector.shape_cast %get3A_1048 : vector<1x1x16xf32> to vector<16xf32>
          %add3A_1050 = arith.addf %add3A_1040, %get3A_1049 : vector<16xf32>
          %mul3A_1051 = arith.constant 10 : i32
          %mul3A_1052 = arith.muli %scan3A_376, %mul3A_1051 : i32
          %add3A_1053 = arith.constant 4 : i32
          %add3A_1054 = arith.addi %mul3A_1052, %add3A_1053 : i32
          %get3A_1055 = arith.index_cast %select_n3A_183 : i32 to index
          %get3A_1056 = arith.index_cast %add3A_1054 : i32 to index
          %get3A_1057 = arith.constant 96 : index
          %get3A_1058 = tpu.vector_load %arg8[%get3A_1055, %get3A_1056, %get3A_1057] {strides = array<i32>} : memref<3x160x128xf32, #tpu.memory_space<vmem>>, vector<1x1x16xf32>,
          %get3A_1059 = vector.shape_cast %get3A_1058 : vector<1x1x16xf32> to vector<16xf32>
          %add3A_1060 = arith.addf %add3A_1050, %get3A_1059 : vector<16xf32>
          %mul3A_1061 = arith.constant 10 : i32
          %mul3A_1062 = arith.muli %scan3A_376, %mul3A_1061 : i32
          %add3A_1063 = arith.constant 5 : i32
          %add3A_1064 = arith.addi %mul3A_1062, %add3A_1063 : i32
          %get3A_1065 = arith.index_cast %select_n3A_183 : i32 to index
          %get3A_1066 = arith.index_cast %add3A_1064 : i32 to index
          %get3A_1067 = arith.constant 96 : index
          %get3A_1068 = tpu.vector_load %arg8[%get3A_1065, %get3A_1066, %get3A_1067] {strides = array<i32>} : memref<3x160x128xf32, #tpu.memory_space<vmem>>, vector<1x1x16xf32>,
          %get3A_1069 = vector.shape_cast %get3A_1068 : vector<1x1x16xf32> to vector<16xf32>
          %add3A_1070 = arith.addf %add3A_1060, %get3A_1069 : vector<16xf32>
          %mul3A_1071 = arith.constant 10 : i32
          %mul3A_1072 = arith.muli %scan3A_376, %mul3A_1071 : i32
          %add3A_1073 = arith.constant 6 : i32
          %add3A_1074 = arith.addi %mul3A_1072, %add3A_1073 : i32
          %get3A_1075 = arith.index_cast %select_n3A_183 : i32 to index
          %get3A_1076 = arith.index_cast %add3A_1074 : i32 to index
          %get3A_1077 = arith.constant 96 : index
          %get3A_1078 = tpu.vector_load %arg8[%get3A_1075, %get3A_1076, %get3A_1077] {strides = array<i32>} : memref<3x160x128xf32, #tpu.memory_space<vmem>>, vector<1x1x16xf32>,
          %get3A_1079 = vector.shape_cast %get3A_1078 : vector<1x1x16xf32> to vector<16xf32>
          %add3A_1080 = arith.addf %add3A_1070, %get3A_1079 : vector<16xf32>
          %mul3A_1081 = arith.constant 10 : i32
          %mul3A_1082 = arith.muli %scan3A_376, %mul3A_1081 : i32
          %add3A_1083 = arith.constant 7 : i32
          %add3A_1084 = arith.addi %mul3A_1082, %add3A_1083 : i32
          %get3A_1085 = arith.index_cast %select_n3A_183 : i32 to index
          %get3A_1086 = arith.index_cast %add3A_1084 : i32 to index
          %get3A_1087 = arith.constant 96 : index
          %get3A_1088 = tpu.vector_load %arg8[%get3A_1085, %get3A_1086, %get3A_1087] {strides = array<i32>} : memref<3x160x128xf32, #tpu.memory_space<vmem>>, vector<1x1x16xf32>,
          %get3A_1089 = vector.shape_cast %get3A_1088 : vector<1x1x16xf32> to vector<16xf32>
          %add3A_1090 = arith.addf %add3A_1080, %get3A_1089 : vector<16xf32>
          %mul3A_1091 = arith.constant 10 : i32
          %mul3A_1092 = arith.muli %scan3A_376, %mul3A_1091 : i32
          %add3A_1093 = arith.constant 8 : i32
          %add3A_1094 = arith.addi %mul3A_1092, %add3A_1093 : i32
          %get3A_1095 = arith.index_cast %select_n3A_183 : i32 to index
          %get3A_1096 = arith.index_cast %add3A_1094 : i32 to index
          %get3A_1097 = arith.constant 96 : index
          %get3A_1098 = tpu.vector_load %arg8[%get3A_1095, %get3A_1096, %get3A_1097] {strides = array<i32>} : memref<3x160x128xf32, #tpu.memory_space<vmem>>, vector<1x1x16xf32>,
          %get3A_1099 = vector.shape_cast %get3A_1098 : vector<1x1x16xf32> to vector<16xf32>
          %add3A_1100 = arith.addf %add3A_1090, %get3A_1099 : vector<16xf32>
          %mul3A_1101 = arith.constant 10 : i32
          %mul3A_1102 = arith.muli %scan3A_376, %mul3A_1101 : i32
          %add3A_1103 = arith.constant 9 : i32
          %add3A_1104 = arith.addi %mul3A_1102, %add3A_1103 : i32
          %get3A_1105 = arith.index_cast %select_n3A_183 : i32 to index
          %get3A_1106 = arith.index_cast %add3A_1104 : i32 to index
          %get3A_1107 = arith.constant 96 : index
          %get3A_1108 = tpu.vector_load %arg8[%get3A_1105, %get3A_1106, %get3A_1107] {strides = array<i32>} : memref<3x160x128xf32, #tpu.memory_space<vmem>>, vector<1x1x16xf32>,
          %get3A_1109 = vector.shape_cast %get3A_1108 : vector<1x1x16xf32> to vector<16xf32>
          %add3A_1110 = arith.addf %add3A_1100, %get3A_1109 : vector<16xf32>
          %swap3A_1111 = arith.index_cast %select_n3A_199 : i32 to index
          %swap3A_1112 = arith.index_cast %select_n3A_167 : i32 to index
          %swap3A_1113 = arith.index_cast %scan3A_376 : i32 to index
          %swap3A_1114 = arith.constant 96 : index
          %swap3A_1115 = tpu.vector_load %arg9[%swap3A_1111, %swap3A_1112, %swap3A_1113, %swap3A_1114] {strides = array<i32>} : memref<2x2x16x128xf32, #tpu.memory_space<vmem>>, vector<1x1x1x16xf32>,
          %swap3A_1116 = vector.shape_cast %swap3A_1115 : vector<1x1x1x16xf32> to vector<16xf32>
          %swap3A_1117 = vector.shape_cast %add3A_1110 : vector<16xf32> to vector<1x1x1x16xf32>
          tpu.vector_store %arg9[%swap3A_1111, %swap3A_1112, %swap3A_1113, %swap3A_1114], %swap3A_1117 {strides = array<i32>} : memref<2x2x16x128xf32, #tpu.memory_space<vmem>>, vector<1x1x1x16xf32>,
          %mul3A_1118 = arith.constant 10 : i32
          %mul3A_1119 = arith.muli %scan3A_376, %mul3A_1118 : i32
          %add3A_1120 = arith.constant 0 : i32
          %add3A_1121 = arith.addi %mul3A_1119, %add3A_1120 : i32
          %get3A_1122 = arith.index_cast %select_n3A_183 : i32 to index
          %get3A_1123 = arith.index_cast %add3A_1121 : i32 to index
          %get3A_1124 = arith.constant 112 : index
          %get3A_1125 = tpu.vector_load %arg8[%get3A_1122, %get3A_1123, %get3A_1124] {strides = array<i32>} : memref<3x160x128xf32, #tpu.memory_space<vmem>>, vector<1x1x16xf32>,
          %get3A_1126 = vector.shape_cast %get3A_1125 : vector<1x1x16xf32> to vector<16xf32>
          %mul3A_1127 = arith.constant 10 : i32
          %mul3A_1128 = arith.muli %scan3A_376, %mul3A_1127 : i32
          %add3A_1129 = arith.constant 1 : i32
          %add3A_1130 = arith.addi %mul3A_1128, %add3A_1129 : i32
          %get3A_1131 = arith.index_cast %select_n3A_183 : i32 to index
          %get3A_1132 = arith.index_cast %add3A_1130 : i32 to index
          %get3A_1133 = arith.constant 112 : index
          %get3A_1134 = tpu.vector_load %arg8[%get3A_1131, %get3A_1132, %get3A_1133] {strides = array<i32>} : memref<3x160x128xf32, #tpu.memory_space<vmem>>, vector<1x1x16xf32>,
          %get3A_1135 = vector.shape_cast %get3A_1134 : vector<1x1x16xf32> to vector<16xf32>
          %add3A_1136 = arith.addf %get3A_1126, %get3A_1135 : vector<16xf32>
          %mul3A_1137 = arith.constant 10 : i32
          %mul3A_1138 = arith.muli %scan3A_376, %mul3A_1137 : i32
          %add3A_1139 = arith.constant 2 : i32
          %add3A_1140 = arith.addi %mul3A_1138, %add3A_1139 : i32
          %get3A_1141 = arith.index_cast %select_n3A_183 : i32 to index
          %get3A_1142 = arith.index_cast %add3A_1140 : i32 to index
          %get3A_1143 = arith.constant 112 : index
          %get3A_1144 = tpu.vector_load %arg8[%get3A_1141, %get3A_1142, %get3A_1143] {strides = array<i32>} : memref<3x160x128xf32, #tpu.memory_space<vmem>>, vector<1x1x16xf32>,
          %get3A_1145 = vector.shape_cast %get3A_1144 : vector<1x1x16xf32> to vector<16xf32>
          %add3A_1146 = arith.addf %add3A_1136, %get3A_1145 : vector<16xf32>
          %mul3A_1147 = arith.constant 10 : i32
          %mul3A_1148 = arith.muli %scan3A_376, %mul3A_1147 : i32
          %add3A_1149 = arith.constant 3 : i32
          %add3A_1150 = arith.addi %mul3A_1148, %add3A_1149 : i32
          %get3A_1151 = arith.index_cast %select_n3A_183 : i32 to index
          %get3A_1152 = arith.index_cast %add3A_1150 : i32 to index
          %get3A_1153 = arith.constant 112 : index
          %get3A_1154 = tpu.vector_load %arg8[%get3A_1151, %get3A_1152, %get3A_1153] {strides = array<i32>} : memref<3x160x128xf32, #tpu.memory_space<vmem>>, vector<1x1x16xf32>,
          %get3A_1155 = vector.shape_cast %get3A_1154 : vector<1x1x16xf32> to vector<16xf32>
          %add3A_1156 = arith.addf %add3A_1146, %get3A_1155 : vector<16xf32>
          %mul3A_1157 = arith.constant 10 : i32
          %mul3A_1158 = arith.muli %scan3A_376, %mul3A_1157 : i32
          %add3A_1159 = arith.constant 4 : i32
          %add3A_1160 = arith.addi %mul3A_1158, %add3A_1159 : i32
          %get3A_1161 = arith.index_cast %select_n3A_183 : i32 to index
          %get3A_1162 = arith.index_cast %add3A_1160 : i32 to index
          %get3A_1163 = arith.constant 112 : index
          %get3A_1164 = tpu.vector_load %arg8[%get3A_1161, %get3A_1162, %get3A_1163] {strides = array<i32>} : memref<3x160x128xf32, #tpu.memory_space<vmem>>, vector<1x1x16xf32>,
          %get3A_1165 = vector.shape_cast %get3A_1164 : vector<1x1x16xf32> to vector<16xf32>
          %add3A_1166 = arith.addf %add3A_1156, %get3A_1165 : vector<16xf32>
          %mul3A_1167 = arith.constant 10 : i32
          %mul3A_1168 = arith.muli %scan3A_376, %mul3A_1167 : i32
          %add3A_1169 = arith.constant 5 : i32
          %add3A_1170 = arith.addi %mul3A_1168, %add3A_1169 : i32
          %get3A_1171 = arith.index_cast %select_n3A_183 : i32 to index
          %get3A_1172 = arith.index_cast %add3A_1170 : i32 to index
          %get3A_1173 = arith.constant 112 : index
          %get3A_1174 = tpu.vector_load %arg8[%get3A_1171, %get3A_1172, %get3A_1173] {strides = array<i32>} : memref<3x160x128xf32, #tpu.memory_space<vmem>>, vector<1x1x16xf32>,
          %get3A_1175 = vector.shape_cast %get3A_1174 : vector<1x1x16xf32> to vector<16xf32>
          %add3A_1176 = arith.addf %add3A_1166, %get3A_1175 : vector<16xf32>
          %mul3A_1177 = arith.constant 10 : i32
          %mul3A_1178 = arith.muli %scan3A_376, %mul3A_1177 : i32
          %add3A_1179 = arith.constant 6 : i32
          %add3A_1180 = arith.addi %mul3A_1178, %add3A_1179 : i32
          %get3A_1181 = arith.index_cast %select_n3A_183 : i32 to index
          %get3A_1182 = arith.index_cast %add3A_1180 : i32 to index
          %get3A_1183 = arith.constant 112 : index
          %get3A_1184 = tpu.vector_load %arg8[%get3A_1181, %get3A_1182, %get3A_1183] {strides = array<i32>} : memref<3x160x128xf32, #tpu.memory_space<vmem>>, vector<1x1x16xf32>,
          %get3A_1185 = vector.shape_cast %get3A_1184 : vector<1x1x16xf32> to vector<16xf32>
          %add3A_1186 = arith.addf %add3A_1176, %get3A_1185 : vector<16xf32>
          %mul3A_1187 = arith.constant 10 : i32
          %mul3A_1188 = arith.muli %scan3A_376, %mul3A_1187 : i32
          %add3A_1189 = arith.constant 7 : i32
          %add3A_1190 = arith.addi %mul3A_1188, %add3A_1189 : i32
          %get3A_1191 = arith.index_cast %select_n3A_183 : i32 to index
          %get3A_1192 = arith.index_cast %add3A_1190 : i32 to index
          %get3A_1193 = arith.constant 112 : index
          %get3A_1194 = tpu.vector_load %arg8[%get3A_1191, %get3A_1192, %get3A_1193] {strides = array<i32>} : memref<3x160x128xf32, #tpu.memory_space<vmem>>, vector<1x1x16xf32>,
          %get3A_1195 = vector.shape_cast %get3A_1194 : vector<1x1x16xf32> to vector<16xf32>
          %add3A_1196 = arith.addf %add3A_1186, %get3A_1195 : vector<16xf32>
          %mul3A_1197 = arith.constant 10 : i32
          %mul3A_1198 = arith.muli %scan3A_376, %mul3A_1197 : i32
          %add3A_1199 = arith.constant 8 : i32
          %add3A_1200 = arith.addi %mul3A_1198, %add3A_1199 : i32
          %get3A_1201 = arith.index_cast %select_n3A_183 : i32 to index
          %get3A_1202 = arith.index_cast %add3A_1200 : i32 to index
          %get3A_1203 = arith.constant 112 : index
          %get3A_1204 = tpu.vector_load %arg8[%get3A_1201, %get3A_1202, %get3A_1203] {strides = array<i32>} : memref<3x160x128xf32, #tpu.memory_space<vmem>>, vector<1x1x16xf32>,
          %get3A_1205 = vector.shape_cast %get3A_1204 : vector<1x1x16xf32> to vector<16xf32>
          %add3A_1206 = arith.addf %add3A_1196, %get3A_1205 : vector<16xf32>
          %mul3A_1207 = arith.constant 10 : i32
          %mul3A_1208 = arith.muli %scan3A_376, %mul3A_1207 : i32
          %add3A_1209 = arith.constant 9 : i32
          %add3A_1210 = arith.addi %mul3A_1208, %add3A_1209 : i32
          %get3A_1211 = arith.index_cast %select_n3A_183 : i32 to index
          %get3A_1212 = arith.index_cast %add3A_1210 : i32 to index
          %get3A_1213 = arith.constant 112 : index
          %get3A_1214 = tpu.vector_load %arg8[%get3A_1211, %get3A_1212, %get3A_1213] {strides = array<i32>} : memref<3x160x128xf32, #tpu.memory_space<vmem>>, vector<1x1x16xf32>,
          %get3A_1215 = vector.shape_cast %get3A_1214 : vector<1x1x16xf32> to vector<16xf32>
          %add3A_1216 = arith.addf %add3A_1206, %get3A_1215 : vector<16xf32>
          %swap3A_1217 = arith.index_cast %select_n3A_199 : i32 to index
          %swap3A_1218 = arith.index_cast %select_n3A_167 : i32 to index
          %swap3A_1219 = arith.index_cast %scan3A_376 : i32 to index
          %swap3A_1220 = arith.constant 112 : index
          %swap3A_1221 = tpu.vector_load %arg9[%swap3A_1217, %swap3A_1218, %swap3A_1219, %swap3A_1220] {strides = array<i32>} : memref<2x2x16x128xf32, #tpu.memory_space<vmem>>, vector<1x1x1x16xf32>,
          %swap3A_1222 = vector.shape_cast %swap3A_1221 : vector<1x1x1x16xf32> to vector<16xf32>
          %swap3A_1223 = vector.shape_cast %add3A_1216 : vector<16xf32> to vector<1x1x1x16xf32>
          tpu.vector_store %arg9[%swap3A_1217, %swap3A_1218, %swap3A_1219, %swap3A_1220], %swap3A_1223 {strides = array<i32>} : memref<2x2x16x128xf32, #tpu.memory_space<vmem>>, vector<1x1x1x16xf32>,
          %scan3A_1224 = arith.constant 0 : i32
          scf.yield %scan3A_1224 : i32
        }
        %scan3A_369 = arith.constant 8 : i32
        %eq3A_370 = arith.constant 1 : i32
        %eq3A_371 = arith.cmpi eq, %select_n3A_167, %eq3A_370 : i32
        %convert_element_type3A_372 = arith.extui %eq3A_371 : i1 to i32
        %cond3A_373 = arith.constant 0 : i32
        %cond3A_374 = arith.cmpi ne, %convert_element_type3A_372, %cond3A_373 : i32
        scf.if %cond3A_374 {
          %jit3A_376 = arith.constant 2 : i32
          %eq3A_377 = arith.constant 0 : i32
          %eq3A_378 = arith.cmpi eq, %jit3A_376, %eq3A_377 : i32
          %jit3A_379 = arith.constant 1 : i32
          %select_n3A_380 = arith.select %eq3A_378, %jit3A_379, %jit3A_376 : i32
          %rem3A_381 = arith.remsi %select_n3A, %select_n3A_380 : i32
          %ne3A_382 = arith.constant 0 : i32
          %ne3A_383 = arith.cmpi ne, %rem3A_381, %ne3A_382 : i32
          %lt3A_384 = arith.constant 0 : i32
          %lt3A_385 = arith.cmpi slt, %rem3A_381, %lt3A_384 : i32
          %lt3A_386 = arith.constant 0 : i32
          %lt3A_387 = arith.cmpi slt, %select_n3A_380, %lt3A_386 : i32
          %ne3A_388 = arith.xori %lt3A_385, %lt3A_387 : i1
          %and3A_389 = arith.andi %ne3A_388, %ne3A_383 : i1
          %add3A_390 = arith.addi %rem3A_381, %select_n3A_380 : i32
          %select_n3A_391 = arith.select %and3A_389, %add3A_390, %rem3A_381 : i32
          %mul3A_392 = arith.constant 16 : i32
          %mul3A_393 = arith.muli %select_n3A, %mul3A_392 : i32
          %add3A_394 = arith.addi %add3A_8, %mul3A_393 : i32
          %dma_start3A_395 = arith.constant 0 : i32
          %dma_start3A_396 = arith.constant 0 : i32
          %dma_start3A_397 = arith.constant 0 : i32
          %dma_start3A_398 = tpu.memref_slice %arg9[%select_n3A_391, %dma_start3A_395, %dma_start3A_396, %dma_start3A_397] : memref<2x2x16x128xf32, #tpu.memory_space<vmem>> -> memref<1x1x16x128xf32, #tpu.memory_space<vmem>>
          %dma_start3A_399 = tpu.memref_squeeze %dma_start3A_398 : memref<1x1x16x128xf32, #tpu.memory_space<vmem>> -> memref<16x128xf32, #tpu.memory_space<vmem>>
          %dma_start3A_400 = arith.constant 0 : i32
          %dma_start3A_401 = tpu.memref_slice %arg5[%add3A_394, %dma_start3A_400] : memref<50176x128xf32, #tpu.memory_space<hbm>> -> memref<16x128xf32, #tpu.memory_space<hbm>>
          %dma_start3A_402 = arith.constant 0 : i32
          %dma_start3A_403 = tpu.memref_slice %arg5[%add3A_394, %dma_start3A_402] : memref<50176x128xf32, #tpu.memory_space<hbm>> -> memref<16x128xf32, #tpu.memory_space<hbm>>
          %dma_start3A_404 = arith.constant 0 : i32
          %dma_start3A_405 = arith.constant 0 : i32
          %dma_start3A_406 = tpu.memref_slice %arg9[%select_n3A_391, %dma_start3A_395, %dma_start3A_404, %dma_start3A_405] : memref<2x2x16x128xf32, #tpu.memory_space<vmem>> -> memref<1x1x16x128xf32, #tpu.memory_space<vmem>>
          %dma_start3A_407 = tpu.memref_squeeze %dma_start3A_406 : memref<1x1x16x128xf32, #tpu.memory_space<vmem>> -> memref<16x128xf32, #tpu.memory_space<vmem>>
          tpu.enqueue_dma source(%dma_start3A_407 : memref<16x128xf32, #tpu.memory_space<vmem>>) target(%dma_start3A_403 : memref<16x128xf32, #tpu.memory_space<hbm>>) target_semaphore(%arg11 : memref<!tpu.dma_semaphore, #tpu.memory_space<semaphore_mem>>)
          %dma_start3A_408 = arith.constant 1 : i32
          %dma_start3A_409 = arith.constant 0 : i32
          %dma_start3A_410 = arith.constant 0 : i32
          %dma_start3A_411 = tpu.memref_slice %arg9[%select_n3A_391, %dma_start3A_408, %dma_start3A_409, %dma_start3A_410] : memref<2x2x16x128xf32, #tpu.memory_space<vmem>> -> memref<1x1x16x128xf32, #tpu.memory_space<vmem>>
          %dma_start3A_412 = tpu.memref_squeeze %dma_start3A_411 : memref<1x1x16x128xf32, #tpu.memory_space<vmem>> -> memref<16x128xf32, #tpu.memory_space<vmem>>
          %dma_start3A_413 = arith.constant 0 : i32
          %dma_start3A_414 = tpu.memref_slice %arg6[%add3A_394, %dma_start3A_413] : memref<50176x128xf32, #tpu.memory_space<hbm>> -> memref<16x128xf32, #tpu.memory_space<hbm>>
          %dma_start3A_415 = arith.constant 0 : i32
          %dma_start3A_416 = tpu.memref_slice %arg6[%add3A_394, %dma_start3A_415] : memref<50176x128xf32, #tpu.memory_space<hbm>> -> memref<16x128xf32, #tpu.memory_space<hbm>>
          %dma_start3A_417 = arith.constant 0 : i32
          %dma_start3A_418 = arith.constant 0 : i32
          %dma_start3A_419 = tpu.memref_slice %arg9[%select_n3A_391, %dma_start3A_408, %dma_start3A_417, %dma_start3A_418] : memref<2x2x16x128xf32, #tpu.memory_space<vmem>> -> memref<1x1x16x128xf32, #tpu.memory_space<vmem>>
          %dma_start3A_420 = tpu.memref_squeeze %dma_start3A_419 : memref<1x1x16x128xf32, #tpu.memory_space<vmem>> -> memref<16x128xf32, #tpu.memory_space<vmem>>
          tpu.enqueue_dma source(%dma_start3A_420 : memref<16x128xf32, #tpu.memory_space<vmem>>) target(%dma_start3A_416 : memref<16x128xf32, #tpu.memory_space<hbm>>) target_semaphore(%arg11 : memref<!tpu.dma_semaphore, #tpu.memory_space<semaphore_mem>>)
        } else {
        }
        %scan3A_375 = arith.constant 0 : i32
        scf.yield %scan3A_375 : i32
      }
      %scan3A_74 = arith.constant 154 : i32
      %add3A_75 = arith.constant 1200 : i32
      %add3A_76 = arith.addi %add3A_8, %add3A_75 : i32
      %dma_wait3A = arith.constant 1 : i32
      %dma_wait3A_77 = arith.constant 0 : i32
      %dma_wait3A_78 = arith.constant 0 : i32
      %dma_wait3A_79 = arith.constant 0 : i32
      %dma_wait3A_80 = tpu.memref_slice %arg9[%dma_wait3A, %dma_wait3A_77, %dma_wait3A_78, %dma_wait3A_79] : memref<2x2x16x128xf32, #tpu.memory_space<vmem>> -> memref<1x1x16x128xf32, #tpu.memory_space<vmem>>
      %dma_wait3A_81 = tpu.memref_squeeze %dma_wait3A_80 : memref<1x1x16x128xf32, #tpu.memory_space<vmem>> -> memref<16x128xf32, #tpu.memory_space<vmem>>
      %dma_wait3A_82 = arith.constant 0 : i32
      %dma_wait3A_83 = tpu.memref_slice %arg5[%add3A_76, %dma_wait3A_82] : memref<50176x128xf32, #tpu.memory_space<hbm>> -> memref<16x128xf32, #tpu.memory_space<hbm>>
      %dma_wait3A_84 = arith.constant 0 : i32
      %dma_wait3A_85 = tpu.memref_slice %arg5[%add3A_76, %dma_wait3A_84] : memref<50176x128xf32, #tpu.memory_space<hbm>> -> memref<16x128xf32, #tpu.memory_space<hbm>>
      %dma_wait3A_86 = arith.constant 0 : i32
      %dma_wait3A_87 = arith.constant 0 : i32
      %dma_wait3A_88 = tpu.memref_slice %arg9[%dma_wait3A, %dma_wait3A_77, %dma_wait3A_86, %dma_wait3A_87] : memref<2x2x16x128xf32, #tpu.memory_space<vmem>> -> memref<1x1x16x128xf32, #tpu.memory_space<vmem>>
      %dma_wait3A_89 = tpu.memref_squeeze %dma_wait3A_88 : memref<1x1x16x128xf32, #tpu.memory_space<vmem>> -> memref<16x128xf32, #tpu.memory_space<vmem>>
      tpu.wait_dma2 semaphore(%arg11 : memref<!tpu.dma_semaphore, #tpu.memory_space<semaphore_mem>>) src(%dma_wait3A_89 : memref<16x128xf32, #tpu.memory_space<vmem>>) dst(%dma_wait3A_85 : memref<16x128xf32, #tpu.memory_space<hbm>>)
      %dma_wait3A_90 = arith.constant 1 : i32
      %dma_wait3A_91 = arith.constant 1 : i32
      %dma_wait3A_92 = arith.constant 0 : i32
      %dma_wait3A_93 = arith.constant 0 : i32
      %dma_wait3A_94 = tpu.memref_slice %arg9[%dma_wait3A_90, %dma_wait3A_91, %dma_wait3A_92, %dma_wait3A_93] : memref<2x2x16x128xf32, #tpu.memory_space<vmem>> -> memref<1x1x16x128xf32, #tpu.memory_space<vmem>>
      %dma_wait3A_95 = tpu.memref_squeeze %dma_wait3A_94 : memref<1x1x16x128xf32, #tpu.memory_space<vmem>> -> memref<16x128xf32, #tpu.memory_space<vmem>>
      %dma_wait3A_96 = arith.constant 0 : i32
      %dma_wait3A_97 = tpu.memref_slice %arg6[%add3A_76, %dma_wait3A_96] : memref<50176x128xf32, #tpu.memory_space<hbm>> -> memref<16x128xf32, #tpu.memory_space<hbm>>
      %dma_wait3A_98 = arith.constant 0 : i32
      %dma_wait3A_99 = tpu.memref_slice %arg6[%add3A_76, %dma_wait3A_98] : memref<50176x128xf32, #tpu.memory_space<hbm>> -> memref<16x128xf32, #tpu.memory_space<hbm>>
      %dma_wait3A_100 = arith.constant 0 : i32
      %dma_wait3A_101 = arith.constant 0 : i32
      %dma_wait3A_102 = tpu.memref_slice %arg9[%dma_wait3A_90, %dma_wait3A_91, %dma_wait3A_100, %dma_wait3A_101] : memref<2x2x16x128xf32, #tpu.memory_space<vmem>> -> memref<1x1x16x128xf32, #tpu.memory_space<vmem>>
      %dma_wait3A_103 = tpu.memref_squeeze %dma_wait3A_102 : memref<1x1x16x128xf32, #tpu.memory_space<vmem>> -> memref<16x128xf32, #tpu.memory_space<vmem>>
      tpu.wait_dma2 semaphore(%arg11 : memref<!tpu.dma_semaphore, #tpu.memory_space<semaphore_mem>>) src(%dma_wait3A_103 : memref<16x128xf32, #tpu.memory_space<vmem>>) dst(%dma_wait3A_99 : memref<16x128xf32, #tpu.memory_space<hbm>>)
      %add3A_104 = arith.constant 1216 : i32
      %add3A_105 = arith.addi %add3A_8, %add3A_104 : i32
      %dma_wait3A_106 = arith.constant 0 : i32
      %dma_wait3A_107 = arith.constant 0 : i32
      %dma_wait3A_108 = arith.constant 0 : i32
      %dma_wait3A_109 = arith.constant 0 : i32
      %dma_wait3A_110 = tpu.memref_slice %arg9[%dma_wait3A_106, %dma_wait3A_107, %dma_wait3A_108, %dma_wait3A_109] : memref<2x2x16x128xf32, #tpu.memory_space<vmem>> -> memref<1x1x16x128xf32, #tpu.memory_space<vmem>>
      %dma_wait3A_111 = tpu.memref_squeeze %dma_wait3A_110 : memref<1x1x16x128xf32, #tpu.memory_space<vmem>> -> memref<16x128xf32, #tpu.memory_space<vmem>>
      %dma_wait3A_112 = arith.constant 0 : i32
      %dma_wait3A_113 = tpu.memref_slice %arg5[%add3A_105, %dma_wait3A_112] : memref<50176x128xf32, #tpu.memory_space<hbm>> -> memref<16x128xf32, #tpu.memory_space<hbm>>
      %dma_wait3A_114 = arith.constant 0 : i32
      %dma_wait3A_115 = tpu.memref_slice %arg5[%add3A_105, %dma_wait3A_114] : memref<50176x128xf32, #tpu.memory_space<hbm>> -> memref<16x128xf32, #tpu.memory_space<hbm>>
      %dma_wait3A_116 = arith.constant 0 : i32
      %dma_wait3A_117 = arith.constant 0 : i32
      %dma_wait3A_118 = tpu.memref_slice %arg9[%dma_wait3A_106, %dma_wait3A_107, %dma_wait3A_116, %dma_wait3A_117] : memref<2x2x16x128xf32, #tpu.memory_space<vmem>> -> memref<1x1x16x128xf32, #tpu.memory_space<vmem>>
      %dma_wait3A_119 = tpu.memref_squeeze %dma_wait3A_118 : memref<1x1x16x128xf32, #tpu.memory_space<vmem>> -> memref<16x128xf32, #tpu.memory_space<vmem>>
      tpu.wait_dma2 semaphore(%arg11 : memref<!tpu.dma_semaphore, #tpu.memory_space<semaphore_mem>>) src(%dma_wait3A_119 : memref<16x128xf32, #tpu.memory_space<vmem>>) dst(%dma_wait3A_115 : memref<16x128xf32, #tpu.memory_space<hbm>>)
      %dma_wait3A_120 = arith.constant 0 : i32
      %dma_wait3A_121 = arith.constant 1 : i32
      %dma_wait3A_122 = arith.constant 0 : i32
      %dma_wait3A_123 = arith.constant 0 : i32
      %dma_wait3A_124 = tpu.memref_slice %arg9[%dma_wait3A_120, %dma_wait3A_121, %dma_wait3A_122, %dma_wait3A_123] : memref<2x2x16x128xf32, #tpu.memory_space<vmem>> -> memref<1x1x16x128xf32, #tpu.memory_space<vmem>>
      %dma_wait3A_125 = tpu.memref_squeeze %dma_wait3A_124 : memref<1x1x16x128xf32, #tpu.memory_space<vmem>> -> memref<16x128xf32, #tpu.memory_space<vmem>>
      %dma_wait3A_126 = arith.constant 0 : i32
      %dma_wait3A_127 = tpu.memref_slice %arg6[%add3A_105, %dma_wait3A_126] : memref<50176x128xf32, #tpu.memory_space<hbm>> -> memref<16x128xf32, #tpu.memory_space<hbm>>
      %dma_wait3A_128 = arith.constant 0 : i32
      %dma_wait3A_129 = tpu.memref_slice %arg6[%add3A_105, %dma_wait3A_128] : memref<50176x128xf32, #tpu.memory_space<hbm>> -> memref<16x128xf32, #tpu.memory_space<hbm>>
      %dma_wait3A_130 = arith.constant 0 : i32
      %dma_wait3A_131 = arith.constant 0 : i32
      %dma_wait3A_132 = tpu.memref_slice %arg9[%dma_wait3A_120, %dma_wait3A_121, %dma_wait3A_130, %dma_wait3A_131] : memref<2x2x16x128xf32, #tpu.memory_space<vmem>> -> memref<1x1x16x128xf32, #tpu.memory_space<vmem>>
      %dma_wait3A_133 = tpu.memref_squeeze %dma_wait3A_132 : memref<1x1x16x128xf32, #tpu.memory_space<vmem>> -> memref<16x128xf32, #tpu.memory_space<vmem>>
      tpu.wait_dma2 semaphore(%arg11 : memref<!tpu.dma_semaphore, #tpu.memory_space<semaphore_mem>>) src(%dma_wait3A_133 : memref<16x128xf32, #tpu.memory_space<vmem>>) dst(%dma_wait3A_129 : memref<16x128xf32, #tpu.memory_space<hbm>>)
    } else {
    }
    return
  }
}

module attributes {stable_mosaic.version = 14 : i64} {
  func.func @body(%arg0: i32, %arg1: memref<512x128xf32, #tpu.memory_space<vmem>>, %arg2: memref<512x128xf32, #tpu.memory_space<vmem>>, %arg3: memref<128x128xf32, #tpu.memory_space<vmem>>, %arg4: memref<128x128xf32, #tpu.memory_space<vmem>>, %arg5: memref<128x512xf32, #tpu.memory_space<vmem>>, %arg6: memref<128x512xf32, #tpu.memory_space<vmem>>) attributes {dimension_semantics = [#tpu.dimension_semantics<arbitrary>], iteration_bounds = array<i64: 98>, scalar_prefetch = 0 : i64, scratch_operands = 0 : i64, tpu.core_type = #tpu.core_type<tc>, window_params = [{transform_indices = @transform_0, window_bounds = array<i64: 512, 128>}, {transform_indices = @transform_1, window_bounds = array<i64: 512, 128>}, {pipeline_mode = #tpu.pipeline_mode<synchronous>, transform_indices = @transform_2, window_bounds = array<i64: 128, 128>}, {pipeline_mode = #tpu.pipeline_mode<synchronous>, transform_indices = @transform_3, window_bounds = array<i64: 128, 128>}, {transform_indices = @transform_4, window_bounds = array<i64: 128, 512>}, {transform_indices = @transform_5, window_bounds = array<i64: 128, 512>}]} {
    %get3A = arith.constant 0 : index
    %get3A_0 = arith.constant 0 : index
    %get3A_1 = vector.load %arg3[%get3A, %get3A_0] : memref<128x128xf32, #tpu.memory_space<vmem>>, vector<128x128xf32>
    %get3A_2 = arith.constant 0 : index
    %get3A_3 = arith.constant 0 : index
    %get3A_4 = vector.load %arg1[%get3A_2, %get3A_3] : memref<512x128xf32, #tpu.memory_space<vmem>>, vector<512x128xf32>
    %dot_general3A = arith.constant dense<0.000000e+00> : vector<128x512xf32>
    %dot_general3A_5 = tpu.matmul %get3A_1, %get3A_4, %dot_general3A {dimension_numbers = #tpu.dot_dimension_numbers<[1], [1], [0], [0], [0, 0, 1, 0], [], []>, transpose_lhs_hint = false} : vector<128x128xf32>, vector<512x128xf32>, vector<128x512xf32> -> vector<128x512xf32>
    %mul3A = arith.constant 1.000000e-01 : f32
    %mul3A_6 = vector.broadcast %mul3A : f32 to vector<128x512xf32>
    %mul3A_7 = arith.mulf %mul3A_6, %dot_general3A_5 : vector<128x512xf32>
    %tanh3A = math.tanh %mul3A_7 : vector<128x512xf32>
    %swap3A = arith.constant 0 : index
    %swap3A_8 = arith.constant 0 : index
    %swap3A_9 = vector.load %arg5[%swap3A, %swap3A_8] : memref<128x512xf32, #tpu.memory_space<vmem>>, vector<128x512xf32>
    tpu.vector_store %arg5[%swap3A, %swap3A_8], %tanh3A {strides = array<i32>} : memref<128x512xf32, #tpu.memory_space<vmem>>, vector<128x512xf32>,
    %get3A_10 = arith.constant 0 : index
    %get3A_11 = arith.constant 0 : index
    %get3A_12 = vector.load %arg4[%get3A_10, %get3A_11] : memref<128x128xf32, #tpu.memory_space<vmem>>, vector<128x128xf32>
    %get3A_13 = arith.constant 0 : index
    %get3A_14 = arith.constant 0 : index
    %get3A_15 = vector.load %arg2[%get3A_13, %get3A_14] : memref<512x128xf32, #tpu.memory_space<vmem>>, vector<512x128xf32>
    %dot_general3A_16 = arith.constant dense<0.000000e+00> : vector<128x512xf32>
    %dot_general3A_17 = tpu.matmul %get3A_12, %get3A_15, %dot_general3A_16 {dimension_numbers = #tpu.dot_dimension_numbers<[1], [1], [0], [0], [0, 0, 1, 0], [], []>, transpose_lhs_hint = false} : vector<128x128xf32>, vector<512x128xf32>, vector<128x512xf32> -> vector<128x512xf32>
    %mul3A_18 = arith.constant 1.000000e-01 : f32
    %mul3A_19 = vector.broadcast %mul3A_18 : f32 to vector<128x512xf32>
    %mul3A_20 = arith.mulf %mul3A_19, %dot_general3A_17 : vector<128x512xf32>
    %tanh3A_21 = math.tanh %mul3A_20 : vector<128x512xf32>
    %swap3A_22 = arith.constant 0 : index
    %swap3A_23 = arith.constant 0 : index
    %swap3A_24 = vector.load %arg6[%swap3A_22, %swap3A_23] : memref<128x512xf32, #tpu.memory_space<vmem>>, vector<128x512xf32>
    tpu.vector_store %arg6[%swap3A_22, %swap3A_23], %tanh3A_21 {strides = array<i32>} : memref<128x512xf32, #tpu.memory_space<vmem>>, vector<128x512xf32>,
    return
  }
  func.func @transform_0(%arg0: i32) -> (i32, i32) {
    %c0_i32 = arith.constant 0 : i32
    %c0_i32_0 = arith.constant 0 : i32
    return %arg0, %c0_i32 : i32, i32
  }
  func.func @transform_1(%arg0: i32) -> (i32, i32) {
    %c0_i32 = arith.constant 0 : i32
    %c0_i32_0 = arith.constant 0 : i32
    return %arg0, %c0_i32 : i32, i32
  }
  func.func @transform_2(%arg0: i32) -> (i32, i32) {
    %c0_i32 = arith.constant 0 : i32
    %c0_i32_0 = arith.constant 0 : i32
    %c0_i32_1 = arith.constant 0 : i32
    return %c0_i32, %c0_i32_0 : i32, i32
  }
  func.func @transform_3(%arg0: i32) -> (i32, i32) {
    %c0_i32 = arith.constant 0 : i32
    %c0_i32_0 = arith.constant 0 : i32
    %c0_i32_1 = arith.constant 0 : i32
    return %c0_i32, %c0_i32_0 : i32, i32
  }
  func.func @transform_4(%arg0: i32) -> (i32, i32) {
    %c0_i32 = arith.constant 0 : i32
    %c0_i32_0 = arith.constant 0 : i32
    return %c0_i32, %arg0 : i32, i32
  }
  func.func @transform_5(%arg0: i32) -> (i32, i32) {
    %c0_i32 = arith.constant 0 : i32
    %c0_i32_0 = arith.constant 0 : i32
    return %c0_i32, %arg0 : i32, i32
  }
}

</mosaic_0001>

<sc_bundles>
// kernel: kernel.4.cloned.1.call-start
scs
__scs_entry_jumppad:
0x0: {  	(pc) =	sbr.rel $0x88, $3  }
0x1: {  	(tag) =	ssettag $0x0;
	lr =	simm.s32 $0x1  }
0x2: {  	[smem:$0x3F9C] =	sst lr;
	_ =	strace $0xD0000000  }
0x3: {  	_ = 	snop  }
0x4: {  	_ = 	snop  }
0x5: {  	_ = 	snop  }
0x6: {  	_ = 	snop  }
0x7: {  	_ = 	snop  }
__scs_overlays_trampoline_lowered:
0x8: {  	[smem:$0x3FAB] =	sst s0  }
0x9: {  	[smem:$0x3FAC] =	sst s1  }
0xa: {  	[smem:$0x3FAD] =	sst s2  }
0xb: {  	[smem:$0x3FAE] =	sst s3  }
0xc: {  	[smem:$0x3FAF] =	sst s4  }
0xd: {  	[smem:$0x3FB0] =	sst s5  }
0xe: {  	[smem:$0x3FB1] =	sst s6  }
0xf: {  	[smem:$0x3FB2] =	sst s7  }
0x10: {  	[smem:$0x3FB3] =	sst s8  }
0x11: {  	[smem:$0x3FB4] =	sst s9;
	s0 =	simm.s32 @!p0 $0x0  }
0x12: {  	s1 =	sld [smem:$0x3F9A];
	s0 =	simm.s32 @p0 $0x1  }
0x13: {  	[smem:$0x3FB5] =	sst s0;
	s0 =	simm.s32 @!p1 $0x0  }
0x14: {  	s2 =	sld [smem:$0x3F99];
	s0 =	simm.s32 @p1 $0x1  }
0x15: {  	[smem:$0x3FB6] =	sst s0;
	s0 =	simm.s32 @!p2 $0x0  }
0x16: {  	s3 =	sld [smem:$0x3FDB];
	s0 =	simm.s32 @p2 $0x1  }
0x17: {  	s4 =	simm.s32 $0x1BF5;
	[smem:$0x3FB8] =	sst s0  }
0x18: {  	s0 =	sld [smem:$0x3F9B];
	_ =	swait.ge [sflag:s4], $0x0  }
0x19: {  	s7 =	sld [smem:$0x3F9C]  }
0x1a: {  	s8 =	sadd.s32 $0xFFFFE003, lr  }
0x1b: {  	s9 =	sadd.s32 $0xFFFFFEF7, lr;
	s5 =	simm.s32 $0xFFFFFFFF;
	p2 =	slt.u32 s8, $0xFFFFF086  }
0x1c: {  	p1 =	slt.u32 s9, $0xF7A;
	s5 =	simm.s32 @!p2 $0x0  }
0x1d: {  	s5 =	simm.s32 @p1 $0x1;
	p0 =	seq.s32 s7, s2  }
0x1e: {  	s7 =	smul.u32 @!p0 $0xF7A, s2;
	p2 =	seq.s32 @!p0 s5, $0x0  }
0x1f: {  	s9 =	smul.u32 $0xF7A, s1;
	s8 =	simm.s32 @!p0 $0x1BF5;
	p2 =	por !p2, p0  }
0x20: {  	[sflag:s8] =	ssyncset.s32 @!p0 $0xFFFFF086;
	s6 =	sadd.s32 @!p0 s3, s7;
	s7 =	simm.s32 @!p0 $0x108  }
0x21: {  	s3 =	sadd.s32 s3, s9;
	s6 =	sadd.s32 @!p0 $0x88, s6;
	s7 =	simm.s32 @p2 $0x1082  }
0x22: {  	[simem:s7], [sflag:s8] =	dma.local @!p0 [hbm:s6], $0xF7A  }
0x23: {  	s9 =	sor.u32 $0xD0000000, s2;
	s6 =	simm.s32 $0x108;
	_ =	swait.ge @!p0 [sflag:s8], $0x0  }
0x24: {  	s3 =	sadd.s32 $0x88, s3;
	s6 =	simm.s32 @!p1 $0x1082;
	[sflag:s4] =	ssyncset.s32 $0xFFFFF086  }
0x25: {  	[simem:s6], [sflag:s4] =	dma.local [hbm:s3], $0xF7A  }
0x26: {  	[smem:$0x3F9C] =	sst s1;
	(tag) =	ssettag s2;
	_ =	strace s9  }
0x27: {  	s1 =	sld [smem:$0x3FAC]  }
0x28: {  	s2 =	sld [smem:$0x3FAD]  }
0x29: {  	s4 =	sld [smem:$0x3FAF]  }
0x2a: {  	p0 =	seq.s32 s5, $0x0;
	s5 =	sld [smem:$0x3FB0]  }
0x2b: {  	s6 =	sld [smem:$0x3FB1]  }
0x2c: {  	s7 =	sld [smem:$0x3FB2]  }
0x2d: {  	s3 =	simm.s32 $0x108;
	s8 =	sld [smem:$0x3FB3]  }
0x2e: {  	s3 =	simm.s32 @!p0 $0x1082;
	s9 =	sld [smem:$0x3FB4]  }
0x2f: {  	lr =	sadd.s32 s0, s3;
	s0 =	sld [smem:$0x3FAB]  }
0x30: {  	s3 =	sld [smem:$0x3FAE]  }
0x31: {  	[smem:$0x3FB7] =	sst s10  }
0x32: {  	s10 =	sld [smem:$0x3FB5];
	_ =	sdelay $0x3  }
0x33: {  	p0 =	seq.s32 s10, $0x1;
	s10 =	sld [smem:$0x3FB7];
	_ =	sdelay $0x3  }
0x34: {  	[smem:$0x3FB7] =	sst s10  }
0x35: {  	s10 =	sld [smem:$0x3FB6];
	_ =	sdelay $0x3  }
0x36: {  	p1 =	seq.s32 s10, $0x1;
	s10 =	sld [smem:$0x3FB7];
	_ =	sdelay $0x3  }
0x37: {  	[smem:$0x3FB7] =	sst s10  }
0x38: {  	s10 =	sld [smem:$0x3FB8]  }
0x39: {  	_ = 	snop;
	(pc) =	sbr.ind lr, $3  }
0x3a: {  	_ = 	snop  }
0x3b: {  	_ = 	snop  }
0x3c: {  	p2 =	seq.s32 s10, $0x1;
	s10 =	sld [smem:$0x3FB7]  }
0x3d: {  	_ =	shalt  }
0x3e: {  	_ =	shalt  }
0x3f: {  	_ =	shalt  }
0x40: {  	_ =	shalt  }
0x41: {  	_ =	shalt  }
0x42: {  	_ =	shalt  }
0x43: {  	_ =	shalt  }
0x44: {  	_ =	shalt  }
0x45: {  	_ =	shalt  }
0x46: {  	_ =	shalt  }
0x47: {  	_ =	shalt  }
0x48: {  	_ =	shalt  }
0x49: {  	_ =	shalt  }
0x4a: {  	_ =	shalt  }
0x4b: {  	_ =	shalt  }
0x4c: {  	_ =	shalt  }
0x4d: {  	_ =	shalt  }
0x4e: {  	_ =	shalt  }
0x4f: {  	_ =	shalt  }
0x50: {  	_ =	shalt  }
0x51: {  	_ =	shalt  }
0x52: {  	_ =	shalt  }
0x53: {  	_ =	shalt  }
0x54: {  	_ =	shalt  }
0x55: {  	_ =	shalt  }
0x56: {  	_ =	shalt  }
0x57: {  	_ =	shalt  }
0x58: {  	_ =	shalt  }
0x59: {  	_ =	shalt  }
0x5a: {  	_ =	shalt  }
0x5b: {  	_ =	shalt  }
0x5c: {  	_ =	shalt  }
0x5d: {  	_ =	shalt  }
0x5e: {  	_ =	shalt  }
0x5f: {  	_ =	shalt  }
0x60: {  	_ =	shalt  }
0x61: {  	_ =	shalt  }
0x62: {  	_ =	shalt  }
0x63: {  	_ =	shalt  }
0x64: {  	_ =	shalt  }
0x65: {  	_ =	shalt  }
0x66: {  	_ =	shalt  }
0x67: {  	_ =	shalt  }
0x68: {  	_ =	shalt  }
0x69: {  	_ =	shalt  }
0x6a: {  	_ =	shalt  }
0x6b: {  	_ =	shalt  }
0x6c: {  	_ =	shalt  }
0x6d: {  	_ =	shalt  }
0x6e: {  	_ =	shalt  }
0x6f: {  	_ =	shalt  }
0x70: {  	_ =	shalt  }
0x71: {  	_ =	shalt  }
0x72: {  	_ =	shalt  }
0x73: {  	_ =	shalt  }
0x74: {  	_ =	shalt  }
0x75: {  	_ =	shalt  }
0x76: {  	_ =	shalt  }
0x77: {  	_ =	shalt  }
0x78: {  	_ =	shalt  }
0x79: {  	_ =	shalt  }
0x7a: {  	_ =	shalt  }
0x7b: {  	_ =	shalt  }
0x7c: {  	_ =	shalt  }
0x7d: {  	_ =	shalt  }
0x7e: {  	_ =	shalt  }
0x7f: {  	_ =	shalt  }
0x80: {  	_ =	shalt  }
0x81: {  	_ =	shalt  }
0x82: {  	_ =	shalt  }
0x83: {  	_ =	shalt  }
0x84: {  	_ =	shalt  }
0x85: {  	_ =	shalt  }
0x86: {  	_ =	shalt  }
0x87: {  	_ =	shalt  }
.Lfunc_end0:
.L_simem_size_0:
called_computation_lowered:
.L_overlay_start_0:
0x88: {  	s2 =	sld [smem:$0x3FD9]  }
0x89: {  	s3 =	sld [smem:$0x3FFE];
	_ =	sdelay $0x1  }
0x8a: {  	s1 =	srdreg.scid  }
0x8b: {  	s0 =	sand.u32 $0x1, s1  }
0x8c: {  	s14 =	sshll.u32 s0, $0xA;
	s2 =	sadd.s32 s3, s2  }
0x8d: {  	s2 =	sadd.s32 s2, s14  }
0x8e: {  	[smem:$0x3FC3] =	sst s2  }
0x8f: {  	_ = 	snop  }
0x90: {  	s2 =	sld [smem:$0x3FD0];
	_ =	sdelay $0x2  }
0x91: {  	s4 =	simm.s32 $0xA;
	s5 =	simm.s32 $0x10;
	s15 =	sld [smem:$0x3FC7]  }
0x92: {  	[smem:s5], [sflag:s4] =	dma.local [hbm:s2], $0x1  }
0x93: {  	_ =	swait.eq [sflag:s4], $0x1  }
0x94: {  	[sflag:s4] =	ssyncset.done $0x0  }
0x95: {  	s16 =	sld [smem:$0x10];
	[sflag:s4] =	ssyncadd.s32 $0xFFFFFFFF  }
0x96: {  	s17 =	sld [smem:$0x11];
	(tm) =	ssettm $0x1  }
0x97: {  	s18 =	sld [smem:$0x3FFB];
	_ =	sdelay $0x3  }
0x98: {  	_ =	strace s18  }
0x99: {  	s5 =	sld [smem:$0x3FFC];
	_ =	sdelay $0x3  }
0x9a: {  	_ =	strace s5  }
0x9b: {  	s5 =	sld [smem:$0x3FFD];
	_ =	sdelay $0x3  }
0x9c: {  	_ =	strace s5  }
0x9d: {  	_ =	strace $0x8FFFFFFF  }
0x9e: {  	s19 =	sld [smem:$0x3FDB];
	_ =	sdelay $0x1  }
0x9f: {  	s6 =	simm.s32 $_scs_section_size  }
0xa0: {  	s7 =	simm.s32 $_size__tile_overlayer_lowered;
	s8 =	simm.s32 $_tile_overlayer_lowered  }
0xa1: {  	s22 =	simm.s32 $0x1BFF;
	s21 =	sshll.u32 s8, $0x1;
	s5 =	sadd.s32 s6, s19  }
0xa2: {  	s9 =	simm.s32 $0x0;
	s20 =	sshll.u32 s7, $0x1;
	s7 =	sadd.s32 s21, s5  }
0xa3: {  	[timem:s9], [sflag:s22] =	dma.local [hbm:s7], s20  }
0xa4: {  	_ =	swait.ge [sflag:s22], s20  }
0xa5: {  	s6 =	ssub.s32 $0x0, s20;
	[sflag:s22] =	ssyncset.done $0x0  }
0xa6: {  	[sflag:s22] =	ssyncadd.s32 s6;
	_ =	sdelay $0x1  }
0xa7: {  	s23 =	simm.s32 $0x1B8B  }
0xa8: {  	_ =	swait.ge [sflag:s23], $0x1  }
0xa9: {  	[sflag:s23] =	ssyncset.done $0x0  }
0xaa: {  	s25 =	simm.s32 $0x1B8E;
	s24 =	sld [smem:$0x3FFE];
	[sflag:s23] =	ssyncadd.s32 $0xFFFFFFFF  }
0xab: {  	s26 =	simm.s32 $execute0_lowered;
	[smem:$0x3FD2] =	sst s25  }
0xac: {  	s7 =	sshll.u32 s26, $0x1;
	_ =	strace $0x80000046;
	[dreg:$0x1] =	wrdreg $0xFFFFFFFF  }
0xad: {  	s28 =	simm.s32 $_size_execute0_lowered;
	s5 =	sadd.s32 s5, s7;
	[dreg:$0x0] =	wrdreg $0x0  }
0xae: {  	s7 =	sshll.u32 s28, $0x1;
	[dreg:$0x2] =	wrdreg s5  }
0xaf: {  	[dreg:$0x3] =	wrdreg s7  }
0xb0: {  	[dreg:$0x4] =	wrdreg $0xC0  }
0xb1: {  	_ =	task [dreg:s9], $0x5FFFF  }
0xb2: {  	[dreg:$0x1] =	wrdreg $0xFFFFFFFF  }
0xb3: {  	[dreg:$0x0] =	wrdreg $0x60  }
0xb4: {  	[dreg:$0x2] =	wrdreg s15  }
0xb5: {  	[dreg:$0x3] =	wrdreg s17  }
0xb6: {  	[dreg:$0x4] =	wrdreg s16  }
0xb7: {  	[dreg:$0x5] =	wrdreg s24  }
0xb8: {  	[dreg:$0x6] =	wrdreg $0x9  }
0xb9: {  	_ =	task.clear_ibuf [dreg:s9], $0x7FFFF;
	_ =	strace $0x90000046  }
0xba: {  	s29 =	simm.s32 $0x9;
	_ =	strace $0x80000048  }
0xbb: {  	_ =	swait.ge [sflag:s29], $0x1  }
0xbc: {  	[sflag:s29] =	ssyncadd.s32 $0xFFFFFFFF  }
0xbd: {  	_ =	strace $0x90000048  }
0xbe: {  	_ =	sfence  }
0xbf: {  	s30 =	sld [smem:$0x0];
	_ =	sdelay $0x2  }
0xc0: {  	s31 =	sshll.u32 s1, $0xD;
	s1 =	sshrl.u32 s1, $0x2  }
0xc1: {  	s3 =	sand.u32 $0x4000, s31;
	s1 =	sadd.s32 s1, s30  }
0xc2: {  	s0 =	sor.u32 s3, s0;
	s1 =	sshll.u32 s1, $0x11  }
0xc3: {  	s0 =	sor.u32 s1, s0  }
0xc4: {  	s0 =	sadd.s32 $0x8F2B, s0  }
0xc5: {  	[sflag:s0] =	ssyncadd.remote.s32 $0x1  }
0xc6: {  	_ =	sfence.sel $0xFFFF  }
0xc7: {  	[dreg:$0x0] =	wrdreg $0xFFFFFFFF;
	(pc) =	sbr.abs _section_cstart, $3  }
0xc8: {  	[dreg:$0x1] =	wrdreg $0xFFFFFFFF  }
0xc9: {  	_ =	task.clear_ibuf [dreg:s9], $0x2FFFF;
	_ =	strace $0x9FFFFFFF  }
0xca: {  	(tm) =	ssettm $0x7FFFFFFF  }
0xcb: {  	_ =	shalt  }
tec
execute0_lowered:
.L_overlay_start_1:
0x0: {  	(tag) =	ssettag $0x1  }
0x1: {  	s1 =	rddreg [dreg:$0x0]  }
0x2: {  	s0 =	rddreg [dreg:$0x1]  }
0x3: {  	s2 =	rddreg [dreg:$0x2]  }
0x4: {  	s3 =	rddreg [dreg:$0x3];
	s4 =	simm.s32 $0x0;
	s15 =	stileid.u32  }
0x5: {  	s29 =	srdreg.scid;
	s16 =	simm.s32 $0x4A60;
	s17 =	simm.s32 $0x50  }
0x6: {  	s18 =	simm.s32 $0xBD00;
	s19 =	simm.s32 $0xE500;
	s20 =	simm.s32 $0x4AB0  }
0x7: {  	s21 =	simm.s32 $0x10D00;
	s22 =	simm.s32 $0x1;
	s23 =	simm.s32 $0x2  }
0x8: {  	s24 =	simm.s32 $0x0;
	[smem:$0x7FF] =	sst s4;
	s5 =	smul.u32 $0xC40, s15  }
0x9: {  	s6 =	sand.u32 $0x1, s29;
	s8 =	smul.u32 $0xF50, s15;
	s4 =	sadd.s32 $0x1200, s3  }
0xa: {  	s12 =	sadd.s32 $0xEEFC, s2;
	p1 =	seq.s32 s15, $0xF;
	s9 =	sadd.s32 $0x770, s5  }
0xb: {  	_ =	strace $0x80000047;
	s7 =	ssub.s32 $0x2, s6;
	s11 =	smul.u32 $0xA, s9  }
0xc: {  	p0 =	seq.s32 s6, $0x1;
	s10 =	sshrl.u32 s7, $0x1;
	s5 =	sadd.s32 $0xC5200, s3  }
.Ltmp0:
0xd: {  	s6 =	sadd.s32 s0, s8;
	s31 =	sshrl.u32 s11, $0x3;
	(pc) =	sbr.rel .LBB2_1-.Ltmp0, $4  }
0xe: {  	s30 =	ssub.s32 s7, s10;
	s7 =	sadd.s32 s2, s8;
	s11 =	sadd.s32 s0, s31  }
0xf: {  	s8 =	smul.u32 $0x62000, s15;
	s10 =	sadd.s32 s2, s31;
	[dreg:$0x5] =	wrdreg s11  }
0x10: {  	s13 =	sshll.u32 s9, $0x4;
	s0 =	sadd.s32 $0xEEFC, s0;
	[dreg:$0x6] =	wrdreg s10  }
0x11: {  	v0 =	vimm.s32 $0x0;
	s15 =	simm.s32 $0x3;
	s14 =	smax.u32 s30, $0x1;
	[dreg:$0x7] =	wrdreg s0  }
.LBB2_21:
0x12: {  	_ =	swait.ge [sflag:s23], $0x800  }
0x13: {  	[sflag:s23] =	ssyncset.done $0x0  }
0x14: {  	[sflag:s23] =	ssyncadd.s32 $0xFFFFF800  }
0x15: {  	_ =	swait.ge [sflag:s23], $0x800  }
0x16: {  	[sflag:s23] =	ssyncset.done $0x0  }
0x17: {  	s24 =	sadd.s32 $0x1, s24;
	[sflag:s23] =	ssyncadd.s32 $0xFFFFF800  }
0x18: {  	p2 =	sne.s32 s24, s14;
	_ =	swait.ge [sflag:s23], $0x800  }
.Ltmp1:
0x19: {  	[sflag:s23] =	ssyncset.done $0x0;
	(pc) =	sbr.rel @!p2 .LBB2_22-.Ltmp1, $4  }
0x1a: {  	[sflag:s23] =	ssyncadd.s32 $0xFFFFF800  }
0x1b: {  	_ =	swait.ge [sflag:s23], $0x800  }
0x1c: {  	[sflag:s23] =	ssyncset.done $0x0  }
0x1d: {  	[sflag:s23] =	ssyncadd.s32 $0xFFFFF800  }
.LBB2_1:
.Ltmp2:
0x1e: {  	(pc) =	sbr.rel @!p0 .LBB2_2-.Ltmp2, $1  }
0x1f: {  	_ =	sdelay $0x3  }
.Ltmp3:
0x20: {  	(pc) =	sbr.rel @!p1 .LBB2_9-.Ltmp3, $2  }
0x21: {  	_ =	sdelay $0x2  }
0x22: {  	s0 =	simm.s32 $0x0  }
0x23: {  	s2 =	rddreg [dreg:$0x7]  }
0x24: {  	[tilespmem:s0], [sflag:$0x3] =	stream.linear.gather [hbm4b:s2+s0], $0x2940, $0x38;
	[tilespmem:$0x1A500] =	vst v63  }
0x25: {  	_ =	swait.ge [sflag:s15], $0x2940  }
0x26: {  	[sflag:s15] =	ssyncset.done $0x0  }
0x27: {  	s0 =	simm.s32 $0x40;
	s2 =	simm.s32 $0x0;
	[sflag:s15] =	ssyncadd.s32 $0xFFFFD6C0  }
.LBB2_11:
0x28: {  	p2 =	sne.s32 s0, $0x1B40;
	[tilespmem:s2+$0x2940] =	vst v0;
	s2 =	smov.u32 s0;
	s0 =	sadd.s32 $0x40, s0  }
.Ltmp4:
0x29: {  	(pc) =	sbr.rel @p2 .LBB2_11-.Ltmp4, $2  }
0x2a: {  	_ =	sdelay $0x2  }
0x2b: {  	s2 =	sshra.s32 s2, $0x2  }
0x2c: {  	[tilespmem:s2+$0x2940] =	vst v0;
	s0 =	simm.s32 $0x0  }
0x2d: {  	[tilespmem:s16], [sflag:$0x3] =	stream.linear.gather [hbm4b:s12+s0], $0x2940, $0x38;
	[tilespmem:$0x1A500] =	vst v63  }
0x2e: {  	_ =	swait.ge [sflag:s15], $0x2940  }
0x2f: {  	[sflag:s15] =	ssyncset.done $0x0  }
0x30: {  	s2 =	simm.s32 $0x0;
	s0 =	simm.s32 $0x40;
	[sflag:s15] =	ssyncadd.s32 $0xFFFFD6C0  }
.LBB2_13:
0x31: {  	p2 =	sne.s32 s0, $0x1B40;
	[tilespmem:s2+$0x73A0] =	vst v0;
	s2 =	smov.u32 s0;
	s0 =	sadd.s32 $0x40, s0  }
.Ltmp5:
0x32: {  	(pc) =	sbr.rel @p2 .LBB2_13-.Ltmp5, $2  }
0x33: {  	_ =	sdelay $0x2  }
0x34: {  	s2 =	sshra.s32 s2, $0x2  }
.Ltmp6:
0x35: {  	(pc) =	sbr.rel .LBB2_15-.Ltmp6, $2  }
0x36: {  	_ =	sdelay $0x2  }
0x37: {  	[tilespmem:s2+$0x73A0] =	vst v0  }
.LBB2_2:
0x38: {  	s25 =	simm.s32 $0x0  }
0x39: {  	[tilespmem:s25], [sflag:$0x3] =	stream.linear.gather [hbm4b:s6+s25], $0x4A60, $0x38;
	[tilespmem:$0x1A500] =	vst v63  }
0x3a: {  	_ =	swait.ge [sflag:s15], $0x4A60  }
0x3b: {  	[sflag:s15] =	ssyncset.done $0x0  }
0x3c: {  	[sflag:s15] =	ssyncadd.s32 $0xFFFFB5A0  }
0x3d: {  	[tilespmem:s16], [sflag:$0x3] =	stream.linear.gather [hbm4b:s7+s25], $0x4A60, $0x38;
	[tilespmem:$0x1A500] =	vst v63  }
0x3e: {  	_ =	swait.ge [sflag:s15], $0x4A60  }
0x3f: {  	[sflag:s15] =	ssyncset.done $0x0  }
0x40: {  	s26 =	simm.s32 $0x9500;
	[sflag:s15] =	ssyncadd.s32 $0xFFFFB5A0  }
0x41: {  	[tilespmem:s26], [sflag:$0x1] =	stream.indirect.gather [hbm4b:s1+s17], $0x80, s25, s17, $0xb8;
	[tilespmem:$0x1A500] =	vst v63  }
0x42: {  	_ = 	snop  }
0x43: {  	[tilespmem:s18], [sflag:$0x1] =	stream.indirect.gather [hbm4b:s1+s17], $0x80, s17, s17, $0xb8;
	[tilespmem:$0x1A500] =	vst v63  }
0x44: {  	_ = 	snop  }
0x45: {  	[tilespmem:s19], [sflag:$0x1] =	stream.indirect.gather [hbm4b:s1+s17], $0x80, s16, s17, $0xb8;
	[tilespmem:$0x1A500] =	vst v63  }
0x46: {  	p2 =	por $0x0, $0x0  }
0x47: {  	[tilespmem:s21], [sflag:$0x1] =	stream.indirect.gather [hbm4b:s1+s17], $0x80, s20, s17, $0xb8;
	[tilespmem:$0x1A500] =	vst v63  }
.LBB2_3:
0x48: {  	p3 =	sgt.u32 s25, $0xEB  }
0x49: {  	s0 =	sadd.s32 @!p3 $0x2, s25  }
0x4a: {  	s2 =	smul.u32 @!p3 $0xAB, s0;
	_ =	sdelay $0x1  }
0x4b: {  	s2 =	sshrl.u32 @!p3 s2, $0x9  }
0x4c: {  	s2 =	sand.u32 @!p3 $0x7F, s2  }
0x4d: {  	s2 =	smul.u32 @!p3 $0x3, s2;
	_ =	sdelay $0x1  }
0x4e: {  	s2 =	ssub.s32 @!p3 s0, s2;
	s0 =	sshrl.u32 @!p3 s0, $0x1  }
0x4f: {  	s3 =	sand.u32 @!p3 $0x1, s25;
	s2 =	sand.u32 @!p3 $0xFF, s2;
	s0 =	smul.u32 @!p3 $0x280, s0  }
0x50: {  	p4 =	seq.s32 @!p3 s3, $0x1;
	s2 =	smul.u32 @!p3 $0x14000, s2  }
0x51: {  	s3 =	simm.s32 @!p3 $0x4A60;
	p4 =	por !p4, p3  }
0x52: {  	s3 =	simm.s32 @p4 $0x0;
	s0 =	sshra.s32 @!p3 s0, $0x2;
	s2 =	sshrl.u32 @!p3 s2, $0x2  }
0x53: {  	s0 =	sadd.s32 @!p3 s0, s3;
	s3 =	simm.s32 @!p3 $0x50;
	s9 =	sadd.s32 @!p3 $0x9500, s2  }
0x54: {  	[tilespmem:s9], [sflag:$0x1] =	stream.indirect.gather @!p3 [hbm4b:s1+s3], $0x80, s0, s3, $0xb8;
	[tilespmem:$0x1A500] =	vst v63  }
0x55: {  	s2 =	sadd.s32 @!p3 $0xBD00, s2;
	s0 =	sadd.s32 @!p3 $0x50, s0  }
0x56: {  	[tilespmem:s2], [sflag:$0x1] =	stream.indirect.gather @!p3 [hbm4b:s1+s3], $0x80, s0, s3, $0xb8;
	[tilespmem:$0x1A500] =	vst v63  }
0x57: {  	s28 =	sand.u32 $0x1, s25;
	p3 =	slt.u32 s25, $0x4  }
0x58: {  	p4 =	sne.s32 @!p3 s28, $0x0  }
0x59: {  	p3 =	por p4, p3  }
0x5a: {  	s0 =	simm.s32 @!p3 $0x2  }
0x5b: {  	_ =	swait.ge @!p3 [sflag:s0], $0x800  }
0x5c: {  	[sflag:s0] =	ssyncset.done @!p3 $0x0  }
0x5d: {  	s11 =	smulhi.u32 $0xAAAAAAAB, s25;
	[sflag:s0] =	ssyncadd.s32 @!p3 $0xFFFFF800  }
0x5e: {  	_ =	swait.ge @!p3 [sflag:s0], $0x800  }
0x5f: {  	s2 =	sshrl.u32 s11, $0x1;
	[sflag:s0] =	ssyncset.done @!p3 $0x0  }
0x60: {  	s2 =	smul.u32 $0xFFFC4000, s2;
	[sflag:s0] =	ssyncadd.s32 @!p3 $0xFFFFF800  }
0x61: {  	_ =	swait.ge [sflag:s22], $0x2800  }
0x62: {  	s2 =	sshra.s32 s2, $0x2;
	[sflag:s22] =	ssyncset.done $0x0  }
0x63: {  	s10 =	sadd.s32 s2, s26;
	[sflag:s22] =	ssyncadd.s32 $0xFFFFD800  }
0x64: {  	v1 =	vld [tilespmem:s10+$0x80]  }
0x65: {  	v2 =	vld [tilespmem:s10+$0x0];
	_ =	sdelay $0x1  }
0x66: {  	v3 =	vld [tilespmem:s10+$0x100];
	_ =	sdelay $0x1  }
0x67: {  	v4 =	vld [tilespmem:s10+$0x180]  }
0x68: {  	v1 =	vadd.f32 v1, v2  }
0x69: {  	v2 =	vld [tilespmem:s10+$0x200]  }
0x6a: {  	v1 =	vadd.f32 v3, v1  }
0x6b: {  	v3 =	vld [tilespmem:s10+$0x280]  }
0x6c: {  	v1 =	vadd.f32 v4, v1  }
0x6d: {  	v4 =	vld [tilespmem:s10+$0x300]  }
0x6e: {  	v1 =	vadd.f32 v2, v1  }
0x6f: {  	s0 =	simm.s32 $0x1;
	v2 =	vld [tilespmem:s10+$0x380]  }
0x70: {  	s3 =	sshll.u32 s25, $0xD;
	s0 =	simm.s32 @!p2 $0x0;
	v1 =	vadd.f32 v3, v1  }
0x71: {  	s2 =	sand.u32 $0x4000, s3;
	s0 =	sshll.u32 s0, $0xD;
	v3 =	vld [tilespmem:s10+$0x400]  }
0x72: {  	s0 =	sor.u32 s0, s2;
	v1 =	vadd.f32 v4, v1  }
0x73: {  	s0 =	sshrl.u32 s0, $0x2;
	v4 =	vld [tilespmem:s10+$0x480]  }
0x74: {  	s9 =	sor.u32 $0x18570, s0;
	v1 =	vadd.f32 v2, v1  }
0x75: {  	v2 =	vmov s9  }
0x76: {  	v1 =	vadd.f32 v3, v1;
	_ =	sdelay $0x1  }
0x77: {  	v1 =	vadd.f32 v4, v1  }
0x78: {  	s3 =	simm.s32 $0x0  }
0x79: {  	[tilespmem:v2+s3+$0xFFFFFF90 ss:$0x1] =	vst.idx.msk $0xffff, v1  }
0x7a: {  	v1 =	vld [tilespmem:s10+$0x10]  }
0x7b: {  	v3 =	vld [tilespmem:s10+$0x90];
	_ =	sdelay $0x1  }
0x7c: {  	v4 =	vld [tilespmem:s10+$0x110];
	_ =	sdelay $0x1  }
0x7d: {  	v5 =	vld [tilespmem:s10+$0x190]  }
0x7e: {  	v1 =	vadd.f32 v3, v1  }
0x7f: {  	v3 =	vld [tilespmem:s10+$0x210]  }
0x80: {  	v1 =	vadd.f32 v4, v1  }
0x81: {  	v4 =	vld [tilespmem:s10+$0x290]  }
0x82: {  	v1 =	vadd.f32 v5, v1  }
0x83: {  	v5 =	vld [tilespmem:s10+$0x310]  }
0x84: {  	v1 =	vadd.f32 v3, v1  }
0x85: {  	v3 =	vld [tilespmem:s10+$0x390]  }
0x86: {  	v1 =	vadd.f32 v4, v1  }
0x87: {  	v4 =	vld [tilespmem:s10+$0x410]  }
0x88: {  	v1 =	vadd.f32 v5, v1  }
0x89: {  	v5 =	vld [tilespmem:s10+$0x490]  }
0x8a: {  	v1 =	vadd.f32 v3, v1;
	_ =	sdelay $0x1  }
0x8b: {  	v1 =	vadd.f32 v4, v1;
	_ =	sdelay $0x1  }
0x8c: {  	v1 =	vadd.f32 v5, v1;
	_ =	sdelay $0x1  }
0x8d: {  	[tilespmem:v2+s3+$0xFFFFFFA0 ss:$0x1] =	vst.idx.msk $0xffff, v1  }
0x8e: {  	v1 =	vld [tilespmem:s10+$0x20]  }
0x8f: {  	v3 =	vld [tilespmem:s10+$0xA0];
	_ =	sdelay $0x1  }
0x90: {  	v4 =	vld [tilespmem:s10+$0x120];
	_ =	sdelay $0x1  }
0x91: {  	v5 =	vld [tilespmem:s10+$0x1A0]  }
0x92: {  	v1 =	vadd.f32 v3, v1  }
0x93: {  	v3 =	vld [tilespmem:s10+$0x220]  }
0x94: {  	v1 =	vadd.f32 v4, v1  }
0x95: {  	v4 =	vld [tilespmem:s10+$0x2A0]  }
0x96: {  	v1 =	vadd.f32 v5, v1  }
0x97: {  	v5 =	vld [tilespmem:s10+$0x320]  }
0x98: {  	v1 =	vadd.f32 v3, v1  }
0x99: {  	v3 =	vld [tilespmem:s10+$0x3A0]  }
0x9a: {  	v1 =	vadd.f32 v4, v1  }
0x9b: {  	v4 =	vld [tilespmem:s10+$0x420]  }
0x9c: {  	v1 =	vadd.f32 v5, v1  }
0x9d: {  	v5 =	vld [tilespmem:s10+$0x4A0]  }
0x9e: {  	v1 =	vadd.f32 v3, v1;
	_ =	sdelay $0x1  }
0x9f: {  	v1 =	vadd.f32 v4, v1;
	_ =	sdelay $0x1  }
0xa0: {  	v1 =	vadd.f32 v5, v1;
	_ =	sdelay $0x1  }
0xa1: {  	[tilespmem:v2+s3+$0xFFFFFFB0 ss:$0x1] =	vst.idx.msk $0xffff, v1  }
0xa2: {  	v1 =	vld [tilespmem:s10+$0x30]  }
0xa3: {  	v3 =	vld [tilespmem:s10+$0xB0];
	_ =	sdelay $0x1  }
0xa4: {  	v4 =	vld [tilespmem:s10+$0x130];
	_ =	sdelay $0x1  }
0xa5: {  	v5 =	vld [tilespmem:s10+$0x1B0]  }
0xa6: {  	v1 =	vadd.f32 v3, v1  }
0xa7: {  	v3 =	vld [tilespmem:s10+$0x230]  }
0xa8: {  	v1 =	vadd.f32 v4, v1  }
0xa9: {  	v4 =	vld [tilespmem:s10+$0x2B0]  }
0xaa: {  	v1 =	vadd.f32 v5, v1  }
0xab: {  	v5 =	vld [tilespmem:s10+$0x330]  }
0xac: {  	v1 =	vadd.f32 v3, v1  }
0xad: {  	v3 =	vld [tilespmem:s10+$0x3B0]  }
0xae: {  	v1 =	vadd.f32 v4, v1  }
0xaf: {  	v4 =	vld [tilespmem:s10+$0x430]  }
0xb0: {  	v1 =	vadd.f32 v5, v1  }
0xb1: {  	v5 =	vld [tilespmem:s10+$0x4B0]  }
0xb2: {  	v1 =	vadd.f32 v3, v1;
	_ =	sdelay $0x1  }
0xb3: {  	v1 =	vadd.f32 v4, v1;
	_ =	sdelay $0x1  }
0xb4: {  	v1 =	vadd.f32 v5, v1;
	_ =	sdelay $0x1  }
0xb5: {  	[tilespmem:v2+s3+$0xFFFFFFC0 ss:$0x1] =	vst.idx.msk $0xffff, v1  }
0xb6: {  	v1 =	vld [tilespmem:s10+$0x40]  }
0xb7: {  	v3 =	vld [tilespmem:s10+$0xC0];
	_ =	sdelay $0x1  }
0xb8: {  	v4 =	vld [tilespmem:s10+$0x140];
	_ =	sdelay $0x1  }
0xb9: {  	v5 =	vld [tilespmem:s10+$0x1C0]  }
0xba: {  	v1 =	vadd.f32 v3, v1  }
0xbb: {  	v3 =	vld [tilespmem:s10+$0x240]  }
0xbc: {  	v1 =	vadd.f32 v4, v1  }
0xbd: {  	v4 =	vld [tilespmem:s10+$0x2C0]  }
0xbe: {  	v1 =	vadd.f32 v5, v1  }
0xbf: {  	v5 =	vld [tilespmem:s10+$0x340]  }
0xc0: {  	v1 =	vadd.f32 v3, v1  }
0xc1: {  	v3 =	vld [tilespmem:s10+$0x3C0]  }
0xc2: {  	v1 =	vadd.f32 v4, v1  }
0xc3: {  	v4 =	vld [tilespmem:s10+$0x440]  }
0xc4: {  	v1 =	vadd.f32 v5, v1  }
0xc5: {  	v5 =	vld [tilespmem:s10+$0x4C0]  }
0xc6: {  	v1 =	vadd.f32 v3, v1;
	_ =	sdelay $0x1  }
0xc7: {  	v1 =	vadd.f32 v4, v1;
	_ =	sdelay $0x1  }
0xc8: {  	v1 =	vadd.f32 v5, v1;
	_ =	sdelay $0x1  }
0xc9: {  	[tilespmem:v2+s3+$0xFFFFFFD0 ss:$0x1] =	vst.idx.msk $0xffff, v1  }
0xca: {  	v1 =	vld [tilespmem:s10+$0x50]  }
0xcb: {  	v3 =	vld [tilespmem:s10+$0xD0];
	_ =	sdelay $0x1  }
0xcc: {  	v4 =	vld [tilespmem:s10+$0x150];
	_ =	sdelay $0x1  }
0xcd: {  	v5 =	vld [tilespmem:s10+$0x1D0]  }
0xce: {  	v1 =	vadd.f32 v3, v1  }
0xcf: {  	v3 =	vld [tilespmem:s10+$0x250]  }
0xd0: {  	v1 =	vadd.f32 v4, v1  }
0xd1: {  	v4 =	vld [tilespmem:s10+$0x2D0]  }
0xd2: {  	v1 =	vadd.f32 v5, v1  }
0xd3: {  	v5 =	vld [tilespmem:s10+$0x350]  }
0xd4: {  	v1 =	vadd.f32 v3, v1  }
0xd5: {  	v3 =	vld [tilespmem:s10+$0x3D0]  }
0xd6: {  	v1 =	vadd.f32 v4, v1  }
0xd7: {  	v4 =	vld [tilespmem:s10+$0x450]  }
0xd8: {  	v1 =	vadd.f32 v5, v1  }
0xd9: {  	v5 =	vld [tilespmem:s10+$0x4D0]  }
0xda: {  	v1 =	vadd.f32 v3, v1;
	_ =	sdelay $0x1  }
0xdb: {  	v1 =	vadd.f32 v4, v1;
	_ =	sdelay $0x1  }
0xdc: {  	v1 =	vadd.f32 v5, v1;
	_ =	sdelay $0x1  }
0xdd: {  	[tilespmem:v2+s3+$0xFFFFFFE0 ss:$0x1] =	vst.idx.msk $0xffff, v1  }
0xde: {  	v1 =	vld [tilespmem:s10+$0x60]  }
0xdf: {  	v3 =	vld [tilespmem:s10+$0xE0];
	_ =	sdelay $0x1  }
0xe0: {  	v4 =	vld [tilespmem:s10+$0x160];
	_ =	sdelay $0x1  }
0xe1: {  	v5 =	vld [tilespmem:s10+$0x1E0]  }
0xe2: {  	v1 =	vadd.f32 v3, v1  }
0xe3: {  	v3 =	vld [tilespmem:s10+$0x260]  }
0xe4: {  	v1 =	vadd.f32 v4, v1  }
0xe5: {  	v4 =	vld [tilespmem:s10+$0x2E0]  }
0xe6: {  	v1 =	vadd.f32 v5, v1  }
0xe7: {  	v5 =	vld [tilespmem:s10+$0x360]  }
0xe8: {  	v1 =	vadd.f32 v3, v1  }
0xe9: {  	v3 =	vld [tilespmem:s10+$0x3E0]  }
0xea: {  	v1 =	vadd.f32 v4, v1  }
0xeb: {  	v4 =	vld [tilespmem:s10+$0x460]  }
0xec: {  	v1 =	vadd.f32 v5, v1  }
0xed: {  	v5 =	vld [tilespmem:s10+$0x4E0]  }
0xee: {  	v1 =	vadd.f32 v3, v1;
	_ =	sdelay $0x1  }
0xef: {  	v1 =	vadd.f32 v4, v1;
	_ =	sdelay $0x1  }
0xf0: {  	v1 =	vadd.f32 v5, v1;
	_ =	sdelay $0x1  }
0xf1: {  	[tilespmem:v2+s3+$0xFFFFFFF0 ss:$0x1] =	vst.idx.msk $0xffff, v1  }
0xf2: {  	v1 =	vld [tilespmem:s10+$0x70]  }
0xf3: {  	v3 =	vld [tilespmem:s10+$0xF0];
	_ =	sdelay $0x1  }
0xf4: {  	v4 =	vld [tilespmem:s10+$0x170];
	_ =	sdelay $0x1  }
0xf5: {  	v5 =	vld [tilespmem:s10+$0x1F0]  }
0xf6: {  	v1 =	vadd.f32 v3, v1  }
0xf7: {  	v3 =	vld [tilespmem:s10+$0x270]  }
0xf8: {  	v1 =	vadd.f32 v4, v1  }
0xf9: {  	v6 =	vld [tilespmem:s10+$0x2F0]  }
0xfa: {  	s30 =	sshrl.u32 s25, $0x1;
	v5 =	vadd.f32 v5, v1  }
0xfb: {  	s11 =	sshll.u32 s30, $0xC;
	v4 =	vld [tilespmem:s10+$0x370]  }
0xfc: {  	s29 =	sand.u32 $0x1000, s11;
	v1 =	vld [tilespmem:s10+$0x3F0];
	v7 =	vadd.f32 v3, v5  }
0xfd: {  	s31 =	sor.u32 $0x18500, s29;
	v3 =	vld [tilespmem:s10+$0x470]  }
0xfe: {  	s2 =	smov.u32 s10;
	s0 =	sadd.s32 $0x18970, s0;
	s9 =	simm.s32 $0x200;
	v5 =	vld [tilespmem:s10+$0x4F0];
	v6 =	vadd.f32 v6, v7  }
.LBB2_4:
0xff: {  	p3 =	sne.s32 s9, $0xE00  }
0x100: {  	s2 =	sadd.s32 $0x500, s2;
	s11 =	smov.u32 s9;
	s9 =	sadd.s32 $0x200, s9;
	v4 =	vadd.f32 v4, v6  }
0x101: {  	_ = 	snop  }
0x102: {  	v1 =	vadd.f32 v1, v4;
	_ =	sdelay $0x1  }
0x103: {  	v1 =	vadd.f32 v3, v1;
	_ =	sdelay $0x1  }
0x104: {  	v1 =	vadd.f32 v5, v1;
	_ =	sdelay $0x1  }
0x105: {  	[tilespmem:v2+s3+$0x0 ss:$0x1] =	vst.idx.msk $0xffff, v1  }
0x106: {  	v1 =	vld [tilespmem:s2+$0x80]  }
0x107: {  	v3 =	vld [tilespmem:s2+$0x0]  }
0x108: {  	v4 =	vld [tilespmem:s2+$0x100];
	_ =	sdelay $0x2  }
0x109: {  	v5 =	vld [tilespmem:s2+$0x180]  }
0x10a: {  	v1 =	vadd.f32 v1, v3  }
0x10b: {  	v3 =	vld [tilespmem:s2+$0x200]  }
0x10c: {  	v1 =	vadd.f32 v4, v1  }
0x10d: {  	v4 =	vld [tilespmem:s2+$0x280]  }
0x10e: {  	v1 =	vadd.f32 v5, v1  }
0x10f: {  	v5 =	vld [tilespmem:s2+$0x300]  }
0x110: {  	v1 =	vadd.f32 v3, v1  }
0x111: {  	v3 =	vld [tilespmem:s2+$0x380]  }
0x112: {  	v1 =	vadd.f32 v4, v1  }
0x113: {  	v4 =	vld [tilespmem:s2+$0x400]  }
0x114: {  	v1 =	vadd.f32 v5, v1  }
0x115: {  	v5 =	vld [tilespmem:s2+$0x480]  }
0x116: {  	v1 =	vadd.f32 v3, v1;
	_ =	sdelay $0x1  }
0x117: {  	v1 =	vadd.f32 v4, v1;
	_ =	sdelay $0x1  }
0x118: {  	v1 =	vadd.f32 v5, v1  }
0x119: {  	s3 =	sshra.s32 s11, $0x2  }
0x11a: {  	[tilespmem:v2+s3+$0xFFFFFF90 ss:$0x1] =	vst.idx.msk $0xffff, v1  }
0x11b: {  	v1 =	vld [tilespmem:s2+$0x10]  }
0x11c: {  	v3 =	vld [tilespmem:s2+$0x90];
	_ =	sdelay $0x1  }
0x11d: {  	v4 =	vld [tilespmem:s2+$0x110];
	_ =	sdelay $0x1  }
0x11e: {  	v5 =	vld [tilespmem:s2+$0x190]  }
0x11f: {  	v1 =	vadd.f32 v3, v1  }
0x120: {  	v3 =	vld [tilespmem:s2+$0x210]  }
0x121: {  	v1 =	vadd.f32 v4, v1  }
0x122: {  	v4 =	vld [tilespmem:s2+$0x290]  }
0x123: {  	v1 =	vadd.f32 v5, v1  }
0x124: {  	v5 =	vld [tilespmem:s2+$0x310]  }
0x125: {  	v1 =	vadd.f32 v3, v1  }
0x126: {  	v3 =	vld [tilespmem:s2+$0x390]  }
0x127: {  	v1 =	vadd.f32 v4, v1  }
0x128: {  	v4 =	vld [tilespmem:s2+$0x410]  }
0x129: {  	v1 =	vadd.f32 v5, v1  }
0x12a: {  	v5 =	vld [tilespmem:s2+$0x490]  }
0x12b: {  	v1 =	vadd.f32 v3, v1;
	_ =	sdelay $0x1  }
0x12c: {  	v1 =	vadd.f32 v4, v1;
	_ =	sdelay $0x1  }
0x12d: {  	v1 =	vadd.f32 v5, v1;
	_ =	sdelay $0x1  }
0x12e: {  	[tilespmem:v2+s3+$0xFFFFFFA0 ss:$0x1] =	vst.idx.msk $0xffff, v1  }
0x12f: {  	v1 =	vld [tilespmem:s2+$0x20]  }
0x130: {  	v3 =	vld [tilespmem:s2+$0xA0];
	_ =	sdelay $0x1  }
0x131: {  	v4 =	vld [tilespmem:s2+$0x120];
	_ =	sdelay $0x1  }
0x132: {  	v5 =	vld [tilespmem:s2+$0x1A0]  }
0x133: {  	v1 =	vadd.f32 v3, v1  }
0x134: {  	v3 =	vld [tilespmem:s2+$0x220]  }
0x135: {  	v1 =	vadd.f32 v4, v1  }
0x136: {  	v4 =	vld [tilespmem:s2+$0x2A0]  }
0x137: {  	v1 =	vadd.f32 v5, v1  }
0x138: {  	v5 =	vld [tilespmem:s2+$0x320]  }
0x139: {  	v1 =	vadd.f32 v3, v1  }
0x13a: {  	v3 =	vld [tilespmem:s2+$0x3A0]  }
0x13b: {  	v1 =	vadd.f32 v4, v1  }
0x13c: {  	v4 =	vld [tilespmem:s2+$0x420]  }
0x13d: {  	v1 =	vadd.f32 v5, v1  }
0x13e: {  	v5 =	vld [tilespmem:s2+$0x4A0]  }
0x13f: {  	v1 =	vadd.f32 v3, v1;
	_ =	sdelay $0x1  }
0x140: {  	v1 =	vadd.f32 v4, v1;
	_ =	sdelay $0x1  }
0x141: {  	v1 =	vadd.f32 v5, v1;
	_ =	sdelay $0x1  }
0x142: {  	[tilespmem:v2+s3+$0xFFFFFFB0 ss:$0x1] =	vst.idx.msk $0xffff, v1  }
0x143: {  	v1 =	vld [tilespmem:s2+$0x30]  }
0x144: {  	v3 =	vld [tilespmem:s2+$0xB0];
	_ =	sdelay $0x1  }
0x145: {  	v4 =	vld [tilespmem:s2+$0x130];
	_ =	sdelay $0x1  }
0x146: {  	v5 =	vld [tilespmem:s2+$0x1B0]  }
0x147: {  	v1 =	vadd.f32 v3, v1  }
0x148: {  	v3 =	vld [tilespmem:s2+$0x230]  }
0x149: {  	v1 =	vadd.f32 v4, v1  }
0x14a: {  	v4 =	vld [tilespmem:s2+$0x2B0]  }
0x14b: {  	v1 =	vadd.f32 v5, v1  }
0x14c: {  	v5 =	vld [tilespmem:s2+$0x330]  }
0x14d: {  	v1 =	vadd.f32 v3, v1  }
0x14e: {  	v3 =	vld [tilespmem:s2+$0x3B0]  }
0x14f: {  	v1 =	vadd.f32 v4, v1  }
0x150: {  	v4 =	vld [tilespmem:s2+$0x430]  }
0x151: {  	v1 =	vadd.f32 v5, v1  }
0x152: {  	v5 =	vld [tilespmem:s2+$0x4B0]  }
0x153: {  	v1 =	vadd.f32 v3, v1;
	_ =	sdelay $0x1  }
0x154: {  	v1 =	vadd.f32 v4, v1;
	_ =	sdelay $0x1  }
0x155: {  	v1 =	vadd.f32 v5, v1;
	_ =	sdelay $0x1  }
0x156: {  	[tilespmem:v2+s3+$0xFFFFFFC0 ss:$0x1] =	vst.idx.msk $0xffff, v1  }
0x157: {  	v1 =	vld [tilespmem:s2+$0x40]  }
0x158: {  	v3 =	vld [tilespmem:s2+$0xC0];
	_ =	sdelay $0x1  }
0x159: {  	v4 =	vld [tilespmem:s2+$0x140];
	_ =	sdelay $0x1  }
0x15a: {  	v5 =	vld [tilespmem:s2+$0x1C0]  }
0x15b: {  	v1 =	vadd.f32 v3, v1  }
0x15c: {  	v3 =	vld [tilespmem:s2+$0x240]  }
0x15d: {  	v1 =	vadd.f32 v4, v1  }
0x15e: {  	v4 =	vld [tilespmem:s2+$0x2C0]  }
0x15f: {  	v1 =	vadd.f32 v5, v1  }
0x160: {  	v5 =	vld [tilespmem:s2+$0x340]  }
0x161: {  	v1 =	vadd.f32 v3, v1  }
0x162: {  	v3 =	vld [tilespmem:s2+$0x3C0]  }
0x163: {  	v1 =	vadd.f32 v4, v1  }
0x164: {  	v4 =	vld [tilespmem:s2+$0x440]  }
0x165: {  	v1 =	vadd.f32 v5, v1  }
0x166: {  	v5 =	vld [tilespmem:s2+$0x4C0]  }
0x167: {  	v1 =	vadd.f32 v3, v1;
	_ =	sdelay $0x1  }
0x168: {  	v1 =	vadd.f32 v4, v1;
	_ =	sdelay $0x1  }
0x169: {  	v1 =	vadd.f32 v5, v1;
	_ =	sdelay $0x1  }
0x16a: {  	[tilespmem:v2+s3+$0xFFFFFFD0 ss:$0x1] =	vst.idx.msk $0xffff, v1  }
0x16b: {  	v1 =	vld [tilespmem:s2+$0x50]  }
0x16c: {  	v3 =	vld [tilespmem:s2+$0xD0]  }
0x16d: {  	v4 =	vld [tilespmem:s2+$0x150]  }
0x16e: {  	v5 =	vld [tilespmem:s2+$0x1D0]  }
0x16f: {  	v6 =	vld [tilespmem:s2+$0x250]  }
0x170: {  	v7 =	vld [tilespmem:s2+$0x2D0]  }
0x171: {  	v1 =	vadd.f32 v3, v1;
	v3 =	vld [tilespmem:s2+$0x350]  }
0x172: {  	v8 =	vld [tilespmem:s2+$0x3D0]  }
0x173: {  	v1 =	vadd.f32 v4, v1;
	v4 =	vld [tilespmem:s2+$0x450]  }
0x174: {  	v9 =	vld [tilespmem:s2+$0x4D0]  }
0x175: {  	v1 =	vadd.f32 v5, v1;
	_ =	sdelay $0x1  }
0x176: {  	v1 =	vadd.f32 v6, v1;
	_ =	sdelay $0x1  }
0x177: {  	v1 =	vadd.f32 v7, v1;
	_ =	sdelay $0x1  }
0x178: {  	v1 =	vadd.f32 v3, v1;
	_ =	sdelay $0x1  }
0x179: {  	v1 =	vadd.f32 v8, v1;
	_ =	sdelay $0x1  }
0x17a: {  	v1 =	vadd.f32 v4, v1;
	_ =	sdelay $0x1  }
0x17b: {  	v1 =	vadd.f32 v9, v1;
	_ =	sdelay $0x1  }
0x17c: {  	[tilespmem:v2+s3+$0xFFFFFFE0 ss:$0x1] =	vst.idx.msk $0xffff, v1  }
0x17d: {  	v1 =	vld [tilespmem:s2+$0x60]  }
0x17e: {  	v3 =	vld [tilespmem:s2+$0xE0]  }
0x17f: {  	v4 =	vld [tilespmem:s2+$0x160]  }
0x180: {  	v5 =	vld [tilespmem:s2+$0x1E0]  }
0x181: {  	v6 =	vld [tilespmem:s2+$0x260]  }
0x182: {  	v7 =	vld [tilespmem:s2+$0x2E0]  }
0x183: {  	v1 =	vadd.f32 v3, v1;
	v3 =	vld [tilespmem:s2+$0x360]  }
0x184: {  	v8 =	vld [tilespmem:s2+$0x3E0]  }
0x185: {  	v1 =	vadd.f32 v4, v1;
	v4 =	vld [tilespmem:s2+$0x460]  }
0x186: {  	v9 =	vld [tilespmem:s2+$0x4E0]  }
0x187: {  	v1 =	vadd.f32 v5, v1;
	_ =	sdelay $0x1  }
0x188: {  	v1 =	vadd.f32 v6, v1;
	_ =	sdelay $0x1  }
0x189: {  	v1 =	vadd.f32 v7, v1;
	_ =	sdelay $0x1  }
0x18a: {  	v1 =	vadd.f32 v3, v1;
	_ =	sdelay $0x1  }
0x18b: {  	v1 =	vadd.f32 v8, v1;
	_ =	sdelay $0x1  }
0x18c: {  	v1 =	vadd.f32 v4, v1;
	_ =	sdelay $0x1  }
0x18d: {  	v1 =	vadd.f32 v9, v1;
	_ =	sdelay $0x1  }
0x18e: {  	[tilespmem:v2+s3+$0xFFFFFFF0 ss:$0x1] =	vst.idx.msk $0xffff, v1  }
0x18f: {  	v1 =	vld [tilespmem:s2+$0x70]  }
0x190: {  	v3 =	vld [tilespmem:s2+$0xF0]  }
0x191: {  	v5 =	vld [tilespmem:s2+$0x170]  }
0x192: {  	v6 =	vld [tilespmem:s2+$0x1F0]  }
0x193: {  	v7 =	vld [tilespmem:s2+$0x270]  }
0x194: {  	v8 =	vld [tilespmem:s2+$0x2F0]  }
0x195: {  	v3 =	vadd.f32 v3, v1;
	v4 =	vld [tilespmem:s2+$0x370]  }
0x196: {  	v1 =	vld [tilespmem:s2+$0x3F0]  }
0x197: {  	v9 =	vadd.f32 v5, v3;
	v3 =	vld [tilespmem:s2+$0x470]  }
0x198: {  	v5 =	vld [tilespmem:s2+$0x4F0]  }
.Ltmp7:
0x199: {  	v6 =	vadd.f32 v6, v9;
	(pc) =	sbr.rel @p3 .LBB2_4-.Ltmp7, $3  }
0x19a: {  	_ = 	snop  }
0x19b: {  	v6 =	vadd.f32 v7, v6;
	_ =	sdelay $0x1  }
0x19c: {  	v6 =	vadd.f32 v8, v6  }
0x19d: {  	_ = 	snop  }
0x19e: {  	v4 =	vadd.f32 v4, v6;
	_ =	sdelay $0x1  }
0x19f: {  	v1 =	vadd.f32 v1, v4;
	_ =	sdelay $0x1  }
0x1a0: {  	v1 =	vadd.f32 v3, v1;
	_ =	sdelay $0x1  }
0x1a1: {  	v3 =	vadd.f32 v5, v1  }
0x1a2: {  	v1 =	vmov s10  }
0x1a3: {  	[tilespmem:v2+s3+$0x0 ss:$0x1] =	vst.idx.msk $0xffff, v3  }
0x1a4: {  	_ =	swait.ge [sflag:s22], $0x2800  }
0x1a5: {  	[sflag:s22] =	ssyncset.done $0x0  }
0x1a6: {  	s2 =	simm.s32 $0x0;
	[sflag:s22] =	ssyncadd.s32 $0xFFFFD800  }
0x1a7: {  	v2 =	vld.idx.msk [tilespmem:v1+s2+$0x2800 ss:$0x1], $0xffff  }
0x1a8: {  	v3 =	vld.idx.msk [tilespmem:v1+s2+$0x2880 ss:$0x1], $0xffff;
	_ =	sdelay $0x1  }
0x1a9: {  	v4 =	vld.idx.msk [tilespmem:v1+s2+$0x2900 ss:$0x1], $0xffff;
	_ =	sdelay $0x1  }
0x1aa: {  	v5 =	vld.idx.msk [tilespmem:v1+s2+$0x2980 ss:$0x1], $0xffff  }
0x1ab: {  	v2 =	vadd.f32 v3, v2  }
0x1ac: {  	v3 =	vld.idx.msk [tilespmem:v1+s2+$0x2A00 ss:$0x1], $0xffff  }
0x1ad: {  	v2 =	vadd.f32 v4, v2  }
0x1ae: {  	v4 =	vld.idx.msk [tilespmem:v1+s2+$0x2A80 ss:$0x1], $0xffff  }
0x1af: {  	v2 =	vadd.f32 v5, v2  }
0x1b0: {  	v5 =	vld.idx.msk [tilespmem:v1+s2+$0x2B00 ss:$0x1], $0xffff  }
0x1b1: {  	v2 =	vadd.f32 v3, v2  }
0x1b2: {  	v3 =	vld.idx.msk [tilespmem:v1+s2+$0x2B80 ss:$0x1], $0xffff  }
0x1b3: {  	v2 =	vadd.f32 v4, v2  }
0x1b4: {  	v4 =	vld.idx.msk [tilespmem:v1+s2+$0x2C00 ss:$0x1], $0xffff  }
0x1b5: {  	v2 =	vadd.f32 v5, v2  }
0x1b6: {  	v5 =	vld.idx.msk [tilespmem:v1+s2+$0x2C80 ss:$0x1], $0xffff  }
0x1b7: {  	v2 =	vadd.f32 v3, v2;
	_ =	sdelay $0x1  }
0x1b8: {  	v2 =	vadd.f32 v4, v2;
	_ =	sdelay $0x1  }
0x1b9: {  	v2 =	vadd.f32 v5, v2;
	_ =	sdelay $0x1  }
0x1ba: {  	[tilespmem:s0+$0xFFFFFF90] =	vst v2  }
0x1bb: {  	v2 =	vld.idx.msk [tilespmem:v1+s2+$0x2810 ss:$0x1], $0xffff  }
0x1bc: {  	v3 =	vld.idx.msk [tilespmem:v1+s2+$0x2890 ss:$0x1], $0xffff;
	_ =	sdelay $0x1  }
0x1bd: {  	v4 =	vld.idx.msk [tilespmem:v1+s2+$0x2910 ss:$0x1], $0xffff;
	_ =	sdelay $0x1  }
0x1be: {  	v5 =	vld.idx.msk [tilespmem:v1+s2+$0x2990 ss:$0x1], $0xffff  }
0x1bf: {  	v2 =	vadd.f32 v3, v2  }
0x1c0: {  	v3 =	vld.idx.msk [tilespmem:v1+s2+$0x2A10 ss:$0x1], $0xffff  }
0x1c1: {  	v2 =	vadd.f32 v4, v2  }
0x1c2: {  	v4 =	vld.idx.msk [tilespmem:v1+s2+$0x2A90 ss:$0x1], $0xffff  }
0x1c3: {  	v2 =	vadd.f32 v5, v2  }
0x1c4: {  	v5 =	vld.idx.msk [tilespmem:v1+s2+$0x2B10 ss:$0x1], $0xffff  }
0x1c5: {  	v2 =	vadd.f32 v3, v2  }
0x1c6: {  	v3 =	vld.idx.msk [tilespmem:v1+s2+$0x2B90 ss:$0x1], $0xffff  }
0x1c7: {  	v2 =	vadd.f32 v4, v2  }
0x1c8: {  	v4 =	vld.idx.msk [tilespmem:v1+s2+$0x2C10 ss:$0x1], $0xffff  }
0x1c9: {  	v2 =	vadd.f32 v5, v2  }
0x1ca: {  	v5 =	vld.idx.msk [tilespmem:v1+s2+$0x2C90 ss:$0x1], $0xffff  }
0x1cb: {  	v2 =	vadd.f32 v3, v2;
	_ =	sdelay $0x1  }
0x1cc: {  	v2 =	vadd.f32 v4, v2;
	_ =	sdelay $0x1  }
0x1cd: {  	v2 =	vadd.f32 v5, v2;
	_ =	sdelay $0x1  }
0x1ce: {  	[tilespmem:s0+$0xFFFFFFA0] =	vst v2  }
0x1cf: {  	v2 =	vld.idx.msk [tilespmem:v1+s2+$0x2820 ss:$0x1], $0xffff  }
0x1d0: {  	v3 =	vld.idx.msk [tilespmem:v1+s2+$0x28A0 ss:$0x1], $0xffff;
	_ =	sdelay $0x1  }
0x1d1: {  	v4 =	vld.idx.msk [tilespmem:v1+s2+$0x2920 ss:$0x1], $0xffff;
	_ =	sdelay $0x1  }
0x1d2: {  	v5 =	vld.idx.msk [tilespmem:v1+s2+$0x29A0 ss:$0x1], $0xffff  }
0x1d3: {  	v2 =	vadd.f32 v3, v2  }
0x1d4: {  	v3 =	vld.idx.msk [tilespmem:v1+s2+$0x2A20 ss:$0x1], $0xffff  }
0x1d5: {  	v2 =	vadd.f32 v4, v2  }
0x1d6: {  	v4 =	vld.idx.msk [tilespmem:v1+s2+$0x2AA0 ss:$0x1], $0xffff  }
0x1d7: {  	v2 =	vadd.f32 v5, v2  }
0x1d8: {  	v5 =	vld.idx.msk [tilespmem:v1+s2+$0x2B20 ss:$0x1], $0xffff  }
0x1d9: {  	v2 =	vadd.f32 v3, v2  }
0x1da: {  	v3 =	vld.idx.msk [tilespmem:v1+s2+$0x2BA0 ss:$0x1], $0xffff  }
0x1db: {  	v2 =	vadd.f32 v4, v2  }
0x1dc: {  	v4 =	vld.idx.msk [tilespmem:v1+s2+$0x2C20 ss:$0x1], $0xffff  }
0x1dd: {  	v2 =	vadd.f32 v5, v2  }
0x1de: {  	v5 =	vld.idx.msk [tilespmem:v1+s2+$0x2CA0 ss:$0x1], $0xffff  }
0x1df: {  	v2 =	vadd.f32 v3, v2;
	_ =	sdelay $0x1  }
0x1e0: {  	v2 =	vadd.f32 v4, v2;
	_ =	sdelay $0x1  }
0x1e1: {  	v2 =	vadd.f32 v5, v2;
	_ =	sdelay $0x1  }
0x1e2: {  	[tilespmem:s0+$0xFFFFFFB0] =	vst v2  }
0x1e3: {  	v2 =	vld.idx.msk [tilespmem:v1+s2+$0x2830 ss:$0x1], $0xffff  }
0x1e4: {  	v3 =	vld.idx.msk [tilespmem:v1+s2+$0x28B0 ss:$0x1], $0xffff;
	_ =	sdelay $0x1  }
0x1e5: {  	v4 =	vld.idx.msk [tilespmem:v1+s2+$0x2930 ss:$0x1], $0xffff;
	_ =	sdelay $0x1  }
0x1e6: {  	v5 =	vld.idx.msk [tilespmem:v1+s2+$0x29B0 ss:$0x1], $0xffff  }
0x1e7: {  	v2 =	vadd.f32 v3, v2  }
0x1e8: {  	v3 =	vld.idx.msk [tilespmem:v1+s2+$0x2A30 ss:$0x1], $0xffff  }
0x1e9: {  	v2 =	vadd.f32 v4, v2  }
0x1ea: {  	v4 =	vld.idx.msk [tilespmem:v1+s2+$0x2AB0 ss:$0x1], $0xffff  }
0x1eb: {  	v2 =	vadd.f32 v5, v2  }
0x1ec: {  	v5 =	vld.idx.msk [tilespmem:v1+s2+$0x2B30 ss:$0x1], $0xffff  }
0x1ed: {  	v2 =	vadd.f32 v3, v2  }
0x1ee: {  	v3 =	vld.idx.msk [tilespmem:v1+s2+$0x2BB0 ss:$0x1], $0xffff  }
0x1ef: {  	v2 =	vadd.f32 v4, v2  }
0x1f0: {  	v4 =	vld.idx.msk [tilespmem:v1+s2+$0x2C30 ss:$0x1], $0xffff  }
0x1f1: {  	v2 =	vadd.f32 v5, v2  }
0x1f2: {  	v5 =	vld.idx.msk [tilespmem:v1+s2+$0x2CB0 ss:$0x1], $0xffff  }
0x1f3: {  	v2 =	vadd.f32 v3, v2;
	_ =	sdelay $0x1  }
0x1f4: {  	v2 =	vadd.f32 v4, v2;
	_ =	sdelay $0x1  }
0x1f5: {  	v2 =	vadd.f32 v5, v2;
	_ =	sdelay $0x1  }
0x1f6: {  	[tilespmem:s0+$0xFFFFFFC0] =	vst v2  }
0x1f7: {  	v2 =	vld.idx.msk [tilespmem:v1+s2+$0x2840 ss:$0x1], $0xffff  }
0x1f8: {  	v3 =	vld.idx.msk [tilespmem:v1+s2+$0x28C0 ss:$0x1], $0xffff;
	_ =	sdelay $0x1  }
0x1f9: {  	v4 =	vld.idx.msk [tilespmem:v1+s2+$0x2940 ss:$0x1], $0xffff;
	_ =	sdelay $0x1  }
0x1fa: {  	v5 =	vld.idx.msk [tilespmem:v1+s2+$0x29C0 ss:$0x1], $0xffff  }
0x1fb: {  	v2 =	vadd.f32 v3, v2  }
0x1fc: {  	v3 =	vld.idx.msk [tilespmem:v1+s2+$0x2A40 ss:$0x1], $0xffff  }
0x1fd: {  	v2 =	vadd.f32 v4, v2  }
0x1fe: {  	v4 =	vld.idx.msk [tilespmem:v1+s2+$0x2AC0 ss:$0x1], $0xffff  }
0x1ff: {  	v2 =	vadd.f32 v5, v2  }
0x200: {  	v5 =	vld.idx.msk [tilespmem:v1+s2+$0x2B40 ss:$0x1], $0xffff  }
0x201: {  	v2 =	vadd.f32 v3, v2  }
0x202: {  	v3 =	vld.idx.msk [tilespmem:v1+s2+$0x2BC0 ss:$0x1], $0xffff  }
0x203: {  	v2 =	vadd.f32 v4, v2  }
0x204: {  	v4 =	vld.idx.msk [tilespmem:v1+s2+$0x2C40 ss:$0x1], $0xffff  }
0x205: {  	v2 =	vadd.f32 v5, v2  }
0x206: {  	v5 =	vld.idx.msk [tilespmem:v1+s2+$0x2CC0 ss:$0x1], $0xffff  }
0x207: {  	v2 =	vadd.f32 v3, v2;
	_ =	sdelay $0x1  }
0x208: {  	v2 =	vadd.f32 v4, v2;
	_ =	sdelay $0x1  }
0x209: {  	v2 =	vadd.f32 v5, v2;
	_ =	sdelay $0x1  }
0x20a: {  	[tilespmem:s0+$0xFFFFFFD0] =	vst v2  }
0x20b: {  	v2 =	vld.idx.msk [tilespmem:v1+s2+$0x2850 ss:$0x1], $0xffff  }
0x20c: {  	v3 =	vld.idx.msk [tilespmem:v1+s2+$0x28D0 ss:$0x1], $0xffff;
	_ =	sdelay $0x1  }
0x20d: {  	v4 =	vld.idx.msk [tilespmem:v1+s2+$0x2950 ss:$0x1], $0xffff;
	_ =	sdelay $0x1  }
0x20e: {  	v5 =	vld.idx.msk [tilespmem:v1+s2+$0x29D0 ss:$0x1], $0xffff  }
0x20f: {  	v2 =	vadd.f32 v3, v2  }
0x210: {  	v3 =	vld.idx.msk [tilespmem:v1+s2+$0x2A50 ss:$0x1], $0xffff  }
0x211: {  	v2 =	vadd.f32 v4, v2  }
0x212: {  	v4 =	vld.idx.msk [tilespmem:v1+s2+$0x2AD0 ss:$0x1], $0xffff  }
0x213: {  	v2 =	vadd.f32 v5, v2  }
0x214: {  	v5 =	vld.idx.msk [tilespmem:v1+s2+$0x2B50 ss:$0x1], $0xffff  }
0x215: {  	v2 =	vadd.f32 v3, v2  }
0x216: {  	v3 =	vld.idx.msk [tilespmem:v1+s2+$0x2BD0 ss:$0x1], $0xffff  }
0x217: {  	v2 =	vadd.f32 v4, v2  }
0x218: {  	v4 =	vld.idx.msk [tilespmem:v1+s2+$0x2C50 ss:$0x1], $0xffff  }
0x219: {  	v2 =	vadd.f32 v5, v2  }
0x21a: {  	v5 =	vld.idx.msk [tilespmem:v1+s2+$0x2CD0 ss:$0x1], $0xffff  }
0x21b: {  	v2 =	vadd.f32 v3, v2;
	_ =	sdelay $0x1  }
0x21c: {  	v2 =	vadd.f32 v4, v2;
	_ =	sdelay $0x1  }
0x21d: {  	v2 =	vadd.f32 v5, v2;
	_ =	sdelay $0x1  }
0x21e: {  	[tilespmem:s0+$0xFFFFFFE0] =	vst v2  }
0x21f: {  	v2 =	vld.idx.msk [tilespmem:v1+s2+$0x2860 ss:$0x1], $0xffff  }
0x220: {  	v3 =	vld.idx.msk [tilespmem:v1+s2+$0x28E0 ss:$0x1], $0xffff;
	_ =	sdelay $0x1  }
0x221: {  	v4 =	vld.idx.msk [tilespmem:v1+s2+$0x2960 ss:$0x1], $0xffff;
	_ =	sdelay $0x1  }
0x222: {  	v5 =	vld.idx.msk [tilespmem:v1+s2+$0x29E0 ss:$0x1], $0xffff  }
0x223: {  	v2 =	vadd.f32 v3, v2  }
0x224: {  	v3 =	vld.idx.msk [tilespmem:v1+s2+$0x2A60 ss:$0x1], $0xffff  }
0x225: {  	v2 =	vadd.f32 v4, v2  }
0x226: {  	v4 =	vld.idx.msk [tilespmem:v1+s2+$0x2AE0 ss:$0x1], $0xffff  }
0x227: {  	v2 =	vadd.f32 v5, v2  }
0x228: {  	v5 =	vld.idx.msk [tilespmem:v1+s2+$0x2B60 ss:$0x1], $0xffff  }
0x229: {  	v2 =	vadd.f32 v3, v2  }
0x22a: {  	v3 =	vld.idx.msk [tilespmem:v1+s2+$0x2BE0 ss:$0x1], $0xffff  }
0x22b: {  	v2 =	vadd.f32 v4, v2  }
0x22c: {  	v4 =	vld.idx.msk [tilespmem:v1+s2+$0x2C60 ss:$0x1], $0xffff  }
0x22d: {  	v2 =	vadd.f32 v5, v2  }
0x22e: {  	v5 =	vld.idx.msk [tilespmem:v1+s2+$0x2CE0 ss:$0x1], $0xffff  }
0x22f: {  	v2 =	vadd.f32 v3, v2;
	_ =	sdelay $0x1  }
0x230: {  	v2 =	vadd.f32 v4, v2;
	_ =	sdelay $0x1  }
0x231: {  	v2 =	vadd.f32 v5, v2;
	_ =	sdelay $0x1  }
0x232: {  	[tilespmem:s0+$0xFFFFFFF0] =	vst v2  }
0x233: {  	v2 =	vld.idx.msk [tilespmem:v1+s2+$0x2870 ss:$0x1], $0xffff  }
0x234: {  	v3 =	vld.idx.msk [tilespmem:v1+s2+$0x28F0 ss:$0x1], $0xffff;
	_ =	sdelay $0x1  }
0x235: {  	v4 =	vld.idx.msk [tilespmem:v1+s2+$0x2970 ss:$0x1], $0xffff;
	_ =	sdelay $0x1  }
0x236: {  	v5 =	vld.idx.msk [tilespmem:v1+s2+$0x29F0 ss:$0x1], $0xffff  }
0x237: {  	v2 =	vadd.f32 v3, v2  }
0x238: {  	v6 =	vld.idx.msk [tilespmem:v1+s2+$0x2A70 ss:$0x1], $0xffff  }
0x239: {  	v2 =	vadd.f32 v4, v2  }
0x23a: {  	v7 =	vld.idx.msk [tilespmem:v1+s2+$0x2AF0 ss:$0x1], $0xffff  }
0x23b: {  	v2 =	vadd.f32 v5, v2  }
0x23c: {  	v3 =	vld.idx.msk [tilespmem:v1+s2+$0x2B70 ss:$0x1], $0xffff  }
0x23d: {  	v4 =	vld.idx.msk [tilespmem:v1+s2+$0x2BF0 ss:$0x1], $0xffff;
	v6 =	vadd.f32 v6, v2  }
0x23e: {  	v5 =	vld.idx.msk [tilespmem:v1+s2+$0x2C70 ss:$0x1], $0xffff  }
0x23f: {  	s3 =	simm.s32 $0x1400;
	v2 =	vld.idx.msk [tilespmem:v1+s2+$0x2CF0 ss:$0x1], $0xffff;
	s2 =	smov.u32 s0;
	v6 =	vadd.f32 v7, v6  }
.LBB2_6:
0x240: {  	p3 =	sne.s32 s3, $0x8C00  }
0x241: {  	s0 =	sadd.s32 $0x80, s0;
	s9 =	smov.u32 s3;
	s3 =	sadd.s32 $0x1400, s3  }
0x242: {  	v3 =	vadd.f32 v3, v6;
	_ =	sdelay $0x1  }
0x243: {  	v3 =	vadd.f32 v4, v3;
	_ =	sdelay $0x1  }
0x244: {  	v3 =	vadd.f32 v5, v3;
	_ =	sdelay $0x1  }
0x245: {  	v2 =	vadd.f32 v2, v3  }
0x246: {  	s9 =	sshra.s32 s9, $0x2  }
0x247: {  	[tilespmem:s2+$0x0] =	vst v2;
	s2 =	smov.u32 s0  }
0x248: {  	v2 =	vld.idx.msk [tilespmem:v1+s9+$0x2800 ss:$0x1], $0xffff  }
0x249: {  	v3 =	vld.idx.msk [tilespmem:v1+s9+$0x2880 ss:$0x1], $0xffff  }
0x24a: {  	v4 =	vld.idx.msk [tilespmem:v1+s9+$0x2900 ss:$0x1], $0xffff;
	_ =	sdelay $0x1  }
0x24b: {  	v5 =	vld.idx.msk [tilespmem:v1+s9+$0x2980 ss:$0x1], $0xffff;
	_ =	sdelay $0x2  }
0x24c: {  	v2 =	vadd.f32 v3, v2;
	v3 =	vld.idx.msk [tilespmem:v1+s9+$0x2A00 ss:$0x1], $0xffff;
	_ =	sdelay $0x1  }
0x24d: {  	v2 =	vadd.f32 v4, v2;
	v4 =	vld.idx.msk [tilespmem:v1+s9+$0x2A80 ss:$0x1], $0xffff;
	_ =	sdelay $0x1  }
0x24e: {  	v2 =	vadd.f32 v5, v2;
	v5 =	vld.idx.msk [tilespmem:v1+s9+$0x2B00 ss:$0x1], $0xffff;
	_ =	sdelay $0x1  }
0x24f: {  	v2 =	vadd.f32 v3, v2;
	v3 =	vld.idx.msk [tilespmem:v1+s9+$0x2B80 ss:$0x1], $0xffff;
	_ =	sdelay $0x1  }
0x250: {  	v2 =	vadd.f32 v4, v2;
	v4 =	vld.idx.msk [tilespmem:v1+s9+$0x2C00 ss:$0x1], $0xffff;
	_ =	sdelay $0x1  }
0x251: {  	v2 =	vadd.f32 v5, v2;
	v5 =	vld.idx.msk [tilespmem:v1+s9+$0x2C80 ss:$0x1], $0xffff;
	_ =	sdelay $0x1  }
0x252: {  	v2 =	vadd.f32 v3, v2;
	_ =	sdelay $0x1  }
0x253: {  	v2 =	vadd.f32 v4, v2;
	_ =	sdelay $0x1  }
0x254: {  	v2 =	vadd.f32 v5, v2;
	_ =	sdelay $0x1  }
0x255: {  	[tilespmem:s0+$0xFFFFFF90] =	vst v2  }
0x256: {  	v2 =	vld.idx.msk [tilespmem:v1+s9+$0x2810 ss:$0x1], $0xffff  }
0x257: {  	v3 =	vld.idx.msk [tilespmem:v1+s9+$0x2890 ss:$0x1], $0xffff;
	_ =	sdelay $0x1  }
0x258: {  	v4 =	vld.idx.msk [tilespmem:v1+s9+$0x2910 ss:$0x1], $0xffff;
	_ =	sdelay $0x1  }
0x259: {  	v5 =	vld.idx.msk [tilespmem:v1+s9+$0x2990 ss:$0x1], $0xffff;
	_ =	sdelay $0x1  }
0x25a: {  	v2 =	vadd.f32 v3, v2;
	v3 =	vld.idx.msk [tilespmem:v1+s9+$0x2A10 ss:$0x1], $0xffff;
	_ =	sdelay $0x1  }
0x25b: {  	v2 =	vadd.f32 v4, v2;
	v4 =	vld.idx.msk [tilespmem:v1+s9+$0x2A90 ss:$0x1], $0xffff;
	_ =	sdelay $0x1  }
0x25c: {  	v2 =	vadd.f32 v5, v2;
	v5 =	vld.idx.msk [tilespmem:v1+s9+$0x2B10 ss:$0x1], $0xffff;
	_ =	sdelay $0x1  }
0x25d: {  	v2 =	vadd.f32 v3, v2;
	v3 =	vld.idx.msk [tilespmem:v1+s9+$0x2B90 ss:$0x1], $0xffff;
	_ =	sdelay $0x1  }
0x25e: {  	v2 =	vadd.f32 v4, v2;
	v4 =	vld.idx.msk [tilespmem:v1+s9+$0x2C10 ss:$0x1], $0xffff;
	_ =	sdelay $0x1  }
0x25f: {  	v2 =	vadd.f32 v5, v2;
	v5 =	vld.idx.msk [tilespmem:v1+s9+$0x2C90 ss:$0x1], $0xffff;
	_ =	sdelay $0x1  }
0x260: {  	v2 =	vadd.f32 v3, v2;
	_ =	sdelay $0x1  }
0x261: {  	v2 =	vadd.f32 v4, v2;
	_ =	sdelay $0x1  }
0x262: {  	v2 =	vadd.f32 v5, v2;
	_ =	sdelay $0x1  }
0x263: {  	[tilespmem:s0+$0xFFFFFFA0] =	vst v2  }
0x264: {  	v2 =	vld.idx.msk [tilespmem:v1+s9+$0x2820 ss:$0x1], $0xffff  }
0x265: {  	v3 =	vld.idx.msk [tilespmem:v1+s9+$0x28A0 ss:$0x1], $0xffff;
	_ =	sdelay $0x1  }
0x266: {  	v4 =	vld.idx.msk [tilespmem:v1+s9+$0x2920 ss:$0x1], $0xffff;
	_ =	sdelay $0x1  }
0x267: {  	v5 =	vld.idx.msk [tilespmem:v1+s9+$0x29A0 ss:$0x1], $0xffff;
	_ =	sdelay $0x1  }
0x268: {  	v2 =	vadd.f32 v3, v2;
	v3 =	vld.idx.msk [tilespmem:v1+s9+$0x2A20 ss:$0x1], $0xffff;
	_ =	sdelay $0x1  }
0x269: {  	v2 =	vadd.f32 v4, v2;
	v4 =	vld.idx.msk [tilespmem:v1+s9+$0x2AA0 ss:$0x1], $0xffff;
	_ =	sdelay $0x1  }
0x26a: {  	v2 =	vadd.f32 v5, v2;
	v5 =	vld.idx.msk [tilespmem:v1+s9+$0x2B20 ss:$0x1], $0xffff;
	_ =	sdelay $0x1  }
0x26b: {  	v2 =	vadd.f32 v3, v2;
	v3 =	vld.idx.msk [tilespmem:v1+s9+$0x2BA0 ss:$0x1], $0xffff;
	_ =	sdelay $0x1  }
0x26c: {  	v2 =	vadd.f32 v4, v2;
	v4 =	vld.idx.msk [tilespmem:v1+s9+$0x2C20 ss:$0x1], $0xffff;
	_ =	sdelay $0x1  }
0x26d: {  	v2 =	vadd.f32 v5, v2;
	v5 =	vld.idx.msk [tilespmem:v1+s9+$0x2CA0 ss:$0x1], $0xffff;
	_ =	sdelay $0x1  }
0x26e: {  	v2 =	vadd.f32 v3, v2;
	_ =	sdelay $0x1  }
0x26f: {  	v2 =	vadd.f32 v4, v2;
	_ =	sdelay $0x1  }
0x270: {  	v2 =	vadd.f32 v5, v2;
	_ =	sdelay $0x1  }
0x271: {  	[tilespmem:s0+$0xFFFFFFB0] =	vst v2  }
0x272: {  	v2 =	vld.idx.msk [tilespmem:v1+s9+$0x2830 ss:$0x1], $0xffff  }
0x273: {  	v3 =	vld.idx.msk [tilespmem:v1+s9+$0x28B0 ss:$0x1], $0xffff;
	_ =	sdelay $0x1  }
0x274: {  	v4 =	vld.idx.msk [tilespmem:v1+s9+$0x2930 ss:$0x1], $0xffff;
	_ =	sdelay $0x1  }
0x275: {  	v5 =	vld.idx.msk [tilespmem:v1+s9+$0x29B0 ss:$0x1], $0xffff;
	_ =	sdelay $0x1  }
0x276: {  	v2 =	vadd.f32 v3, v2;
	v3 =	vld.idx.msk [tilespmem:v1+s9+$0x2A30 ss:$0x1], $0xffff;
	_ =	sdelay $0x1  }
0x277: {  	v2 =	vadd.f32 v4, v2;
	v4 =	vld.idx.msk [tilespmem:v1+s9+$0x2AB0 ss:$0x1], $0xffff;
	_ =	sdelay $0x1  }
0x278: {  	v2 =	vadd.f32 v5, v2;
	v5 =	vld.idx.msk [tilespmem:v1+s9+$0x2B30 ss:$0x1], $0xffff;
	_ =	sdelay $0x1  }
0x279: {  	v2 =	vadd.f32 v3, v2;
	v3 =	vld.idx.msk [tilespmem:v1+s9+$0x2BB0 ss:$0x1], $0xffff;
	_ =	sdelay $0x1  }
0x27a: {  	v2 =	vadd.f32 v4, v2;
	v4 =	vld.idx.msk [tilespmem:v1+s9+$0x2C30 ss:$0x1], $0xffff;
	_ =	sdelay $0x1  }
0x27b: {  	v2 =	vadd.f32 v5, v2;
	v5 =	vld.idx.msk [tilespmem:v1+s9+$0x2CB0 ss:$0x1], $0xffff;
	_ =	sdelay $0x1  }
0x27c: {  	v2 =	vadd.f32 v3, v2;
	_ =	sdelay $0x1  }
0x27d: {  	v2 =	vadd.f32 v4, v2;
	_ =	sdelay $0x1  }
0x27e: {  	v2 =	vadd.f32 v5, v2;
	_ =	sdelay $0x1  }
0x27f: {  	[tilespmem:s0+$0xFFFFFFC0] =	vst v2  }
0x280: {  	v2 =	vld.idx.msk [tilespmem:v1+s9+$0x2840 ss:$0x1], $0xffff  }
0x281: {  	v3 =	vld.idx.msk [tilespmem:v1+s9+$0x28C0 ss:$0x1], $0xffff;
	_ =	sdelay $0x1  }
0x282: {  	v4 =	vld.idx.msk [tilespmem:v1+s9+$0x2940 ss:$0x1], $0xffff;
	_ =	sdelay $0x1  }
0x283: {  	v5 =	vld.idx.msk [tilespmem:v1+s9+$0x29C0 ss:$0x1], $0xffff;
	_ =	sdelay $0x1  }
0x284: {  	v2 =	vadd.f32 v3, v2;
	v3 =	vld.idx.msk [tilespmem:v1+s9+$0x2A40 ss:$0x1], $0xffff;
	_ =	sdelay $0x1  }
0x285: {  	v2 =	vadd.f32 v4, v2;
	v4 =	vld.idx.msk [tilespmem:v1+s9+$0x2AC0 ss:$0x1], $0xffff;
	_ =	sdelay $0x1  }
0x286: {  	v2 =	vadd.f32 v5, v2;
	v5 =	vld.idx.msk [tilespmem:v1+s9+$0x2B40 ss:$0x1], $0xffff;
	_ =	sdelay $0x1  }
0x287: {  	v2 =	vadd.f32 v3, v2;
	v3 =	vld.idx.msk [tilespmem:v1+s9+$0x2BC0 ss:$0x1], $0xffff;
	_ =	sdelay $0x1  }
0x288: {  	v2 =	vadd.f32 v4, v2;
	v4 =	vld.idx.msk [tilespmem:v1+s9+$0x2C40 ss:$0x1], $0xffff;
	_ =	sdelay $0x1  }
0x289: {  	v2 =	vadd.f32 v5, v2;
	v5 =	vld.idx.msk [tilespmem:v1+s9+$0x2CC0 ss:$0x1], $0xffff;
	_ =	sdelay $0x1  }
0x28a: {  	v2 =	vadd.f32 v3, v2;
	_ =	sdelay $0x1  }
0x28b: {  	v2 =	vadd.f32 v4, v2;
	_ =	sdelay $0x1  }
0x28c: {  	v2 =	vadd.f32 v5, v2;
	_ =	sdelay $0x1  }
0x28d: {  	[tilespmem:s0+$0xFFFFFFD0] =	vst v2  }
0x28e: {  	v2 =	vld.idx.msk [tilespmem:v1+s9+$0x2850 ss:$0x1], $0xffff  }
0x28f: {  	v3 =	vld.idx.msk [tilespmem:v1+s9+$0x28D0 ss:$0x1], $0xffff  }
0x290: {  	v4 =	vld.idx.msk [tilespmem:v1+s9+$0x2950 ss:$0x1], $0xffff  }
0x291: {  	v5 =	vld.idx.msk [tilespmem:v1+s9+$0x29D0 ss:$0x1], $0xffff  }
0x292: {  	v6 =	vld.idx.msk [tilespmem:v1+s9+$0x2A50 ss:$0x1], $0xffff  }
0x293: {  	v7 =	vld.idx.msk [tilespmem:v1+s9+$0x2AD0 ss:$0x1], $0xffff  }
0x294: {  	v8 =	vld.idx.msk [tilespmem:v1+s9+$0x2B50 ss:$0x1], $0xffff  }
0x295: {  	v2 =	vadd.f32 v3, v2;
	v3 =	vld.idx.msk [tilespmem:v1+s9+$0x2BD0 ss:$0x1], $0xffff  }
0x296: {  	v9 =	vld.idx.msk [tilespmem:v1+s9+$0x2C50 ss:$0x1], $0xffff  }
0x297: {  	v2 =	vadd.f32 v4, v2;
	v4 =	vld.idx.msk [tilespmem:v1+s9+$0x2CD0 ss:$0x1], $0xffff;
	_ =	sdelay $0x1  }
0x298: {  	v2 =	vadd.f32 v5, v2;
	_ =	sdelay $0x1  }
0x299: {  	v2 =	vadd.f32 v6, v2;
	_ =	sdelay $0x1  }
0x29a: {  	v2 =	vadd.f32 v7, v2;
	_ =	sdelay $0x1  }
0x29b: {  	v2 =	vadd.f32 v8, v2;
	_ =	sdelay $0x1  }
0x29c: {  	v2 =	vadd.f32 v3, v2;
	_ =	sdelay $0x1  }
0x29d: {  	v2 =	vadd.f32 v9, v2;
	_ =	sdelay $0x1  }
0x29e: {  	v2 =	vadd.f32 v4, v2;
	_ =	sdelay $0x1  }
0x29f: {  	[tilespmem:s0+$0xFFFFFFE0] =	vst v2  }
0x2a0: {  	v2 =	vld.idx.msk [tilespmem:v1+s9+$0x2860 ss:$0x1], $0xffff  }
0x2a1: {  	v3 =	vld.idx.msk [tilespmem:v1+s9+$0x28E0 ss:$0x1], $0xffff  }
0x2a2: {  	v4 =	vld.idx.msk [tilespmem:v1+s9+$0x2960 ss:$0x1], $0xffff  }
0x2a3: {  	v5 =	vld.idx.msk [tilespmem:v1+s9+$0x29E0 ss:$0x1], $0xffff  }
0x2a4: {  	v6 =	vld.idx.msk [tilespmem:v1+s9+$0x2A60 ss:$0x1], $0xffff  }
0x2a5: {  	v7 =	vld.idx.msk [tilespmem:v1+s9+$0x2AE0 ss:$0x1], $0xffff  }
0x2a6: {  	v8 =	vld.idx.msk [tilespmem:v1+s9+$0x2B60 ss:$0x1], $0xffff  }
0x2a7: {  	v2 =	vadd.f32 v3, v2;
	v3 =	vld.idx.msk [tilespmem:v1+s9+$0x2BE0 ss:$0x1], $0xffff  }
0x2a8: {  	v9 =	vld.idx.msk [tilespmem:v1+s9+$0x2C60 ss:$0x1], $0xffff  }
0x2a9: {  	v2 =	vadd.f32 v4, v2;
	v4 =	vld.idx.msk [tilespmem:v1+s9+$0x2CE0 ss:$0x1], $0xffff;
	_ =	sdelay $0x1  }
0x2aa: {  	v2 =	vadd.f32 v5, v2;
	_ =	sdelay $0x1  }
0x2ab: {  	v2 =	vadd.f32 v6, v2;
	_ =	sdelay $0x1  }
0x2ac: {  	v2 =	vadd.f32 v7, v2;
	_ =	sdelay $0x1  }
0x2ad: {  	v2 =	vadd.f32 v8, v2;
	_ =	sdelay $0x1  }
0x2ae: {  	v2 =	vadd.f32 v3, v2;
	_ =	sdelay $0x1  }
0x2af: {  	v2 =	vadd.f32 v9, v2;
	_ =	sdelay $0x1  }
0x2b0: {  	v2 =	vadd.f32 v4, v2;
	_ =	sdelay $0x1  }
0x2b1: {  	[tilespmem:s0+$0xFFFFFFF0] =	vst v2  }
0x2b2: {  	v2 =	vld.idx.msk [tilespmem:v1+s9+$0x2870 ss:$0x1], $0xffff  }
0x2b3: {  	v4 =	vld.idx.msk [tilespmem:v1+s9+$0x28F0 ss:$0x1], $0xffff  }
0x2b4: {  	v6 =	vld.idx.msk [tilespmem:v1+s9+$0x2970 ss:$0x1], $0xffff  }
0x2b5: {  	v7 =	vld.idx.msk [tilespmem:v1+s9+$0x29F0 ss:$0x1], $0xffff  }
0x2b6: {  	v8 =	vld.idx.msk [tilespmem:v1+s9+$0x2A70 ss:$0x1], $0xffff  }
0x2b7: {  	v9 =	vld.idx.msk [tilespmem:v1+s9+$0x2AF0 ss:$0x1], $0xffff  }
0x2b8: {  	v3 =	vld.idx.msk [tilespmem:v1+s9+$0x2B70 ss:$0x1], $0xffff  }
0x2b9: {  	v2 =	vadd.f32 v4, v2;
	v4 =	vld.idx.msk [tilespmem:v1+s9+$0x2BF0 ss:$0x1], $0xffff  }
0x2ba: {  	v5 =	vld.idx.msk [tilespmem:v1+s9+$0x2C70 ss:$0x1], $0xffff  }
0x2bb: {  	v6 =	vadd.f32 v6, v2;
	v2 =	vld.idx.msk [tilespmem:v1+s9+$0x2CF0 ss:$0x1], $0xffff;
	_ =	sdelay $0x1  }
.Ltmp8:
0x2bc: {  	v6 =	vadd.f32 v7, v6;
	(pc) =	sbr.rel @p3 .LBB2_6-.Ltmp8, $3  }
0x2bd: {  	_ = 	snop  }
0x2be: {  	v6 =	vadd.f32 v8, v6;
	_ =	sdelay $0x1  }
0x2bf: {  	v6 =	vadd.f32 v9, v6  }
0x2c0: {  	_ = 	snop  }
0x2c1: {  	v1 =	vadd.f32 v3, v6;
	_ =	sdelay $0x1  }
0x2c2: {  	v1 =	vadd.f32 v4, v1;
	_ =	sdelay $0x1  }
0x2c3: {  	p3 =	seq.s32 s28, $0x0;
	v1 =	vadd.f32 v5, v1  }
0x2c4: {  	s0 =	sshll.u32 @!p3 s30, $0xB  }
0x2c5: {  	s0 =	sadd.s32 @!p3 s8, s0;
	v1 =	vadd.f32 v2, v1  }
0x2c6: {  	s0 =	sshrl.u32 @!p3 s0, $0x3  }
0x2c7: {  	s3 =	simm.s32 @!p3 $0x0;
	[tilespmem:s2+$0x0] =	vst v1;
	s2 =	sadd.s32 @!p3 s4, s0  }
0x2c8: {  	[hbm4b:s2+s3] =	stream.linear.scatter @!p3 [tilespmem:s31], [sflag:$0x2], $0x800, $0x38;
	[tilespmem:$0x1A500] =	vst v63  }
0x2c9: {  	s25 =	sadd.s32 $0x1, s25;
	s0 =	sadd.s32 @!p3 s5, s0;
	s2 =	sadd.s32 @!p3 $0x18D00, s29  }
0x2ca: {  	[hbm4b:s0+s3] =	stream.linear.scatter @!p3 [tilespmem:s2], [sflag:$0x2], $0x800, $0x38;
	[tilespmem:$0x1A500] =	vst v63  }
0x2cb: {  	p3 =	seq.s32 s25, $0xEE  }
.Ltmp9:
0x2cc: {  	_ = 	snop;
	(pc) =	sbr.rel @!p3 .LBB2_3-.Ltmp9, $4  }
.Ltmp10:
0x2cd: {  	_ = 	snop;
	(pc) =	sbr.rel @p3 .LBB2_21-.Ltmp10, $4  }
0x2ce: {  	_ = 	snop  }
0x2cf: {  	_ = 	snop  }
0x2d0: {  	p2 =	por !p2, !p2;
	s26 =	sadd.s32 $0x5000, s26  }
0x2d1: {  	_ = 	snop  }
.LBB2_9:
0x2d2: {  	s2 =	rddreg [dreg:$0x5]  }
0x2d3: {  	[tilespmem:s0], [sflag:$0x3] =	stream.linear.gather [hbm4b:s2+s0], $0x3020, $0x38;
	[tilespmem:$0x1A500] =	vst v63  }
0x2d4: {  	_ =	swait.ge [sflag:s15], $0x3020  }
0x2d5: {  	[sflag:s15] =	ssyncset.done $0x0  }
0x2d6: {  	s31 =	rddreg [dreg:$0x6];
	[sflag:s15] =	ssyncadd.s32 $0xFFFFCFE0  }
0x2d7: {  	[tilespmem:s16], [sflag:$0x3] =	stream.linear.gather [hbm4b:s31+s0], $0x3020, $0x38;
	[tilespmem:$0x1A500] =	vst v63  }
0x2d8: {  	_ =	swait.ge [sflag:s15], $0x3020  }
0x2d9: {  	[sflag:s15] =	ssyncset.done $0x0  }
0x2da: {  	[sflag:s15] =	ssyncadd.s32 $0xFFFFCFE0  }
.LBB2_15:
0x2db: {  	s25 =	simm.s32 $0x0;
	s26 =	simm.s32 $0x9500  }
0x2dc: {  	[tilespmem:s26], [sflag:$0x1] =	stream.indirect.gather [hbm4b:s1+s17], $0x80, s25, s17, $0xb8;
	[tilespmem:$0x1A500] =	vst v63  }
0x2dd: {  	_ = 	snop  }
0x2de: {  	[tilespmem:s18], [sflag:$0x1] =	stream.indirect.gather [hbm4b:s1+s17], $0x80, s17, s17, $0xb8;
	[tilespmem:$0x1A500] =	vst v63  }
0x2df: {  	_ = 	snop  }
0x2e0: {  	[tilespmem:s19], [sflag:$0x1] =	stream.indirect.gather [hbm4b:s1+s17], $0x80, s16, s17, $0xb8;
	[tilespmem:$0x1A500] =	vst v63  }
0x2e1: {  	p2 =	por $0x0, $0x0  }
0x2e2: {  	[tilespmem:s21], [sflag:$0x1] =	stream.indirect.gather [hbm4b:s1+s17], $0x80, s20, s17, $0xb8;
	[tilespmem:$0x1A500] =	vst v63  }
.LBB2_16:
0x2e3: {  	p3 =	sgt.u32 s25, $0x97  }
0x2e4: {  	s0 =	sadd.s32 @!p3 $0x2, s25  }
0x2e5: {  	s2 =	smul.u32 @!p3 $0xAB, s0;
	_ =	sdelay $0x1  }
0x2e6: {  	s2 =	sshrl.u32 @!p3 s2, $0x9  }
0x2e7: {  	s2 =	sand.u32 @!p3 $0x7F, s2  }
0x2e8: {  	s2 =	smul.u32 @!p3 $0x3, s2;
	_ =	sdelay $0x1  }
0x2e9: {  	s2 =	ssub.s32 @!p3 s0, s2;
	s0 =	sshrl.u32 @!p3 s0, $0x1  }
0x2ea: {  	s3 =	sand.u32 @!p3 $0x1, s25;
	s2 =	sand.u32 @!p3 $0xFF, s2;
	s0 =	smul.u32 @!p3 $0x280, s0  }
0x2eb: {  	p4 =	seq.s32 @!p3 s3, $0x1;
	s2 =	smul.u32 @!p3 $0x14000, s2  }
0x2ec: {  	s3 =	simm.s32 @!p3 $0x4A60;
	p4 =	por !p4, p3  }
0x2ed: {  	s3 =	simm.s32 @p4 $0x0;
	s0 =	sshra.s32 @!p3 s0, $0x2;
	s2 =	sshrl.u32 @!p3 s2, $0x2  }
0x2ee: {  	s0 =	sadd.s32 @!p3 s0, s3;
	s3 =	simm.s32 @!p3 $0x50;
	s9 =	sadd.s32 @!p3 $0x9500, s2  }
0x2ef: {  	[tilespmem:s9], [sflag:$0x1] =	stream.indirect.gather @!p3 [hbm4b:s1+s3], $0x80, s0, s3, $0xb8;
	[tilespmem:$0x1A500] =	vst v63  }
0x2f0: {  	s2 =	sadd.s32 @!p3 $0xBD00, s2;
	s0 =	sadd.s32 @!p3 $0x50, s0  }
0x2f1: {  	[tilespmem:s2], [sflag:$0x1] =	stream.indirect.gather @!p3 [hbm4b:s1+s3], $0x80, s0, s3, $0xb8;
	[tilespmem:$0x1A500] =	vst v63  }
0x2f2: {  	s28 =	sand.u32 $0x1, s25;
	p3 =	slt.u32 s25, $0x4  }
0x2f3: {  	p4 =	sne.s32 @!p3 s28, $0x0  }
0x2f4: {  	p3 =	por p4, p3  }
0x2f5: {  	s0 =	simm.s32 @!p3 $0x2  }
0x2f6: {  	_ =	swait.ge @!p3 [sflag:s0], $0x800  }
0x2f7: {  	[sflag:s0] =	ssyncset.done @!p3 $0x0  }
0x2f8: {  	s11 =	smulhi.u32 $0xAAAAAAAB, s25;
	[sflag:s0] =	ssyncadd.s32 @!p3 $0xFFFFF800  }
0x2f9: {  	_ =	swait.ge @!p3 [sflag:s0], $0x800  }
0x2fa: {  	s2 =	sshrl.u32 s11, $0x1;
	[sflag:s0] =	ssyncset.done @!p3 $0x0  }
0x2fb: {  	s2 =	smul.u32 $0xFFFC4000, s2;
	[sflag:s0] =	ssyncadd.s32 @!p3 $0xFFFFF800  }
0x2fc: {  	_ =	swait.ge [sflag:s22], $0x2800  }
0x2fd: {  	s3 =	sshra.s32 s2, $0x2;
	[sflag:s22] =	ssyncset.done $0x0  }
0x2fe: {  	s2 =	sadd.s32 s3, s26;
	[sflag:s22] =	ssyncadd.s32 $0xFFFFD800  }
0x2ff: {  	v1 =	vld [tilespmem:s2+$0x80]  }
0x300: {  	v2 =	vld [tilespmem:s2+$0x0];
	_ =	sdelay $0x1  }
0x301: {  	v3 =	vld [tilespmem:s2+$0x100];
	_ =	sdelay $0x1  }
0x302: {  	v4 =	vld [tilespmem:s2+$0x180]  }
0x303: {  	v1 =	vadd.f32 v1, v2  }
0x304: {  	v2 =	vld [tilespmem:s2+$0x200]  }
0x305: {  	v1 =	vadd.f32 v3, v1  }
0x306: {  	v3 =	vld [tilespmem:s2+$0x280]  }
0x307: {  	v1 =	vadd.f32 v4, v1  }
0x308: {  	v4 =	vld [tilespmem:s2+$0x300]  }
0x309: {  	v1 =	vadd.f32 v2, v1  }
0x30a: {  	s0 =	simm.s32 $0x1;
	v2 =	vld [tilespmem:s2+$0x380]  }
0x30b: {  	s9 =	sshll.u32 s25, $0xD;
	s0 =	simm.s32 @!p2 $0x0;
	v1 =	vadd.f32 v3, v1  }
0x30c: {  	s3 =	sand.u32 $0x4000, s9;
	s0 =	sshll.u32 s0, $0xD;
	v3 =	vld [tilespmem:s2+$0x400]  }
0x30d: {  	s0 =	sor.u32 s0, s3;
	v1 =	vadd.f32 v4, v1  }
0x30e: {  	s0 =	sshrl.u32 s0, $0x2;
	v4 =	vld [tilespmem:s2+$0x480]  }
0x30f: {  	s10 =	sor.u32 $0x18570, s0;
	v1 =	vadd.f32 v2, v1  }
0x310: {  	v2 =	vmov s10  }
0x311: {  	v1 =	vadd.f32 v3, v1;
	_ =	sdelay $0x1  }
0x312: {  	v1 =	vadd.f32 v4, v1  }
0x313: {  	s3 =	simm.s32 $0x0  }
0x314: {  	[tilespmem:v2+s3+$0xFFFFFF90 ss:$0x1] =	vst.idx.msk $0xffff, v1  }
0x315: {  	v1 =	vld [tilespmem:s2+$0x10]  }
0x316: {  	v3 =	vld [tilespmem:s2+$0x90];
	_ =	sdelay $0x1  }
0x317: {  	v4 =	vld [tilespmem:s2+$0x110];
	_ =	sdelay $0x1  }
0x318: {  	v5 =	vld [tilespmem:s2+$0x190]  }
0x319: {  	v1 =	vadd.f32 v3, v1  }
0x31a: {  	v3 =	vld [tilespmem:s2+$0x210]  }
0x31b: {  	v1 =	vadd.f32 v4, v1  }
0x31c: {  	v4 =	vld [tilespmem:s2+$0x290]  }
0x31d: {  	v1 =	vadd.f32 v5, v1  }
0x31e: {  	v5 =	vld [tilespmem:s2+$0x310]  }
0x31f: {  	v1 =	vadd.f32 v3, v1  }
0x320: {  	v3 =	vld [tilespmem:s2+$0x390]  }
0x321: {  	v1 =	vadd.f32 v4, v1  }
0x322: {  	v4 =	vld [tilespmem:s2+$0x410]  }
0x323: {  	v1 =	vadd.f32 v5, v1  }
0x324: {  	v5 =	vld [tilespmem:s2+$0x490]  }
0x325: {  	v1 =	vadd.f32 v3, v1;
	_ =	sdelay $0x1  }
0x326: {  	v1 =	vadd.f32 v4, v1;
	_ =	sdelay $0x1  }
0x327: {  	v1 =	vadd.f32 v5, v1;
	_ =	sdelay $0x1  }
0x328: {  	[tilespmem:v2+s3+$0xFFFFFFA0 ss:$0x1] =	vst.idx.msk $0xffff, v1  }
0x329: {  	v1 =	vld [tilespmem:s2+$0x20]  }
0x32a: {  	v3 =	vld [tilespmem:s2+$0xA0];
	_ =	sdelay $0x1  }
0x32b: {  	v4 =	vld [tilespmem:s2+$0x120];
	_ =	sdelay $0x1  }
0x32c: {  	v5 =	vld [tilespmem:s2+$0x1A0]  }
0x32d: {  	v1 =	vadd.f32 v3, v1  }
0x32e: {  	v3 =	vld [tilespmem:s2+$0x220]  }
0x32f: {  	v1 =	vadd.f32 v4, v1  }
0x330: {  	v4 =	vld [tilespmem:s2+$0x2A0]  }
0x331: {  	v1 =	vadd.f32 v5, v1  }
0x332: {  	v5 =	vld [tilespmem:s2+$0x320]  }
0x333: {  	v1 =	vadd.f32 v3, v1  }
0x334: {  	v3 =	vld [tilespmem:s2+$0x3A0]  }
0x335: {  	v1 =	vadd.f32 v4, v1  }
0x336: {  	v4 =	vld [tilespmem:s2+$0x420]  }
0x337: {  	v1 =	vadd.f32 v5, v1  }
0x338: {  	v5 =	vld [tilespmem:s2+$0x4A0]  }
0x339: {  	v1 =	vadd.f32 v3, v1;
	_ =	sdelay $0x1  }
0x33a: {  	v1 =	vadd.f32 v4, v1;
	_ =	sdelay $0x1  }
0x33b: {  	v1 =	vadd.f32 v5, v1;
	_ =	sdelay $0x1  }
0x33c: {  	[tilespmem:v2+s3+$0xFFFFFFB0 ss:$0x1] =	vst.idx.msk $0xffff, v1  }
0x33d: {  	v1 =	vld [tilespmem:s2+$0x30]  }
0x33e: {  	v3 =	vld [tilespmem:s2+$0xB0];
	_ =	sdelay $0x1  }
0x33f: {  	v4 =	vld [tilespmem:s2+$0x130];
	_ =	sdelay $0x1  }
0x340: {  	v5 =	vld [tilespmem:s2+$0x1B0]  }
0x341: {  	v1 =	vadd.f32 v3, v1  }
0x342: {  	v3 =	vld [tilespmem:s2+$0x230]  }
0x343: {  	v1 =	vadd.f32 v4, v1  }
0x344: {  	v4 =	vld [tilespmem:s2+$0x2B0]  }
0x345: {  	v1 =	vadd.f32 v5, v1  }
0x346: {  	v5 =	vld [tilespmem:s2+$0x330]  }
0x347: {  	v1 =	vadd.f32 v3, v1  }
0x348: {  	v3 =	vld [tilespmem:s2+$0x3B0]  }
0x349: {  	v1 =	vadd.f32 v4, v1  }
0x34a: {  	v4 =	vld [tilespmem:s2+$0x430]  }
0x34b: {  	v1 =	vadd.f32 v5, v1  }
0x34c: {  	v5 =	vld [tilespmem:s2+$0x4B0]  }
0x34d: {  	v1 =	vadd.f32 v3, v1;
	_ =	sdelay $0x1  }
0x34e: {  	v1 =	vadd.f32 v4, v1;
	_ =	sdelay $0x1  }
0x34f: {  	v1 =	vadd.f32 v5, v1;
	_ =	sdelay $0x1  }
0x350: {  	[tilespmem:v2+s3+$0xFFFFFFC0 ss:$0x1] =	vst.idx.msk $0xffff, v1  }
0x351: {  	v1 =	vld [tilespmem:s2+$0x40]  }
0x352: {  	v3 =	vld [tilespmem:s2+$0xC0];
	_ =	sdelay $0x1  }
0x353: {  	v4 =	vld [tilespmem:s2+$0x140];
	_ =	sdelay $0x1  }
0x354: {  	v5 =	vld [tilespmem:s2+$0x1C0]  }
0x355: {  	v1 =	vadd.f32 v3, v1  }
0x356: {  	v3 =	vld [tilespmem:s2+$0x240]  }
0x357: {  	v1 =	vadd.f32 v4, v1  }
0x358: {  	v4 =	vld [tilespmem:s2+$0x2C0]  }
0x359: {  	v1 =	vadd.f32 v5, v1  }
0x35a: {  	v5 =	vld [tilespmem:s2+$0x340]  }
0x35b: {  	v1 =	vadd.f32 v3, v1  }
0x35c: {  	v3 =	vld [tilespmem:s2+$0x3C0]  }
0x35d: {  	v1 =	vadd.f32 v4, v1  }
0x35e: {  	v4 =	vld [tilespmem:s2+$0x440]  }
0x35f: {  	v1 =	vadd.f32 v5, v1  }
0x360: {  	v5 =	vld [tilespmem:s2+$0x4C0]  }
0x361: {  	v1 =	vadd.f32 v3, v1;
	_ =	sdelay $0x1  }
0x362: {  	v1 =	vadd.f32 v4, v1;
	_ =	sdelay $0x1  }
0x363: {  	v1 =	vadd.f32 v5, v1;
	_ =	sdelay $0x1  }
0x364: {  	[tilespmem:v2+s3+$0xFFFFFFD0 ss:$0x1] =	vst.idx.msk $0xffff, v1  }
0x365: {  	v1 =	vld [tilespmem:s2+$0x50]  }
0x366: {  	v3 =	vld [tilespmem:s2+$0xD0];
	_ =	sdelay $0x1  }
0x367: {  	v4 =	vld [tilespmem:s2+$0x150];
	_ =	sdelay $0x1  }
0x368: {  	v5 =	vld [tilespmem:s2+$0x1D0]  }
0x369: {  	v1 =	vadd.f32 v3, v1  }
0x36a: {  	v3 =	vld [tilespmem:s2+$0x250]  }
0x36b: {  	v1 =	vadd.f32 v4, v1  }
0x36c: {  	v4 =	vld [tilespmem:s2+$0x2D0]  }
0x36d: {  	v1 =	vadd.f32 v5, v1  }
0x36e: {  	v5 =	vld [tilespmem:s2+$0x350]  }
0x36f: {  	v1 =	vadd.f32 v3, v1  }
0x370: {  	v3 =	vld [tilespmem:s2+$0x3D0]  }
0x371: {  	v1 =	vadd.f32 v4, v1  }
0x372: {  	v4 =	vld [tilespmem:s2+$0x450]  }
0x373: {  	v1 =	vadd.f32 v5, v1  }
0x374: {  	v5 =	vld [tilespmem:s2+$0x4D0]  }
0x375: {  	v1 =	vadd.f32 v3, v1;
	_ =	sdelay $0x1  }
0x376: {  	v1 =	vadd.f32 v4, v1;
	_ =	sdelay $0x1  }
0x377: {  	v1 =	vadd.f32 v5, v1;
	_ =	sdelay $0x1  }
0x378: {  	[tilespmem:v2+s3+$0xFFFFFFE0 ss:$0x1] =	vst.idx.msk $0xffff, v1  }
0x379: {  	v1 =	vld [tilespmem:s2+$0x60]  }
0x37a: {  	v3 =	vld [tilespmem:s2+$0xE0];
	_ =	sdelay $0x1  }
0x37b: {  	v4 =	vld [tilespmem:s2+$0x160];
	_ =	sdelay $0x1  }
0x37c: {  	v5 =	vld [tilespmem:s2+$0x1E0]  }
0x37d: {  	v1 =	vadd.f32 v3, v1  }
0x37e: {  	v3 =	vld [tilespmem:s2+$0x260]  }
0x37f: {  	v1 =	vadd.f32 v4, v1  }
0x380: {  	v4 =	vld [tilespmem:s2+$0x2E0]  }
0x381: {  	v1 =	vadd.f32 v5, v1  }
0x382: {  	v5 =	vld [tilespmem:s2+$0x360]  }
0x383: {  	v1 =	vadd.f32 v3, v1  }
0x384: {  	v3 =	vld [tilespmem:s2+$0x3E0]  }
0x385: {  	v1 =	vadd.f32 v4, v1  }
0x386: {  	v4 =	vld [tilespmem:s2+$0x460]  }
0x387: {  	v1 =	vadd.f32 v5, v1  }
0x388: {  	v5 =	vld [tilespmem:s2+$0x4E0]  }
0x389: {  	v1 =	vadd.f32 v3, v1;
	_ =	sdelay $0x1  }
0x38a: {  	v1 =	vadd.f32 v4, v1;
	_ =	sdelay $0x1  }
0x38b: {  	v1 =	vadd.f32 v5, v1;
	_ =	sdelay $0x1  }
0x38c: {  	[tilespmem:v2+s3+$0xFFFFFFF0 ss:$0x1] =	vst.idx.msk $0xffff, v1  }
0x38d: {  	v1 =	vld [tilespmem:s2+$0x70]  }
0x38e: {  	v3 =	vld [tilespmem:s2+$0xF0];
	_ =	sdelay $0x1  }
0x38f: {  	v4 =	vld [tilespmem:s2+$0x170];
	_ =	sdelay $0x1  }
0x390: {  	v5 =	vld [tilespmem:s2+$0x1F0]  }
0x391: {  	v1 =	vadd.f32 v3, v1  }
0x392: {  	v3 =	vld [tilespmem:s2+$0x270]  }
0x393: {  	v1 =	vadd.f32 v4, v1  }
0x394: {  	v6 =	vld [tilespmem:s2+$0x2F0]  }
0x395: {  	s30 =	sshrl.u32 s25, $0x1;
	v5 =	vadd.f32 v5, v1  }
0x396: {  	s11 =	sshll.u32 s30, $0xC;
	v4 =	vld [tilespmem:s2+$0x370]  }
0x397: {  	s29 =	sand.u32 $0x1000, s11;
	v1 =	vld [tilespmem:s2+$0x3F0];
	v7 =	vadd.f32 v3, v5  }
0x398: {  	s31 =	sor.u32 $0x18500, s29;
	v3 =	vld [tilespmem:s2+$0x470]  }
0x399: {  	s9 =	simm.s32 $0x200;
	s0 =	sadd.s32 $0x18970, s0;
	s10 =	smov.u32 s2;
	v5 =	vld [tilespmem:s2+$0x4F0];
	v6 =	vadd.f32 v6, v7  }
.LBB2_17:
0x39a: {  	p3 =	sne.s32 s9, $0xE00  }
0x39b: {  	s10 =	sadd.s32 $0x500, s10;
	s11 =	smov.u32 s9;
	s9 =	sadd.s32 $0x200, s9;
	v4 =	vadd.f32 v4, v6  }
0x39c: {  	_ = 	snop  }
0x39d: {  	v1 =	vadd.f32 v1, v4;
	_ =	sdelay $0x1  }
0x39e: {  	v1 =	vadd.f32 v3, v1;
	_ =	sdelay $0x1  }
0x39f: {  	v1 =	vadd.f32 v5, v1;
	_ =	sdelay $0x1  }
0x3a0: {  	[tilespmem:v2+s3+$0x0 ss:$0x1] =	vst.idx.msk $0xffff, v1  }
0x3a1: {  	v1 =	vld [tilespmem:s10+$0x80]  }
0x3a2: {  	v3 =	vld [tilespmem:s10+$0x0]  }
0x3a3: {  	v4 =	vld [tilespmem:s10+$0x100];
	_ =	sdelay $0x2  }
0x3a4: {  	v5 =	vld [tilespmem:s10+$0x180]  }
0x3a5: {  	v1 =	vadd.f32 v1, v3  }
0x3a6: {  	v3 =	vld [tilespmem:s10+$0x200]  }
0x3a7: {  	v1 =	vadd.f32 v4, v1  }
0x3a8: {  	v4 =	vld [tilespmem:s10+$0x280]  }
0x3a9: {  	v1 =	vadd.f32 v5, v1  }
0x3aa: {  	v5 =	vld [tilespmem:s10+$0x300]  }
0x3ab: {  	v1 =	vadd.f32 v3, v1  }
0x3ac: {  	v3 =	vld [tilespmem:s10+$0x380]  }
0x3ad: {  	v1 =	vadd.f32 v4, v1  }
0x3ae: {  	v4 =	vld [tilespmem:s10+$0x400]  }
0x3af: {  	v1 =	vadd.f32 v5, v1  }
0x3b0: {  	v5 =	vld [tilespmem:s10+$0x480]  }
0x3b1: {  	v1 =	vadd.f32 v3, v1;
	_ =	sdelay $0x1  }
0x3b2: {  	v1 =	vadd.f32 v4, v1;
	_ =	sdelay $0x1  }
0x3b3: {  	v1 =	vadd.f32 v5, v1  }
0x3b4: {  	s3 =	sshra.s32 s11, $0x2  }
0x3b5: {  	[tilespmem:v2+s3+$0xFFFFFF90 ss:$0x1] =	vst.idx.msk $0xffff, v1  }
0x3b6: {  	v1 =	vld [tilespmem:s10+$0x10]  }
0x3b7: {  	v3 =	vld [tilespmem:s10+$0x90];
	_ =	sdelay $0x1  }
0x3b8: {  	v4 =	vld [tilespmem:s10+$0x110];
	_ =	sdelay $0x1  }
0x3b9: {  	v5 =	vld [tilespmem:s10+$0x190]  }
0x3ba: {  	v1 =	vadd.f32 v3, v1  }
0x3bb: {  	v3 =	vld [tilespmem:s10+$0x210]  }
0x3bc: {  	v1 =	vadd.f32 v4, v1  }
0x3bd: {  	v4 =	vld [tilespmem:s10+$0x290]  }
0x3be: {  	v1 =	vadd.f32 v5, v1  }
0x3bf: {  	v5 =	vld [tilespmem:s10+$0x310]  }
0x3c0: {  	v1 =	vadd.f32 v3, v1  }
0x3c1: {  	v3 =	vld [tilespmem:s10+$0x390]  }
0x3c2: {  	v1 =	vadd.f32 v4, v1  }
0x3c3: {  	v4 =	vld [tilespmem:s10+$0x410]  }
0x3c4: {  	v1 =	vadd.f32 v5, v1  }
0x3c5: {  	v5 =	vld [tilespmem:s10+$0x490]  }
0x3c6: {  	v1 =	vadd.f32 v3, v1;
	_ =	sdelay $0x1  }
0x3c7: {  	v1 =	vadd.f32 v4, v1;
	_ =	sdelay $0x1  }
0x3c8: {  	v1 =	vadd.f32 v5, v1;
	_ =	sdelay $0x1  }
0x3c9: {  	[tilespmem:v2+s3+$0xFFFFFFA0 ss:$0x1] =	vst.idx.msk $0xffff, v1  }
0x3ca: {  	v1 =	vld [tilespmem:s10+$0x20]  }
0x3cb: {  	v3 =	vld [tilespmem:s10+$0xA0];
	_ =	sdelay $0x1  }
0x3cc: {  	v4 =	vld [tilespmem:s10+$0x120];
	_ =	sdelay $0x1  }
0x3cd: {  	v5 =	vld [tilespmem:s10+$0x1A0]  }
0x3ce: {  	v1 =	vadd.f32 v3, v1  }
0x3cf: {  	v3 =	vld [tilespmem:s10+$0x220]  }
0x3d0: {  	v1 =	vadd.f32 v4, v1  }
0x3d1: {  	v4 =	vld [tilespmem:s10+$0x2A0]  }
0x3d2: {  	v1 =	vadd.f32 v5, v1  }
0x3d3: {  	v5 =	vld [tilespmem:s10+$0x320]  }
0x3d4: {  	v1 =	vadd.f32 v3, v1  }
0x3d5: {  	v3 =	vld [tilespmem:s10+$0x3A0]  }
0x3d6: {  	v1 =	vadd.f32 v4, v1  }
0x3d7: {  	v4 =	vld [tilespmem:s10+$0x420]  }
0x3d8: {  	v1 =	vadd.f32 v5, v1  }
0x3d9: {  	v5 =	vld [tilespmem:s10+$0x4A0]  }
0x3da: {  	v1 =	vadd.f32 v3, v1;
	_ =	sdelay $0x1  }
0x3db: {  	v1 =	vadd.f32 v4, v1;
	_ =	sdelay $0x1  }
0x3dc: {  	v1 =	vadd.f32 v5, v1;
	_ =	sdelay $0x1  }
0x3dd: {  	[tilespmem:v2+s3+$0xFFFFFFB0 ss:$0x1] =	vst.idx.msk $0xffff, v1  }
0x3de: {  	v1 =	vld [tilespmem:s10+$0x30]  }
0x3df: {  	v3 =	vld [tilespmem:s10+$0xB0];
	_ =	sdelay $0x1  }
0x3e0: {  	v4 =	vld [tilespmem:s10+$0x130];
	_ =	sdelay $0x1  }
0x3e1: {  	v5 =	vld [tilespmem:s10+$0x1B0]  }
0x3e2: {  	v1 =	vadd.f32 v3, v1  }
0x3e3: {  	v3 =	vld [tilespmem:s10+$0x230]  }
0x3e4: {  	v1 =	vadd.f32 v4, v1  }
0x3e5: {  	v4 =	vld [tilespmem:s10+$0x2B0]  }
0x3e6: {  	v1 =	vadd.f32 v5, v1  }
0x3e7: {  	v5 =	vld [tilespmem:s10+$0x330]  }
0x3e8: {  	v1 =	vadd.f32 v3, v1  }
0x3e9: {  	v3 =	vld [tilespmem:s10+$0x3B0]  }
0x3ea: {  	v1 =	vadd.f32 v4, v1  }
0x3eb: {  	v4 =	vld [tilespmem:s10+$0x430]  }
0x3ec: {  	v1 =	vadd.f32 v5, v1  }
0x3ed: {  	v5 =	vld [tilespmem:s10+$0x4B0]  }
0x3ee: {  	v1 =	vadd.f32 v3, v1;
	_ =	sdelay $0x1  }
0x3ef: {  	v1 =	vadd.f32 v4, v1;
	_ =	sdelay $0x1  }
0x3f0: {  	v1 =	vadd.f32 v5, v1;
	_ =	sdelay $0x1  }
0x3f1: {  	[tilespmem:v2+s3+$0xFFFFFFC0 ss:$0x1] =	vst.idx.msk $0xffff, v1  }
0x3f2: {  	v1 =	vld [tilespmem:s10+$0x40]  }
0x3f3: {  	v3 =	vld [tilespmem:s10+$0xC0];
	_ =	sdelay $0x1  }
0x3f4: {  	v4 =	vld [tilespmem:s10+$0x140];
	_ =	sdelay $0x1  }
0x3f5: {  	v5 =	vld [tilespmem:s10+$0x1C0]  }
0x3f6: {  	v1 =	vadd.f32 v3, v1  }
0x3f7: {  	v3 =	vld [tilespmem:s10+$0x240]  }
0x3f8: {  	v1 =	vadd.f32 v4, v1  }
0x3f9: {  	v4 =	vld [tilespmem:s10+$0x2C0]  }
0x3fa: {  	v1 =	vadd.f32 v5, v1  }
0x3fb: {  	v5 =	vld [tilespmem:s10+$0x340]  }
0x3fc: {  	v1 =	vadd.f32 v3, v1  }
0x3fd: {  	v3 =	vld [tilespmem:s10+$0x3C0]  }
0x3fe: {  	v1 =	vadd.f32 v4, v1  }
0x3ff: {  	v4 =	vld [tilespmem:s10+$0x440]  }
0x400: {  	v1 =	vadd.f32 v5, v1  }
0x401: {  	v5 =	vld [tilespmem:s10+$0x4C0]  }
0x402: {  	v1 =	vadd.f32 v3, v1;
	_ =	sdelay $0x1  }
0x403: {  	v1 =	vadd.f32 v4, v1;
	_ =	sdelay $0x1  }
0x404: {  	v1 =	vadd.f32 v5, v1;
	_ =	sdelay $0x1  }
0x405: {  	[tilespmem:v2+s3+$0xFFFFFFD0 ss:$0x1] =	vst.idx.msk $0xffff, v1  }
0x406: {  	v1 =	vld [tilespmem:s10+$0x50]  }
0x407: {  	v3 =	vld [tilespmem:s10+$0xD0]  }
0x408: {  	v4 =	vld [tilespmem:s10+$0x150]  }
0x409: {  	v5 =	vld [tilespmem:s10+$0x1D0]  }
0x40a: {  	v6 =	vld [tilespmem:s10+$0x250]  }
0x40b: {  	v7 =	vld [tilespmem:s10+$0x2D0]  }
0x40c: {  	v1 =	vadd.f32 v3, v1;
	v3 =	vld [tilespmem:s10+$0x350]  }
0x40d: {  	v8 =	vld [tilespmem:s10+$0x3D0]  }
0x40e: {  	v1 =	vadd.f32 v4, v1;
	v4 =	vld [tilespmem:s10+$0x450]  }
0x40f: {  	v9 =	vld [tilespmem:s10+$0x4D0]  }
0x410: {  	v1 =	vadd.f32 v5, v1;
	_ =	sdelay $0x1  }
0x411: {  	v1 =	vadd.f32 v6, v1;
	_ =	sdelay $0x1  }
0x412: {  	v1 =	vadd.f32 v7, v1;
	_ =	sdelay $0x1  }
0x413: {  	v1 =	vadd.f32 v3, v1;
	_ =	sdelay $0x1  }
0x414: {  	v1 =	vadd.f32 v8, v1;
	_ =	sdelay $0x1  }
0x415: {  	v1 =	vadd.f32 v4, v1;
	_ =	sdelay $0x1  }
0x416: {  	v1 =	vadd.f32 v9, v1;
	_ =	sdelay $0x1  }
0x417: {  	[tilespmem:v2+s3+$0xFFFFFFE0 ss:$0x1] =	vst.idx.msk $0xffff, v1  }
0x418: {  	v1 =	vld [tilespmem:s10+$0x60]  }
0x419: {  	v3 =	vld [tilespmem:s10+$0xE0]  }
0x41a: {  	v4 =	vld [tilespmem:s10+$0x160]  }
0x41b: {  	v5 =	vld [tilespmem:s10+$0x1E0]  }
0x41c: {  	v6 =	vld [tilespmem:s10+$0x260]  }
0x41d: {  	v7 =	vld [tilespmem:s10+$0x2E0]  }
0x41e: {  	v1 =	vadd.f32 v3, v1;
	v3 =	vld [tilespmem:s10+$0x360]  }
0x41f: {  	v8 =	vld [tilespmem:s10+$0x3E0]  }
0x420: {  	v1 =	vadd.f32 v4, v1;
	v4 =	vld [tilespmem:s10+$0x460]  }
0x421: {  	v9 =	vld [tilespmem:s10+$0x4E0]  }
0x422: {  	v1 =	vadd.f32 v5, v1;
	_ =	sdelay $0x1  }
0x423: {  	v1 =	vadd.f32 v6, v1;
	_ =	sdelay $0x1  }
0x424: {  	v1 =	vadd.f32 v7, v1;
	_ =	sdelay $0x1  }
0x425: {  	v1 =	vadd.f32 v3, v1;
	_ =	sdelay $0x1  }
0x426: {  	v1 =	vadd.f32 v8, v1;
	_ =	sdelay $0x1  }
0x427: {  	v1 =	vadd.f32 v4, v1;
	_ =	sdelay $0x1  }
0x428: {  	v1 =	vadd.f32 v9, v1;
	_ =	sdelay $0x1  }
0x429: {  	[tilespmem:v2+s3+$0xFFFFFFF0 ss:$0x1] =	vst.idx.msk $0xffff, v1  }
0x42a: {  	v1 =	vld [tilespmem:s10+$0x70]  }
0x42b: {  	v3 =	vld [tilespmem:s10+$0xF0]  }
0x42c: {  	v5 =	vld [tilespmem:s10+$0x170]  }
0x42d: {  	v6 =	vld [tilespmem:s10+$0x1F0]  }
0x42e: {  	v7 =	vld [tilespmem:s10+$0x270]  }
0x42f: {  	v8 =	vld [tilespmem:s10+$0x2F0]  }
0x430: {  	v3 =	vadd.f32 v3, v1;
	v4 =	vld [tilespmem:s10+$0x370]  }
0x431: {  	v1 =	vld [tilespmem:s10+$0x3F0]  }
0x432: {  	v9 =	vadd.f32 v5, v3;
	v3 =	vld [tilespmem:s10+$0x470]  }
0x433: {  	v5 =	vld [tilespmem:s10+$0x4F0]  }
.Ltmp11:
0x434: {  	v6 =	vadd.f32 v6, v9;
	(pc) =	sbr.rel @p3 .LBB2_17-.Ltmp11, $3  }
0x435: {  	_ = 	snop  }
0x436: {  	v6 =	vadd.f32 v7, v6;
	_ =	sdelay $0x1  }
0x437: {  	v6 =	vadd.f32 v8, v6  }
0x438: {  	_ = 	snop  }
0x439: {  	v4 =	vadd.f32 v4, v6;
	_ =	sdelay $0x1  }
0x43a: {  	v1 =	vadd.f32 v1, v4;
	_ =	sdelay $0x1  }
0x43b: {  	v1 =	vadd.f32 v3, v1;
	_ =	sdelay $0x1  }
0x43c: {  	v3 =	vadd.f32 v5, v1  }
0x43d: {  	v1 =	vmov s2  }
0x43e: {  	[tilespmem:v2+s3+$0x0 ss:$0x1] =	vst.idx.msk $0xffff, v3  }
0x43f: {  	_ =	swait.ge [sflag:s22], $0x2800  }
0x440: {  	[sflag:s22] =	ssyncset.done $0x0  }
0x441: {  	s11 =	simm.s32 $0x0;
	[sflag:s22] =	ssyncadd.s32 $0xFFFFD800  }
0x442: {  	v2 =	vld.idx.msk [tilespmem:v1+s11+$0x2800 ss:$0x1], $0xffff  }
0x443: {  	v3 =	vld.idx.msk [tilespmem:v1+s11+$0x2880 ss:$0x1], $0xffff;
	_ =	sdelay $0x1  }
0x444: {  	v4 =	vld.idx.msk [tilespmem:v1+s11+$0x2900 ss:$0x1], $0xffff;
	_ =	sdelay $0x1  }
0x445: {  	v5 =	vld.idx.msk [tilespmem:v1+s11+$0x2980 ss:$0x1], $0xffff  }
0x446: {  	v2 =	vadd.f32 v3, v2  }
0x447: {  	v3 =	vld.idx.msk [tilespmem:v1+s11+$0x2A00 ss:$0x1], $0xffff  }
0x448: {  	v2 =	vadd.f32 v4, v2  }
0x449: {  	v4 =	vld.idx.msk [tilespmem:v1+s11+$0x2A80 ss:$0x1], $0xffff  }
0x44a: {  	v2 =	vadd.f32 v5, v2  }
0x44b: {  	v5 =	vld.idx.msk [tilespmem:v1+s11+$0x2B00 ss:$0x1], $0xffff  }
0x44c: {  	v2 =	vadd.f32 v3, v2  }
0x44d: {  	v3 =	vld.idx.msk [tilespmem:v1+s11+$0x2B80 ss:$0x1], $0xffff  }
0x44e: {  	v2 =	vadd.f32 v4, v2  }
0x44f: {  	v4 =	vld.idx.msk [tilespmem:v1+s11+$0x2C00 ss:$0x1], $0xffff  }
0x450: {  	v2 =	vadd.f32 v5, v2  }
0x451: {  	v5 =	vld.idx.msk [tilespmem:v1+s11+$0x2C80 ss:$0x1], $0xffff  }
0x452: {  	v2 =	vadd.f32 v3, v2;
	_ =	sdelay $0x1  }
0x453: {  	v2 =	vadd.f32 v4, v2;
	_ =	sdelay $0x1  }
0x454: {  	v2 =	vadd.f32 v5, v2;
	_ =	sdelay $0x1  }
0x455: {  	[tilespmem:s0+$0xFFFFFF90] =	vst v2  }
0x456: {  	v2 =	vld.idx.msk [tilespmem:v1+s11+$0x2810 ss:$0x1], $0xffff  }
0x457: {  	v3 =	vld.idx.msk [tilespmem:v1+s11+$0x2890 ss:$0x1], $0xffff;
	_ =	sdelay $0x1  }
0x458: {  	v4 =	vld.idx.msk [tilespmem:v1+s11+$0x2910 ss:$0x1], $0xffff;
	_ =	sdelay $0x1  }
0x459: {  	v5 =	vld.idx.msk [tilespmem:v1+s11+$0x2990 ss:$0x1], $0xffff  }
0x45a: {  	v2 =	vadd.f32 v3, v2  }
0x45b: {  	v3 =	vld.idx.msk [tilespmem:v1+s11+$0x2A10 ss:$0x1], $0xffff  }
0x45c: {  	v2 =	vadd.f32 v4, v2  }
0x45d: {  	v4 =	vld.idx.msk [tilespmem:v1+s11+$0x2A90 ss:$0x1], $0xffff  }
0x45e: {  	v2 =	vadd.f32 v5, v2  }
0x45f: {  	v5 =	vld.idx.msk [tilespmem:v1+s11+$0x2B10 ss:$0x1], $0xffff  }
0x460: {  	v2 =	vadd.f32 v3, v2  }
0x461: {  	v3 =	vld.idx.msk [tilespmem:v1+s11+$0x2B90 ss:$0x1], $0xffff  }
0x462: {  	v2 =	vadd.f32 v4, v2  }
0x463: {  	v4 =	vld.idx.msk [tilespmem:v1+s11+$0x2C10 ss:$0x1], $0xffff  }
0x464: {  	v2 =	vadd.f32 v5, v2  }
0x465: {  	v5 =	vld.idx.msk [tilespmem:v1+s11+$0x2C90 ss:$0x1], $0xffff  }
0x466: {  	v2 =	vadd.f32 v3, v2;
	_ =	sdelay $0x1  }
0x467: {  	v2 =	vadd.f32 v4, v2;
	_ =	sdelay $0x1  }
0x468: {  	v2 =	vadd.f32 v5, v2;
	_ =	sdelay $0x1  }
0x469: {  	[tilespmem:s0+$0xFFFFFFA0] =	vst v2  }
0x46a: {  	v2 =	vld.idx.msk [tilespmem:v1+s11+$0x2820 ss:$0x1], $0xffff  }
0x46b: {  	v3 =	vld.idx.msk [tilespmem:v1+s11+$0x28A0 ss:$0x1], $0xffff;
	_ =	sdelay $0x1  }
0x46c: {  	v4 =	vld.idx.msk [tilespmem:v1+s11+$0x2920 ss:$0x1], $0xffff;
	_ =	sdelay $0x1  }
0x46d: {  	v5 =	vld.idx.msk [tilespmem:v1+s11+$0x29A0 ss:$0x1], $0xffff  }
0x46e: {  	v2 =	vadd.f32 v3, v2  }
0x46f: {  	v3 =	vld.idx.msk [tilespmem:v1+s11+$0x2A20 ss:$0x1], $0xffff  }
0x470: {  	v2 =	vadd.f32 v4, v2  }
0x471: {  	v4 =	vld.idx.msk [tilespmem:v1+s11+$0x2AA0 ss:$0x1], $0xffff  }
0x472: {  	v2 =	vadd.f32 v5, v2  }
0x473: {  	v5 =	vld.idx.msk [tilespmem:v1+s11+$0x2B20 ss:$0x1], $0xffff  }
0x474: {  	v2 =	vadd.f32 v3, v2  }
0x475: {  	v3 =	vld.idx.msk [tilespmem:v1+s11+$0x2BA0 ss:$0x1], $0xffff  }
0x476: {  	v2 =	vadd.f32 v4, v2  }
0x477: {  	v4 =	vld.idx.msk [tilespmem:v1+s11+$0x2C20 ss:$0x1], $0xffff  }
0x478: {  	v2 =	vadd.f32 v5, v2  }
0x479: {  	v5 =	vld.idx.msk [tilespmem:v1+s11+$0x2CA0 ss:$0x1], $0xffff  }
0x47a: {  	v2 =	vadd.f32 v3, v2;
	_ =	sdelay $0x1  }
0x47b: {  	v2 =	vadd.f32 v4, v2;
	_ =	sdelay $0x1  }
0x47c: {  	v2 =	vadd.f32 v5, v2;
	_ =	sdelay $0x1  }
0x47d: {  	[tilespmem:s0+$0xFFFFFFB0] =	vst v2  }
0x47e: {  	v2 =	vld.idx.msk [tilespmem:v1+s11+$0x2830 ss:$0x1], $0xffff  }
0x47f: {  	v3 =	vld.idx.msk [tilespmem:v1+s11+$0x28B0 ss:$0x1], $0xffff;
	_ =	sdelay $0x1  }
0x480: {  	v4 =	vld.idx.msk [tilespmem:v1+s11+$0x2930 ss:$0x1], $0xffff;
	_ =	sdelay $0x1  }
0x481: {  	v5 =	vld.idx.msk [tilespmem:v1+s11+$0x29B0 ss:$0x1], $0xffff  }
0x482: {  	v2 =	vadd.f32 v3, v2  }
0x483: {  	v3 =	vld.idx.msk [tilespmem:v1+s11+$0x2A30 ss:$0x1], $0xffff  }
0x484: {  	v2 =	vadd.f32 v4, v2  }
0x485: {  	v4 =	vld.idx.msk [tilespmem:v1+s11+$0x2AB0 ss:$0x1], $0xffff  }
0x486: {  	v2 =	vadd.f32 v5, v2  }
0x487: {  	v5 =	vld.idx.msk [tilespmem:v1+s11+$0x2B30 ss:$0x1], $0xffff  }
0x488: {  	v2 =	vadd.f32 v3, v2  }
0x489: {  	v3 =	vld.idx.msk [tilespmem:v1+s11+$0x2BB0 ss:$0x1], $0xffff  }
0x48a: {  	v2 =	vadd.f32 v4, v2  }
0x48b: {  	v4 =	vld.idx.msk [tilespmem:v1+s11+$0x2C30 ss:$0x1], $0xffff  }
0x48c: {  	v2 =	vadd.f32 v5, v2  }
0x48d: {  	v5 =	vld.idx.msk [tilespmem:v1+s11+$0x2CB0 ss:$0x1], $0xffff  }
0x48e: {  	v2 =	vadd.f32 v3, v2;
	_ =	sdelay $0x1  }
0x48f: {  	v2 =	vadd.f32 v4, v2;
	_ =	sdelay $0x1  }
0x490: {  	v2 =	vadd.f32 v5, v2;
	_ =	sdelay $0x1  }
0x491: {  	[tilespmem:s0+$0xFFFFFFC0] =	vst v2  }
0x492: {  	v2 =	vld.idx.msk [tilespmem:v1+s11+$0x2840 ss:$0x1], $0xffff  }
0x493: {  	v3 =	vld.idx.msk [tilespmem:v1+s11+$0x28C0 ss:$0x1], $0xffff;
	_ =	sdelay $0x1  }
0x494: {  	v4 =	vld.idx.msk [tilespmem:v1+s11+$0x2940 ss:$0x1], $0xffff;
	_ =	sdelay $0x1  }
0x495: {  	v5 =	vld.idx.msk [tilespmem:v1+s11+$0x29C0 ss:$0x1], $0xffff  }
0x496: {  	v2 =	vadd.f32 v3, v2  }
0x497: {  	v3 =	vld.idx.msk [tilespmem:v1+s11+$0x2A40 ss:$0x1], $0xffff  }
0x498: {  	v2 =	vadd.f32 v4, v2  }
0x499: {  	v4 =	vld.idx.msk [tilespmem:v1+s11+$0x2AC0 ss:$0x1], $0xffff  }
0x49a: {  	v2 =	vadd.f32 v5, v2  }
0x49b: {  	v5 =	vld.idx.msk [tilespmem:v1+s11+$0x2B40 ss:$0x1], $0xffff  }
0x49c: {  	v2 =	vadd.f32 v3, v2  }
0x49d: {  	v3 =	vld.idx.msk [tilespmem:v1+s11+$0x2BC0 ss:$0x1], $0xffff  }
0x49e: {  	v2 =	vadd.f32 v4, v2  }
0x49f: {  	v4 =	vld.idx.msk [tilespmem:v1+s11+$0x2C40 ss:$0x1], $0xffff  }
0x4a0: {  	v2 =	vadd.f32 v5, v2  }
0x4a1: {  	v5 =	vld.idx.msk [tilespmem:v1+s11+$0x2CC0 ss:$0x1], $0xffff  }
0x4a2: {  	v2 =	vadd.f32 v3, v2;
	_ =	sdelay $0x1  }
0x4a3: {  	v2 =	vadd.f32 v4, v2;
	_ =	sdelay $0x1  }
0x4a4: {  	v2 =	vadd.f32 v5, v2;
	_ =	sdelay $0x1  }
0x4a5: {  	[tilespmem:s0+$0xFFFFFFD0] =	vst v2  }
0x4a6: {  	v2 =	vld.idx.msk [tilespmem:v1+s11+$0x2850 ss:$0x1], $0xffff  }
0x4a7: {  	v3 =	vld.idx.msk [tilespmem:v1+s11+$0x28D0 ss:$0x1], $0xffff;
	_ =	sdelay $0x1  }
0x4a8: {  	v4 =	vld.idx.msk [tilespmem:v1+s11+$0x2950 ss:$0x1], $0xffff;
	_ =	sdelay $0x1  }
0x4a9: {  	v5 =	vld.idx.msk [tilespmem:v1+s11+$0x29D0 ss:$0x1], $0xffff  }
0x4aa: {  	v2 =	vadd.f32 v3, v2  }
0x4ab: {  	v3 =	vld.idx.msk [tilespmem:v1+s11+$0x2A50 ss:$0x1], $0xffff  }
0x4ac: {  	v2 =	vadd.f32 v4, v2  }
0x4ad: {  	v4 =	vld.idx.msk [tilespmem:v1+s11+$0x2AD0 ss:$0x1], $0xffff  }
0x4ae: {  	v2 =	vadd.f32 v5, v2  }
0x4af: {  	v5 =	vld.idx.msk [tilespmem:v1+s11+$0x2B50 ss:$0x1], $0xffff  }
0x4b0: {  	v2 =	vadd.f32 v3, v2  }
0x4b1: {  	v3 =	vld.idx.msk [tilespmem:v1+s11+$0x2BD0 ss:$0x1], $0xffff  }
0x4b2: {  	v2 =	vadd.f32 v4, v2  }
0x4b3: {  	v4 =	vld.idx.msk [tilespmem:v1+s11+$0x2C50 ss:$0x1], $0xffff  }
0x4b4: {  	v2 =	vadd.f32 v5, v2  }
0x4b5: {  	v5 =	vld.idx.msk [tilespmem:v1+s11+$0x2CD0 ss:$0x1], $0xffff  }
0x4b6: {  	v2 =	vadd.f32 v3, v2;
	_ =	sdelay $0x1  }
0x4b7: {  	v2 =	vadd.f32 v4, v2;
	_ =	sdelay $0x1  }
0x4b8: {  	v2 =	vadd.f32 v5, v2;
	_ =	sdelay $0x1  }
0x4b9: {  	[tilespmem:s0+$0xFFFFFFE0] =	vst v2  }
0x4ba: {  	v2 =	vld.idx.msk [tilespmem:v1+s11+$0x2860 ss:$0x1], $0xffff  }
0x4bb: {  	v3 =	vld.idx.msk [tilespmem:v1+s11+$0x28E0 ss:$0x1], $0xffff;
	_ =	sdelay $0x1  }
0x4bc: {  	v4 =	vld.idx.msk [tilespmem:v1+s11+$0x2960 ss:$0x1], $0xffff;
	_ =	sdelay $0x1  }
0x4bd: {  	v5 =	vld.idx.msk [tilespmem:v1+s11+$0x29E0 ss:$0x1], $0xffff  }
0x4be: {  	v2 =	vadd.f32 v3, v2  }
0x4bf: {  	v3 =	vld.idx.msk [tilespmem:v1+s11+$0x2A60 ss:$0x1], $0xffff  }
0x4c0: {  	v2 =	vadd.f32 v4, v2  }
0x4c1: {  	v4 =	vld.idx.msk [tilespmem:v1+s11+$0x2AE0 ss:$0x1], $0xffff  }
0x4c2: {  	v2 =	vadd.f32 v5, v2  }
0x4c3: {  	v5 =	vld.idx.msk [tilespmem:v1+s11+$0x2B60 ss:$0x1], $0xffff  }
0x4c4: {  	v2 =	vadd.f32 v3, v2  }
0x4c5: {  	v3 =	vld.idx.msk [tilespmem:v1+s11+$0x2BE0 ss:$0x1], $0xffff  }
0x4c6: {  	v2 =	vadd.f32 v4, v2  }
0x4c7: {  	v4 =	vld.idx.msk [tilespmem:v1+s11+$0x2C60 ss:$0x1], $0xffff  }
0x4c8: {  	v2 =	vadd.f32 v5, v2  }
0x4c9: {  	v5 =	vld.idx.msk [tilespmem:v1+s11+$0x2CE0 ss:$0x1], $0xffff  }
0x4ca: {  	v2 =	vadd.f32 v3, v2;
	_ =	sdelay $0x1  }
0x4cb: {  	v2 =	vadd.f32 v4, v2;
	_ =	sdelay $0x1  }
0x4cc: {  	v2 =	vadd.f32 v5, v2;
	_ =	sdelay $0x1  }
0x4cd: {  	[tilespmem:s0+$0xFFFFFFF0] =	vst v2  }
0x4ce: {  	v2 =	vld.idx.msk [tilespmem:v1+s11+$0x2870 ss:$0x1], $0xffff  }
0x4cf: {  	v3 =	vld.idx.msk [tilespmem:v1+s11+$0x28F0 ss:$0x1], $0xffff;
	_ =	sdelay $0x1  }
0x4d0: {  	v4 =	vld.idx.msk [tilespmem:v1+s11+$0x2970 ss:$0x1], $0xffff;
	_ =	sdelay $0x1  }
0x4d1: {  	v5 =	vld.idx.msk [tilespmem:v1+s11+$0x29F0 ss:$0x1], $0xffff  }
0x4d2: {  	v2 =	vadd.f32 v3, v2  }
0x4d3: {  	v6 =	vld.idx.msk [tilespmem:v1+s11+$0x2A70 ss:$0x1], $0xffff  }
0x4d4: {  	v2 =	vadd.f32 v4, v2  }
0x4d5: {  	v7 =	vld.idx.msk [tilespmem:v1+s11+$0x2AF0 ss:$0x1], $0xffff  }
0x4d6: {  	v4 =	vadd.f32 v5, v2  }
0x4d7: {  	v3 =	vld.idx.msk [tilespmem:v1+s11+$0x2BF0 ss:$0x1], $0xffff  }
0x4d8: {  	v2 =	vld.idx.msk [tilespmem:v1+s11+$0x2B70 ss:$0x1], $0xffff;
	v6 =	vadd.f32 v6, v4  }
0x4d9: {  	v5 =	vld.idx.msk [tilespmem:v1+s11+$0x2CF0 ss:$0x1], $0xffff  }
0x4da: {  	s2 =	smov.u32 s0;
	s3 =	simm.s32 $0x1400;
	v4 =	vld.idx.msk [tilespmem:v1+s11+$0x2C70 ss:$0x1], $0xffff;
	v6 =	vadd.f32 v7, v6  }
.LBB2_19:
0x4db: {  	p3 =	sne.s32 s3, $0x8C00  }
0x4dc: {  	s0 =	sadd.s32 $0x80, s0;
	s9 =	smov.u32 s3;
	s3 =	sadd.s32 $0x1400, s3  }
0x4dd: {  	v2 =	vadd.f32 v2, v6;
	_ =	sdelay $0x1  }
0x4de: {  	v2 =	vadd.f32 v3, v2;
	_ =	sdelay $0x1  }
0x4df: {  	v2 =	vadd.f32 v4, v2;
	_ =	sdelay $0x1  }
0x4e0: {  	v2 =	vadd.f32 v5, v2  }
0x4e1: {  	s9 =	sshra.s32 s9, $0x2  }
0x4e2: {  	[tilespmem:s2+$0x0] =	vst v2;
	s2 =	smov.u32 s0  }
0x4e3: {  	v2 =	vld.idx.msk [tilespmem:v1+s9+$0x2800 ss:$0x1], $0xffff  }
0x4e4: {  	v3 =	vld.idx.msk [tilespmem:v1+s9+$0x2880 ss:$0x1], $0xffff  }
0x4e5: {  	v4 =	vld.idx.msk [tilespmem:v1+s9+$0x2900 ss:$0x1], $0xffff;
	_ =	sdelay $0x1  }
0x4e6: {  	v5 =	vld.idx.msk [tilespmem:v1+s9+$0x2980 ss:$0x1], $0xffff;
	_ =	sdelay $0x2  }
0x4e7: {  	v2 =	vadd.f32 v3, v2;
	v3 =	vld.idx.msk [tilespmem:v1+s9+$0x2A00 ss:$0x1], $0xffff;
	_ =	sdelay $0x1  }
0x4e8: {  	v2 =	vadd.f32 v4, v2;
	v4 =	vld.idx.msk [tilespmem:v1+s9+$0x2A80 ss:$0x1], $0xffff;
	_ =	sdelay $0x1  }
0x4e9: {  	v2 =	vadd.f32 v5, v2;
	v5 =	vld.idx.msk [tilespmem:v1+s9+$0x2B00 ss:$0x1], $0xffff;
	_ =	sdelay $0x1  }
0x4ea: {  	v2 =	vadd.f32 v3, v2;
	v3 =	vld.idx.msk [tilespmem:v1+s9+$0x2B80 ss:$0x1], $0xffff;
	_ =	sdelay $0x1  }
0x4eb: {  	v2 =	vadd.f32 v4, v2;
	v4 =	vld.idx.msk [tilespmem:v1+s9+$0x2C00 ss:$0x1], $0xffff;
	_ =	sdelay $0x1  }
0x4ec: {  	v2 =	vadd.f32 v5, v2;
	v5 =	vld.idx.msk [tilespmem:v1+s9+$0x2C80 ss:$0x1], $0xffff;
	_ =	sdelay $0x1  }
0x4ed: {  	v2 =	vadd.f32 v3, v2;
	_ =	sdelay $0x1  }
0x4ee: {  	v2 =	vadd.f32 v4, v2;
	_ =	sdelay $0x1  }
0x4ef: {  	v2 =	vadd.f32 v5, v2;
	_ =	sdelay $0x1  }
0x4f0: {  	[tilespmem:s0+$0xFFFFFF90] =	vst v2  }
0x4f1: {  	v2 =	vld.idx.msk [tilespmem:v1+s9+$0x2810 ss:$0x1], $0xffff  }
0x4f2: {  	v3 =	vld.idx.msk [tilespmem:v1+s9+$0x2890 ss:$0x1], $0xffff;
	_ =	sdelay $0x1  }
0x4f3: {  	v4 =	vld.idx.msk [tilespmem:v1+s9+$0x2910 ss:$0x1], $0xffff;
	_ =	sdelay $0x1  }
0x4f4: {  	v5 =	vld.idx.msk [tilespmem:v1+s9+$0x2990 ss:$0x1], $0xffff;
	_ =	sdelay $0x1  }
0x4f5: {  	v2 =	vadd.f32 v3, v2;
	v3 =	vld.idx.msk [tilespmem:v1+s9+$0x2A10 ss:$0x1], $0xffff;
	_ =	sdelay $0x1  }
0x4f6: {  	v2 =	vadd.f32 v4, v2;
	v4 =	vld.idx.msk [tilespmem:v1+s9+$0x2A90 ss:$0x1], $0xffff;
	_ =	sdelay $0x1  }
0x4f7: {  	v2 =	vadd.f32 v5, v2;
	v5 =	vld.idx.msk [tilespmem:v1+s9+$0x2B10 ss:$0x1], $0xffff;
	_ =	sdelay $0x1  }
0x4f8: {  	v2 =	vadd.f32 v3, v2;
	v3 =	vld.idx.msk [tilespmem:v1+s9+$0x2B90 ss:$0x1], $0xffff;
	_ =	sdelay $0x1  }
0x4f9: {  	v2 =	vadd.f32 v4, v2;
	v4 =	vld.idx.msk [tilespmem:v1+s9+$0x2C10 ss:$0x1], $0xffff;
	_ =	sdelay $0x1  }
0x4fa: {  	v2 =	vadd.f32 v5, v2;
	v5 =	vld.idx.msk [tilespmem:v1+s9+$0x2C90 ss:$0x1], $0xffff;
	_ =	sdelay $0x1  }
0x4fb: {  	v2 =	vadd.f32 v3, v2;
	_ =	sdelay $0x1  }
0x4fc: {  	v2 =	vadd.f32 v4, v2;
	_ =	sdelay $0x1  }
0x4fd: {  	v2 =	vadd.f32 v5, v2;
	_ =	sdelay $0x1  }
0x4fe: {  	[tilespmem:s0+$0xFFFFFFA0] =	vst v2  }
0x4ff: {  	v2 =	vld.idx.msk [tilespmem:v1+s9+$0x2820 ss:$0x1], $0xffff  }
0x500: {  	v3 =	vld.idx.msk [tilespmem:v1+s9+$0x28A0 ss:$0x1], $0xffff;
	_ =	sdelay $0x1  }
0x501: {  	v4 =	vld.idx.msk [tilespmem:v1+s9+$0x2920 ss:$0x1], $0xffff;
	_ =	sdelay $0x1  }
0x502: {  	v5 =	vld.idx.msk [tilespmem:v1+s9+$0x29A0 ss:$0x1], $0xffff;
	_ =	sdelay $0x1  }
0x503: {  	v2 =	vadd.f32 v3, v2;
	v3 =	vld.idx.msk [tilespmem:v1+s9+$0x2A20 ss:$0x1], $0xffff;
	_ =	sdelay $0x1  }
0x504: {  	v2 =	vadd.f32 v4, v2;
	v4 =	vld.idx.msk [tilespmem:v1+s9+$0x2AA0 ss:$0x1], $0xffff;
	_ =	sdelay $0x1  }
0x505: {  	v2 =	vadd.f32 v5, v2;
	v5 =	vld.idx.msk [tilespmem:v1+s9+$0x2B20 ss:$0x1], $0xffff;
	_ =	sdelay $0x1  }
0x506: {  	v2 =	vadd.f32 v3, v2;
	v3 =	vld.idx.msk [tilespmem:v1+s9+$0x2BA0 ss:$0x1], $0xffff;
	_ =	sdelay $0x1  }
0x507: {  	v2 =	vadd.f32 v4, v2;
	v4 =	vld.idx.msk [tilespmem:v1+s9+$0x2C20 ss:$0x1], $0xffff;
	_ =	sdelay $0x1  }
0x508: {  	v2 =	vadd.f32 v5, v2;
	v5 =	vld.idx.msk [tilespmem:v1+s9+$0x2CA0 ss:$0x1], $0xffff;
	_ =	sdelay $0x1  }
0x509: {  	v2 =	vadd.f32 v3, v2;
	_ =	sdelay $0x1  }
0x50a: {  	v2 =	vadd.f32 v4, v2;
	_ =	sdelay $0x1  }
0x50b: {  	v2 =	vadd.f32 v5, v2;
	_ =	sdelay $0x1  }
0x50c: {  	[tilespmem:s0+$0xFFFFFFB0] =	vst v2  }
0x50d: {  	v2 =	vld.idx.msk [tilespmem:v1+s9+$0x2830 ss:$0x1], $0xffff  }
0x50e: {  	v3 =	vld.idx.msk [tilespmem:v1+s9+$0x28B0 ss:$0x1], $0xffff;
	_ =	sdelay $0x1  }
0x50f: {  	v4 =	vld.idx.msk [tilespmem:v1+s9+$0x2930 ss:$0x1], $0xffff;
	_ =	sdelay $0x1  }
0x510: {  	v5 =	vld.idx.msk [tilespmem:v1+s9+$0x29B0 ss:$0x1], $0xffff;
	_ =	sdelay $0x1  }
0x511: {  	v2 =	vadd.f32 v3, v2;
	v3 =	vld.idx.msk [tilespmem:v1+s9+$0x2A30 ss:$0x1], $0xffff;
	_ =	sdelay $0x1  }
0x512: {  	v2 =	vadd.f32 v4, v2;
	v4 =	vld.idx.msk [tilespmem:v1+s9+$0x2AB0 ss:$0x1], $0xffff;
	_ =	sdelay $0x1  }
0x513: {  	v2 =	vadd.f32 v5, v2;
	v5 =	vld.idx.msk [tilespmem:v1+s9+$0x2B30 ss:$0x1], $0xffff;
	_ =	sdelay $0x1  }
0x514: {  	v2 =	vadd.f32 v3, v2;
	v3 =	vld.idx.msk [tilespmem:v1+s9+$0x2BB0 ss:$0x1], $0xffff;
	_ =	sdelay $0x1  }
0x515: {  	v2 =	vadd.f32 v4, v2;
	v4 =	vld.idx.msk [tilespmem:v1+s9+$0x2C30 ss:$0x1], $0xffff;
	_ =	sdelay $0x1  }
0x516: {  	v2 =	vadd.f32 v5, v2;
	v5 =	vld.idx.msk [tilespmem:v1+s9+$0x2CB0 ss:$0x1], $0xffff;
	_ =	sdelay $0x1  }
0x517: {  	v2 =	vadd.f32 v3, v2;
	_ =	sdelay $0x1  }
0x518: {  	v2 =	vadd.f32 v4, v2;
	_ =	sdelay $0x1  }
0x519: {  	v2 =	vadd.f32 v5, v2;
	_ =	sdelay $0x1  }
0x51a: {  	[tilespmem:s0+$0xFFFFFFC0] =	vst v2  }
0x51b: {  	v2 =	vld.idx.msk [tilespmem:v1+s9+$0x2840 ss:$0x1], $0xffff  }
0x51c: {  	v3 =	vld.idx.msk [tilespmem:v1+s9+$0x28C0 ss:$0x1], $0xffff;
	_ =	sdelay $0x1  }
0x51d: {  	v4 =	vld.idx.msk [tilespmem:v1+s9+$0x2940 ss:$0x1], $0xffff;
	_ =	sdelay $0x1  }
0x51e: {  	v5 =	vld.idx.msk [tilespmem:v1+s9+$0x29C0 ss:$0x1], $0xffff;
	_ =	sdelay $0x1  }
0x51f: {  	v2 =	vadd.f32 v3, v2;
	v3 =	vld.idx.msk [tilespmem:v1+s9+$0x2A40 ss:$0x1], $0xffff;
	_ =	sdelay $0x1  }
0x520: {  	v2 =	vadd.f32 v4, v2;
	v4 =	vld.idx.msk [tilespmem:v1+s9+$0x2AC0 ss:$0x1], $0xffff;
	_ =	sdelay $0x1  }
0x521: {  	v2 =	vadd.f32 v5, v2;
	v5 =	vld.idx.msk [tilespmem:v1+s9+$0x2B40 ss:$0x1], $0xffff;
	_ =	sdelay $0x1  }
0x522: {  	v2 =	vadd.f32 v3, v2;
	v3 =	vld.idx.msk [tilespmem:v1+s9+$0x2BC0 ss:$0x1], $0xffff;
	_ =	sdelay $0x1  }
0x523: {  	v2 =	vadd.f32 v4, v2;
	v4 =	vld.idx.msk [tilespmem:v1+s9+$0x2C40 ss:$0x1], $0xffff;
	_ =	sdelay $0x1  }
0x524: {  	v2 =	vadd.f32 v5, v2;
	v5 =	vld.idx.msk [tilespmem:v1+s9+$0x2CC0 ss:$0x1], $0xffff;
	_ =	sdelay $0x1  }
0x525: {  	v2 =	vadd.f32 v3, v2;
	_ =	sdelay $0x1  }
0x526: {  	v2 =	vadd.f32 v4, v2;
	_ =	sdelay $0x1  }
0x527: {  	v2 =	vadd.f32 v5, v2;
	_ =	sdelay $0x1  }
0x528: {  	[tilespmem:s0+$0xFFFFFFD0] =	vst v2  }
0x529: {  	v2 =	vld.idx.msk [tilespmem:v1+s9+$0x2850 ss:$0x1], $0xffff  }
0x52a: {  	v3 =	vld.idx.msk [tilespmem:v1+s9+$0x28D0 ss:$0x1], $0xffff  }
0x52b: {  	v4 =	vld.idx.msk [tilespmem:v1+s9+$0x2950 ss:$0x1], $0xffff  }
0x52c: {  	v5 =	vld.idx.msk [tilespmem:v1+s9+$0x29D0 ss:$0x1], $0xffff  }
0x52d: {  	v6 =	vld.idx.msk [tilespmem:v1+s9+$0x2A50 ss:$0x1], $0xffff  }
0x52e: {  	v7 =	vld.idx.msk [tilespmem:v1+s9+$0x2AD0 ss:$0x1], $0xffff  }
0x52f: {  	v8 =	vld.idx.msk [tilespmem:v1+s9+$0x2B50 ss:$0x1], $0xffff  }
0x530: {  	v2 =	vadd.f32 v3, v2;
	v3 =	vld.idx.msk [tilespmem:v1+s9+$0x2BD0 ss:$0x1], $0xffff  }
0x531: {  	v9 =	vld.idx.msk [tilespmem:v1+s9+$0x2C50 ss:$0x1], $0xffff  }
0x532: {  	v2 =	vadd.f32 v4, v2;
	v4 =	vld.idx.msk [tilespmem:v1+s9+$0x2CD0 ss:$0x1], $0xffff;
	_ =	sdelay $0x1  }
0x533: {  	v2 =	vadd.f32 v5, v2;
	_ =	sdelay $0x1  }
0x534: {  	v2 =	vadd.f32 v6, v2;
	_ =	sdelay $0x1  }
0x535: {  	v2 =	vadd.f32 v7, v2;
	_ =	sdelay $0x1  }
0x536: {  	v2 =	vadd.f32 v8, v2;
	_ =	sdelay $0x1  }
0x537: {  	v2 =	vadd.f32 v3, v2;
	_ =	sdelay $0x1  }
0x538: {  	v2 =	vadd.f32 v9, v2;
	_ =	sdelay $0x1  }
0x539: {  	v2 =	vadd.f32 v4, v2;
	_ =	sdelay $0x1  }
0x53a: {  	[tilespmem:s0+$0xFFFFFFE0] =	vst v2  }
0x53b: {  	v2 =	vld.idx.msk [tilespmem:v1+s9+$0x2860 ss:$0x1], $0xffff  }
0x53c: {  	v3 =	vld.idx.msk [tilespmem:v1+s9+$0x28E0 ss:$0x1], $0xffff  }
0x53d: {  	v4 =	vld.idx.msk [tilespmem:v1+s9+$0x2960 ss:$0x1], $0xffff  }
0x53e: {  	v5 =	vld.idx.msk [tilespmem:v1+s9+$0x29E0 ss:$0x1], $0xffff  }
0x53f: {  	v6 =	vld.idx.msk [tilespmem:v1+s9+$0x2A60 ss:$0x1], $0xffff  }
0x540: {  	v7 =	vld.idx.msk [tilespmem:v1+s9+$0x2AE0 ss:$0x1], $0xffff  }
0x541: {  	v8 =	vld.idx.msk [tilespmem:v1+s9+$0x2B60 ss:$0x1], $0xffff  }
0x542: {  	v2 =	vadd.f32 v3, v2;
	v3 =	vld.idx.msk [tilespmem:v1+s9+$0x2BE0 ss:$0x1], $0xffff  }
0x543: {  	v9 =	vld.idx.msk [tilespmem:v1+s9+$0x2C60 ss:$0x1], $0xffff  }
0x544: {  	v2 =	vadd.f32 v4, v2;
	v4 =	vld.idx.msk [tilespmem:v1+s9+$0x2CE0 ss:$0x1], $0xffff;
	_ =	sdelay $0x1  }
0x545: {  	v2 =	vadd.f32 v5, v2;
	_ =	sdelay $0x1  }
0x546: {  	v2 =	vadd.f32 v6, v2;
	_ =	sdelay $0x1  }
0x547: {  	v2 =	vadd.f32 v7, v2;
	_ =	sdelay $0x1  }
0x548: {  	v2 =	vadd.f32 v8, v2;
	_ =	sdelay $0x1  }
0x549: {  	v2 =	vadd.f32 v3, v2;
	_ =	sdelay $0x1  }
0x54a: {  	v2 =	vadd.f32 v9, v2;
	_ =	sdelay $0x1  }
0x54b: {  	v2 =	vadd.f32 v4, v2;
	_ =	sdelay $0x1  }
0x54c: {  	[tilespmem:s0+$0xFFFFFFF0] =	vst v2  }
0x54d: {  	v3 =	vld.idx.msk [tilespmem:v1+s9+$0x2870 ss:$0x1], $0xffff  }
0x54e: {  	v4 =	vld.idx.msk [tilespmem:v1+s9+$0x28F0 ss:$0x1], $0xffff  }
0x54f: {  	v5 =	vld.idx.msk [tilespmem:v1+s9+$0x2970 ss:$0x1], $0xffff  }
0x550: {  	v6 =	vld.idx.msk [tilespmem:v1+s9+$0x29F0 ss:$0x1], $0xffff  }
0x551: {  	v7 =	vld.idx.msk [tilespmem:v1+s9+$0x2A70 ss:$0x1], $0xffff  }
0x552: {  	v8 =	vld.idx.msk [tilespmem:v1+s9+$0x2AF0 ss:$0x1], $0xffff  }
0x553: {  	v2 =	vld.idx.msk [tilespmem:v1+s9+$0x2B70 ss:$0x1], $0xffff  }
0x554: {  	v9 =	vadd.f32 v4, v3;
	v3 =	vld.idx.msk [tilespmem:v1+s9+$0x2BF0 ss:$0x1], $0xffff  }
0x555: {  	v4 =	vld.idx.msk [tilespmem:v1+s9+$0x2C70 ss:$0x1], $0xffff  }
0x556: {  	v9 =	vadd.f32 v5, v9;
	v5 =	vld.idx.msk [tilespmem:v1+s9+$0x2CF0 ss:$0x1], $0xffff;
	_ =	sdelay $0x1  }
.Ltmp12:
0x557: {  	v6 =	vadd.f32 v6, v9;
	(pc) =	sbr.rel @p3 .LBB2_19-.Ltmp12, $3  }
0x558: {  	_ = 	snop  }
0x559: {  	v6 =	vadd.f32 v7, v6;
	_ =	sdelay $0x1  }
0x55a: {  	v6 =	vadd.f32 v8, v6  }
0x55b: {  	_ = 	snop  }
0x55c: {  	v1 =	vadd.f32 v2, v6;
	_ =	sdelay $0x1  }
0x55d: {  	v1 =	vadd.f32 v3, v1;
	_ =	sdelay $0x1  }
0x55e: {  	v1 =	vadd.f32 v4, v1  }
0x55f: {  	p3 =	seq.s32 s28, $0x0  }
0x560: {  	s0 =	sshll.u32 @!p3 s30, $0x8;
	v1 =	vadd.f32 v5, v1  }
0x561: {  	s0 =	sadd.s32 @!p3 s13, s0  }
0x562: {  	s3 =	simm.s32 @!p3 $0x0;
	[tilespmem:s2+$0x0] =	vst v1;
	s2 =	sadd.s32 @!p3 s4, s0  }
0x563: {  	[hbm4b:s2+s3] =	stream.linear.scatter @!p3 [tilespmem:s31], [sflag:$0x2], $0x800, $0x38;
	[tilespmem:$0x1A500] =	vst v63  }
0x564: {  	s25 =	sadd.s32 $0x1, s25;
	s0 =	sadd.s32 @!p3 s5, s0;
	s2 =	sadd.s32 @!p3 $0x18D00, s29  }
0x565: {  	[hbm4b:s0+s3] =	stream.linear.scatter @!p3 [tilespmem:s2], [sflag:$0x2], $0x800, $0x38;
	[tilespmem:$0x1A500] =	vst v63  }
0x566: {  	p3 =	sne.s32 s25, $0x9A  }
.Ltmp13:
0x567: {  	_ = 	snop;
	(pc) =	sbr.rel @p3 .LBB2_16-.Ltmp13, $4  }
.Ltmp14:
0x568: {  	_ = 	snop;
	(pc) =	sbr.rel @!p3 .LBB2_21-.Ltmp14, $4  }
0x569: {  	_ = 	snop  }
0x56a: {  	_ = 	snop  }
0x56b: {  	p2 =	por !p2, !p2;
	s26 =	sadd.s32 $0x5000, s26  }
0x56c: {  	_ = 	snop  }
.LBB2_22:
0x56d: {  	_ =	sfence.sel $0x180000  }
0x56e: {  	[bflag:$0x0] =	sbarrier.arrive $0xFFFF  }
0x56f: {  	_ =	strace $0x90000047  }
0x570: {  	s0 =	stileid.u32;
	[bflag:$0x2] =	sbarrier.arrive $0xFFFF  }
0x571: {  	p0 =	sne.s32 s0, $0x0;
	s0 =	rddreg [dreg:$0x4]  }
0x572: {  	s0 =	sadd.s32 @!p0 $0x100000, s0  }
0x573: {  	[sflag:s0] =	ssyncadd.tile.s32 @!p0 $0x1;
	_ =	shalt  }
.Lfunc_end2:
_tile_overlayer_lowered:
.L_overlay_start_2:
0x574: {  	(tag) =	ssettag $0x2  }
0x575: {  	s0 =	rddreg [dreg:$0x0];
	s2 =	stileid.u32  }
0x576: {  	s1 =	rddreg [dreg:$0x1];
	p0 =	sne.s32 s2, $0x0  }
0x577: {  	s3 =	rddreg [dreg:$0x2];
	[bflag:$0x3] =	sbarrier.arrive $0xFFFF;
	s2 =	simm.s32 @!p0 $0x1C03  }
0x578: {  	[timem:s3], [sflag:s2] =	dma.local @!p0 [hbm:s0], s1  }
0x579: {  	s0 =	simm.s32 @!p0 $0x3  }
0x57a: {  	_ =	swait.ge @!p0 [sflag:s0], s1  }
0x57b: {  	s1 =	ssub.s32 @!p0 $0x0, s1;
	[sflag:s0] =	ssyncset.done @!p0 $0x0  }
0x57c: {  	[sflag:s0] =	ssyncadd.s32 @!p0 s1  }
0x57d: {  	[bflag:$0x3] =	sbarrier.arrive $0xFFFF  }
0x57e: {  	_ =	shalt  }

</sc_bundles>
